<compile_context>
chip_gen: v7x
topology: tpu7x:2x2x1
jax: 0.10.2.dev20260603
libtpu: 0.0.44.dev20260713+nightly
codegen_flags: <defaults>
</compile_context>

<pallas_src>
import functools

import jax
import jax.numpy as jnp
from jax import lax
from jax.experimental import pallas as pl
from jax.experimental.pallas import tpu as pltpu
from jax.experimental.pallas import tpu_sc as plsc

_LANES = 16


@functools.lru_cache(maxsize=None)
def _build_sc_gather(B, S, D):
    info = plsc.get_sparse_core_info()
    NC, NS = info.num_cores, info.num_subcores
    NW = NC * NS
    NB = B // NW
    C = 128
    K = 4
    NSLOT = 2 + S
    T_IO = NB // C
    T_NZ = (NB * S) // C
    NV = C // _LANES

    mesh = plsc.VectorSubcoreMesh(core_axis_name="c", subcore_axis_name="s")

    @functools.partial(
        pl.kernel,
        out_type=jax.ShapeDtypeStruct((B * NSLOT, D), jnp.float32),
        mesh=mesh,
        compiler_params=pltpu.CompilerParams(use_tc_tiling_on_sc=False),
        scratch_types=[
            pltpu.VMEM((NB,), jnp.int32),
            pltpu.VMEM((NB,), jnp.int32),
            pltpu.VMEM((NB * S,), jnp.int32),
            pltpu.VMEM((K, C), jnp.int32),
            pltpu.VMEM((K, C, D), jnp.float32),
            pltpu.SemaphoreType.DMA,
            pltpu.SemaphoreType.DMA,
        ],
    )
    def sc_kernel(iw_hbm, ow_hbm, nwf_hbm, in_emb, out_emb, out_hbm,
                  idx_in, idx_out, idx_nz, dest_v, rows_v, sem_g, sem_s):
        wid = lax.axis_index("s") * NC + lax.axis_index("c")
        lane = lax.iota(jnp.int32, _LANES)

        pltpu.sync_copy(iw_hbm.at[pl.ds(wid * NB, NB)], idx_in)
        pltpu.sync_copy(ow_hbm.at[pl.ds(wid * NB, NB)], idx_out)
        pltpu.sync_copy(nwf_hbm.at[pl.ds(wid * NB * S, NB * S)], idx_nz)

        def run_phase(T, idx_vmem, table, dest_of):
            def issue(t, slot):
                pltpu.async_copy(table.at[idx_vmem.at[pl.ds(t * C, C)]],
                                 rows_v.at[slot], sem_g)
                for v in range(NV):
                    dest_v[slot, pl.ds(v * _LANES, _LANES)] = \
                        dest_of(t, lane + v * _LANES)

            def wait_gather(slot):
                pltpu.make_async_copy(table.at[idx_vmem.at[pl.ds(0, C)]],
                                      rows_v.at[slot], sem_g).wait()

            def wait_scatter():
                pltpu.make_async_copy(rows_v.at[0],
                                      out_hbm.at[dest_v.at[0]], sem_s).wait()

            for k in range(K - 1):
                issue(k, k)

            def outer(to, carry):
                for k in range(K):
                    t = to * K + k
                    wait_gather(k)
                    if k == 0:
                        pl.when(to > 0)(wait_scatter)
                    else:
                        wait_scatter()
                    pltpu.async_copy(rows_v.at[k],
                                     out_hbm.at[dest_v.at[k]], sem_s)
                    nxt = t + K - 1

                    def issue_nxt(nxt=nxt, slot=(k - 1) % K):
                        issue(nxt, slot)

                    pl.when(nxt < T)(issue_nxt)
                return carry

            lax.fori_loop(0, T // K, outer, 0)
            wait_scatter()

        gb0 = wid * NB

        run_phase(T_IO, idx_in, in_emb,
                  lambda t, i: (gb0 + t * C + i) * NSLOT)
        run_phase(T_IO, idx_out, out_emb,
                  lambda t, i: (gb0 + t * C + i) * NSLOT + 1)

        def dest_noise(t, i):
            n = gb0 * S + t * C + i
            q = (n.astype(jnp.float32) * (1.0 / S)).astype(jnp.int32)
            r = n - q * S
            q = q + jnp.where(r >= S, 1, 0) - jnp.where(r < 0, 1, 0)
            return n + 2 + 2 * q

        run_phase(T_NZ, idx_nz, out_emb, dest_noise)

    return sc_kernel


def kernel(input_words, output_words, noise_words, in_embed, out_embed):
    B, S = noise_words.shape
    D = in_embed.shape[1]
    sc = _build_sc_gather(B, S, D)
    out_flat = sc(input_words, output_words, noise_words.reshape(B * S),
                  in_embed, out_embed)
    return out_flat.reshape(B, 2 + S, D)

# --- scband reference (transcript-rebuilt; emitter-appended) ---
"""Pipeline reference for scband-skip-gram-neg-55138790146048 (READ-ONLY COPY).

The authoritative reference and input builder live on the scoring server;
editing this copy changes nothing except your own understanding.
"""

import jax, jax.numpy as jnp
import numpy as np

N_VOCAB = 1000000
N_EMBED = 32
BATCH = 16384
N_SAMPLES = 20


def setup_inputs(seed: int = 0) -> dict:
    key = jax.random.key(seed)
    k1, k2, k3, k4, k5 = jax.random.split(key, 5)
    input_words = jax.random.randint(k1, (BATCH,), 0, N_VOCAB, dtype=jnp.int64 if jax.config.jax_enable_x64 else jnp.int32).astype(jnp.int32)
    output_words = jax.random.randint(k2, (BATCH,), 0, N_VOCAB).astype(jnp.int32)
    # torch.multinomial(noise_dist, batch*n_samples, replacement=True) replaced by
    # deterministic categorical-style draws materialized as an index tensor.
    noise_words = jax.random.randint(k3, (BATCH, N_SAMPLES), 0, N_VOCAB).astype(jnp.int32)
    # nn.Embedding weights initialized uniform(-1, 1) as in the module
    in_embed = jax.random.uniform(k4, (N_VOCAB, N_EMBED), dtype=jnp.float32, minval=-1.0, maxval=1.0)
    out_embed = jax.random.uniform(k5, (N_VOCAB, N_EMBED), dtype=jnp.float32, minval=-1.0, maxval=1.0)
    return {
        "input_words": input_words,
        "output_words": output_words,
        "noise_words": noise_words,
        "in_embed": in_embed,
        "out_embed": out_embed,
    }


def reference(input_words, output_words, noise_words, in_embed, out_embed):
    # forward_input: in_embed(input_words)
    in_vecs = jnp.take(in_embed, input_words, axis=0)          # [B, D]
    # forward_output: out_embed(output_words)
    out_vecs = jnp.take(out_embed, output_words, axis=0)       # [B, D]
    # forward_noise: out_embed(noise_words).view(B, n_samples, D)
    b, s = noise_words.shape
    noise_vecs = jnp.take(out_embed, noise_words.reshape(-1), axis=0).reshape(b, s, in_embed.shape[1])  # [B, S, D]
    # Pack the three outputs into one array along axis 1: [B, 2 + S, D]
    packed = jnp.concatenate([in_vecs[:, None, :], out_vecs[:, None, :], noise_vecs], axis=1)
    return packed

if __name__ == "__main__":
    import jax
    _d = setup_inputs()
    print(jax.jit(kernel)(*tuple(_d.values())))

</pallas_src>

<mosaic_0001>
#map = affine_map<(d0, d1) -> (0)>
#map1 = affine_map<(d0, d1) -> (0, 0)>
module attributes {stable_mosaic.version = 14 : i64} {
  func.func @sc_kernel(%arg0: i32, %arg1: i32, %arg2: memref<16384xi32, #tpu.memory_space<hbm>>, %arg3: memref<16384xi32, #tpu.memory_space<hbm>>, %arg4: memref<327680xi32, #tpu.memory_space<hbm>>, %arg5: memref<1000000x32xf32, #tpu.memory_space<hbm>>, %arg6: memref<1000000x32xf32, #tpu.memory_space<hbm>>, %arg7: memref<360448x32xf32, #tpu.memory_space<hbm>>, %arg8: memref<512xi32, #tpu.memory_space<vmem>>, %arg9: memref<512xi32, #tpu.memory_space<vmem>>, %arg10: memref<10240xi32, #tpu.memory_space<vmem>>, %arg11: memref<4x128xi32, #tpu.memory_space<vmem>>, %arg12: memref<4x128x32xf32, #tpu.memory_space<vmem>>, %arg13: memref<!tpu.dma_semaphore, #tpu.memory_space<semaphore_mem>>, %arg14: memref<!tpu.dma_semaphore, #tpu.memory_space<semaphore_mem>>) attributes {dimension_semantics = [#tpu.dimension_semantics<core_parallel>, #tpu.dimension_semantics<subcore_parallel>], iteration_bounds = array<i64: 2, 16>, scalar_prefetch = 0 : i64, scratch_operands = 7 : i64, tpu.core_type = #tpu.core_type<sc_vector_subcore>, window_params = [{transform_indices = #map}, {transform_indices = #map}, {transform_indices = #map}, {transform_indices = #map1}, {transform_indices = #map1}, {transform_indices = #map1}]} {
    %mul3A = arith.constant 2 : i32
    %mul3A_0 = arith.muli %arg1, %mul3A : i32
    %add3A = arith.addi %mul3A_0, %arg0 : i32
    %iota3A = tpu.iota {dimensions = array<i32: 0>} : vector<16xi32>
    %mul3A_1 = arith.constant 512 : i32
    %mul3A_2 = arith.muli %add3A, %mul3A_1 : i32
    "tpu.region"() ({
      %run_scoped3A = tpu.sem_alloc : memref<!tpu.dma_semaphore, #tpu.memory_space<semaphore_mem>>
      %dma_start3A_2514 = tpu.memref_slice %arg2[%mul3A_2] : memref<16384xi32, #tpu.memory_space<hbm>> -> memref<512xi32, #tpu.memory_space<hbm>>
      %dma_start3A_2515 = tpu.memref_slice %arg2[%mul3A_2] : memref<16384xi32, #tpu.memory_space<hbm>> -> memref<512xi32, #tpu.memory_space<hbm>>
      tpu.enqueue_dma source(%dma_start3A_2515 : memref<512xi32, #tpu.memory_space<hbm>>) target(%arg8 : memref<512xi32, #tpu.memory_space<vmem>>) target_semaphore(%run_scoped3A : memref<!tpu.dma_semaphore, #tpu.memory_space<semaphore_mem>>)
      %dma_wait3A_2516 = tpu.memref_slice %arg2[%mul3A_2] : memref<16384xi32, #tpu.memory_space<hbm>> -> memref<512xi32, #tpu.memory_space<hbm>>
      %dma_wait3A_2517 = tpu.memref_slice %arg2[%mul3A_2] : memref<16384xi32, #tpu.memory_space<hbm>> -> memref<512xi32, #tpu.memory_space<hbm>>
      tpu.wait_dma2 semaphore(%run_scoped3A : memref<!tpu.dma_semaphore, #tpu.memory_space<semaphore_mem>>) src(%dma_wait3A_2517 : memref<512xi32, #tpu.memory_space<hbm>>) dst(%arg8 : memref<512xi32, #tpu.memory_space<vmem>>)
      tpu.yield
    }) : () -> ()
    %mul3A_3 = arith.constant 512 : i32
    %mul3A_4 = arith.muli %add3A, %mul3A_3 : i32
    "tpu.region"() ({
      %run_scoped3A = tpu.sem_alloc : memref<!tpu.dma_semaphore, #tpu.memory_space<semaphore_mem>>
      %dma_start3A_2514 = tpu.memref_slice %arg3[%mul3A_4] : memref<16384xi32, #tpu.memory_space<hbm>> -> memref<512xi32, #tpu.memory_space<hbm>>
      %dma_start3A_2515 = tpu.memref_slice %arg3[%mul3A_4] : memref<16384xi32, #tpu.memory_space<hbm>> -> memref<512xi32, #tpu.memory_space<hbm>>
      tpu.enqueue_dma source(%dma_start3A_2515 : memref<512xi32, #tpu.memory_space<hbm>>) target(%arg9 : memref<512xi32, #tpu.memory_space<vmem>>) target_semaphore(%run_scoped3A : memref<!tpu.dma_semaphore, #tpu.memory_space<semaphore_mem>>)
      %dma_wait3A_2516 = tpu.memref_slice %arg3[%mul3A_4] : memref<16384xi32, #tpu.memory_space<hbm>> -> memref<512xi32, #tpu.memory_space<hbm>>
      %dma_wait3A_2517 = tpu.memref_slice %arg3[%mul3A_4] : memref<16384xi32, #tpu.memory_space<hbm>> -> memref<512xi32, #tpu.memory_space<hbm>>
      tpu.wait_dma2 semaphore(%run_scoped3A : memref<!tpu.dma_semaphore, #tpu.memory_space<semaphore_mem>>) src(%dma_wait3A_2517 : memref<512xi32, #tpu.memory_space<hbm>>) dst(%arg9 : memref<512xi32, #tpu.memory_space<vmem>>)
      tpu.yield
    }) : () -> ()
    %mul3A_5 = arith.constant 512 : i32
    %mul3A_6 = arith.muli %add3A, %mul3A_5 : i32
    %mul3A_7 = arith.constant 20 : i32
    %mul3A_8 = arith.muli %mul3A_6, %mul3A_7 : i32
    "tpu.region"() ({
      %run_scoped3A = tpu.sem_alloc : memref<!tpu.dma_semaphore, #tpu.memory_space<semaphore_mem>>
      %dma_start3A_2514 = tpu.memref_slice %arg4[%mul3A_8] : memref<327680xi32, #tpu.memory_space<hbm>> -> memref<10240xi32, #tpu.memory_space<hbm>>
      %dma_start3A_2515 = tpu.memref_slice %arg4[%mul3A_8] : memref<327680xi32, #tpu.memory_space<hbm>> -> memref<10240xi32, #tpu.memory_space<hbm>>
      tpu.enqueue_dma source(%dma_start3A_2515 : memref<10240xi32, #tpu.memory_space<hbm>>) target(%arg10 : memref<10240xi32, #tpu.memory_space<vmem>>) target_semaphore(%run_scoped3A : memref<!tpu.dma_semaphore, #tpu.memory_space<semaphore_mem>>)
      %dma_wait3A_2516 = tpu.memref_slice %arg4[%mul3A_8] : memref<327680xi32, #tpu.memory_space<hbm>> -> memref<10240xi32, #tpu.memory_space<hbm>>
      %dma_wait3A_2517 = tpu.memref_slice %arg4[%mul3A_8] : memref<327680xi32, #tpu.memory_space<hbm>> -> memref<10240xi32, #tpu.memory_space<hbm>>
      tpu.wait_dma2 semaphore(%run_scoped3A : memref<!tpu.dma_semaphore, #tpu.memory_space<semaphore_mem>>) src(%dma_wait3A_2517 : memref<10240xi32, #tpu.memory_space<hbm>>) dst(%arg10 : memref<10240xi32, #tpu.memory_space<vmem>>)
      tpu.yield
    }) : () -> ()
    %mul3A_9 = arith.constant 512 : i32
    %mul3A_10 = arith.muli %add3A, %mul3A_9 : i32
    %dma_start3A = arith.constant 0 : i32
    %dma_start3A_11 = arith.constant 0 : i32
    %dma_start3A_12 = arith.constant 0 : i32
    %dma_start3A_13 = tpu.memref_slice %arg12[%dma_start3A, %dma_start3A_11, %dma_start3A_12] : memref<4x128x32xf32, #tpu.memory_space<vmem>> -> memref<1x128x32xf32, #tpu.memory_space<vmem>>
    %dma_start3A_14 = tpu.memref_squeeze %dma_start3A_13 : memref<1x128x32xf32, #tpu.memory_space<vmem>> -> memref<128x32xf32, #tpu.memory_space<vmem>>
    %dma_start3A_15 = arith.constant 0 : i32
    %dma_start3A_16 = tpu.memref_slice %arg8[%dma_start3A_15] : memref<512xi32, #tpu.memory_space<vmem>> -> memref<128xi32, #tpu.memory_space<vmem>>
    %dma_start3A_17 = arith.constant 0 : i32
    %dma_start3A_18 = arith.constant 0 : i32
    %dma_start3A_19 = tpu.memref_slice %arg5[%dma_start3A_17, %dma_start3A_18] : memref<1000000x32xf32, #tpu.memory_space<hbm>> -> memref<1000000x32xf32, #tpu.memory_space<hbm>>
    tpu.enqueue_indirect_dma source(%dma_start3A_19 : memref<1000000x32xf32, #tpu.memory_space<hbm>>) target(%dma_start3A_14 : memref<128x32xf32, #tpu.memory_space<vmem>>) offsets(%dma_start3A_16 : memref<128xi32, #tpu.memory_space<vmem>>) semaphore(%arg13 : memref<!tpu.dma_semaphore, #tpu.memory_space<semaphore_mem>>)
    %add3A_20 = arith.constant 0 : i32
    %add3A_21 = vector.broadcast %add3A_20 : i32 to vector<16xi32>
    %add3A_22 = arith.addi %iota3A, %add3A_21 : vector<16xi32>
    %add3A_23 = arith.constant 0 : i32
    %add3A_24 = arith.addi %mul3A_10, %add3A_23 : i32
    %add3A_25 = vector.broadcast %add3A_24 : i32 to vector<16xi32>
    %add3A_26 = arith.addi %add3A_25, %add3A_22 : vector<16xi32>
    %mul3A_27 = arith.constant 22 : i32
    %mul3A_28 = vector.broadcast %mul3A_27 : i32 to vector<16xi32>
    %mul3A_29 = arith.muli %add3A_26, %mul3A_28 : vector<16xi32>
    %swap3A = arith.constant 0 : i32
    %swap3A_30 = arith.index_cast %swap3A : i32 to index
    %swap3A_31 = arith.constant 0 : index
    %swap3A_32 = tpu.vector_load %arg11[%swap3A_30, %swap3A_31] {strides = array<i32>} : memref<4x128xi32, #tpu.memory_space<vmem>>, vector<1x16xi32>,
    %swap3A_33 = vector.shape_cast %swap3A_32 : vector<1x16xi32> to vector<16xi32>
    %swap3A_34 = vector.shape_cast %mul3A_29 : vector<16xi32> to vector<1x16xi32>
    tpu.vector_store %arg11[%swap3A_30, %swap3A_31], %swap3A_34 {strides = array<i32>} : memref<4x128xi32, #tpu.memory_space<vmem>>, vector<1x16xi32>,
    %add3A_35 = arith.constant 16 : i32
    %add3A_36 = vector.broadcast %add3A_35 : i32 to vector<16xi32>
    %add3A_37 = arith.addi %iota3A, %add3A_36 : vector<16xi32>
    %add3A_38 = arith.constant 0 : i32
    %add3A_39 = arith.addi %mul3A_10, %add3A_38 : i32
    %add3A_40 = vector.broadcast %add3A_39 : i32 to vector<16xi32>
    %add3A_41 = arith.addi %add3A_40, %add3A_37 : vector<16xi32>
    %mul3A_42 = arith.constant 22 : i32
    %mul3A_43 = vector.broadcast %mul3A_42 : i32 to vector<16xi32>
    %mul3A_44 = arith.muli %add3A_41, %mul3A_43 : vector<16xi32>
    %swap3A_45 = arith.constant 0 : i32
    %swap3A_46 = arith.index_cast %swap3A_45 : i32 to index
    %swap3A_47 = arith.constant 16 : index
    %swap3A_48 = tpu.vector_load %arg11[%swap3A_46, %swap3A_47] {strides = array<i32>} : memref<4x128xi32, #tpu.memory_space<vmem>>, vector<1x16xi32>,
    %swap3A_49 = vector.shape_cast %swap3A_48 : vector<1x16xi32> to vector<16xi32>
    %swap3A_50 = vector.shape_cast %mul3A_44 : vector<16xi32> to vector<1x16xi32>
    tpu.vector_store %arg11[%swap3A_46, %swap3A_47], %swap3A_50 {strides = array<i32>} : memref<4x128xi32, #tpu.memory_space<vmem>>, vector<1x16xi32>,
    %add3A_51 = arith.constant 32 : i32
    %add3A_52 = vector.broadcast %add3A_51 : i32 to vector<16xi32>
    %add3A_53 = arith.addi %iota3A, %add3A_52 : vector<16xi32>
    %add3A_54 = arith.constant 0 : i32
    %add3A_55 = arith.addi %mul3A_10, %add3A_54 : i32
    %add3A_56 = vector.broadcast %add3A_55 : i32 to vector<16xi32>
    %add3A_57 = arith.addi %add3A_56, %add3A_53 : vector<16xi32>
    %mul3A_58 = arith.constant 22 : i32
    %mul3A_59 = vector.broadcast %mul3A_58 : i32 to vector<16xi32>
    %mul3A_60 = arith.muli %add3A_57, %mul3A_59 : vector<16xi32>
    %swap3A_61 = arith.constant 0 : i32
    %swap3A_62 = arith.index_cast %swap3A_61 : i32 to index
    %swap3A_63 = arith.constant 32 : index
    %swap3A_64 = tpu.vector_load %arg11[%swap3A_62, %swap3A_63] {strides = array<i32>} : memref<4x128xi32, #tpu.memory_space<vmem>>, vector<1x16xi32>,
    %swap3A_65 = vector.shape_cast %swap3A_64 : vector<1x16xi32> to vector<16xi32>
    %swap3A_66 = vector.shape_cast %mul3A_60 : vector<16xi32> to vector<1x16xi32>
    tpu.vector_store %arg11[%swap3A_62, %swap3A_63], %swap3A_66 {strides = array<i32>} : memref<4x128xi32, #tpu.memory_space<vmem>>, vector<1x16xi32>,
    %add3A_67 = arith.constant 48 : i32
    %add3A_68 = vector.broadcast %add3A_67 : i32 to vector<16xi32>
    %add3A_69 = arith.addi %iota3A, %add3A_68 : vector<16xi32>
    %add3A_70 = arith.constant 0 : i32
    %add3A_71 = arith.addi %mul3A_10, %add3A_70 : i32
    %add3A_72 = vector.broadcast %add3A_71 : i32 to vector<16xi32>
    %add3A_73 = arith.addi %add3A_72, %add3A_69 : vector<16xi32>
    %mul3A_74 = arith.constant 22 : i32
    %mul3A_75 = vector.broadcast %mul3A_74 : i32 to vector<16xi32>
    %mul3A_76 = arith.muli %add3A_73, %mul3A_75 : vector<16xi32>
    %swap3A_77 = arith.constant 0 : i32
    %swap3A_78 = arith.index_cast %swap3A_77 : i32 to index
    %swap3A_79 = arith.constant 48 : index
    %swap3A_80 = tpu.vector_load %arg11[%swap3A_78, %swap3A_79] {strides = array<i32>} : memref<4x128xi32, #tpu.memory_space<vmem>>, vector<1x16xi32>,
    %swap3A_81 = vector.shape_cast %swap3A_80 : vector<1x16xi32> to vector<16xi32>
    %swap3A_82 = vector.shape_cast %mul3A_76 : vector<16xi32> to vector<1x16xi32>
    tpu.vector_store %arg11[%swap3A_78, %swap3A_79], %swap3A_82 {strides = array<i32>} : memref<4x128xi32, #tpu.memory_space<vmem>>, vector<1x16xi32>,
    %add3A_83 = arith.constant 64 : i32
    %add3A_84 = vector.broadcast %add3A_83 : i32 to vector<16xi32>
    %add3A_85 = arith.addi %iota3A, %add3A_84 : vector<16xi32>
    %add3A_86 = arith.constant 0 : i32
    %add3A_87 = arith.addi %mul3A_10, %add3A_86 : i32
    %add3A_88 = vector.broadcast %add3A_87 : i32 to vector<16xi32>
    %add3A_89 = arith.addi %add3A_88, %add3A_85 : vector<16xi32>
    %mul3A_90 = arith.constant 22 : i32
    %mul3A_91 = vector.broadcast %mul3A_90 : i32 to vector<16xi32>
    %mul3A_92 = arith.muli %add3A_89, %mul3A_91 : vector<16xi32>
    %swap3A_93 = arith.constant 0 : i32
    %swap3A_94 = arith.index_cast %swap3A_93 : i32 to index
    %swap3A_95 = arith.constant 64 : index
    %swap3A_96 = tpu.vector_load %arg11[%swap3A_94, %swap3A_95] {strides = array<i32>} : memref<4x128xi32, #tpu.memory_space<vmem>>, vector<1x16xi32>,
    %swap3A_97 = vector.shape_cast %swap3A_96 : vector<1x16xi32> to vector<16xi32>
    %swap3A_98 = vector.shape_cast %mul3A_92 : vector<16xi32> to vector<1x16xi32>
    tpu.vector_store %arg11[%swap3A_94, %swap3A_95], %swap3A_98 {strides = array<i32>} : memref<4x128xi32, #tpu.memory_space<vmem>>, vector<1x16xi32>,
    %add3A_99 = arith.constant 80 : i32
    %add3A_100 = vector.broadcast %add3A_99 : i32 to vector<16xi32>
    %add3A_101 = arith.addi %iota3A, %add3A_100 : vector<16xi32>
    %add3A_102 = arith.constant 0 : i32
    %add3A_103 = arith.addi %mul3A_10, %add3A_102 : i32
    %add3A_104 = vector.broadcast %add3A_103 : i32 to vector<16xi32>
    %add3A_105 = arith.addi %add3A_104, %add3A_101 : vector<16xi32>
    %mul3A_106 = arith.constant 22 : i32
    %mul3A_107 = vector.broadcast %mul3A_106 : i32 to vector<16xi32>
    %mul3A_108 = arith.muli %add3A_105, %mul3A_107 : vector<16xi32>
    %swap3A_109 = arith.constant 0 : i32
    %swap3A_110 = arith.index_cast %swap3A_109 : i32 to index
    %swap3A_111 = arith.constant 80 : index
    %swap3A_112 = tpu.vector_load %arg11[%swap3A_110, %swap3A_111] {strides = array<i32>} : memref<4x128xi32, #tpu.memory_space<vmem>>, vector<1x16xi32>,
    %swap3A_113 = vector.shape_cast %swap3A_112 : vector<1x16xi32> to vector<16xi32>
    %swap3A_114 = vector.shape_cast %mul3A_108 : vector<16xi32> to vector<1x16xi32>
    tpu.vector_store %arg11[%swap3A_110, %swap3A_111], %swap3A_114 {strides = array<i32>} : memref<4x128xi32, #tpu.memory_space<vmem>>, vector<1x16xi32>,
    %add3A_115 = arith.constant 96 : i32
    %add3A_116 = vector.broadcast %add3A_115 : i32 to vector<16xi32>
    %add3A_117 = arith.addi %iota3A, %add3A_116 : vector<16xi32>
    %add3A_118 = arith.constant 0 : i32
    %add3A_119 = arith.addi %mul3A_10, %add3A_118 : i32
    %add3A_120 = vector.broadcast %add3A_119 : i32 to vector<16xi32>
    %add3A_121 = arith.addi %add3A_120, %add3A_117 : vector<16xi32>
    %mul3A_122 = arith.constant 22 : i32
    %mul3A_123 = vector.broadcast %mul3A_122 : i32 to vector<16xi32>
    %mul3A_124 = arith.muli %add3A_121, %mul3A_123 : vector<16xi32>
    %swap3A_125 = arith.constant 0 : i32
    %swap3A_126 = arith.index_cast %swap3A_125 : i32 to index
    %swap3A_127 = arith.constant 96 : index
    %swap3A_128 = tpu.vector_load %arg11[%swap3A_126, %swap3A_127] {strides = array<i32>} : memref<4x128xi32, #tpu.memory_space<vmem>>, vector<1x16xi32>,
    %swap3A_129 = vector.shape_cast %swap3A_128 : vector<1x16xi32> to vector<16xi32>
    %swap3A_130 = vector.shape_cast %mul3A_124 : vector<16xi32> to vector<1x16xi32>
    tpu.vector_store %arg11[%swap3A_126, %swap3A_127], %swap3A_130 {strides = array<i32>} : memref<4x128xi32, #tpu.memory_space<vmem>>, vector<1x16xi32>,
    %add3A_131 = arith.constant 112 : i32
    %add3A_132 = vector.broadcast %add3A_131 : i32 to vector<16xi32>
    %add3A_133 = arith.addi %iota3A, %add3A_132 : vector<16xi32>
    %add3A_134 = arith.constant 0 : i32
    %add3A_135 = arith.addi %mul3A_10, %add3A_134 : i32
    %add3A_136 = vector.broadcast %add3A_135 : i32 to vector<16xi32>
    %add3A_137 = arith.addi %add3A_136, %add3A_133 : vector<16xi32>
    %mul3A_138 = arith.constant 22 : i32
    %mul3A_139 = vector.broadcast %mul3A_138 : i32 to vector<16xi32>
    %mul3A_140 = arith.muli %add3A_137, %mul3A_139 : vector<16xi32>
    %swap3A_141 = arith.constant 0 : i32
    %swap3A_142 = arith.index_cast %swap3A_141 : i32 to index
    %swap3A_143 = arith.constant 112 : index
    %swap3A_144 = tpu.vector_load %arg11[%swap3A_142, %swap3A_143] {strides = array<i32>} : memref<4x128xi32, #tpu.memory_space<vmem>>, vector<1x16xi32>,
    %swap3A_145 = vector.shape_cast %swap3A_144 : vector<1x16xi32> to vector<16xi32>
    %swap3A_146 = vector.shape_cast %mul3A_140 : vector<16xi32> to vector<1x16xi32>
    tpu.vector_store %arg11[%swap3A_142, %swap3A_143], %swap3A_146 {strides = array<i32>} : memref<4x128xi32, #tpu.memory_space<vmem>>, vector<1x16xi32>,
    %dma_start3A_147 = arith.constant 1 : i32
    %dma_start3A_148 = arith.constant 0 : i32
    %dma_start3A_149 = arith.constant 0 : i32
    %dma_start3A_150 = tpu.memref_slice %arg12[%dma_start3A_147, %dma_start3A_148, %dma_start3A_149] : memref<4x128x32xf32, #tpu.memory_space<vmem>> -> memref<1x128x32xf32, #tpu.memory_space<vmem>>
    %dma_start3A_151 = tpu.memref_squeeze %dma_start3A_150 : memref<1x128x32xf32, #tpu.memory_space<vmem>> -> memref<128x32xf32, #tpu.memory_space<vmem>>
    %dma_start3A_152 = arith.constant 128 : i32
    %dma_start3A_153 = tpu.memref_slice %arg8[%dma_start3A_152] : memref<512xi32, #tpu.memory_space<vmem>> -> memref<128xi32, #tpu.memory_space<vmem>>
    %dma_start3A_154 = arith.constant 0 : i32
    %dma_start3A_155 = arith.constant 0 : i32
    %dma_start3A_156 = tpu.memref_slice %arg5[%dma_start3A_154, %dma_start3A_155] : memref<1000000x32xf32, #tpu.memory_space<hbm>> -> memref<1000000x32xf32, #tpu.memory_space<hbm>>
    tpu.enqueue_indirect_dma source(%dma_start3A_156 : memref<1000000x32xf32, #tpu.memory_space<hbm>>) target(%dma_start3A_151 : memref<128x32xf32, #tpu.memory_space<vmem>>) offsets(%dma_start3A_153 : memref<128xi32, #tpu.memory_space<vmem>>) semaphore(%arg13 : memref<!tpu.dma_semaphore, #tpu.memory_space<semaphore_mem>>)
    %add3A_157 = arith.constant 0 : i32
    %add3A_158 = vector.broadcast %add3A_157 : i32 to vector<16xi32>
    %add3A_159 = arith.addi %iota3A, %add3A_158 : vector<16xi32>
    %add3A_160 = arith.constant 128 : i32
    %add3A_161 = arith.addi %mul3A_10, %add3A_160 : i32
    %add3A_162 = vector.broadcast %add3A_161 : i32 to vector<16xi32>
    %add3A_163 = arith.addi %add3A_162, %add3A_159 : vector<16xi32>
    %mul3A_164 = arith.constant 22 : i32
    %mul3A_165 = vector.broadcast %mul3A_164 : i32 to vector<16xi32>
    %mul3A_166 = arith.muli %add3A_163, %mul3A_165 : vector<16xi32>
    %swap3A_167 = arith.constant 1 : i32
    %swap3A_168 = arith.index_cast %swap3A_167 : i32 to index
    %swap3A_169 = arith.constant 0 : index
    %swap3A_170 = tpu.vector_load %arg11[%swap3A_168, %swap3A_169] {strides = array<i32>} : memref<4x128xi32, #tpu.memory_space<vmem>>, vector<1x16xi32>,
    %swap3A_171 = vector.shape_cast %swap3A_170 : vector<1x16xi32> to vector<16xi32>
    %swap3A_172 = vector.shape_cast %mul3A_166 : vector<16xi32> to vector<1x16xi32>
    tpu.vector_store %arg11[%swap3A_168, %swap3A_169], %swap3A_172 {strides = array<i32>} : memref<4x128xi32, #tpu.memory_space<vmem>>, vector<1x16xi32>,
    %add3A_173 = arith.constant 16 : i32
    %add3A_174 = vector.broadcast %add3A_173 : i32 to vector<16xi32>
    %add3A_175 = arith.addi %iota3A, %add3A_174 : vector<16xi32>
    %add3A_176 = arith.constant 128 : i32
    %add3A_177 = arith.addi %mul3A_10, %add3A_176 : i32
    %add3A_178 = vector.broadcast %add3A_177 : i32 to vector<16xi32>
    %add3A_179 = arith.addi %add3A_178, %add3A_175 : vector<16xi32>
    %mul3A_180 = arith.constant 22 : i32
    %mul3A_181 = vector.broadcast %mul3A_180 : i32 to vector<16xi32>
    %mul3A_182 = arith.muli %add3A_179, %mul3A_181 : vector<16xi32>
    %swap3A_183 = arith.constant 1 : i32
    %swap3A_184 = arith.index_cast %swap3A_183 : i32 to index
    %swap3A_185 = arith.constant 16 : index
    %swap3A_186 = tpu.vector_load %arg11[%swap3A_184, %swap3A_185] {strides = array<i32>} : memref<4x128xi32, #tpu.memory_space<vmem>>, vector<1x16xi32>,
    %swap3A_187 = vector.shape_cast %swap3A_186 : vector<1x16xi32> to vector<16xi32>
    %swap3A_188 = vector.shape_cast %mul3A_182 : vector<16xi32> to vector<1x16xi32>
    tpu.vector_store %arg11[%swap3A_184, %swap3A_185], %swap3A_188 {strides = array<i32>} : memref<4x128xi32, #tpu.memory_space<vmem>>, vector<1x16xi32>,
    %add3A_189 = arith.constant 32 : i32
    %add3A_190 = vector.broadcast %add3A_189 : i32 to vector<16xi32>
    %add3A_191 = arith.addi %iota3A, %add3A_190 : vector<16xi32>
    %add3A_192 = arith.constant 128 : i32
    %add3A_193 = arith.addi %mul3A_10, %add3A_192 : i32
    %add3A_194 = vector.broadcast %add3A_193 : i32 to vector<16xi32>
    %add3A_195 = arith.addi %add3A_194, %add3A_191 : vector<16xi32>
    %mul3A_196 = arith.constant 22 : i32
    %mul3A_197 = vector.broadcast %mul3A_196 : i32 to vector<16xi32>
    %mul3A_198 = arith.muli %add3A_195, %mul3A_197 : vector<16xi32>
    %swap3A_199 = arith.constant 1 : i32
    %swap3A_200 = arith.index_cast %swap3A_199 : i32 to index
    %swap3A_201 = arith.constant 32 : index
    %swap3A_202 = tpu.vector_load %arg11[%swap3A_200, %swap3A_201] {strides = array<i32>} : memref<4x128xi32, #tpu.memory_space<vmem>>, vector<1x16xi32>,
    %swap3A_203 = vector.shape_cast %swap3A_202 : vector<1x16xi32> to vector<16xi32>
    %swap3A_204 = vector.shape_cast %mul3A_198 : vector<16xi32> to vector<1x16xi32>
    tpu.vector_store %arg11[%swap3A_200, %swap3A_201], %swap3A_204 {strides = array<i32>} : memref<4x128xi32, #tpu.memory_space<vmem>>, vector<1x16xi32>,
    %add3A_205 = arith.constant 48 : i32
    %add3A_206 = vector.broadcast %add3A_205 : i32 to vector<16xi32>
    %add3A_207 = arith.addi %iota3A, %add3A_206 : vector<16xi32>
    %add3A_208 = arith.constant 128 : i32
    %add3A_209 = arith.addi %mul3A_10, %add3A_208 : i32
    %add3A_210 = vector.broadcast %add3A_209 : i32 to vector<16xi32>
    %add3A_211 = arith.addi %add3A_210, %add3A_207 : vector<16xi32>
    %mul3A_212 = arith.constant 22 : i32
    %mul3A_213 = vector.broadcast %mul3A_212 : i32 to vector<16xi32>
    %mul3A_214 = arith.muli %add3A_211, %mul3A_213 : vector<16xi32>
    %swap3A_215 = arith.constant 1 : i32
    %swap3A_216 = arith.index_cast %swap3A_215 : i32 to index
    %swap3A_217 = arith.constant 48 : index
    %swap3A_218 = tpu.vector_load %arg11[%swap3A_216, %swap3A_217] {strides = array<i32>} : memref<4x128xi32, #tpu.memory_space<vmem>>, vector<1x16xi32>,
    %swap3A_219 = vector.shape_cast %swap3A_218 : vector<1x16xi32> to vector<16xi32>
    %swap3A_220 = vector.shape_cast %mul3A_214 : vector<16xi32> to vector<1x16xi32>
    tpu.vector_store %arg11[%swap3A_216, %swap3A_217], %swap3A_220 {strides = array<i32>} : memref<4x128xi32, #tpu.memory_space<vmem>>, vector<1x16xi32>,
    %add3A_221 = arith.constant 64 : i32
    %add3A_222 = vector.broadcast %add3A_221 : i32 to vector<16xi32>
    %add3A_223 = arith.addi %iota3A, %add3A_222 : vector<16xi32>
    %add3A_224 = arith.constant 128 : i32
    %add3A_225 = arith.addi %mul3A_10, %add3A_224 : i32
    %add3A_226 = vector.broadcast %add3A_225 : i32 to vector<16xi32>
    %add3A_227 = arith.addi %add3A_226, %add3A_223 : vector<16xi32>
    %mul3A_228 = arith.constant 22 : i32
    %mul3A_229 = vector.broadcast %mul3A_228 : i32 to vector<16xi32>
    %mul3A_230 = arith.muli %add3A_227, %mul3A_229 : vector<16xi32>
    %swap3A_231 = arith.constant 1 : i32
    %swap3A_232 = arith.index_cast %swap3A_231 : i32 to index
    %swap3A_233 = arith.constant 64 : index
    %swap3A_234 = tpu.vector_load %arg11[%swap3A_232, %swap3A_233] {strides = array<i32>} : memref<4x128xi32, #tpu.memory_space<vmem>>, vector<1x16xi32>,
    %swap3A_235 = vector.shape_cast %swap3A_234 : vector<1x16xi32> to vector<16xi32>
    %swap3A_236 = vector.shape_cast %mul3A_230 : vector<16xi32> to vector<1x16xi32>
    tpu.vector_store %arg11[%swap3A_232, %swap3A_233], %swap3A_236 {strides = array<i32>} : memref<4x128xi32, #tpu.memory_space<vmem>>, vector<1x16xi32>,
    %add3A_237 = arith.constant 80 : i32
    %add3A_238 = vector.broadcast %add3A_237 : i32 to vector<16xi32>
    %add3A_239 = arith.addi %iota3A, %add3A_238 : vector<16xi32>
    %add3A_240 = arith.constant 128 : i32
    %add3A_241 = arith.addi %mul3A_10, %add3A_240 : i32
    %add3A_242 = vector.broadcast %add3A_241 : i32 to vector<16xi32>
    %add3A_243 = arith.addi %add3A_242, %add3A_239 : vector<16xi32>
    %mul3A_244 = arith.constant 22 : i32
    %mul3A_245 = vector.broadcast %mul3A_244 : i32 to vector<16xi32>
    %mul3A_246 = arith.muli %add3A_243, %mul3A_245 : vector<16xi32>
    %swap3A_247 = arith.constant 1 : i32
    %swap3A_248 = arith.index_cast %swap3A_247 : i32 to index
    %swap3A_249 = arith.constant 80 : index
    %swap3A_250 = tpu.vector_load %arg11[%swap3A_248, %swap3A_249] {strides = array<i32>} : memref<4x128xi32, #tpu.memory_space<vmem>>, vector<1x16xi32>,
    %swap3A_251 = vector.shape_cast %swap3A_250 : vector<1x16xi32> to vector<16xi32>
    %swap3A_252 = vector.shape_cast %mul3A_246 : vector<16xi32> to vector<1x16xi32>
    tpu.vector_store %arg11[%swap3A_248, %swap3A_249], %swap3A_252 {strides = array<i32>} : memref<4x128xi32, #tpu.memory_space<vmem>>, vector<1x16xi32>,
    %add3A_253 = arith.constant 96 : i32
    %add3A_254 = vector.broadcast %add3A_253 : i32 to vector<16xi32>
    %add3A_255 = arith.addi %iota3A, %add3A_254 : vector<16xi32>
    %add3A_256 = arith.constant 128 : i32
    %add3A_257 = arith.addi %mul3A_10, %add3A_256 : i32
    %add3A_258 = vector.broadcast %add3A_257 : i32 to vector<16xi32>
    %add3A_259 = arith.addi %add3A_258, %add3A_255 : vector<16xi32>
    %mul3A_260 = arith.constant 22 : i32
    %mul3A_261 = vector.broadcast %mul3A_260 : i32 to vector<16xi32>
    %mul3A_262 = arith.muli %add3A_259, %mul3A_261 : vector<16xi32>
    %swap3A_263 = arith.constant 1 : i32
    %swap3A_264 = arith.index_cast %swap3A_263 : i32 to index
    %swap3A_265 = arith.constant 96 : index
    %swap3A_266 = tpu.vector_load %arg11[%swap3A_264, %swap3A_265] {strides = array<i32>} : memref<4x128xi32, #tpu.memory_space<vmem>>, vector<1x16xi32>,
    %swap3A_267 = vector.shape_cast %swap3A_266 : vector<1x16xi32> to vector<16xi32>
    %swap3A_268 = vector.shape_cast %mul3A_262 : vector<16xi32> to vector<1x16xi32>
    tpu.vector_store %arg11[%swap3A_264, %swap3A_265], %swap3A_268 {strides = array<i32>} : memref<4x128xi32, #tpu.memory_space<vmem>>, vector<1x16xi32>,
    %add3A_269 = arith.constant 112 : i32
    %add3A_270 = vector.broadcast %add3A_269 : i32 to vector<16xi32>
    %add3A_271 = arith.addi %iota3A, %add3A_270 : vector<16xi32>
    %add3A_272 = arith.constant 128 : i32
    %add3A_273 = arith.addi %mul3A_10, %add3A_272 : i32
    %add3A_274 = vector.broadcast %add3A_273 : i32 to vector<16xi32>
    %add3A_275 = arith.addi %add3A_274, %add3A_271 : vector<16xi32>
    %mul3A_276 = arith.constant 22 : i32
    %mul3A_277 = vector.broadcast %mul3A_276 : i32 to vector<16xi32>
    %mul3A_278 = arith.muli %add3A_275, %mul3A_277 : vector<16xi32>
    %swap3A_279 = arith.constant 1 : i32
    %swap3A_280 = arith.index_cast %swap3A_279 : i32 to index
    %swap3A_281 = arith.constant 112 : index
    %swap3A_282 = tpu.vector_load %arg11[%swap3A_280, %swap3A_281] {strides = array<i32>} : memref<4x128xi32, #tpu.memory_space<vmem>>, vector<1x16xi32>,
    %swap3A_283 = vector.shape_cast %swap3A_282 : vector<1x16xi32> to vector<16xi32>
    %swap3A_284 = vector.shape_cast %mul3A_278 : vector<16xi32> to vector<1x16xi32>
    tpu.vector_store %arg11[%swap3A_280, %swap3A_281], %swap3A_284 {strides = array<i32>} : memref<4x128xi32, #tpu.memory_space<vmem>>, vector<1x16xi32>,
    %dma_start3A_285 = arith.constant 2 : i32
    %dma_start3A_286 = arith.constant 0 : i32
    %dma_start3A_287 = arith.constant 0 : i32
    %dma_start3A_288 = tpu.memref_slice %arg12[%dma_start3A_285, %dma_start3A_286, %dma_start3A_287] : memref<4x128x32xf32, #tpu.memory_space<vmem>> -> memref<1x128x32xf32, #tpu.memory_space<vmem>>
    %dma_start3A_289 = tpu.memref_squeeze %dma_start3A_288 : memref<1x128x32xf32, #tpu.memory_space<vmem>> -> memref<128x32xf32, #tpu.memory_space<vmem>>
    %dma_start3A_290 = arith.constant 256 : i32
    %dma_start3A_291 = tpu.memref_slice %arg8[%dma_start3A_290] : memref<512xi32, #tpu.memory_space<vmem>> -> memref<128xi32, #tpu.memory_space<vmem>>
    %dma_start3A_292 = arith.constant 0 : i32
    %dma_start3A_293 = arith.constant 0 : i32
    %dma_start3A_294 = tpu.memref_slice %arg5[%dma_start3A_292, %dma_start3A_293] : memref<1000000x32xf32, #tpu.memory_space<hbm>> -> memref<1000000x32xf32, #tpu.memory_space<hbm>>
    tpu.enqueue_indirect_dma source(%dma_start3A_294 : memref<1000000x32xf32, #tpu.memory_space<hbm>>) target(%dma_start3A_289 : memref<128x32xf32, #tpu.memory_space<vmem>>) offsets(%dma_start3A_291 : memref<128xi32, #tpu.memory_space<vmem>>) semaphore(%arg13 : memref<!tpu.dma_semaphore, #tpu.memory_space<semaphore_mem>>)
    %add3A_295 = arith.constant 0 : i32
    %add3A_296 = vector.broadcast %add3A_295 : i32 to vector<16xi32>
    %add3A_297 = arith.addi %iota3A, %add3A_296 : vector<16xi32>
    %add3A_298 = arith.constant 256 : i32
    %add3A_299 = arith.addi %mul3A_10, %add3A_298 : i32
    %add3A_300 = vector.broadcast %add3A_299 : i32 to vector<16xi32>
    %add3A_301 = arith.addi %add3A_300, %add3A_297 : vector<16xi32>
    %mul3A_302 = arith.constant 22 : i32
    %mul3A_303 = vector.broadcast %mul3A_302 : i32 to vector<16xi32>
    %mul3A_304 = arith.muli %add3A_301, %mul3A_303 : vector<16xi32>
    %swap3A_305 = arith.constant 2 : i32
    %swap3A_306 = arith.index_cast %swap3A_305 : i32 to index
    %swap3A_307 = arith.constant 0 : index
    %swap3A_308 = tpu.vector_load %arg11[%swap3A_306, %swap3A_307] {strides = array<i32>} : memref<4x128xi32, #tpu.memory_space<vmem>>, vector<1x16xi32>,
    %swap3A_309 = vector.shape_cast %swap3A_308 : vector<1x16xi32> to vector<16xi32>
    %swap3A_310 = vector.shape_cast %mul3A_304 : vector<16xi32> to vector<1x16xi32>
    tpu.vector_store %arg11[%swap3A_306, %swap3A_307], %swap3A_310 {strides = array<i32>} : memref<4x128xi32, #tpu.memory_space<vmem>>, vector<1x16xi32>,
    %add3A_311 = arith.constant 16 : i32
    %add3A_312 = vector.broadcast %add3A_311 : i32 to vector<16xi32>
    %add3A_313 = arith.addi %iota3A, %add3A_312 : vector<16xi32>
    %add3A_314 = arith.constant 256 : i32
    %add3A_315 = arith.addi %mul3A_10, %add3A_314 : i32
    %add3A_316 = vector.broadcast %add3A_315 : i32 to vector<16xi32>
    %add3A_317 = arith.addi %add3A_316, %add3A_313 : vector<16xi32>
    %mul3A_318 = arith.constant 22 : i32
    %mul3A_319 = vector.broadcast %mul3A_318 : i32 to vector<16xi32>
    %mul3A_320 = arith.muli %add3A_317, %mul3A_319 : vector<16xi32>
    %swap3A_321 = arith.constant 2 : i32
    %swap3A_322 = arith.index_cast %swap3A_321 : i32 to index
    %swap3A_323 = arith.constant 16 : index
    %swap3A_324 = tpu.vector_load %arg11[%swap3A_322, %swap3A_323] {strides = array<i32>} : memref<4x128xi32, #tpu.memory_space<vmem>>, vector<1x16xi32>,
    %swap3A_325 = vector.shape_cast %swap3A_324 : vector<1x16xi32> to vector<16xi32>
    %swap3A_326 = vector.shape_cast %mul3A_320 : vector<16xi32> to vector<1x16xi32>
    tpu.vector_store %arg11[%swap3A_322, %swap3A_323], %swap3A_326 {strides = array<i32>} : memref<4x128xi32, #tpu.memory_space<vmem>>, vector<1x16xi32>,
    %add3A_327 = arith.constant 32 : i32
    %add3A_328 = vector.broadcast %add3A_327 : i32 to vector<16xi32>
    %add3A_329 = arith.addi %iota3A, %add3A_328 : vector<16xi32>
    %add3A_330 = arith.constant 256 : i32
    %add3A_331 = arith.addi %mul3A_10, %add3A_330 : i32
    %add3A_332 = vector.broadcast %add3A_331 : i32 to vector<16xi32>
    %add3A_333 = arith.addi %add3A_332, %add3A_329 : vector<16xi32>
    %mul3A_334 = arith.constant 22 : i32
    %mul3A_335 = vector.broadcast %mul3A_334 : i32 to vector<16xi32>
    %mul3A_336 = arith.muli %add3A_333, %mul3A_335 : vector<16xi32>
    %swap3A_337 = arith.constant 2 : i32
    %swap3A_338 = arith.index_cast %swap3A_337 : i32 to index
    %swap3A_339 = arith.constant 32 : index
    %swap3A_340 = tpu.vector_load %arg11[%swap3A_338, %swap3A_339] {strides = array<i32>} : memref<4x128xi32, #tpu.memory_space<vmem>>, vector<1x16xi32>,
    %swap3A_341 = vector.shape_cast %swap3A_340 : vector<1x16xi32> to vector<16xi32>
    %swap3A_342 = vector.shape_cast %mul3A_336 : vector<16xi32> to vector<1x16xi32>
    tpu.vector_store %arg11[%swap3A_338, %swap3A_339], %swap3A_342 {strides = array<i32>} : memref<4x128xi32, #tpu.memory_space<vmem>>, vector<1x16xi32>,
    %add3A_343 = arith.constant 48 : i32
    %add3A_344 = vector.broadcast %add3A_343 : i32 to vector<16xi32>
    %add3A_345 = arith.addi %iota3A, %add3A_344 : vector<16xi32>
    %add3A_346 = arith.constant 256 : i32
    %add3A_347 = arith.addi %mul3A_10, %add3A_346 : i32
    %add3A_348 = vector.broadcast %add3A_347 : i32 to vector<16xi32>
    %add3A_349 = arith.addi %add3A_348, %add3A_345 : vector<16xi32>
    %mul3A_350 = arith.constant 22 : i32
    %mul3A_351 = vector.broadcast %mul3A_350 : i32 to vector<16xi32>
    %mul3A_352 = arith.muli %add3A_349, %mul3A_351 : vector<16xi32>
    %swap3A_353 = arith.constant 2 : i32
    %swap3A_354 = arith.index_cast %swap3A_353 : i32 to index
    %swap3A_355 = arith.constant 48 : index
    %swap3A_356 = tpu.vector_load %arg11[%swap3A_354, %swap3A_355] {strides = array<i32>} : memref<4x128xi32, #tpu.memory_space<vmem>>, vector<1x16xi32>,
    %swap3A_357 = vector.shape_cast %swap3A_356 : vector<1x16xi32> to vector<16xi32>
    %swap3A_358 = vector.shape_cast %mul3A_352 : vector<16xi32> to vector<1x16xi32>
    tpu.vector_store %arg11[%swap3A_354, %swap3A_355], %swap3A_358 {strides = array<i32>} : memref<4x128xi32, #tpu.memory_space<vmem>>, vector<1x16xi32>,
    %add3A_359 = arith.constant 64 : i32
    %add3A_360 = vector.broadcast %add3A_359 : i32 to vector<16xi32>
    %add3A_361 = arith.addi %iota3A, %add3A_360 : vector<16xi32>
    %add3A_362 = arith.constant 256 : i32
    %add3A_363 = arith.addi %mul3A_10, %add3A_362 : i32
    %add3A_364 = vector.broadcast %add3A_363 : i32 to vector<16xi32>
    %add3A_365 = arith.addi %add3A_364, %add3A_361 : vector<16xi32>
    %mul3A_366 = arith.constant 22 : i32
    %mul3A_367 = vector.broadcast %mul3A_366 : i32 to vector<16xi32>
    %mul3A_368 = arith.muli %add3A_365, %mul3A_367 : vector<16xi32>
    %swap3A_369 = arith.constant 2 : i32
    %swap3A_370 = arith.index_cast %swap3A_369 : i32 to index
    %swap3A_371 = arith.constant 64 : index
    %swap3A_372 = tpu.vector_load %arg11[%swap3A_370, %swap3A_371] {strides = array<i32>} : memref<4x128xi32, #tpu.memory_space<vmem>>, vector<1x16xi32>,
    %swap3A_373 = vector.shape_cast %swap3A_372 : vector<1x16xi32> to vector<16xi32>
    %swap3A_374 = vector.shape_cast %mul3A_368 : vector<16xi32> to vector<1x16xi32>
    tpu.vector_store %arg11[%swap3A_370, %swap3A_371], %swap3A_374 {strides = array<i32>} : memref<4x128xi32, #tpu.memory_space<vmem>>, vector<1x16xi32>,
    %add3A_375 = arith.constant 80 : i32
    %add3A_376 = vector.broadcast %add3A_375 : i32 to vector<16xi32>
    %add3A_377 = arith.addi %iota3A, %add3A_376 : vector<16xi32>
    %add3A_378 = arith.constant 256 : i32
    %add3A_379 = arith.addi %mul3A_10, %add3A_378 : i32
    %add3A_380 = vector.broadcast %add3A_379 : i32 to vector<16xi32>
    %add3A_381 = arith.addi %add3A_380, %add3A_377 : vector<16xi32>
    %mul3A_382 = arith.constant 22 : i32
    %mul3A_383 = vector.broadcast %mul3A_382 : i32 to vector<16xi32>
    %mul3A_384 = arith.muli %add3A_381, %mul3A_383 : vector<16xi32>
    %swap3A_385 = arith.constant 2 : i32
    %swap3A_386 = arith.index_cast %swap3A_385 : i32 to index
    %swap3A_387 = arith.constant 80 : index
    %swap3A_388 = tpu.vector_load %arg11[%swap3A_386, %swap3A_387] {strides = array<i32>} : memref<4x128xi32, #tpu.memory_space<vmem>>, vector<1x16xi32>,
    %swap3A_389 = vector.shape_cast %swap3A_388 : vector<1x16xi32> to vector<16xi32>
    %swap3A_390 = vector.shape_cast %mul3A_384 : vector<16xi32> to vector<1x16xi32>
    tpu.vector_store %arg11[%swap3A_386, %swap3A_387], %swap3A_390 {strides = array<i32>} : memref<4x128xi32, #tpu.memory_space<vmem>>, vector<1x16xi32>,
    %add3A_391 = arith.constant 96 : i32
    %add3A_392 = vector.broadcast %add3A_391 : i32 to vector<16xi32>
    %add3A_393 = arith.addi %iota3A, %add3A_392 : vector<16xi32>
    %add3A_394 = arith.constant 256 : i32
    %add3A_395 = arith.addi %mul3A_10, %add3A_394 : i32
    %add3A_396 = vector.broadcast %add3A_395 : i32 to vector<16xi32>
    %add3A_397 = arith.addi %add3A_396, %add3A_393 : vector<16xi32>
    %mul3A_398 = arith.constant 22 : i32
    %mul3A_399 = vector.broadcast %mul3A_398 : i32 to vector<16xi32>
    %mul3A_400 = arith.muli %add3A_397, %mul3A_399 : vector<16xi32>
    %swap3A_401 = arith.constant 2 : i32
    %swap3A_402 = arith.index_cast %swap3A_401 : i32 to index
    %swap3A_403 = arith.constant 96 : index
    %swap3A_404 = tpu.vector_load %arg11[%swap3A_402, %swap3A_403] {strides = array<i32>} : memref<4x128xi32, #tpu.memory_space<vmem>>, vector<1x16xi32>,
    %swap3A_405 = vector.shape_cast %swap3A_404 : vector<1x16xi32> to vector<16xi32>
    %swap3A_406 = vector.shape_cast %mul3A_400 : vector<16xi32> to vector<1x16xi32>
    tpu.vector_store %arg11[%swap3A_402, %swap3A_403], %swap3A_406 {strides = array<i32>} : memref<4x128xi32, #tpu.memory_space<vmem>>, vector<1x16xi32>,
    %add3A_407 = arith.constant 112 : i32
    %add3A_408 = vector.broadcast %add3A_407 : i32 to vector<16xi32>
    %add3A_409 = arith.addi %iota3A, %add3A_408 : vector<16xi32>
    %add3A_410 = arith.constant 256 : i32
    %add3A_411 = arith.addi %mul3A_10, %add3A_410 : i32
    %add3A_412 = vector.broadcast %add3A_411 : i32 to vector<16xi32>
    %add3A_413 = arith.addi %add3A_412, %add3A_409 : vector<16xi32>
    %mul3A_414 = arith.constant 22 : i32
    %mul3A_415 = vector.broadcast %mul3A_414 : i32 to vector<16xi32>
    %mul3A_416 = arith.muli %add3A_413, %mul3A_415 : vector<16xi32>
    %swap3A_417 = arith.constant 2 : i32
    %swap3A_418 = arith.index_cast %swap3A_417 : i32 to index
    %swap3A_419 = arith.constant 112 : index
    %swap3A_420 = tpu.vector_load %arg11[%swap3A_418, %swap3A_419] {strides = array<i32>} : memref<4x128xi32, #tpu.memory_space<vmem>>, vector<1x16xi32>,
    %swap3A_421 = vector.shape_cast %swap3A_420 : vector<1x16xi32> to vector<16xi32>
    %swap3A_422 = vector.shape_cast %mul3A_416 : vector<16xi32> to vector<1x16xi32>
    tpu.vector_store %arg11[%swap3A_418, %swap3A_419], %swap3A_422 {strides = array<i32>} : memref<4x128xi32, #tpu.memory_space<vmem>>, vector<1x16xi32>,
    %scan3A = arith.constant 0 : i32
    %scan3A_423 = arith.constant 0 : i32
    %mul3A_424 = arith.constant 4 : i32
    %mul3A_425 = arith.muli %scan3A_423, %mul3A_424 : i32
    %add3A_426 = arith.constant 0 : i32
    %add3A_427 = arith.addi %mul3A_425, %add3A_426 : i32
    %dma_wait3A = arith.constant 0 : i32
    %dma_wait3A_428 = arith.constant 0 : i32
    %dma_wait3A_429 = arith.constant 0 : i32
    %dma_wait3A_430 = tpu.memref_slice %arg12[%dma_wait3A, %dma_wait3A_428, %dma_wait3A_429] : memref<4x128x32xf32, #tpu.memory_space<vmem>> -> memref<1x128x32xf32, #tpu.memory_space<vmem>>
    %dma_wait3A_431 = tpu.memref_squeeze %dma_wait3A_430 : memref<1x128x32xf32, #tpu.memory_space<vmem>> -> memref<128x32xf32, #tpu.memory_space<vmem>>
    %dma_wait3A_432 = arith.constant 0 : i32
    %dma_wait3A_433 = tpu.memref_slice %arg8[%dma_wait3A_432] : memref<512xi32, #tpu.memory_space<vmem>> -> memref<128xi32, #tpu.memory_space<vmem>>
    %dma_wait3A_434 = arith.constant 0 : i32
    %dma_wait3A_435 = arith.constant 0 : i32
    %dma_wait3A_436 = tpu.memref_slice %arg5[%dma_wait3A_434, %dma_wait3A_435] : memref<1000000x32xf32, #tpu.memory_space<hbm>> -> memref<1000000x32xf32, #tpu.memory_space<hbm>>
    tpu.wait_indirect_dma semaphore(%arg13 : memref<!tpu.dma_semaphore, #tpu.memory_space<semaphore_mem>>) src(%dma_wait3A_436 : memref<1000000x32xf32, #tpu.memory_space<hbm>>) dst(%dma_wait3A_431 : memref<128x32xf32, #tpu.memory_space<vmem>>)
    %gt3A = arith.constant 0 : i32
    %gt3A_437 = arith.cmpi sgt, %scan3A_423, %gt3A : i32
    %convert_element_type3A = arith.extui %gt3A_437 : i1 to i32
    %cond3A = arith.constant 0 : i32
    %cond3A_438 = arith.cmpi ne, %convert_element_type3A, %cond3A : i32
    scf.if %cond3A_438 {
      %dma_wait3A_2514 = arith.constant 0 : i32
      %dma_wait3A_2515 = arith.constant 0 : i32
      %dma_wait3A_2516 = arith.constant 0 : i32
      %dma_wait3A_2517 = arith.constant 0 : i32
      %dma_wait3A_2518 = tpu.memref_slice %arg12[%dma_wait3A_2514, %dma_wait3A_2516, %dma_wait3A_2517] : memref<4x128x32xf32, #tpu.memory_space<vmem>> -> memref<1x128x32xf32, #tpu.memory_space<vmem>>
      %dma_wait3A_2519 = tpu.memref_squeeze %dma_wait3A_2518 : memref<1x128x32xf32, #tpu.memory_space<vmem>> -> memref<128x32xf32, #tpu.memory_space<vmem>>
      %dma_wait3A_2520 = arith.constant 0 : i32
      %dma_wait3A_2521 = tpu.memref_slice %arg11[%dma_wait3A_2515, %dma_wait3A_2520] : memref<4x128xi32, #tpu.memory_space<vmem>> -> memref<1x128xi32, #tpu.memory_space<vmem>>
      %dma_wait3A_2522 = tpu.memref_squeeze %dma_wait3A_2521 : memref<1x128xi32, #tpu.memory_space<vmem>> -> memref<128xi32, #tpu.memory_space<vmem>>
      %dma_wait3A_2523 = arith.constant 0 : i32
      %dma_wait3A_2524 = arith.constant 0 : i32
      %dma_wait3A_2525 = tpu.memref_slice %arg7[%dma_wait3A_2523, %dma_wait3A_2524] : memref<360448x32xf32, #tpu.memory_space<hbm>> -> memref<360448x32xf32, #tpu.memory_space<hbm>>
      tpu.wait_indirect_dma semaphore(%arg14 : memref<!tpu.dma_semaphore, #tpu.memory_space<semaphore_mem>>) src(%dma_wait3A_2519 : memref<128x32xf32, #tpu.memory_space<vmem>>) dst(%dma_wait3A_2525 : memref<360448x32xf32, #tpu.memory_space<hbm>>)
    } else {
    }
    %dma_start3A_439 = arith.constant 0 : i32
    %dma_start3A_440 = arith.constant 0 : i32
    %dma_start3A_441 = arith.constant 0 : i32
    %dma_start3A_442 = arith.constant 0 : i32
    %dma_start3A_443 = tpu.memref_slice %arg12[%dma_start3A_439, %dma_start3A_441, %dma_start3A_442] : memref<4x128x32xf32, #tpu.memory_space<vmem>> -> memref<1x128x32xf32, #tpu.memory_space<vmem>>
    %dma_start3A_444 = tpu.memref_squeeze %dma_start3A_443 : memref<1x128x32xf32, #tpu.memory_space<vmem>> -> memref<128x32xf32, #tpu.memory_space<vmem>>
    %dma_start3A_445 = arith.constant 0 : i32
    %dma_start3A_446 = tpu.memref_slice %arg11[%dma_start3A_440, %dma_start3A_445] : memref<4x128xi32, #tpu.memory_space<vmem>> -> memref<1x128xi32, #tpu.memory_space<vmem>>
    %dma_start3A_447 = tpu.memref_squeeze %dma_start3A_446 : memref<1x128xi32, #tpu.memory_space<vmem>> -> memref<128xi32, #tpu.memory_space<vmem>>
    %dma_start3A_448 = arith.constant 0 : i32
    %dma_start3A_449 = arith.constant 0 : i32
    %dma_start3A_450 = tpu.memref_slice %arg7[%dma_start3A_448, %dma_start3A_449] : memref<360448x32xf32, #tpu.memory_space<hbm>> -> memref<360448x32xf32, #tpu.memory_space<hbm>>
    tpu.enqueue_indirect_dma source(%dma_start3A_444 : memref<128x32xf32, #tpu.memory_space<vmem>>) target(%dma_start3A_450 : memref<360448x32xf32, #tpu.memory_space<hbm>>) offsets(%dma_start3A_447 : memref<128xi32, #tpu.memory_space<vmem>>) semaphore(%arg14 : memref<!tpu.dma_semaphore, #tpu.memory_space<semaphore_mem>>)
    %add3A_451 = arith.constant 4 : i32
    %add3A_452 = arith.addi %add3A_427, %add3A_451 : i32
    %sub3A = arith.constant 1 : i32
    %sub3A_453 = arith.subi %add3A_452, %sub3A : i32
    %lt3A = arith.constant 4 : i32
    %lt3A_454 = arith.cmpi slt, %sub3A_453, %lt3A : i32
    %convert_element_type3A_455 = arith.extui %lt3A_454 : i1 to i32
    %cond3A_456 = arith.constant 0 : i32
    %cond3A_457 = arith.cmpi ne, %convert_element_type3A_455, %cond3A_456 : i32
    scf.if %cond3A_457 {
      %mul3A_2514 = arith.constant 128 : i32
      %mul3A_2515 = arith.muli %sub3A_453, %mul3A_2514 : i32
      %dma_start3A_2516 = arith.constant 3 : i32
      %dma_start3A_2517 = arith.constant 0 : i32
      %dma_start3A_2518 = arith.constant 0 : i32
      %dma_start3A_2519 = tpu.memref_slice %arg12[%dma_start3A_2516, %dma_start3A_2517, %dma_start3A_2518] : memref<4x128x32xf32, #tpu.memory_space<vmem>> -> memref<1x128x32xf32, #tpu.memory_space<vmem>>
      %dma_start3A_2520 = tpu.memref_squeeze %dma_start3A_2519 : memref<1x128x32xf32, #tpu.memory_space<vmem>> -> memref<128x32xf32, #tpu.memory_space<vmem>>
      %dma_start3A_2521 = tpu.memref_slice %arg8[%mul3A_2515] : memref<512xi32, #tpu.memory_space<vmem>> -> memref<128xi32, #tpu.memory_space<vmem>>
      %dma_start3A_2522 = arith.constant 0 : i32
      %dma_start3A_2523 = arith.constant 0 : i32
      %dma_start3A_2524 = tpu.memref_slice %arg5[%dma_start3A_2522, %dma_start3A_2523] : memref<1000000x32xf32, #tpu.memory_space<hbm>> -> memref<1000000x32xf32, #tpu.memory_space<hbm>>
      tpu.enqueue_indirect_dma source(%dma_start3A_2524 : memref<1000000x32xf32, #tpu.memory_space<hbm>>) target(%dma_start3A_2520 : memref<128x32xf32, #tpu.memory_space<vmem>>) offsets(%dma_start3A_2521 : memref<128xi32, #tpu.memory_space<vmem>>) semaphore(%arg13 : memref<!tpu.dma_semaphore, #tpu.memory_space<semaphore_mem>>)
      %add3A_2525 = arith.constant 0 : i32
      %add3A_2526 = vector.broadcast %add3A_2525 : i32 to vector<16xi32>
      %add3A_2527 = arith.addi %iota3A, %add3A_2526 : vector<16xi32>
      %mul3A_2528 = arith.constant 128 : i32
      %mul3A_2529 = arith.muli %sub3A_453, %mul3A_2528 : i32
      %add3A_2530 = arith.addi %mul3A_10, %mul3A_2529 : i32
      %add3A_2531 = vector.broadcast %add3A_2530 : i32 to vector<16xi32>
      %add3A_2532 = arith.addi %add3A_2531, %add3A_2527 : vector<16xi32>
      %mul3A_2533 = arith.constant 22 : i32
      %mul3A_2534 = vector.broadcast %mul3A_2533 : i32 to vector<16xi32>
      %mul3A_2535 = arith.muli %add3A_2532, %mul3A_2534 : vector<16xi32>
      %swap3A_2536 = arith.constant 3 : i32
      %swap3A_2537 = arith.index_cast %swap3A_2536 : i32 to index
      %swap3A_2538 = arith.constant 0 : index
      %swap3A_2539 = tpu.vector_load %arg11[%swap3A_2537, %swap3A_2538] {strides = array<i32>} : memref<4x128xi32, #tpu.memory_space<vmem>>, vector<1x16xi32>,
      %swap3A_2540 = vector.shape_cast %swap3A_2539 : vector<1x16xi32> to vector<16xi32>
      %swap3A_2541 = vector.shape_cast %mul3A_2535 : vector<16xi32> to vector<1x16xi32>
      tpu.vector_store %arg11[%swap3A_2537, %swap3A_2538], %swap3A_2541 {strides = array<i32>} : memref<4x128xi32, #tpu.memory_space<vmem>>, vector<1x16xi32>,
      %add3A_2542 = arith.constant 16 : i32
      %add3A_2543 = vector.broadcast %add3A_2542 : i32 to vector<16xi32>
      %add3A_2544 = arith.addi %iota3A, %add3A_2543 : vector<16xi32>
      %mul3A_2545 = arith.constant 128 : i32
      %mul3A_2546 = arith.muli %sub3A_453, %mul3A_2545 : i32
      %add3A_2547 = arith.addi %mul3A_10, %mul3A_2546 : i32
      %add3A_2548 = vector.broadcast %add3A_2547 : i32 to vector<16xi32>
      %add3A_2549 = arith.addi %add3A_2548, %add3A_2544 : vector<16xi32>
      %mul3A_2550 = arith.constant 22 : i32
      %mul3A_2551 = vector.broadcast %mul3A_2550 : i32 to vector<16xi32>
      %mul3A_2552 = arith.muli %add3A_2549, %mul3A_2551 : vector<16xi32>
      %swap3A_2553 = arith.constant 3 : i32
      %swap3A_2554 = arith.index_cast %swap3A_2553 : i32 to index
      %swap3A_2555 = arith.constant 16 : index
      %swap3A_2556 = tpu.vector_load %arg11[%swap3A_2554, %swap3A_2555] {strides = array<i32>} : memref<4x128xi32, #tpu.memory_space<vmem>>, vector<1x16xi32>,
      %swap3A_2557 = vector.shape_cast %swap3A_2556 : vector<1x16xi32> to vector<16xi32>
      %swap3A_2558 = vector.shape_cast %mul3A_2552 : vector<16xi32> to vector<1x16xi32>
      tpu.vector_store %arg11[%swap3A_2554, %swap3A_2555], %swap3A_2558 {strides = array<i32>} : memref<4x128xi32, #tpu.memory_space<vmem>>, vector<1x16xi32>,
      %add3A_2559 = arith.constant 32 : i32
      %add3A_2560 = vector.broadcast %add3A_2559 : i32 to vector<16xi32>
      %add3A_2561 = arith.addi %iota3A, %add3A_2560 : vector<16xi32>
      %mul3A_2562 = arith.constant 128 : i32
      %mul3A_2563 = arith.muli %sub3A_453, %mul3A_2562 : i32
      %add3A_2564 = arith.addi %mul3A_10, %mul3A_2563 : i32
      %add3A_2565 = vector.broadcast %add3A_2564 : i32 to vector<16xi32>
      %add3A_2566 = arith.addi %add3A_2565, %add3A_2561 : vector<16xi32>
      %mul3A_2567 = arith.constant 22 : i32
      %mul3A_2568 = vector.broadcast %mul3A_2567 : i32 to vector<16xi32>
      %mul3A_2569 = arith.muli %add3A_2566, %mul3A_2568 : vector<16xi32>
      %swap3A_2570 = arith.constant 3 : i32
      %swap3A_2571 = arith.index_cast %swap3A_2570 : i32 to index
      %swap3A_2572 = arith.constant 32 : index
      %swap3A_2573 = tpu.vector_load %arg11[%swap3A_2571, %swap3A_2572] {strides = array<i32>} : memref<4x128xi32, #tpu.memory_space<vmem>>, vector<1x16xi32>,
      %swap3A_2574 = vector.shape_cast %swap3A_2573 : vector<1x16xi32> to vector<16xi32>
      %swap3A_2575 = vector.shape_cast %mul3A_2569 : vector<16xi32> to vector<1x16xi32>
      tpu.vector_store %arg11[%swap3A_2571, %swap3A_2572], %swap3A_2575 {strides = array<i32>} : memref<4x128xi32, #tpu.memory_space<vmem>>, vector<1x16xi32>,
      %add3A_2576 = arith.constant 48 : i32
      %add3A_2577 = vector.broadcast %add3A_2576 : i32 to vector<16xi32>
      %add3A_2578 = arith.addi %iota3A, %add3A_2577 : vector<16xi32>
      %mul3A_2579 = arith.constant 128 : i32
      %mul3A_2580 = arith.muli %sub3A_453, %mul3A_2579 : i32
      %add3A_2581 = arith.addi %mul3A_10, %mul3A_2580 : i32
      %add3A_2582 = vector.broadcast %add3A_2581 : i32 to vector<16xi32>
      %add3A_2583 = arith.addi %add3A_2582, %add3A_2578 : vector<16xi32>
      %mul3A_2584 = arith.constant 22 : i32
      %mul3A_2585 = vector.broadcast %mul3A_2584 : i32 to vector<16xi32>
      %mul3A_2586 = arith.muli %add3A_2583, %mul3A_2585 : vector<16xi32>
      %swap3A_2587 = arith.constant 3 : i32
      %swap3A_2588 = arith.index_cast %swap3A_2587 : i32 to index
      %swap3A_2589 = arith.constant 48 : index
      %swap3A_2590 = tpu.vector_load %arg11[%swap3A_2588, %swap3A_2589] {strides = array<i32>} : memref<4x128xi32, #tpu.memory_space<vmem>>, vector<1x16xi32>,
      %swap3A_2591 = vector.shape_cast %swap3A_2590 : vector<1x16xi32> to vector<16xi32>
      %swap3A_2592 = vector.shape_cast %mul3A_2586 : vector<16xi32> to vector<1x16xi32>
      tpu.vector_store %arg11[%swap3A_2588, %swap3A_2589], %swap3A_2592 {strides = array<i32>} : memref<4x128xi32, #tpu.memory_space<vmem>>, vector<1x16xi32>,
      %add3A_2593 = arith.constant 64 : i32
      %add3A_2594 = vector.broadcast %add3A_2593 : i32 to vector<16xi32>
      %add3A_2595 = arith.addi %iota3A, %add3A_2594 : vector<16xi32>
      %mul3A_2596 = arith.constant 128 : i32
      %mul3A_2597 = arith.muli %sub3A_453, %mul3A_2596 : i32
      %add3A_2598 = arith.addi %mul3A_10, %mul3A_2597 : i32
      %add3A_2599 = vector.broadcast %add3A_2598 : i32 to vector<16xi32>
      %add3A_2600 = arith.addi %add3A_2599, %add3A_2595 : vector<16xi32>
      %mul3A_2601 = arith.constant 22 : i32
      %mul3A_2602 = vector.broadcast %mul3A_2601 : i32 to vector<16xi32>
      %mul3A_2603 = arith.muli %add3A_2600, %mul3A_2602 : vector<16xi32>
      %swap3A_2604 = arith.constant 3 : i32
      %swap3A_2605 = arith.index_cast %swap3A_2604 : i32 to index
      %swap3A_2606 = arith.constant 64 : index
      %swap3A_2607 = tpu.vector_load %arg11[%swap3A_2605, %swap3A_2606] {strides = array<i32>} : memref<4x128xi32, #tpu.memory_space<vmem>>, vector<1x16xi32>,
      %swap3A_2608 = vector.shape_cast %swap3A_2607 : vector<1x16xi32> to vector<16xi32>
      %swap3A_2609 = vector.shape_cast %mul3A_2603 : vector<16xi32> to vector<1x16xi32>
      tpu.vector_store %arg11[%swap3A_2605, %swap3A_2606], %swap3A_2609 {strides = array<i32>} : memref<4x128xi32, #tpu.memory_space<vmem>>, vector<1x16xi32>,
      %add3A_2610 = arith.constant 80 : i32
      %add3A_2611 = vector.broadcast %add3A_2610 : i32 to vector<16xi32>
      %add3A_2612 = arith.addi %iota3A, %add3A_2611 : vector<16xi32>
      %mul3A_2613 = arith.constant 128 : i32
      %mul3A_2614 = arith.muli %sub3A_453, %mul3A_2613 : i32
      %add3A_2615 = arith.addi %mul3A_10, %mul3A_2614 : i32
      %add3A_2616 = vector.broadcast %add3A_2615 : i32 to vector<16xi32>
      %add3A_2617 = arith.addi %add3A_2616, %add3A_2612 : vector<16xi32>
      %mul3A_2618 = arith.constant 22 : i32
      %mul3A_2619 = vector.broadcast %mul3A_2618 : i32 to vector<16xi32>
      %mul3A_2620 = arith.muli %add3A_2617, %mul3A_2619 : vector<16xi32>
      %swap3A_2621 = arith.constant 3 : i32
      %swap3A_2622 = arith.index_cast %swap3A_2621 : i32 to index
      %swap3A_2623 = arith.constant 80 : index
      %swap3A_2624 = tpu.vector_load %arg11[%swap3A_2622, %swap3A_2623] {strides = array<i32>} : memref<4x128xi32, #tpu.memory_space<vmem>>, vector<1x16xi32>,
      %swap3A_2625 = vector.shape_cast %swap3A_2624 : vector<1x16xi32> to vector<16xi32>
      %swap3A_2626 = vector.shape_cast %mul3A_2620 : vector<16xi32> to vector<1x16xi32>
      tpu.vector_store %arg11[%swap3A_2622, %swap3A_2623], %swap3A_2626 {strides = array<i32>} : memref<4x128xi32, #tpu.memory_space<vmem>>, vector<1x16xi32>,
      %add3A_2627 = arith.constant 96 : i32
      %add3A_2628 = vector.broadcast %add3A_2627 : i32 to vector<16xi32>
      %add3A_2629 = arith.addi %iota3A, %add3A_2628 : vector<16xi32>
      %mul3A_2630 = arith.constant 128 : i32
      %mul3A_2631 = arith.muli %sub3A_453, %mul3A_2630 : i32
      %add3A_2632 = arith.addi %mul3A_10, %mul3A_2631 : i32
      %add3A_2633 = vector.broadcast %add3A_2632 : i32 to vector<16xi32>
      %add3A_2634 = arith.addi %add3A_2633, %add3A_2629 : vector<16xi32>
      %mul3A_2635 = arith.constant 22 : i32
      %mul3A_2636 = vector.broadcast %mul3A_2635 : i32 to vector<16xi32>
      %mul3A_2637 = arith.muli %add3A_2634, %mul3A_2636 : vector<16xi32>
      %swap3A_2638 = arith.constant 3 : i32
      %swap3A_2639 = arith.index_cast %swap3A_2638 : i32 to index
      %swap3A_2640 = arith.constant 96 : index
      %swap3A_2641 = tpu.vector_load %arg11[%swap3A_2639, %swap3A_2640] {strides = array<i32>} : memref<4x128xi32, #tpu.memory_space<vmem>>, vector<1x16xi32>,
      %swap3A_2642 = vector.shape_cast %swap3A_2641 : vector<1x16xi32> to vector<16xi32>
      %swap3A_2643 = vector.shape_cast %mul3A_2637 : vector<16xi32> to vector<1x16xi32>
      tpu.vector_store %arg11[%swap3A_2639, %swap3A_2640], %swap3A_2643 {strides = array<i32>} : memref<4x128xi32, #tpu.memory_space<vmem>>, vector<1x16xi32>,
      %add3A_2644 = arith.constant 112 : i32
      %add3A_2645 = vector.broadcast %add3A_2644 : i32 to vector<16xi32>
      %add3A_2646 = arith.addi %iota3A, %add3A_2645 : vector<16xi32>
      %mul3A_2647 = arith.constant 128 : i32
      %mul3A_2648 = arith.muli %sub3A_453, %mul3A_2647 : i32
      %add3A_2649 = arith.addi %mul3A_10, %mul3A_2648 : i32
      %add3A_2650 = vector.broadcast %add3A_2649 : i32 to vector<16xi32>
      %add3A_2651 = arith.addi %add3A_2650, %add3A_2646 : vector<16xi32>
      %mul3A_2652 = arith.constant 22 : i32
      %mul3A_2653 = vector.broadcast %mul3A_2652 : i32 to vector<16xi32>
      %mul3A_2654 = arith.muli %add3A_2651, %mul3A_2653 : vector<16xi32>
      %swap3A_2655 = arith.constant 3 : i32
      %swap3A_2656 = arith.index_cast %swap3A_2655 : i32 to index
      %swap3A_2657 = arith.constant 112 : index
      %swap3A_2658 = tpu.vector_load %arg11[%swap3A_2656, %swap3A_2657] {strides = array<i32>} : memref<4x128xi32, #tpu.memory_space<vmem>>, vector<1x16xi32>,
      %swap3A_2659 = vector.shape_cast %swap3A_2658 : vector<1x16xi32> to vector<16xi32>
      %swap3A_2660 = vector.shape_cast %mul3A_2654 : vector<16xi32> to vector<1x16xi32>
      tpu.vector_store %arg11[%swap3A_2656, %swap3A_2657], %swap3A_2660 {strides = array<i32>} : memref<4x128xi32, #tpu.memory_space<vmem>>, vector<1x16xi32>,
    } else {
    }
    %mul3A_458 = arith.constant 4 : i32
    %mul3A_459 = arith.muli %scan3A_423, %mul3A_458 : i32
    %add3A_460 = arith.constant 1 : i32
    %add3A_461 = arith.addi %mul3A_459, %add3A_460 : i32
    %dma_wait3A_462 = arith.constant 1 : i32
    %dma_wait3A_463 = arith.constant 0 : i32
    %dma_wait3A_464 = arith.constant 0 : i32
    %dma_wait3A_465 = tpu.memref_slice %arg12[%dma_wait3A_462, %dma_wait3A_463, %dma_wait3A_464] : memref<4x128x32xf32, #tpu.memory_space<vmem>> -> memref<1x128x32xf32, #tpu.memory_space<vmem>>
    %dma_wait3A_466 = tpu.memref_squeeze %dma_wait3A_465 : memref<1x128x32xf32, #tpu.memory_space<vmem>> -> memref<128x32xf32, #tpu.memory_space<vmem>>
    %dma_wait3A_467 = arith.constant 0 : i32
    %dma_wait3A_468 = tpu.memref_slice %arg8[%dma_wait3A_467] : memref<512xi32, #tpu.memory_space<vmem>> -> memref<128xi32, #tpu.memory_space<vmem>>
    %dma_wait3A_469 = arith.constant 0 : i32
    %dma_wait3A_470 = arith.constant 0 : i32
    %dma_wait3A_471 = tpu.memref_slice %arg5[%dma_wait3A_469, %dma_wait3A_470] : memref<1000000x32xf32, #tpu.memory_space<hbm>> -> memref<1000000x32xf32, #tpu.memory_space<hbm>>
    tpu.wait_indirect_dma semaphore(%arg13 : memref<!tpu.dma_semaphore, #tpu.memory_space<semaphore_mem>>) src(%dma_wait3A_471 : memref<1000000x32xf32, #tpu.memory_space<hbm>>) dst(%dma_wait3A_466 : memref<128x32xf32, #tpu.memory_space<vmem>>)
    %dma_wait3A_472 = arith.constant 0 : i32
    %dma_wait3A_473 = arith.constant 0 : i32
    %dma_wait3A_474 = arith.constant 0 : i32
    %dma_wait3A_475 = arith.constant 0 : i32
    %dma_wait3A_476 = tpu.memref_slice %arg12[%dma_wait3A_472, %dma_wait3A_474, %dma_wait3A_475] : memref<4x128x32xf32, #tpu.memory_space<vmem>> -> memref<1x128x32xf32, #tpu.memory_space<vmem>>
    %dma_wait3A_477 = tpu.memref_squeeze %dma_wait3A_476 : memref<1x128x32xf32, #tpu.memory_space<vmem>> -> memref<128x32xf32, #tpu.memory_space<vmem>>
    %dma_wait3A_478 = arith.constant 0 : i32
    %dma_wait3A_479 = tpu.memref_slice %arg11[%dma_wait3A_473, %dma_wait3A_478] : memref<4x128xi32, #tpu.memory_space<vmem>> -> memref<1x128xi32, #tpu.memory_space<vmem>>
    %dma_wait3A_480 = tpu.memref_squeeze %dma_wait3A_479 : memref<1x128xi32, #tpu.memory_space<vmem>> -> memref<128xi32, #tpu.memory_space<vmem>>
    %dma_wait3A_481 = arith.constant 0 : i32
    %dma_wait3A_482 = arith.constant 0 : i32
    %dma_wait3A_483 = tpu.memref_slice %arg7[%dma_wait3A_481, %dma_wait3A_482] : memref<360448x32xf32, #tpu.memory_space<hbm>> -> memref<360448x32xf32, #tpu.memory_space<hbm>>
    tpu.wait_indirect_dma semaphore(%arg14 : memref<!tpu.dma_semaphore, #tpu.memory_space<semaphore_mem>>) src(%dma_wait3A_477 : memref<128x32xf32, #tpu.memory_space<vmem>>) dst(%dma_wait3A_483 : memref<360448x32xf32, #tpu.memory_space<hbm>>)
    %dma_start3A_484 = arith.constant 1 : i32
    %dma_start3A_485 = arith.constant 1 : i32
    %dma_start3A_486 = arith.constant 0 : i32
    %dma_start3A_487 = arith.constant 0 : i32
    %dma_start3A_488 = tpu.memref_slice %arg12[%dma_start3A_484, %dma_start3A_486, %dma_start3A_487] : memref<4x128x32xf32, #tpu.memory_space<vmem>> -> memref<1x128x32xf32, #tpu.memory_space<vmem>>
    %dma_start3A_489 = tpu.memref_squeeze %dma_start3A_488 : memref<1x128x32xf32, #tpu.memory_space<vmem>> -> memref<128x32xf32, #tpu.memory_space<vmem>>
    %dma_start3A_490 = arith.constant 0 : i32
    %dma_start3A_491 = tpu.memref_slice %arg11[%dma_start3A_485, %dma_start3A_490] : memref<4x128xi32, #tpu.memory_space<vmem>> -> memref<1x128xi32, #tpu.memory_space<vmem>>
    %dma_start3A_492 = tpu.memref_squeeze %dma_start3A_491 : memref<1x128xi32, #tpu.memory_space<vmem>> -> memref<128xi32, #tpu.memory_space<vmem>>
    %dma_start3A_493 = arith.constant 0 : i32
    %dma_start3A_494 = arith.constant 0 : i32
    %dma_start3A_495 = tpu.memref_slice %arg7[%dma_start3A_493, %dma_start3A_494] : memref<360448x32xf32, #tpu.memory_space<hbm>> -> memref<360448x32xf32, #tpu.memory_space<hbm>>
    tpu.enqueue_indirect_dma source(%dma_start3A_489 : memref<128x32xf32, #tpu.memory_space<vmem>>) target(%dma_start3A_495 : memref<360448x32xf32, #tpu.memory_space<hbm>>) offsets(%dma_start3A_492 : memref<128xi32, #tpu.memory_space<vmem>>) semaphore(%arg14 : memref<!tpu.dma_semaphore, #tpu.memory_space<semaphore_mem>>)
    %add3A_496 = arith.constant 4 : i32
    %add3A_497 = arith.addi %add3A_461, %add3A_496 : i32
    %sub3A_498 = arith.constant 1 : i32
    %sub3A_499 = arith.subi %add3A_497, %sub3A_498 : i32
    %lt3A_500 = arith.constant 4 : i32
    %lt3A_501 = arith.cmpi slt, %sub3A_499, %lt3A_500 : i32
    %convert_element_type3A_502 = arith.extui %lt3A_501 : i1 to i32
    %cond3A_503 = arith.constant 0 : i32
    %cond3A_504 = arith.cmpi ne, %convert_element_type3A_502, %cond3A_503 : i32
    scf.if %cond3A_504 {
      %mul3A_2514 = arith.constant 128 : i32
      %mul3A_2515 = arith.muli %sub3A_499, %mul3A_2514 : i32
      %dma_start3A_2516 = arith.constant 0 : i32
      %dma_start3A_2517 = arith.constant 0 : i32
      %dma_start3A_2518 = arith.constant 0 : i32
      %dma_start3A_2519 = tpu.memref_slice %arg12[%dma_start3A_2516, %dma_start3A_2517, %dma_start3A_2518] : memref<4x128x32xf32, #tpu.memory_space<vmem>> -> memref<1x128x32xf32, #tpu.memory_space<vmem>>
      %dma_start3A_2520 = tpu.memref_squeeze %dma_start3A_2519 : memref<1x128x32xf32, #tpu.memory_space<vmem>> -> memref<128x32xf32, #tpu.memory_space<vmem>>
      %dma_start3A_2521 = tpu.memref_slice %arg8[%mul3A_2515] : memref<512xi32, #tpu.memory_space<vmem>> -> memref<128xi32, #tpu.memory_space<vmem>>
      %dma_start3A_2522 = arith.constant 0 : i32
      %dma_start3A_2523 = arith.constant 0 : i32
      %dma_start3A_2524 = tpu.memref_slice %arg5[%dma_start3A_2522, %dma_start3A_2523] : memref<1000000x32xf32, #tpu.memory_space<hbm>> -> memref<1000000x32xf32, #tpu.memory_space<hbm>>
      tpu.enqueue_indirect_dma source(%dma_start3A_2524 : memref<1000000x32xf32, #tpu.memory_space<hbm>>) target(%dma_start3A_2520 : memref<128x32xf32, #tpu.memory_space<vmem>>) offsets(%dma_start3A_2521 : memref<128xi32, #tpu.memory_space<vmem>>) semaphore(%arg13 : memref<!tpu.dma_semaphore, #tpu.memory_space<semaphore_mem>>)
      %add3A_2525 = arith.constant 0 : i32
      %add3A_2526 = vector.broadcast %add3A_2525 : i32 to vector<16xi32>
      %add3A_2527 = arith.addi %iota3A, %add3A_2526 : vector<16xi32>
      %mul3A_2528 = arith.constant 128 : i32
      %mul3A_2529 = arith.muli %sub3A_499, %mul3A_2528 : i32
      %add3A_2530 = arith.addi %mul3A_10, %mul3A_2529 : i32
      %add3A_2531 = vector.broadcast %add3A_2530 : i32 to vector<16xi32>
      %add3A_2532 = arith.addi %add3A_2531, %add3A_2527 : vector<16xi32>
      %mul3A_2533 = arith.constant 22 : i32
      %mul3A_2534 = vector.broadcast %mul3A_2533 : i32 to vector<16xi32>
      %mul3A_2535 = arith.muli %add3A_2532, %mul3A_2534 : vector<16xi32>
      %swap3A_2536 = arith.constant 0 : i32
      %swap3A_2537 = arith.index_cast %swap3A_2536 : i32 to index
      %swap3A_2538 = arith.constant 0 : index
      %swap3A_2539 = tpu.vector_load %arg11[%swap3A_2537, %swap3A_2538] {strides = array<i32>} : memref<4x128xi32, #tpu.memory_space<vmem>>, vector<1x16xi32>,
      %swap3A_2540 = vector.shape_cast %swap3A_2539 : vector<1x16xi32> to vector<16xi32>
      %swap3A_2541 = vector.shape_cast %mul3A_2535 : vector<16xi32> to vector<1x16xi32>
      tpu.vector_store %arg11[%swap3A_2537, %swap3A_2538], %swap3A_2541 {strides = array<i32>} : memref<4x128xi32, #tpu.memory_space<vmem>>, vector<1x16xi32>,
      %add3A_2542 = arith.constant 16 : i32
      %add3A_2543 = vector.broadcast %add3A_2542 : i32 to vector<16xi32>
      %add3A_2544 = arith.addi %iota3A, %add3A_2543 : vector<16xi32>
      %mul3A_2545 = arith.constant 128 : i32
      %mul3A_2546 = arith.muli %sub3A_499, %mul3A_2545 : i32
      %add3A_2547 = arith.addi %mul3A_10, %mul3A_2546 : i32
      %add3A_2548 = vector.broadcast %add3A_2547 : i32 to vector<16xi32>
      %add3A_2549 = arith.addi %add3A_2548, %add3A_2544 : vector<16xi32>
      %mul3A_2550 = arith.constant 22 : i32
      %mul3A_2551 = vector.broadcast %mul3A_2550 : i32 to vector<16xi32>
      %mul3A_2552 = arith.muli %add3A_2549, %mul3A_2551 : vector<16xi32>
      %swap3A_2553 = arith.constant 0 : i32
      %swap3A_2554 = arith.index_cast %swap3A_2553 : i32 to index
      %swap3A_2555 = arith.constant 16 : index
      %swap3A_2556 = tpu.vector_load %arg11[%swap3A_2554, %swap3A_2555] {strides = array<i32>} : memref<4x128xi32, #tpu.memory_space<vmem>>, vector<1x16xi32>,
      %swap3A_2557 = vector.shape_cast %swap3A_2556 : vector<1x16xi32> to vector<16xi32>
      %swap3A_2558 = vector.shape_cast %mul3A_2552 : vector<16xi32> to vector<1x16xi32>
      tpu.vector_store %arg11[%swap3A_2554, %swap3A_2555], %swap3A_2558 {strides = array<i32>} : memref<4x128xi32, #tpu.memory_space<vmem>>, vector<1x16xi32>,
      %add3A_2559 = arith.constant 32 : i32
      %add3A_2560 = vector.broadcast %add3A_2559 : i32 to vector<16xi32>
      %add3A_2561 = arith.addi %iota3A, %add3A_2560 : vector<16xi32>
      %mul3A_2562 = arith.constant 128 : i32
      %mul3A_2563 = arith.muli %sub3A_499, %mul3A_2562 : i32
      %add3A_2564 = arith.addi %mul3A_10, %mul3A_2563 : i32
      %add3A_2565 = vector.broadcast %add3A_2564 : i32 to vector<16xi32>
      %add3A_2566 = arith.addi %add3A_2565, %add3A_2561 : vector<16xi32>
      %mul3A_2567 = arith.constant 22 : i32
      %mul3A_2568 = vector.broadcast %mul3A_2567 : i32 to vector<16xi32>
      %mul3A_2569 = arith.muli %add3A_2566, %mul3A_2568 : vector<16xi32>
      %swap3A_2570 = arith.constant 0 : i32
      %swap3A_2571 = arith.index_cast %swap3A_2570 : i32 to index
      %swap3A_2572 = arith.constant 32 : index
      %swap3A_2573 = tpu.vector_load %arg11[%swap3A_2571, %swap3A_2572] {strides = array<i32>} : memref<4x128xi32, #tpu.memory_space<vmem>>, vector<1x16xi32>,
      %swap3A_2574 = vector.shape_cast %swap3A_2573 : vector<1x16xi32> to vector<16xi32>
      %swap3A_2575 = vector.shape_cast %mul3A_2569 : vector<16xi32> to vector<1x16xi32>
      tpu.vector_store %arg11[%swap3A_2571, %swap3A_2572], %swap3A_2575 {strides = array<i32>} : memref<4x128xi32, #tpu.memory_space<vmem>>, vector<1x16xi32>,
      %add3A_2576 = arith.constant 48 : i32
      %add3A_2577 = vector.broadcast %add3A_2576 : i32 to vector<16xi32>
      %add3A_2578 = arith.addi %iota3A, %add3A_2577 : vector<16xi32>
      %mul3A_2579 = arith.constant 128 : i32
      %mul3A_2580 = arith.muli %sub3A_499, %mul3A_2579 : i32
      %add3A_2581 = arith.addi %mul3A_10, %mul3A_2580 : i32
      %add3A_2582 = vector.broadcast %add3A_2581 : i32 to vector<16xi32>
      %add3A_2583 = arith.addi %add3A_2582, %add3A_2578 : vector<16xi32>
      %mul3A_2584 = arith.constant 22 : i32
      %mul3A_2585 = vector.broadcast %mul3A_2584 : i32 to vector<16xi32>
      %mul3A_2586 = arith.muli %add3A_2583, %mul3A_2585 : vector<16xi32>
      %swap3A_2587 = arith.constant 0 : i32
      %swap3A_2588 = arith.index_cast %swap3A_2587 : i32 to index
      %swap3A_2589 = arith.constant 48 : index
      %swap3A_2590 = tpu.vector_load %arg11[%swap3A_2588, %swap3A_2589] {strides = array<i32>} : memref<4x128xi32, #tpu.memory_space<vmem>>, vector<1x16xi32>,
      %swap3A_2591 = vector.shape_cast %swap3A_2590 : vector<1x16xi32> to vector<16xi32>
      %swap3A_2592 = vector.shape_cast %mul3A_2586 : vector<16xi32> to vector<1x16xi32>
      tpu.vector_store %arg11[%swap3A_2588, %swap3A_2589], %swap3A_2592 {strides = array<i32>} : memref<4x128xi32, #tpu.memory_space<vmem>>, vector<1x16xi32>,
      %add3A_2593 = arith.constant 64 : i32
      %add3A_2594 = vector.broadcast %add3A_2593 : i32 to vector<16xi32>
      %add3A_2595 = arith.addi %iota3A, %add3A_2594 : vector<16xi32>
      %mul3A_2596 = arith.constant 128 : i32
      %mul3A_2597 = arith.muli %sub3A_499, %mul3A_2596 : i32
      %add3A_2598 = arith.addi %mul3A_10, %mul3A_2597 : i32
      %add3A_2599 = vector.broadcast %add3A_2598 : i32 to vector<16xi32>
      %add3A_2600 = arith.addi %add3A_2599, %add3A_2595 : vector<16xi32>
      %mul3A_2601 = arith.constant 22 : i32
      %mul3A_2602 = vector.broadcast %mul3A_2601 : i32 to vector<16xi32>
      %mul3A_2603 = arith.muli %add3A_2600, %mul3A_2602 : vector<16xi32>
      %swap3A_2604 = arith.constant 0 : i32
      %swap3A_2605 = arith.index_cast %swap3A_2604 : i32 to index
      %swap3A_2606 = arith.constant 64 : index
      %swap3A_2607 = tpu.vector_load %arg11[%swap3A_2605, %swap3A_2606] {strides = array<i32>} : memref<4x128xi32, #tpu.memory_space<vmem>>, vector<1x16xi32>,
      %swap3A_2608 = vector.shape_cast %swap3A_2607 : vector<1x16xi32> to vector<16xi32>
      %swap3A_2609 = vector.shape_cast %mul3A_2603 : vector<16xi32> to vector<1x16xi32>
      tpu.vector_store %arg11[%swap3A_2605, %swap3A_2606], %swap3A_2609 {strides = array<i32>} : memref<4x128xi32, #tpu.memory_space<vmem>>, vector<1x16xi32>,
      %add3A_2610 = arith.constant 80 : i32
      %add3A_2611 = vector.broadcast %add3A_2610 : i32 to vector<16xi32>
      %add3A_2612 = arith.addi %iota3A, %add3A_2611 : vector<16xi32>
      %mul3A_2613 = arith.constant 128 : i32
      %mul3A_2614 = arith.muli %sub3A_499, %mul3A_2613 : i32
      %add3A_2615 = arith.addi %mul3A_10, %mul3A_2614 : i32
      %add3A_2616 = vector.broadcast %add3A_2615 : i32 to vector<16xi32>
      %add3A_2617 = arith.addi %add3A_2616, %add3A_2612 : vector<16xi32>
      %mul3A_2618 = arith.constant 22 : i32
      %mul3A_2619 = vector.broadcast %mul3A_2618 : i32 to vector<16xi32>
      %mul3A_2620 = arith.muli %add3A_2617, %mul3A_2619 : vector<16xi32>
      %swap3A_2621 = arith.constant 0 : i32
      %swap3A_2622 = arith.index_cast %swap3A_2621 : i32 to index
      %swap3A_2623 = arith.constant 80 : index
      %swap3A_2624 = tpu.vector_load %arg11[%swap3A_2622, %swap3A_2623] {strides = array<i32>} : memref<4x128xi32, #tpu.memory_space<vmem>>, vector<1x16xi32>,
      %swap3A_2625 = vector.shape_cast %swap3A_2624 : vector<1x16xi32> to vector<16xi32>
      %swap3A_2626 = vector.shape_cast %mul3A_2620 : vector<16xi32> to vector<1x16xi32>
      tpu.vector_store %arg11[%swap3A_2622, %swap3A_2623], %swap3A_2626 {strides = array<i32>} : memref<4x128xi32, #tpu.memory_space<vmem>>, vector<1x16xi32>,
      %add3A_2627 = arith.constant 96 : i32
      %add3A_2628 = vector.broadcast %add3A_2627 : i32 to vector<16xi32>
      %add3A_2629 = arith.addi %iota3A, %add3A_2628 : vector<16xi32>
      %mul3A_2630 = arith.constant 128 : i32
      %mul3A_2631 = arith.muli %sub3A_499, %mul3A_2630 : i32
      %add3A_2632 = arith.addi %mul3A_10, %mul3A_2631 : i32
      %add3A_2633 = vector.broadcast %add3A_2632 : i32 to vector<16xi32>
      %add3A_2634 = arith.addi %add3A_2633, %add3A_2629 : vector<16xi32>
      %mul3A_2635 = arith.constant 22 : i32
      %mul3A_2636 = vector.broadcast %mul3A_2635 : i32 to vector<16xi32>
      %mul3A_2637 = arith.muli %add3A_2634, %mul3A_2636 : vector<16xi32>
      %swap3A_2638 = arith.constant 0 : i32
      %swap3A_2639 = arith.index_cast %swap3A_2638 : i32 to index
      %swap3A_2640 = arith.constant 96 : index
      %swap3A_2641 = tpu.vector_load %arg11[%swap3A_2639, %swap3A_2640] {strides = array<i32>} : memref<4x128xi32, #tpu.memory_space<vmem>>, vector<1x16xi32>,
      %swap3A_2642 = vector.shape_cast %swap3A_2641 : vector<1x16xi32> to vector<16xi32>
      %swap3A_2643 = vector.shape_cast %mul3A_2637 : vector<16xi32> to vector<1x16xi32>
      tpu.vector_store %arg11[%swap3A_2639, %swap3A_2640], %swap3A_2643 {strides = array<i32>} : memref<4x128xi32, #tpu.memory_space<vmem>>, vector<1x16xi32>,
      %add3A_2644 = arith.constant 112 : i32
      %add3A_2645 = vector.broadcast %add3A_2644 : i32 to vector<16xi32>
      %add3A_2646 = arith.addi %iota3A, %add3A_2645 : vector<16xi32>
      %mul3A_2647 = arith.constant 128 : i32
      %mul3A_2648 = arith.muli %sub3A_499, %mul3A_2647 : i32
      %add3A_2649 = arith.addi %mul3A_10, %mul3A_2648 : i32
      %add3A_2650 = vector.broadcast %add3A_2649 : i32 to vector<16xi32>
      %add3A_2651 = arith.addi %add3A_2650, %add3A_2646 : vector<16xi32>
      %mul3A_2652 = arith.constant 22 : i32
      %mul3A_2653 = vector.broadcast %mul3A_2652 : i32 to vector<16xi32>
      %mul3A_2654 = arith.muli %add3A_2651, %mul3A_2653 : vector<16xi32>
      %swap3A_2655 = arith.constant 0 : i32
      %swap3A_2656 = arith.index_cast %swap3A_2655 : i32 to index
      %swap3A_2657 = arith.constant 112 : index
      %swap3A_2658 = tpu.vector_load %arg11[%swap3A_2656, %swap3A_2657] {strides = array<i32>} : memref<4x128xi32, #tpu.memory_space<vmem>>, vector<1x16xi32>,
      %swap3A_2659 = vector.shape_cast %swap3A_2658 : vector<1x16xi32> to vector<16xi32>
      %swap3A_2660 = vector.shape_cast %mul3A_2654 : vector<16xi32> to vector<1x16xi32>
      tpu.vector_store %arg11[%swap3A_2656, %swap3A_2657], %swap3A_2660 {strides = array<i32>} : memref<4x128xi32, #tpu.memory_space<vmem>>, vector<1x16xi32>,
    } else {
    }
    %mul3A_505 = arith.constant 4 : i32
    %mul3A_506 = arith.muli %scan3A_423, %mul3A_505 : i32
    %add3A_507 = arith.constant 2 : i32
    %add3A_508 = arith.addi %mul3A_506, %add3A_507 : i32
    %dma_wait3A_509 = arith.constant 2 : i32
    %dma_wait3A_510 = arith.constant 0 : i32
    %dma_wait3A_511 = arith.constant 0 : i32
    %dma_wait3A_512 = tpu.memref_slice %arg12[%dma_wait3A_509, %dma_wait3A_510, %dma_wait3A_511] : memref<4x128x32xf32, #tpu.memory_space<vmem>> -> memref<1x128x32xf32, #tpu.memory_space<vmem>>
    %dma_wait3A_513 = tpu.memref_squeeze %dma_wait3A_512 : memref<1x128x32xf32, #tpu.memory_space<vmem>> -> memref<128x32xf32, #tpu.memory_space<vmem>>
    %dma_wait3A_514 = arith.constant 0 : i32
    %dma_wait3A_515 = tpu.memref_slice %arg8[%dma_wait3A_514] : memref<512xi32, #tpu.memory_space<vmem>> -> memref<128xi32, #tpu.memory_space<vmem>>
    %dma_wait3A_516 = arith.constant 0 : i32
    %dma_wait3A_517 = arith.constant 0 : i32
    %dma_wait3A_518 = tpu.memref_slice %arg5[%dma_wait3A_516, %dma_wait3A_517] : memref<1000000x32xf32, #tpu.memory_space<hbm>> -> memref<1000000x32xf32, #tpu.memory_space<hbm>>
    tpu.wait_indirect_dma semaphore(%arg13 : memref<!tpu.dma_semaphore, #tpu.memory_space<semaphore_mem>>) src(%dma_wait3A_518 : memref<1000000x32xf32, #tpu.memory_space<hbm>>) dst(%dma_wait3A_513 : memref<128x32xf32, #tpu.memory_space<vmem>>)
    %dma_wait3A_519 = arith.constant 0 : i32
    %dma_wait3A_520 = arith.constant 0 : i32
    %dma_wait3A_521 = arith.constant 0 : i32
    %dma_wait3A_522 = arith.constant 0 : i32
    %dma_wait3A_523 = tpu.memref_slice %arg12[%dma_wait3A_519, %dma_wait3A_521, %dma_wait3A_522] : memref<4x128x32xf32, #tpu.memory_space<vmem>> -> memref<1x128x32xf32, #tpu.memory_space<vmem>>
    %dma_wait3A_524 = tpu.memref_squeeze %dma_wait3A_523 : memref<1x128x32xf32, #tpu.memory_space<vmem>> -> memref<128x32xf32, #tpu.memory_space<vmem>>
    %dma_wait3A_525 = arith.constant 0 : i32
    %dma_wait3A_526 = tpu.memref_slice %arg11[%dma_wait3A_520, %dma_wait3A_525] : memref<4x128xi32, #tpu.memory_space<vmem>> -> memref<1x128xi32, #tpu.memory_space<vmem>>
    %dma_wait3A_527 = tpu.memref_squeeze %dma_wait3A_526 : memref<1x128xi32, #tpu.memory_space<vmem>> -> memref<128xi32, #tpu.memory_space<vmem>>
    %dma_wait3A_528 = arith.constant 0 : i32
    %dma_wait3A_529 = arith.constant 0 : i32
    %dma_wait3A_530 = tpu.memref_slice %arg7[%dma_wait3A_528, %dma_wait3A_529] : memref<360448x32xf32, #tpu.memory_space<hbm>> -> memref<360448x32xf32, #tpu.memory_space<hbm>>
    tpu.wait_indirect_dma semaphore(%arg14 : memref<!tpu.dma_semaphore, #tpu.memory_space<semaphore_mem>>) src(%dma_wait3A_524 : memref<128x32xf32, #tpu.memory_space<vmem>>) dst(%dma_wait3A_530 : memref<360448x32xf32, #tpu.memory_space<hbm>>)
    %dma_start3A_531 = arith.constant 2 : i32
    %dma_start3A_532 = arith.constant 2 : i32
    %dma_start3A_533 = arith.constant 0 : i32
    %dma_start3A_534 = arith.constant 0 : i32
    %dma_start3A_535 = tpu.memref_slice %arg12[%dma_start3A_531, %dma_start3A_533, %dma_start3A_534] : memref<4x128x32xf32, #tpu.memory_space<vmem>> -> memref<1x128x32xf32, #tpu.memory_space<vmem>>
    %dma_start3A_536 = tpu.memref_squeeze %dma_start3A_535 : memref<1x128x32xf32, #tpu.memory_space<vmem>> -> memref<128x32xf32, #tpu.memory_space<vmem>>
    %dma_start3A_537 = arith.constant 0 : i32
    %dma_start3A_538 = tpu.memref_slice %arg11[%dma_start3A_532, %dma_start3A_537] : memref<4x128xi32, #tpu.memory_space<vmem>> -> memref<1x128xi32, #tpu.memory_space<vmem>>
    %dma_start3A_539 = tpu.memref_squeeze %dma_start3A_538 : memref<1x128xi32, #tpu.memory_space<vmem>> -> memref<128xi32, #tpu.memory_space<vmem>>
    %dma_start3A_540 = arith.constant 0 : i32
    %dma_start3A_541 = arith.constant 0 : i32
    %dma_start3A_542 = tpu.memref_slice %arg7[%dma_start3A_540, %dma_start3A_541] : memref<360448x32xf32, #tpu.memory_space<hbm>> -> memref<360448x32xf32, #tpu.memory_space<hbm>>
    tpu.enqueue_indirect_dma source(%dma_start3A_536 : memref<128x32xf32, #tpu.memory_space<vmem>>) target(%dma_start3A_542 : memref<360448x32xf32, #tpu.memory_space<hbm>>) offsets(%dma_start3A_539 : memref<128xi32, #tpu.memory_space<vmem>>) semaphore(%arg14 : memref<!tpu.dma_semaphore, #tpu.memory_space<semaphore_mem>>)
    %add3A_543 = arith.constant 4 : i32
    %add3A_544 = arith.addi %add3A_508, %add3A_543 : i32
    %sub3A_545 = arith.constant 1 : i32
    %sub3A_546 = arith.subi %add3A_544, %sub3A_545 : i32
    %lt3A_547 = arith.constant 4 : i32
    %lt3A_548 = arith.cmpi slt, %sub3A_546, %lt3A_547 : i32
    %convert_element_type3A_549 = arith.extui %lt3A_548 : i1 to i32
    %cond3A_550 = arith.constant 0 : i32
    %cond3A_551 = arith.cmpi ne, %convert_element_type3A_549, %cond3A_550 : i32
    scf.if %cond3A_551 {
      %mul3A_2514 = arith.constant 128 : i32
      %mul3A_2515 = arith.muli %sub3A_546, %mul3A_2514 : i32
      %dma_start3A_2516 = arith.constant 1 : i32
      %dma_start3A_2517 = arith.constant 0 : i32
      %dma_start3A_2518 = arith.constant 0 : i32
      %dma_start3A_2519 = tpu.memref_slice %arg12[%dma_start3A_2516, %dma_start3A_2517, %dma_start3A_2518] : memref<4x128x32xf32, #tpu.memory_space<vmem>> -> memref<1x128x32xf32, #tpu.memory_space<vmem>>
      %dma_start3A_2520 = tpu.memref_squeeze %dma_start3A_2519 : memref<1x128x32xf32, #tpu.memory_space<vmem>> -> memref<128x32xf32, #tpu.memory_space<vmem>>
      %dma_start3A_2521 = tpu.memref_slice %arg8[%mul3A_2515] : memref<512xi32, #tpu.memory_space<vmem>> -> memref<128xi32, #tpu.memory_space<vmem>>
      %dma_start3A_2522 = arith.constant 0 : i32
      %dma_start3A_2523 = arith.constant 0 : i32
      %dma_start3A_2524 = tpu.memref_slice %arg5[%dma_start3A_2522, %dma_start3A_2523] : memref<1000000x32xf32, #tpu.memory_space<hbm>> -> memref<1000000x32xf32, #tpu.memory_space<hbm>>
      tpu.enqueue_indirect_dma source(%dma_start3A_2524 : memref<1000000x32xf32, #tpu.memory_space<hbm>>) target(%dma_start3A_2520 : memref<128x32xf32, #tpu.memory_space<vmem>>) offsets(%dma_start3A_2521 : memref<128xi32, #tpu.memory_space<vmem>>) semaphore(%arg13 : memref<!tpu.dma_semaphore, #tpu.memory_space<semaphore_mem>>)
      %add3A_2525 = arith.constant 0 : i32
      %add3A_2526 = vector.broadcast %add3A_2525 : i32 to vector<16xi32>
      %add3A_2527 = arith.addi %iota3A, %add3A_2526 : vector<16xi32>
      %mul3A_2528 = arith.constant 128 : i32
      %mul3A_2529 = arith.muli %sub3A_546, %mul3A_2528 : i32
      %add3A_2530 = arith.addi %mul3A_10, %mul3A_2529 : i32
      %add3A_2531 = vector.broadcast %add3A_2530 : i32 to vector<16xi32>
      %add3A_2532 = arith.addi %add3A_2531, %add3A_2527 : vector<16xi32>
      %mul3A_2533 = arith.constant 22 : i32
      %mul3A_2534 = vector.broadcast %mul3A_2533 : i32 to vector<16xi32>
      %mul3A_2535 = arith.muli %add3A_2532, %mul3A_2534 : vector<16xi32>
      %swap3A_2536 = arith.constant 1 : i32
      %swap3A_2537 = arith.index_cast %swap3A_2536 : i32 to index
      %swap3A_2538 = arith.constant 0 : index
      %swap3A_2539 = tpu.vector_load %arg11[%swap3A_2537, %swap3A_2538] {strides = array<i32>} : memref<4x128xi32, #tpu.memory_space<vmem>>, vector<1x16xi32>,
      %swap3A_2540 = vector.shape_cast %swap3A_2539 : vector<1x16xi32> to vector<16xi32>
      %swap3A_2541 = vector.shape_cast %mul3A_2535 : vector<16xi32> to vector<1x16xi32>
      tpu.vector_store %arg11[%swap3A_2537, %swap3A_2538], %swap3A_2541 {strides = array<i32>} : memref<4x128xi32, #tpu.memory_space<vmem>>, vector<1x16xi32>,
      %add3A_2542 = arith.constant 16 : i32
      %add3A_2543 = vector.broadcast %add3A_2542 : i32 to vector<16xi32>
      %add3A_2544 = arith.addi %iota3A, %add3A_2543 : vector<16xi32>
      %mul3A_2545 = arith.constant 128 : i32
      %mul3A_2546 = arith.muli %sub3A_546, %mul3A_2545 : i32
      %add3A_2547 = arith.addi %mul3A_10, %mul3A_2546 : i32
      %add3A_2548 = vector.broadcast %add3A_2547 : i32 to vector<16xi32>
      %add3A_2549 = arith.addi %add3A_2548, %add3A_2544 : vector<16xi32>
      %mul3A_2550 = arith.constant 22 : i32
      %mul3A_2551 = vector.broadcast %mul3A_2550 : i32 to vector<16xi32>
      %mul3A_2552 = arith.muli %add3A_2549, %mul3A_2551 : vector<16xi32>
      %swap3A_2553 = arith.constant 1 : i32
      %swap3A_2554 = arith.index_cast %swap3A_2553 : i32 to index
      %swap3A_2555 = arith.constant 16 : index
      %swap3A_2556 = tpu.vector_load %arg11[%swap3A_2554, %swap3A_2555] {strides = array<i32>} : memref<4x128xi32, #tpu.memory_space<vmem>>, vector<1x16xi32>,
      %swap3A_2557 = vector.shape_cast %swap3A_2556 : vector<1x16xi32> to vector<16xi32>
      %swap3A_2558 = vector.shape_cast %mul3A_2552 : vector<16xi32> to vector<1x16xi32>
      tpu.vector_store %arg11[%swap3A_2554, %swap3A_2555], %swap3A_2558 {strides = array<i32>} : memref<4x128xi32, #tpu.memory_space<vmem>>, vector<1x16xi32>,
      %add3A_2559 = arith.constant 32 : i32
      %add3A_2560 = vector.broadcast %add3A_2559 : i32 to vector<16xi32>
      %add3A_2561 = arith.addi %iota3A, %add3A_2560 : vector<16xi32>
      %mul3A_2562 = arith.constant 128 : i32
      %mul3A_2563 = arith.muli %sub3A_546, %mul3A_2562 : i32
      %add3A_2564 = arith.addi %mul3A_10, %mul3A_2563 : i32
      %add3A_2565 = vector.broadcast %add3A_2564 : i32 to vector<16xi32>
      %add3A_2566 = arith.addi %add3A_2565, %add3A_2561 : vector<16xi32>
      %mul3A_2567 = arith.constant 22 : i32
      %mul3A_2568 = vector.broadcast %mul3A_2567 : i32 to vector<16xi32>
      %mul3A_2569 = arith.muli %add3A_2566, %mul3A_2568 : vector<16xi32>
      %swap3A_2570 = arith.constant 1 : i32
      %swap3A_2571 = arith.index_cast %swap3A_2570 : i32 to index
      %swap3A_2572 = arith.constant 32 : index
      %swap3A_2573 = tpu.vector_load %arg11[%swap3A_2571, %swap3A_2572] {strides = array<i32>} : memref<4x128xi32, #tpu.memory_space<vmem>>, vector<1x16xi32>,
      %swap3A_2574 = vector.shape_cast %swap3A_2573 : vector<1x16xi32> to vector<16xi32>
      %swap3A_2575 = vector.shape_cast %mul3A_2569 : vector<16xi32> to vector<1x16xi32>
      tpu.vector_store %arg11[%swap3A_2571, %swap3A_2572], %swap3A_2575 {strides = array<i32>} : memref<4x128xi32, #tpu.memory_space<vmem>>, vector<1x16xi32>,
      %add3A_2576 = arith.constant 48 : i32
      %add3A_2577 = vector.broadcast %add3A_2576 : i32 to vector<16xi32>
      %add3A_2578 = arith.addi %iota3A, %add3A_2577 : vector<16xi32>
      %mul3A_2579 = arith.constant 128 : i32
      %mul3A_2580 = arith.muli %sub3A_546, %mul3A_2579 : i32
      %add3A_2581 = arith.addi %mul3A_10, %mul3A_2580 : i32
      %add3A_2582 = vector.broadcast %add3A_2581 : i32 to vector<16xi32>
      %add3A_2583 = arith.addi %add3A_2582, %add3A_2578 : vector<16xi32>
      %mul3A_2584 = arith.constant 22 : i32
      %mul3A_2585 = vector.broadcast %mul3A_2584 : i32 to vector<16xi32>
      %mul3A_2586 = arith.muli %add3A_2583, %mul3A_2585 : vector<16xi32>
      %swap3A_2587 = arith.constant 1 : i32
      %swap3A_2588 = arith.index_cast %swap3A_2587 : i32 to index
      %swap3A_2589 = arith.constant 48 : index
      %swap3A_2590 = tpu.vector_load %arg11[%swap3A_2588, %swap3A_2589] {strides = array<i32>} : memref<4x128xi32, #tpu.memory_space<vmem>>, vector<1x16xi32>,
      %swap3A_2591 = vector.shape_cast %swap3A_2590 : vector<1x16xi32> to vector<16xi32>
      %swap3A_2592 = vector.shape_cast %mul3A_2586 : vector<16xi32> to vector<1x16xi32>
      tpu.vector_store %arg11[%swap3A_2588, %swap3A_2589], %swap3A_2592 {strides = array<i32>} : memref<4x128xi32, #tpu.memory_space<vmem>>, vector<1x16xi32>,
      %add3A_2593 = arith.constant 64 : i32
      %add3A_2594 = vector.broadcast %add3A_2593 : i32 to vector<16xi32>
      %add3A_2595 = arith.addi %iota3A, %add3A_2594 : vector<16xi32>
      %mul3A_2596 = arith.constant 128 : i32
      %mul3A_2597 = arith.muli %sub3A_546, %mul3A_2596 : i32
      %add3A_2598 = arith.addi %mul3A_10, %mul3A_2597 : i32
      %add3A_2599 = vector.broadcast %add3A_2598 : i32 to vector<16xi32>
      %add3A_2600 = arith.addi %add3A_2599, %add3A_2595 : vector<16xi32>
      %mul3A_2601 = arith.constant 22 : i32
      %mul3A_2602 = vector.broadcast %mul3A_2601 : i32 to vector<16xi32>
      %mul3A_2603 = arith.muli %add3A_2600, %mul3A_2602 : vector<16xi32>
      %swap3A_2604 = arith.constant 1 : i32
      %swap3A_2605 = arith.index_cast %swap3A_2604 : i32 to index
      %swap3A_2606 = arith.constant 64 : index
      %swap3A_2607 = tpu.vector_load %arg11[%swap3A_2605, %swap3A_2606] {strides = array<i32>} : memref<4x128xi32, #tpu.memory_space<vmem>>, vector<1x16xi32>,
      %swap3A_2608 = vector.shape_cast %swap3A_2607 : vector<1x16xi32> to vector<16xi32>
      %swap3A_2609 = vector.shape_cast %mul3A_2603 : vector<16xi32> to vector<1x16xi32>
      tpu.vector_store %arg11[%swap3A_2605, %swap3A_2606], %swap3A_2609 {strides = array<i32>} : memref<4x128xi32, #tpu.memory_space<vmem>>, vector<1x16xi32>,
      %add3A_2610 = arith.constant 80 : i32
      %add3A_2611 = vector.broadcast %add3A_2610 : i32 to vector<16xi32>
      %add3A_2612 = arith.addi %iota3A, %add3A_2611 : vector<16xi32>
      %mul3A_2613 = arith.constant 128 : i32
      %mul3A_2614 = arith.muli %sub3A_546, %mul3A_2613 : i32
      %add3A_2615 = arith.addi %mul3A_10, %mul3A_2614 : i32
      %add3A_2616 = vector.broadcast %add3A_2615 : i32 to vector<16xi32>
      %add3A_2617 = arith.addi %add3A_2616, %add3A_2612 : vector<16xi32>
      %mul3A_2618 = arith.constant 22 : i32
      %mul3A_2619 = vector.broadcast %mul3A_2618 : i32 to vector<16xi32>
      %mul3A_2620 = arith.muli %add3A_2617, %mul3A_2619 : vector<16xi32>
      %swap3A_2621 = arith.constant 1 : i32
      %swap3A_2622 = arith.index_cast %swap3A_2621 : i32 to index
      %swap3A_2623 = arith.constant 80 : index
      %swap3A_2624 = tpu.vector_load %arg11[%swap3A_2622, %swap3A_2623] {strides = array<i32>} : memref<4x128xi32, #tpu.memory_space<vmem>>, vector<1x16xi32>,
      %swap3A_2625 = vector.shape_cast %swap3A_2624 : vector<1x16xi32> to vector<16xi32>
      %swap3A_2626 = vector.shape_cast %mul3A_2620 : vector<16xi32> to vector<1x16xi32>
      tpu.vector_store %arg11[%swap3A_2622, %swap3A_2623], %swap3A_2626 {strides = array<i32>} : memref<4x128xi32, #tpu.memory_space<vmem>>, vector<1x16xi32>,
      %add3A_2627 = arith.constant 96 : i32
      %add3A_2628 = vector.broadcast %add3A_2627 : i32 to vector<16xi32>
      %add3A_2629 = arith.addi %iota3A, %add3A_2628 : vector<16xi32>
      %mul3A_2630 = arith.constant 128 : i32
      %mul3A_2631 = arith.muli %sub3A_546, %mul3A_2630 : i32
      %add3A_2632 = arith.addi %mul3A_10, %mul3A_2631 : i32
      %add3A_2633 = vector.broadcast %add3A_2632 : i32 to vector<16xi32>
      %add3A_2634 = arith.addi %add3A_2633, %add3A_2629 : vector<16xi32>
      %mul3A_2635 = arith.constant 22 : i32
      %mul3A_2636 = vector.broadcast %mul3A_2635 : i32 to vector<16xi32>
      %mul3A_2637 = arith.muli %add3A_2634, %mul3A_2636 : vector<16xi32>
      %swap3A_2638 = arith.constant 1 : i32
      %swap3A_2639 = arith.index_cast %swap3A_2638 : i32 to index
      %swap3A_2640 = arith.constant 96 : index
      %swap3A_2641 = tpu.vector_load %arg11[%swap3A_2639, %swap3A_2640] {strides = array<i32>} : memref<4x128xi32, #tpu.memory_space<vmem>>, vector<1x16xi32>,
      %swap3A_2642 = vector.shape_cast %swap3A_2641 : vector<1x16xi32> to vector<16xi32>
      %swap3A_2643 = vector.shape_cast %mul3A_2637 : vector<16xi32> to vector<1x16xi32>
      tpu.vector_store %arg11[%swap3A_2639, %swap3A_2640], %swap3A_2643 {strides = array<i32>} : memref<4x128xi32, #tpu.memory_space<vmem>>, vector<1x16xi32>,
      %add3A_2644 = arith.constant 112 : i32
      %add3A_2645 = vector.broadcast %add3A_2644 : i32 to vector<16xi32>
      %add3A_2646 = arith.addi %iota3A, %add3A_2645 : vector<16xi32>
      %mul3A_2647 = arith.constant 128 : i32
      %mul3A_2648 = arith.muli %sub3A_546, %mul3A_2647 : i32
      %add3A_2649 = arith.addi %mul3A_10, %mul3A_2648 : i32
      %add3A_2650 = vector.broadcast %add3A_2649 : i32 to vector<16xi32>
      %add3A_2651 = arith.addi %add3A_2650, %add3A_2646 : vector<16xi32>
      %mul3A_2652 = arith.constant 22 : i32
      %mul3A_2653 = vector.broadcast %mul3A_2652 : i32 to vector<16xi32>
      %mul3A_2654 = arith.muli %add3A_2651, %mul3A_2653 : vector<16xi32>
      %swap3A_2655 = arith.constant 1 : i32
      %swap3A_2656 = arith.index_cast %swap3A_2655 : i32 to index
      %swap3A_2657 = arith.constant 112 : index
      %swap3A_2658 = tpu.vector_load %arg11[%swap3A_2656, %swap3A_2657] {strides = array<i32>} : memref<4x128xi32, #tpu.memory_space<vmem>>, vector<1x16xi32>,
      %swap3A_2659 = vector.shape_cast %swap3A_2658 : vector<1x16xi32> to vector<16xi32>
      %swap3A_2660 = vector.shape_cast %mul3A_2654 : vector<16xi32> to vector<1x16xi32>
      tpu.vector_store %arg11[%swap3A_2656, %swap3A_2657], %swap3A_2660 {strides = array<i32>} : memref<4x128xi32, #tpu.memory_space<vmem>>, vector<1x16xi32>,
    } else {
    }
    %mul3A_552 = arith.constant 4 : i32
    %mul3A_553 = arith.muli %scan3A_423, %mul3A_552 : i32
    %add3A_554 = arith.constant 3 : i32
    %add3A_555 = arith.addi %mul3A_553, %add3A_554 : i32
    %dma_wait3A_556 = arith.constant 3 : i32
    %dma_wait3A_557 = arith.constant 0 : i32
    %dma_wait3A_558 = arith.constant 0 : i32
    %dma_wait3A_559 = tpu.memref_slice %arg12[%dma_wait3A_556, %dma_wait3A_557, %dma_wait3A_558] : memref<4x128x32xf32, #tpu.memory_space<vmem>> -> memref<1x128x32xf32, #tpu.memory_space<vmem>>
    %dma_wait3A_560 = tpu.memref_squeeze %dma_wait3A_559 : memref<1x128x32xf32, #tpu.memory_space<vmem>> -> memref<128x32xf32, #tpu.memory_space<vmem>>
    %dma_wait3A_561 = arith.constant 0 : i32
    %dma_wait3A_562 = tpu.memref_slice %arg8[%dma_wait3A_561] : memref<512xi32, #tpu.memory_space<vmem>> -> memref<128xi32, #tpu.memory_space<vmem>>
    %dma_wait3A_563 = arith.constant 0 : i32
    %dma_wait3A_564 = arith.constant 0 : i32
    %dma_wait3A_565 = tpu.memref_slice %arg5[%dma_wait3A_563, %dma_wait3A_564] : memref<1000000x32xf32, #tpu.memory_space<hbm>> -> memref<1000000x32xf32, #tpu.memory_space<hbm>>
    tpu.wait_indirect_dma semaphore(%arg13 : memref<!tpu.dma_semaphore, #tpu.memory_space<semaphore_mem>>) src(%dma_wait3A_565 : memref<1000000x32xf32, #tpu.memory_space<hbm>>) dst(%dma_wait3A_560 : memref<128x32xf32, #tpu.memory_space<vmem>>)
    %dma_wait3A_566 = arith.constant 0 : i32
    %dma_wait3A_567 = arith.constant 0 : i32
    %dma_wait3A_568 = arith.constant 0 : i32
    %dma_wait3A_569 = arith.constant 0 : i32
    %dma_wait3A_570 = tpu.memref_slice %arg12[%dma_wait3A_566, %dma_wait3A_568, %dma_wait3A_569] : memref<4x128x32xf32, #tpu.memory_space<vmem>> -> memref<1x128x32xf32, #tpu.memory_space<vmem>>
    %dma_wait3A_571 = tpu.memref_squeeze %dma_wait3A_570 : memref<1x128x32xf32, #tpu.memory_space<vmem>> -> memref<128x32xf32, #tpu.memory_space<vmem>>
    %dma_wait3A_572 = arith.constant 0 : i32
    %dma_wait3A_573 = tpu.memref_slice %arg11[%dma_wait3A_567, %dma_wait3A_572] : memref<4x128xi32, #tpu.memory_space<vmem>> -> memref<1x128xi32, #tpu.memory_space<vmem>>
    %dma_wait3A_574 = tpu.memref_squeeze %dma_wait3A_573 : memref<1x128xi32, #tpu.memory_space<vmem>> -> memref<128xi32, #tpu.memory_space<vmem>>
    %dma_wait3A_575 = arith.constant 0 : i32
    %dma_wait3A_576 = arith.constant 0 : i32
    %dma_wait3A_577 = tpu.memref_slice %arg7[%dma_wait3A_575, %dma_wait3A_576] : memref<360448x32xf32, #tpu.memory_space<hbm>> -> memref<360448x32xf32, #tpu.memory_space<hbm>>
    tpu.wait_indirect_dma semaphore(%arg14 : memref<!tpu.dma_semaphore, #tpu.memory_space<semaphore_mem>>) src(%dma_wait3A_571 : memref<128x32xf32, #tpu.memory_space<vmem>>) dst(%dma_wait3A_577 : memref<360448x32xf32, #tpu.memory_space<hbm>>)
    %dma_start3A_578 = arith.constant 3 : i32
    %dma_start3A_579 = arith.constant 3 : i32
    %dma_start3A_580 = arith.constant 0 : i32
    %dma_start3A_581 = arith.constant 0 : i32
    %dma_start3A_582 = tpu.memref_slice %arg12[%dma_start3A_578, %dma_start3A_580, %dma_start3A_581] : memref<4x128x32xf32, #tpu.memory_space<vmem>> -> memref<1x128x32xf32, #tpu.memory_space<vmem>>
    %dma_start3A_583 = tpu.memref_squeeze %dma_start3A_582 : memref<1x128x32xf32, #tpu.memory_space<vmem>> -> memref<128x32xf32, #tpu.memory_space<vmem>>
    %dma_start3A_584 = arith.constant 0 : i32
    %dma_start3A_585 = tpu.memref_slice %arg11[%dma_start3A_579, %dma_start3A_584] : memref<4x128xi32, #tpu.memory_space<vmem>> -> memref<1x128xi32, #tpu.memory_space<vmem>>
    %dma_start3A_586 = tpu.memref_squeeze %dma_start3A_585 : memref<1x128xi32, #tpu.memory_space<vmem>> -> memref<128xi32, #tpu.memory_space<vmem>>
    %dma_start3A_587 = arith.constant 0 : i32
    %dma_start3A_588 = arith.constant 0 : i32
    %dma_start3A_589 = tpu.memref_slice %arg7[%dma_start3A_587, %dma_start3A_588] : memref<360448x32xf32, #tpu.memory_space<hbm>> -> memref<360448x32xf32, #tpu.memory_space<hbm>>
    tpu.enqueue_indirect_dma source(%dma_start3A_583 : memref<128x32xf32, #tpu.memory_space<vmem>>) target(%dma_start3A_589 : memref<360448x32xf32, #tpu.memory_space<hbm>>) offsets(%dma_start3A_586 : memref<128xi32, #tpu.memory_space<vmem>>) semaphore(%arg14 : memref<!tpu.dma_semaphore, #tpu.memory_space<semaphore_mem>>)
    %add3A_590 = arith.constant 4 : i32
    %add3A_591 = arith.addi %add3A_555, %add3A_590 : i32
    %sub3A_592 = arith.constant 1 : i32
    %sub3A_593 = arith.subi %add3A_591, %sub3A_592 : i32
    %lt3A_594 = arith.constant 4 : i32
    %lt3A_595 = arith.cmpi slt, %sub3A_593, %lt3A_594 : i32
    %convert_element_type3A_596 = arith.extui %lt3A_595 : i1 to i32
    %cond3A_597 = arith.constant 0 : i32
    %cond3A_598 = arith.cmpi ne, %convert_element_type3A_596, %cond3A_597 : i32
    scf.if %cond3A_598 {
      %mul3A_2514 = arith.constant 128 : i32
      %mul3A_2515 = arith.muli %sub3A_593, %mul3A_2514 : i32
      %dma_start3A_2516 = arith.constant 2 : i32
      %dma_start3A_2517 = arith.constant 0 : i32
      %dma_start3A_2518 = arith.constant 0 : i32
      %dma_start3A_2519 = tpu.memref_slice %arg12[%dma_start3A_2516, %dma_start3A_2517, %dma_start3A_2518] : memref<4x128x32xf32, #tpu.memory_space<vmem>> -> memref<1x128x32xf32, #tpu.memory_space<vmem>>
      %dma_start3A_2520 = tpu.memref_squeeze %dma_start3A_2519 : memref<1x128x32xf32, #tpu.memory_space<vmem>> -> memref<128x32xf32, #tpu.memory_space<vmem>>
      %dma_start3A_2521 = tpu.memref_slice %arg8[%mul3A_2515] : memref<512xi32, #tpu.memory_space<vmem>> -> memref<128xi32, #tpu.memory_space<vmem>>
      %dma_start3A_2522 = arith.constant 0 : i32
      %dma_start3A_2523 = arith.constant 0 : i32
      %dma_start3A_2524 = tpu.memref_slice %arg5[%dma_start3A_2522, %dma_start3A_2523] : memref<1000000x32xf32, #tpu.memory_space<hbm>> -> memref<1000000x32xf32, #tpu.memory_space<hbm>>
      tpu.enqueue_indirect_dma source(%dma_start3A_2524 : memref<1000000x32xf32, #tpu.memory_space<hbm>>) target(%dma_start3A_2520 : memref<128x32xf32, #tpu.memory_space<vmem>>) offsets(%dma_start3A_2521 : memref<128xi32, #tpu.memory_space<vmem>>) semaphore(%arg13 : memref<!tpu.dma_semaphore, #tpu.memory_space<semaphore_mem>>)
      %add3A_2525 = arith.constant 0 : i32
      %add3A_2526 = vector.broadcast %add3A_2525 : i32 to vector<16xi32>
      %add3A_2527 = arith.addi %iota3A, %add3A_2526 : vector<16xi32>
      %mul3A_2528 = arith.constant 128 : i32
      %mul3A_2529 = arith.muli %sub3A_593, %mul3A_2528 : i32
      %add3A_2530 = arith.addi %mul3A_10, %mul3A_2529 : i32
      %add3A_2531 = vector.broadcast %add3A_2530 : i32 to vector<16xi32>
      %add3A_2532 = arith.addi %add3A_2531, %add3A_2527 : vector<16xi32>
      %mul3A_2533 = arith.constant 22 : i32
      %mul3A_2534 = vector.broadcast %mul3A_2533 : i32 to vector<16xi32>
      %mul3A_2535 = arith.muli %add3A_2532, %mul3A_2534 : vector<16xi32>
      %swap3A_2536 = arith.constant 2 : i32
      %swap3A_2537 = arith.index_cast %swap3A_2536 : i32 to index
      %swap3A_2538 = arith.constant 0 : index
      %swap3A_2539 = tpu.vector_load %arg11[%swap3A_2537, %swap3A_2538] {strides = array<i32>} : memref<4x128xi32, #tpu.memory_space<vmem>>, vector<1x16xi32>,
      %swap3A_2540 = vector.shape_cast %swap3A_2539 : vector<1x16xi32> to vector<16xi32>
      %swap3A_2541 = vector.shape_cast %mul3A_2535 : vector<16xi32> to vector<1x16xi32>
      tpu.vector_store %arg11[%swap3A_2537, %swap3A_2538], %swap3A_2541 {strides = array<i32>} : memref<4x128xi32, #tpu.memory_space<vmem>>, vector<1x16xi32>,
      %add3A_2542 = arith.constant 16 : i32
      %add3A_2543 = vector.broadcast %add3A_2542 : i32 to vector<16xi32>
      %add3A_2544 = arith.addi %iota3A, %add3A_2543 : vector<16xi32>
      %mul3A_2545 = arith.constant 128 : i32
      %mul3A_2546 = arith.muli %sub3A_593, %mul3A_2545 : i32
      %add3A_2547 = arith.addi %mul3A_10, %mul3A_2546 : i32
      %add3A_2548 = vector.broadcast %add3A_2547 : i32 to vector<16xi32>
      %add3A_2549 = arith.addi %add3A_2548, %add3A_2544 : vector<16xi32>
      %mul3A_2550 = arith.constant 22 : i32
      %mul3A_2551 = vector.broadcast %mul3A_2550 : i32 to vector<16xi32>
      %mul3A_2552 = arith.muli %add3A_2549, %mul3A_2551 : vector<16xi32>
      %swap3A_2553 = arith.constant 2 : i32
      %swap3A_2554 = arith.index_cast %swap3A_2553 : i32 to index
      %swap3A_2555 = arith.constant 16 : index
      %swap3A_2556 = tpu.vector_load %arg11[%swap3A_2554, %swap3A_2555] {strides = array<i32>} : memref<4x128xi32, #tpu.memory_space<vmem>>, vector<1x16xi32>,
      %swap3A_2557 = vector.shape_cast %swap3A_2556 : vector<1x16xi32> to vector<16xi32>
      %swap3A_2558 = vector.shape_cast %mul3A_2552 : vector<16xi32> to vector<1x16xi32>
      tpu.vector_store %arg11[%swap3A_2554, %swap3A_2555], %swap3A_2558 {strides = array<i32>} : memref<4x128xi32, #tpu.memory_space<vmem>>, vector<1x16xi32>,
      %add3A_2559 = arith.constant 32 : i32
      %add3A_2560 = vector.broadcast %add3A_2559 : i32 to vector<16xi32>
      %add3A_2561 = arith.addi %iota3A, %add3A_2560 : vector<16xi32>
      %mul3A_2562 = arith.constant 128 : i32
      %mul3A_2563 = arith.muli %sub3A_593, %mul3A_2562 : i32
      %add3A_2564 = arith.addi %mul3A_10, %mul3A_2563 : i32
      %add3A_2565 = vector.broadcast %add3A_2564 : i32 to vector<16xi32>
      %add3A_2566 = arith.addi %add3A_2565, %add3A_2561 : vector<16xi32>
      %mul3A_2567 = arith.constant 22 : i32
      %mul3A_2568 = vector.broadcast %mul3A_2567 : i32 to vector<16xi32>
      %mul3A_2569 = arith.muli %add3A_2566, %mul3A_2568 : vector<16xi32>
      %swap3A_2570 = arith.constant 2 : i32
      %swap3A_2571 = arith.index_cast %swap3A_2570 : i32 to index
      %swap3A_2572 = arith.constant 32 : index
      %swap3A_2573 = tpu.vector_load %arg11[%swap3A_2571, %swap3A_2572] {strides = array<i32>} : memref<4x128xi32, #tpu.memory_space<vmem>>, vector<1x16xi32>,
      %swap3A_2574 = vector.shape_cast %swap3A_2573 : vector<1x16xi32> to vector<16xi32>
      %swap3A_2575 = vector.shape_cast %mul3A_2569 : vector<16xi32> to vector<1x16xi32>
      tpu.vector_store %arg11[%swap3A_2571, %swap3A_2572], %swap3A_2575 {strides = array<i32>} : memref<4x128xi32, #tpu.memory_space<vmem>>, vector<1x16xi32>,
      %add3A_2576 = arith.constant 48 : i32
      %add3A_2577 = vector.broadcast %add3A_2576 : i32 to vector<16xi32>
      %add3A_2578 = arith.addi %iota3A, %add3A_2577 : vector<16xi32>
      %mul3A_2579 = arith.constant 128 : i32
      %mul3A_2580 = arith.muli %sub3A_593, %mul3A_2579 : i32
      %add3A_2581 = arith.addi %mul3A_10, %mul3A_2580 : i32
      %add3A_2582 = vector.broadcast %add3A_2581 : i32 to vector<16xi32>
      %add3A_2583 = arith.addi %add3A_2582, %add3A_2578 : vector<16xi32>
      %mul3A_2584 = arith.constant 22 : i32
      %mul3A_2585 = vector.broadcast %mul3A_2584 : i32 to vector<16xi32>
      %mul3A_2586 = arith.muli %add3A_2583, %mul3A_2585 : vector<16xi32>
      %swap3A_2587 = arith.constant 2 : i32
      %swap3A_2588 = arith.index_cast %swap3A_2587 : i32 to index
      %swap3A_2589 = arith.constant 48 : index
      %swap3A_2590 = tpu.vector_load %arg11[%swap3A_2588, %swap3A_2589] {strides = array<i32>} : memref<4x128xi32, #tpu.memory_space<vmem>>, vector<1x16xi32>,
      %swap3A_2591 = vector.shape_cast %swap3A_2590 : vector<1x16xi32> to vector<16xi32>
      %swap3A_2592 = vector.shape_cast %mul3A_2586 : vector<16xi32> to vector<1x16xi32>
      tpu.vector_store %arg11[%swap3A_2588, %swap3A_2589], %swap3A_2592 {strides = array<i32>} : memref<4x128xi32, #tpu.memory_space<vmem>>, vector<1x16xi32>,
      %add3A_2593 = arith.constant 64 : i32
      %add3A_2594 = vector.broadcast %add3A_2593 : i32 to vector<16xi32>
      %add3A_2595 = arith.addi %iota3A, %add3A_2594 : vector<16xi32>
      %mul3A_2596 = arith.constant 128 : i32
      %mul3A_2597 = arith.muli %sub3A_593, %mul3A_2596 : i32
      %add3A_2598 = arith.addi %mul3A_10, %mul3A_2597 : i32
      %add3A_2599 = vector.broadcast %add3A_2598 : i32 to vector<16xi32>
      %add3A_2600 = arith.addi %add3A_2599, %add3A_2595 : vector<16xi32>
      %mul3A_2601 = arith.constant 22 : i32
      %mul3A_2602 = vector.broadcast %mul3A_2601 : i32 to vector<16xi32>
      %mul3A_2603 = arith.muli %add3A_2600, %mul3A_2602 : vector<16xi32>
      %swap3A_2604 = arith.constant 2 : i32
      %swap3A_2605 = arith.index_cast %swap3A_2604 : i32 to index
      %swap3A_2606 = arith.constant 64 : index
      %swap3A_2607 = tpu.vector_load %arg11[%swap3A_2605, %swap3A_2606] {strides = array<i32>} : memref<4x128xi32, #tpu.memory_space<vmem>>, vector<1x16xi32>,
      %swap3A_2608 = vector.shape_cast %swap3A_2607 : vector<1x16xi32> to vector<16xi32>
      %swap3A_2609 = vector.shape_cast %mul3A_2603 : vector<16xi32> to vector<1x16xi32>
      tpu.vector_store %arg11[%swap3A_2605, %swap3A_2606], %swap3A_2609 {strides = array<i32>} : memref<4x128xi32, #tpu.memory_space<vmem>>, vector<1x16xi32>,
      %add3A_2610 = arith.constant 80 : i32
      %add3A_2611 = vector.broadcast %add3A_2610 : i32 to vector<16xi32>
      %add3A_2612 = arith.addi %iota3A, %add3A_2611 : vector<16xi32>
      %mul3A_2613 = arith.constant 128 : i32
      %mul3A_2614 = arith.muli %sub3A_593, %mul3A_2613 : i32
      %add3A_2615 = arith.addi %mul3A_10, %mul3A_2614 : i32
      %add3A_2616 = vector.broadcast %add3A_2615 : i32 to vector<16xi32>
      %add3A_2617 = arith.addi %add3A_2616, %add3A_2612 : vector<16xi32>
      %mul3A_2618 = arith.constant 22 : i32
      %mul3A_2619 = vector.broadcast %mul3A_2618 : i32 to vector<16xi32>
      %mul3A_2620 = arith.muli %add3A_2617, %mul3A_2619 : vector<16xi32>
      %swap3A_2621 = arith.constant 2 : i32
      %swap3A_2622 = arith.index_cast %swap3A_2621 : i32 to index
      %swap3A_2623 = arith.constant 80 : index
      %swap3A_2624 = tpu.vector_load %arg11[%swap3A_2622, %swap3A_2623] {strides = array<i32>} : memref<4x128xi32, #tpu.memory_space<vmem>>, vector<1x16xi32>,
      %swap3A_2625 = vector.shape_cast %swap3A_2624 : vector<1x16xi32> to vector<16xi32>
      %swap3A_2626 = vector.shape_cast %mul3A_2620 : vector<16xi32> to vector<1x16xi32>
      tpu.vector_store %arg11[%swap3A_2622, %swap3A_2623], %swap3A_2626 {strides = array<i32>} : memref<4x128xi32, #tpu.memory_space<vmem>>, vector<1x16xi32>,
      %add3A_2627 = arith.constant 96 : i32
      %add3A_2628 = vector.broadcast %add3A_2627 : i32 to vector<16xi32>
      %add3A_2629 = arith.addi %iota3A, %add3A_2628 : vector<16xi32>
      %mul3A_2630 = arith.constant 128 : i32
      %mul3A_2631 = arith.muli %sub3A_593, %mul3A_2630 : i32
      %add3A_2632 = arith.addi %mul3A_10, %mul3A_2631 : i32
      %add3A_2633 = vector.broadcast %add3A_2632 : i32 to vector<16xi32>
      %add3A_2634 = arith.addi %add3A_2633, %add3A_2629 : vector<16xi32>
      %mul3A_2635 = arith.constant 22 : i32
      %mul3A_2636 = vector.broadcast %mul3A_2635 : i32 to vector<16xi32>
      %mul3A_2637 = arith.muli %add3A_2634, %mul3A_2636 : vector<16xi32>
      %swap3A_2638 = arith.constant 2 : i32
      %swap3A_2639 = arith.index_cast %swap3A_2638 : i32 to index
      %swap3A_2640 = arith.constant 96 : index
      %swap3A_2641 = tpu.vector_load %arg11[%swap3A_2639, %swap3A_2640] {strides = array<i32>} : memref<4x128xi32, #tpu.memory_space<vmem>>, vector<1x16xi32>,
      %swap3A_2642 = vector.shape_cast %swap3A_2641 : vector<1x16xi32> to vector<16xi32>
      %swap3A_2643 = vector.shape_cast %mul3A_2637 : vector<16xi32> to vector<1x16xi32>
      tpu.vector_store %arg11[%swap3A_2639, %swap3A_2640], %swap3A_2643 {strides = array<i32>} : memref<4x128xi32, #tpu.memory_space<vmem>>, vector<1x16xi32>,
      %add3A_2644 = arith.constant 112 : i32
      %add3A_2645 = vector.broadcast %add3A_2644 : i32 to vector<16xi32>
      %add3A_2646 = arith.addi %iota3A, %add3A_2645 : vector<16xi32>
      %mul3A_2647 = arith.constant 128 : i32
      %mul3A_2648 = arith.muli %sub3A_593, %mul3A_2647 : i32
      %add3A_2649 = arith.addi %mul3A_10, %mul3A_2648 : i32
      %add3A_2650 = vector.broadcast %add3A_2649 : i32 to vector<16xi32>
      %add3A_2651 = arith.addi %add3A_2650, %add3A_2646 : vector<16xi32>
      %mul3A_2652 = arith.constant 22 : i32
      %mul3A_2653 = vector.broadcast %mul3A_2652 : i32 to vector<16xi32>
      %mul3A_2654 = arith.muli %add3A_2651, %mul3A_2653 : vector<16xi32>
      %swap3A_2655 = arith.constant 2 : i32
      %swap3A_2656 = arith.index_cast %swap3A_2655 : i32 to index
      %swap3A_2657 = arith.constant 112 : index
      %swap3A_2658 = tpu.vector_load %arg11[%swap3A_2656, %swap3A_2657] {strides = array<i32>} : memref<4x128xi32, #tpu.memory_space<vmem>>, vector<1x16xi32>,
      %swap3A_2659 = vector.shape_cast %swap3A_2658 : vector<1x16xi32> to vector<16xi32>
      %swap3A_2660 = vector.shape_cast %mul3A_2654 : vector<16xi32> to vector<1x16xi32>
      tpu.vector_store %arg11[%swap3A_2656, %swap3A_2657], %swap3A_2660 {strides = array<i32>} : memref<4x128xi32, #tpu.memory_space<vmem>>, vector<1x16xi32>,
    } else {
    }
    %scan3A_599 = arith.constant 1 : i32
    %dma_wait3A_600 = arith.constant 0 : i32
    %dma_wait3A_601 = arith.constant 0 : i32
    %dma_wait3A_602 = arith.constant 0 : i32
    %dma_wait3A_603 = arith.constant 0 : i32
    %dma_wait3A_604 = tpu.memref_slice %arg12[%dma_wait3A_600, %dma_wait3A_602, %dma_wait3A_603] : memref<4x128x32xf32, #tpu.memory_space<vmem>> -> memref<1x128x32xf32, #tpu.memory_space<vmem>>
    %dma_wait3A_605 = tpu.memref_squeeze %dma_wait3A_604 : memref<1x128x32xf32, #tpu.memory_space<vmem>> -> memref<128x32xf32, #tpu.memory_space<vmem>>
    %dma_wait3A_606 = arith.constant 0 : i32
    %dma_wait3A_607 = tpu.memref_slice %arg11[%dma_wait3A_601, %dma_wait3A_606] : memref<4x128xi32, #tpu.memory_space<vmem>> -> memref<1x128xi32, #tpu.memory_space<vmem>>
    %dma_wait3A_608 = tpu.memref_squeeze %dma_wait3A_607 : memref<1x128xi32, #tpu.memory_space<vmem>> -> memref<128xi32, #tpu.memory_space<vmem>>
    %dma_wait3A_609 = arith.constant 0 : i32
    %dma_wait3A_610 = arith.constant 0 : i32
    %dma_wait3A_611 = tpu.memref_slice %arg7[%dma_wait3A_609, %dma_wait3A_610] : memref<360448x32xf32, #tpu.memory_space<hbm>> -> memref<360448x32xf32, #tpu.memory_space<hbm>>
    tpu.wait_indirect_dma semaphore(%arg14 : memref<!tpu.dma_semaphore, #tpu.memory_space<semaphore_mem>>) src(%dma_wait3A_605 : memref<128x32xf32, #tpu.memory_space<vmem>>) dst(%dma_wait3A_611 : memref<360448x32xf32, #tpu.memory_space<hbm>>)
    %dma_start3A_612 = arith.constant 0 : i32
    %dma_start3A_613 = arith.constant 0 : i32
    %dma_start3A_614 = arith.constant 0 : i32
    %dma_start3A_615 = tpu.memref_slice %arg12[%dma_start3A_612, %dma_start3A_613, %dma_start3A_614] : memref<4x128x32xf32, #tpu.memory_space<vmem>> -> memref<1x128x32xf32, #tpu.memory_space<vmem>>
    %dma_start3A_616 = tpu.memref_squeeze %dma_start3A_615 : memref<1x128x32xf32, #tpu.memory_space<vmem>> -> memref<128x32xf32, #tpu.memory_space<vmem>>
    %dma_start3A_617 = arith.constant 0 : i32
    %dma_start3A_618 = tpu.memref_slice %arg9[%dma_start3A_617] : memref<512xi32, #tpu.memory_space<vmem>> -> memref<128xi32, #tpu.memory_space<vmem>>
    %dma_start3A_619 = arith.constant 0 : i32
    %dma_start3A_620 = arith.constant 0 : i32
    %dma_start3A_621 = tpu.memref_slice %arg6[%dma_start3A_619, %dma_start3A_620] : memref<1000000x32xf32, #tpu.memory_space<hbm>> -> memref<1000000x32xf32, #tpu.memory_space<hbm>>
    tpu.enqueue_indirect_dma source(%dma_start3A_621 : memref<1000000x32xf32, #tpu.memory_space<hbm>>) target(%dma_start3A_616 : memref<128x32xf32, #tpu.memory_space<vmem>>) offsets(%dma_start3A_618 : memref<128xi32, #tpu.memory_space<vmem>>) semaphore(%arg13 : memref<!tpu.dma_semaphore, #tpu.memory_space<semaphore_mem>>)
    %add3A_622 = arith.constant 0 : i32
    %add3A_623 = vector.broadcast %add3A_622 : i32 to vector<16xi32>
    %add3A_624 = arith.addi %iota3A, %add3A_623 : vector<16xi32>
    %add3A_625 = arith.constant 0 : i32
    %add3A_626 = arith.addi %mul3A_10, %add3A_625 : i32
    %add3A_627 = vector.broadcast %add3A_626 : i32 to vector<16xi32>
    %add3A_628 = arith.addi %add3A_627, %add3A_624 : vector<16xi32>
    %mul3A_629 = arith.constant 22 : i32
    %mul3A_630 = vector.broadcast %mul3A_629 : i32 to vector<16xi32>
    %mul3A_631 = arith.muli %add3A_628, %mul3A_630 : vector<16xi32>
    %add3A_632 = arith.constant 1 : i32
    %add3A_633 = vector.broadcast %add3A_632 : i32 to vector<16xi32>
    %add3A_634 = arith.addi %mul3A_631, %add3A_633 : vector<16xi32>
    %swap3A_635 = arith.constant 0 : i32
    %swap3A_636 = arith.index_cast %swap3A_635 : i32 to index
    %swap3A_637 = arith.constant 0 : index
    %swap3A_638 = tpu.vector_load %arg11[%swap3A_636, %swap3A_637] {strides = array<i32>} : memref<4x128xi32, #tpu.memory_space<vmem>>, vector<1x16xi32>,
    %swap3A_639 = vector.shape_cast %swap3A_638 : vector<1x16xi32> to vector<16xi32>
    %swap3A_640 = vector.shape_cast %add3A_634 : vector<16xi32> to vector<1x16xi32>
    tpu.vector_store %arg11[%swap3A_636, %swap3A_637], %swap3A_640 {strides = array<i32>} : memref<4x128xi32, #tpu.memory_space<vmem>>, vector<1x16xi32>,
    %add3A_641 = arith.constant 16 : i32
    %add3A_642 = vector.broadcast %add3A_641 : i32 to vector<16xi32>
    %add3A_643 = arith.addi %iota3A, %add3A_642 : vector<16xi32>
    %add3A_644 = arith.constant 0 : i32
    %add3A_645 = arith.addi %mul3A_10, %add3A_644 : i32
    %add3A_646 = vector.broadcast %add3A_645 : i32 to vector<16xi32>
    %add3A_647 = arith.addi %add3A_646, %add3A_643 : vector<16xi32>
    %mul3A_648 = arith.constant 22 : i32
    %mul3A_649 = vector.broadcast %mul3A_648 : i32 to vector<16xi32>
    %mul3A_650 = arith.muli %add3A_647, %mul3A_649 : vector<16xi32>
    %add3A_651 = arith.constant 1 : i32
    %add3A_652 = vector.broadcast %add3A_651 : i32 to vector<16xi32>
    %add3A_653 = arith.addi %mul3A_650, %add3A_652 : vector<16xi32>
    %swap3A_654 = arith.constant 0 : i32
    %swap3A_655 = arith.index_cast %swap3A_654 : i32 to index
    %swap3A_656 = arith.constant 16 : index
    %swap3A_657 = tpu.vector_load %arg11[%swap3A_655, %swap3A_656] {strides = array<i32>} : memref<4x128xi32, #tpu.memory_space<vmem>>, vector<1x16xi32>,
    %swap3A_658 = vector.shape_cast %swap3A_657 : vector<1x16xi32> to vector<16xi32>
    %swap3A_659 = vector.shape_cast %add3A_653 : vector<16xi32> to vector<1x16xi32>
    tpu.vector_store %arg11[%swap3A_655, %swap3A_656], %swap3A_659 {strides = array<i32>} : memref<4x128xi32, #tpu.memory_space<vmem>>, vector<1x16xi32>,
    %add3A_660 = arith.constant 32 : i32
    %add3A_661 = vector.broadcast %add3A_660 : i32 to vector<16xi32>
    %add3A_662 = arith.addi %iota3A, %add3A_661 : vector<16xi32>
    %add3A_663 = arith.constant 0 : i32
    %add3A_664 = arith.addi %mul3A_10, %add3A_663 : i32
    %add3A_665 = vector.broadcast %add3A_664 : i32 to vector<16xi32>
    %add3A_666 = arith.addi %add3A_665, %add3A_662 : vector<16xi32>
    %mul3A_667 = arith.constant 22 : i32
    %mul3A_668 = vector.broadcast %mul3A_667 : i32 to vector<16xi32>
    %mul3A_669 = arith.muli %add3A_666, %mul3A_668 : vector<16xi32>
    %add3A_670 = arith.constant 1 : i32
    %add3A_671 = vector.broadcast %add3A_670 : i32 to vector<16xi32>
    %add3A_672 = arith.addi %mul3A_669, %add3A_671 : vector<16xi32>
    %swap3A_673 = arith.constant 0 : i32
    %swap3A_674 = arith.index_cast %swap3A_673 : i32 to index
    %swap3A_675 = arith.constant 32 : index
    %swap3A_676 = tpu.vector_load %arg11[%swap3A_674, %swap3A_675] {strides = array<i32>} : memref<4x128xi32, #tpu.memory_space<vmem>>, vector<1x16xi32>,
    %swap3A_677 = vector.shape_cast %swap3A_676 : vector<1x16xi32> to vector<16xi32>
    %swap3A_678 = vector.shape_cast %add3A_672 : vector<16xi32> to vector<1x16xi32>
    tpu.vector_store %arg11[%swap3A_674, %swap3A_675], %swap3A_678 {strides = array<i32>} : memref<4x128xi32, #tpu.memory_space<vmem>>, vector<1x16xi32>,
    %add3A_679 = arith.constant 48 : i32
    %add3A_680 = vector.broadcast %add3A_679 : i32 to vector<16xi32>
    %add3A_681 = arith.addi %iota3A, %add3A_680 : vector<16xi32>
    %add3A_682 = arith.constant 0 : i32
    %add3A_683 = arith.addi %mul3A_10, %add3A_682 : i32
    %add3A_684 = vector.broadcast %add3A_683 : i32 to vector<16xi32>
    %add3A_685 = arith.addi %add3A_684, %add3A_681 : vector<16xi32>
    %mul3A_686 = arith.constant 22 : i32
    %mul3A_687 = vector.broadcast %mul3A_686 : i32 to vector<16xi32>
    %mul3A_688 = arith.muli %add3A_685, %mul3A_687 : vector<16xi32>
    %add3A_689 = arith.constant 1 : i32
    %add3A_690 = vector.broadcast %add3A_689 : i32 to vector<16xi32>
    %add3A_691 = arith.addi %mul3A_688, %add3A_690 : vector<16xi32>
    %swap3A_692 = arith.constant 0 : i32
    %swap3A_693 = arith.index_cast %swap3A_692 : i32 to index
    %swap3A_694 = arith.constant 48 : index
    %swap3A_695 = tpu.vector_load %arg11[%swap3A_693, %swap3A_694] {strides = array<i32>} : memref<4x128xi32, #tpu.memory_space<vmem>>, vector<1x16xi32>,
    %swap3A_696 = vector.shape_cast %swap3A_695 : vector<1x16xi32> to vector<16xi32>
    %swap3A_697 = vector.shape_cast %add3A_691 : vector<16xi32> to vector<1x16xi32>
    tpu.vector_store %arg11[%swap3A_693, %swap3A_694], %swap3A_697 {strides = array<i32>} : memref<4x128xi32, #tpu.memory_space<vmem>>, vector<1x16xi32>,
    %add3A_698 = arith.constant 64 : i32
    %add3A_699 = vector.broadcast %add3A_698 : i32 to vector<16xi32>
    %add3A_700 = arith.addi %iota3A, %add3A_699 : vector<16xi32>
    %add3A_701 = arith.constant 0 : i32
    %add3A_702 = arith.addi %mul3A_10, %add3A_701 : i32
    %add3A_703 = vector.broadcast %add3A_702 : i32 to vector<16xi32>
    %add3A_704 = arith.addi %add3A_703, %add3A_700 : vector<16xi32>
    %mul3A_705 = arith.constant 22 : i32
    %mul3A_706 = vector.broadcast %mul3A_705 : i32 to vector<16xi32>
    %mul3A_707 = arith.muli %add3A_704, %mul3A_706 : vector<16xi32>
    %add3A_708 = arith.constant 1 : i32
    %add3A_709 = vector.broadcast %add3A_708 : i32 to vector<16xi32>
    %add3A_710 = arith.addi %mul3A_707, %add3A_709 : vector<16xi32>
    %swap3A_711 = arith.constant 0 : i32
    %swap3A_712 = arith.index_cast %swap3A_711 : i32 to index
    %swap3A_713 = arith.constant 64 : index
    %swap3A_714 = tpu.vector_load %arg11[%swap3A_712, %swap3A_713] {strides = array<i32>} : memref<4x128xi32, #tpu.memory_space<vmem>>, vector<1x16xi32>,
    %swap3A_715 = vector.shape_cast %swap3A_714 : vector<1x16xi32> to vector<16xi32>
    %swap3A_716 = vector.shape_cast %add3A_710 : vector<16xi32> to vector<1x16xi32>
    tpu.vector_store %arg11[%swap3A_712, %swap3A_713], %swap3A_716 {strides = array<i32>} : memref<4x128xi32, #tpu.memory_space<vmem>>, vector<1x16xi32>,
    %add3A_717 = arith.constant 80 : i32
    %add3A_718 = vector.broadcast %add3A_717 : i32 to vector<16xi32>
    %add3A_719 = arith.addi %iota3A, %add3A_718 : vector<16xi32>
    %add3A_720 = arith.constant 0 : i32
    %add3A_721 = arith.addi %mul3A_10, %add3A_720 : i32
    %add3A_722 = vector.broadcast %add3A_721 : i32 to vector<16xi32>
    %add3A_723 = arith.addi %add3A_722, %add3A_719 : vector<16xi32>
    %mul3A_724 = arith.constant 22 : i32
    %mul3A_725 = vector.broadcast %mul3A_724 : i32 to vector<16xi32>
    %mul3A_726 = arith.muli %add3A_723, %mul3A_725 : vector<16xi32>
    %add3A_727 = arith.constant 1 : i32
    %add3A_728 = vector.broadcast %add3A_727 : i32 to vector<16xi32>
    %add3A_729 = arith.addi %mul3A_726, %add3A_728 : vector<16xi32>
    %swap3A_730 = arith.constant 0 : i32
    %swap3A_731 = arith.index_cast %swap3A_730 : i32 to index
    %swap3A_732 = arith.constant 80 : index
    %swap3A_733 = tpu.vector_load %arg11[%swap3A_731, %swap3A_732] {strides = array<i32>} : memref<4x128xi32, #tpu.memory_space<vmem>>, vector<1x16xi32>,
    %swap3A_734 = vector.shape_cast %swap3A_733 : vector<1x16xi32> to vector<16xi32>
    %swap3A_735 = vector.shape_cast %add3A_729 : vector<16xi32> to vector<1x16xi32>
    tpu.vector_store %arg11[%swap3A_731, %swap3A_732], %swap3A_735 {strides = array<i32>} : memref<4x128xi32, #tpu.memory_space<vmem>>, vector<1x16xi32>,
    %add3A_736 = arith.constant 96 : i32
    %add3A_737 = vector.broadcast %add3A_736 : i32 to vector<16xi32>
    %add3A_738 = arith.addi %iota3A, %add3A_737 : vector<16xi32>
    %add3A_739 = arith.constant 0 : i32
    %add3A_740 = arith.addi %mul3A_10, %add3A_739 : i32
    %add3A_741 = vector.broadcast %add3A_740 : i32 to vector<16xi32>
    %add3A_742 = arith.addi %add3A_741, %add3A_738 : vector<16xi32>
    %mul3A_743 = arith.constant 22 : i32
    %mul3A_744 = vector.broadcast %mul3A_743 : i32 to vector<16xi32>
    %mul3A_745 = arith.muli %add3A_742, %mul3A_744 : vector<16xi32>
    %add3A_746 = arith.constant 1 : i32
    %add3A_747 = vector.broadcast %add3A_746 : i32 to vector<16xi32>
    %add3A_748 = arith.addi %mul3A_745, %add3A_747 : vector<16xi32>
    %swap3A_749 = arith.constant 0 : i32
    %swap3A_750 = arith.index_cast %swap3A_749 : i32 to index
    %swap3A_751 = arith.constant 96 : index
    %swap3A_752 = tpu.vector_load %arg11[%swap3A_750, %swap3A_751] {strides = array<i32>} : memref<4x128xi32, #tpu.memory_space<vmem>>, vector<1x16xi32>,
    %swap3A_753 = vector.shape_cast %swap3A_752 : vector<1x16xi32> to vector<16xi32>
    %swap3A_754 = vector.shape_cast %add3A_748 : vector<16xi32> to vector<1x16xi32>
    tpu.vector_store %arg11[%swap3A_750, %swap3A_751], %swap3A_754 {strides = array<i32>} : memref<4x128xi32, #tpu.memory_space<vmem>>, vector<1x16xi32>,
    %add3A_755 = arith.constant 112 : i32
    %add3A_756 = vector.broadcast %add3A_755 : i32 to vector<16xi32>
    %add3A_757 = arith.addi %iota3A, %add3A_756 : vector<16xi32>
    %add3A_758 = arith.constant 0 : i32
    %add3A_759 = arith.addi %mul3A_10, %add3A_758 : i32
    %add3A_760 = vector.broadcast %add3A_759 : i32 to vector<16xi32>
    %add3A_761 = arith.addi %add3A_760, %add3A_757 : vector<16xi32>
    %mul3A_762 = arith.constant 22 : i32
    %mul3A_763 = vector.broadcast %mul3A_762 : i32 to vector<16xi32>
    %mul3A_764 = arith.muli %add3A_761, %mul3A_763 : vector<16xi32>
    %add3A_765 = arith.constant 1 : i32
    %add3A_766 = vector.broadcast %add3A_765 : i32 to vector<16xi32>
    %add3A_767 = arith.addi %mul3A_764, %add3A_766 : vector<16xi32>
    %swap3A_768 = arith.constant 0 : i32
    %swap3A_769 = arith.index_cast %swap3A_768 : i32 to index
    %swap3A_770 = arith.constant 112 : index
    %swap3A_771 = tpu.vector_load %arg11[%swap3A_769, %swap3A_770] {strides = array<i32>} : memref<4x128xi32, #tpu.memory_space<vmem>>, vector<1x16xi32>,
    %swap3A_772 = vector.shape_cast %swap3A_771 : vector<1x16xi32> to vector<16xi32>
    %swap3A_773 = vector.shape_cast %add3A_767 : vector<16xi32> to vector<1x16xi32>
    tpu.vector_store %arg11[%swap3A_769, %swap3A_770], %swap3A_773 {strides = array<i32>} : memref<4x128xi32, #tpu.memory_space<vmem>>, vector<1x16xi32>,
    %dma_start3A_774 = arith.constant 1 : i32
    %dma_start3A_775 = arith.constant 0 : i32
    %dma_start3A_776 = arith.constant 0 : i32
    %dma_start3A_777 = tpu.memref_slice %arg12[%dma_start3A_774, %dma_start3A_775, %dma_start3A_776] : memref<4x128x32xf32, #tpu.memory_space<vmem>> -> memref<1x128x32xf32, #tpu.memory_space<vmem>>
    %dma_start3A_778 = tpu.memref_squeeze %dma_start3A_777 : memref<1x128x32xf32, #tpu.memory_space<vmem>> -> memref<128x32xf32, #tpu.memory_space<vmem>>
    %dma_start3A_779 = arith.constant 128 : i32
    %dma_start3A_780 = tpu.memref_slice %arg9[%dma_start3A_779] : memref<512xi32, #tpu.memory_space<vmem>> -> memref<128xi32, #tpu.memory_space<vmem>>
    %dma_start3A_781 = arith.constant 0 : i32
    %dma_start3A_782 = arith.constant 0 : i32
    %dma_start3A_783 = tpu.memref_slice %arg6[%dma_start3A_781, %dma_start3A_782] : memref<1000000x32xf32, #tpu.memory_space<hbm>> -> memref<1000000x32xf32, #tpu.memory_space<hbm>>
    tpu.enqueue_indirect_dma source(%dma_start3A_783 : memref<1000000x32xf32, #tpu.memory_space<hbm>>) target(%dma_start3A_778 : memref<128x32xf32, #tpu.memory_space<vmem>>) offsets(%dma_start3A_780 : memref<128xi32, #tpu.memory_space<vmem>>) semaphore(%arg13 : memref<!tpu.dma_semaphore, #tpu.memory_space<semaphore_mem>>)
    %add3A_784 = arith.constant 0 : i32
    %add3A_785 = vector.broadcast %add3A_784 : i32 to vector<16xi32>
    %add3A_786 = arith.addi %iota3A, %add3A_785 : vector<16xi32>
    %add3A_787 = arith.constant 128 : i32
    %add3A_788 = arith.addi %mul3A_10, %add3A_787 : i32
    %add3A_789 = vector.broadcast %add3A_788 : i32 to vector<16xi32>
    %add3A_790 = arith.addi %add3A_789, %add3A_786 : vector<16xi32>
    %mul3A_791 = arith.constant 22 : i32
    %mul3A_792 = vector.broadcast %mul3A_791 : i32 to vector<16xi32>
    %mul3A_793 = arith.muli %add3A_790, %mul3A_792 : vector<16xi32>
    %add3A_794 = arith.constant 1 : i32
    %add3A_795 = vector.broadcast %add3A_794 : i32 to vector<16xi32>
    %add3A_796 = arith.addi %mul3A_793, %add3A_795 : vector<16xi32>
    %swap3A_797 = arith.constant 1 : i32
    %swap3A_798 = arith.index_cast %swap3A_797 : i32 to index
    %swap3A_799 = arith.constant 0 : index
    %swap3A_800 = tpu.vector_load %arg11[%swap3A_798, %swap3A_799] {strides = array<i32>} : memref<4x128xi32, #tpu.memory_space<vmem>>, vector<1x16xi32>,
    %swap3A_801 = vector.shape_cast %swap3A_800 : vector<1x16xi32> to vector<16xi32>
    %swap3A_802 = vector.shape_cast %add3A_796 : vector<16xi32> to vector<1x16xi32>
    tpu.vector_store %arg11[%swap3A_798, %swap3A_799], %swap3A_802 {strides = array<i32>} : memref<4x128xi32, #tpu.memory_space<vmem>>, vector<1x16xi32>,
    %add3A_803 = arith.constant 16 : i32
    %add3A_804 = vector.broadcast %add3A_803 : i32 to vector<16xi32>
    %add3A_805 = arith.addi %iota3A, %add3A_804 : vector<16xi32>
    %add3A_806 = arith.constant 128 : i32
    %add3A_807 = arith.addi %mul3A_10, %add3A_806 : i32
    %add3A_808 = vector.broadcast %add3A_807 : i32 to vector<16xi32>
    %add3A_809 = arith.addi %add3A_808, %add3A_805 : vector<16xi32>
    %mul3A_810 = arith.constant 22 : i32
    %mul3A_811 = vector.broadcast %mul3A_810 : i32 to vector<16xi32>
    %mul3A_812 = arith.muli %add3A_809, %mul3A_811 : vector<16xi32>
    %add3A_813 = arith.constant 1 : i32
    %add3A_814 = vector.broadcast %add3A_813 : i32 to vector<16xi32>
    %add3A_815 = arith.addi %mul3A_812, %add3A_814 : vector<16xi32>
    %swap3A_816 = arith.constant 1 : i32
    %swap3A_817 = arith.index_cast %swap3A_816 : i32 to index
    %swap3A_818 = arith.constant 16 : index
    %swap3A_819 = tpu.vector_load %arg11[%swap3A_817, %swap3A_818] {strides = array<i32>} : memref<4x128xi32, #tpu.memory_space<vmem>>, vector<1x16xi32>,
    %swap3A_820 = vector.shape_cast %swap3A_819 : vector<1x16xi32> to vector<16xi32>
    %swap3A_821 = vector.shape_cast %add3A_815 : vector<16xi32> to vector<1x16xi32>
    tpu.vector_store %arg11[%swap3A_817, %swap3A_818], %swap3A_821 {strides = array<i32>} : memref<4x128xi32, #tpu.memory_space<vmem>>, vector<1x16xi32>,
    %add3A_822 = arith.constant 32 : i32
    %add3A_823 = vector.broadcast %add3A_822 : i32 to vector<16xi32>
    %add3A_824 = arith.addi %iota3A, %add3A_823 : vector<16xi32>
    %add3A_825 = arith.constant 128 : i32
    %add3A_826 = arith.addi %mul3A_10, %add3A_825 : i32
    %add3A_827 = vector.broadcast %add3A_826 : i32 to vector<16xi32>
    %add3A_828 = arith.addi %add3A_827, %add3A_824 : vector<16xi32>
    %mul3A_829 = arith.constant 22 : i32
    %mul3A_830 = vector.broadcast %mul3A_829 : i32 to vector<16xi32>
    %mul3A_831 = arith.muli %add3A_828, %mul3A_830 : vector<16xi32>
    %add3A_832 = arith.constant 1 : i32
    %add3A_833 = vector.broadcast %add3A_832 : i32 to vector<16xi32>
    %add3A_834 = arith.addi %mul3A_831, %add3A_833 : vector<16xi32>
    %swap3A_835 = arith.constant 1 : i32
    %swap3A_836 = arith.index_cast %swap3A_835 : i32 to index
    %swap3A_837 = arith.constant 32 : index
    %swap3A_838 = tpu.vector_load %arg11[%swap3A_836, %swap3A_837] {strides = array<i32>} : memref<4x128xi32, #tpu.memory_space<vmem>>, vector<1x16xi32>,
    %swap3A_839 = vector.shape_cast %swap3A_838 : vector<1x16xi32> to vector<16xi32>
    %swap3A_840 = vector.shape_cast %add3A_834 : vector<16xi32> to vector<1x16xi32>
    tpu.vector_store %arg11[%swap3A_836, %swap3A_837], %swap3A_840 {strides = array<i32>} : memref<4x128xi32, #tpu.memory_space<vmem>>, vector<1x16xi32>,
    %add3A_841 = arith.constant 48 : i32
    %add3A_842 = vector.broadcast %add3A_841 : i32 to vector<16xi32>
    %add3A_843 = arith.addi %iota3A, %add3A_842 : vector<16xi32>
    %add3A_844 = arith.constant 128 : i32
    %add3A_845 = arith.addi %mul3A_10, %add3A_844 : i32
    %add3A_846 = vector.broadcast %add3A_845 : i32 to vector<16xi32>
    %add3A_847 = arith.addi %add3A_846, %add3A_843 : vector<16xi32>
    %mul3A_848 = arith.constant 22 : i32
    %mul3A_849 = vector.broadcast %mul3A_848 : i32 to vector<16xi32>
    %mul3A_850 = arith.muli %add3A_847, %mul3A_849 : vector<16xi32>
    %add3A_851 = arith.constant 1 : i32
    %add3A_852 = vector.broadcast %add3A_851 : i32 to vector<16xi32>
    %add3A_853 = arith.addi %mul3A_850, %add3A_852 : vector<16xi32>
    %swap3A_854 = arith.constant 1 : i32
    %swap3A_855 = arith.index_cast %swap3A_854 : i32 to index
    %swap3A_856 = arith.constant 48 : index
    %swap3A_857 = tpu.vector_load %arg11[%swap3A_855, %swap3A_856] {strides = array<i32>} : memref<4x128xi32, #tpu.memory_space<vmem>>, vector<1x16xi32>,
    %swap3A_858 = vector.shape_cast %swap3A_857 : vector<1x16xi32> to vector<16xi32>
    %swap3A_859 = vector.shape_cast %add3A_853 : vector<16xi32> to vector<1x16xi32>
    tpu.vector_store %arg11[%swap3A_855, %swap3A_856], %swap3A_859 {strides = array<i32>} : memref<4x128xi32, #tpu.memory_space<vmem>>, vector<1x16xi32>,
    %add3A_860 = arith.constant 64 : i32
    %add3A_861 = vector.broadcast %add3A_860 : i32 to vector<16xi32>
    %add3A_862 = arith.addi %iota3A, %add3A_861 : vector<16xi32>
    %add3A_863 = arith.constant 128 : i32
    %add3A_864 = arith.addi %mul3A_10, %add3A_863 : i32
    %add3A_865 = vector.broadcast %add3A_864 : i32 to vector<16xi32>
    %add3A_866 = arith.addi %add3A_865, %add3A_862 : vector<16xi32>
    %mul3A_867 = arith.constant 22 : i32
    %mul3A_868 = vector.broadcast %mul3A_867 : i32 to vector<16xi32>
    %mul3A_869 = arith.muli %add3A_866, %mul3A_868 : vector<16xi32>
    %add3A_870 = arith.constant 1 : i32
    %add3A_871 = vector.broadcast %add3A_870 : i32 to vector<16xi32>
    %add3A_872 = arith.addi %mul3A_869, %add3A_871 : vector<16xi32>
    %swap3A_873 = arith.constant 1 : i32
    %swap3A_874 = arith.index_cast %swap3A_873 : i32 to index
    %swap3A_875 = arith.constant 64 : index
    %swap3A_876 = tpu.vector_load %arg11[%swap3A_874, %swap3A_875] {strides = array<i32>} : memref<4x128xi32, #tpu.memory_space<vmem>>, vector<1x16xi32>,
    %swap3A_877 = vector.shape_cast %swap3A_876 : vector<1x16xi32> to vector<16xi32>
    %swap3A_878 = vector.shape_cast %add3A_872 : vector<16xi32> to vector<1x16xi32>
    tpu.vector_store %arg11[%swap3A_874, %swap3A_875], %swap3A_878 {strides = array<i32>} : memref<4x128xi32, #tpu.memory_space<vmem>>, vector<1x16xi32>,
    %add3A_879 = arith.constant 80 : i32
    %add3A_880 = vector.broadcast %add3A_879 : i32 to vector<16xi32>
    %add3A_881 = arith.addi %iota3A, %add3A_880 : vector<16xi32>
    %add3A_882 = arith.constant 128 : i32
    %add3A_883 = arith.addi %mul3A_10, %add3A_882 : i32
    %add3A_884 = vector.broadcast %add3A_883 : i32 to vector<16xi32>
    %add3A_885 = arith.addi %add3A_884, %add3A_881 : vector<16xi32>
    %mul3A_886 = arith.constant 22 : i32
    %mul3A_887 = vector.broadcast %mul3A_886 : i32 to vector<16xi32>
    %mul3A_888 = arith.muli %add3A_885, %mul3A_887 : vector<16xi32>
    %add3A_889 = arith.constant 1 : i32
    %add3A_890 = vector.broadcast %add3A_889 : i32 to vector<16xi32>
    %add3A_891 = arith.addi %mul3A_888, %add3A_890 : vector<16xi32>
    %swap3A_892 = arith.constant 1 : i32
    %swap3A_893 = arith.index_cast %swap3A_892 : i32 to index
    %swap3A_894 = arith.constant 80 : index
    %swap3A_895 = tpu.vector_load %arg11[%swap3A_893, %swap3A_894] {strides = array<i32>} : memref<4x128xi32, #tpu.memory_space<vmem>>, vector<1x16xi32>,
    %swap3A_896 = vector.shape_cast %swap3A_895 : vector<1x16xi32> to vector<16xi32>
    %swap3A_897 = vector.shape_cast %add3A_891 : vector<16xi32> to vector<1x16xi32>
    tpu.vector_store %arg11[%swap3A_893, %swap3A_894], %swap3A_897 {strides = array<i32>} : memref<4x128xi32, #tpu.memory_space<vmem>>, vector<1x16xi32>,
    %add3A_898 = arith.constant 96 : i32
    %add3A_899 = vector.broadcast %add3A_898 : i32 to vector<16xi32>
    %add3A_900 = arith.addi %iota3A, %add3A_899 : vector<16xi32>
    %add3A_901 = arith.constant 128 : i32
    %add3A_902 = arith.addi %mul3A_10, %add3A_901 : i32
    %add3A_903 = vector.broadcast %add3A_902 : i32 to vector<16xi32>
    %add3A_904 = arith.addi %add3A_903, %add3A_900 : vector<16xi32>
    %mul3A_905 = arith.constant 22 : i32
    %mul3A_906 = vector.broadcast %mul3A_905 : i32 to vector<16xi32>
    %mul3A_907 = arith.muli %add3A_904, %mul3A_906 : vector<16xi32>
    %add3A_908 = arith.constant 1 : i32
    %add3A_909 = vector.broadcast %add3A_908 : i32 to vector<16xi32>
    %add3A_910 = arith.addi %mul3A_907, %add3A_909 : vector<16xi32>
    %swap3A_911 = arith.constant 1 : i32
    %swap3A_912 = arith.index_cast %swap3A_911 : i32 to index
    %swap3A_913 = arith.constant 96 : index
    %swap3A_914 = tpu.vector_load %arg11[%swap3A_912, %swap3A_913] {strides = array<i32>} : memref<4x128xi32, #tpu.memory_space<vmem>>, vector<1x16xi32>,
    %swap3A_915 = vector.shape_cast %swap3A_914 : vector<1x16xi32> to vector<16xi32>
    %swap3A_916 = vector.shape_cast %add3A_910 : vector<16xi32> to vector<1x16xi32>
    tpu.vector_store %arg11[%swap3A_912, %swap3A_913], %swap3A_916 {strides = array<i32>} : memref<4x128xi32, #tpu.memory_space<vmem>>, vector<1x16xi32>,
    %add3A_917 = arith.constant 112 : i32
    %add3A_918 = vector.broadcast %add3A_917 : i32 to vector<16xi32>
    %add3A_919 = arith.addi %iota3A, %add3A_918 : vector<16xi32>
    %add3A_920 = arith.constant 128 : i32
    %add3A_921 = arith.addi %mul3A_10, %add3A_920 : i32
    %add3A_922 = vector.broadcast %add3A_921 : i32 to vector<16xi32>
    %add3A_923 = arith.addi %add3A_922, %add3A_919 : vector<16xi32>
    %mul3A_924 = arith.constant 22 : i32
    %mul3A_925 = vector.broadcast %mul3A_924 : i32 to vector<16xi32>
    %mul3A_926 = arith.muli %add3A_923, %mul3A_925 : vector<16xi32>
    %add3A_927 = arith.constant 1 : i32
    %add3A_928 = vector.broadcast %add3A_927 : i32 to vector<16xi32>
    %add3A_929 = arith.addi %mul3A_926, %add3A_928 : vector<16xi32>
    %swap3A_930 = arith.constant 1 : i32
    %swap3A_931 = arith.index_cast %swap3A_930 : i32 to index
    %swap3A_932 = arith.constant 112 : index
    %swap3A_933 = tpu.vector_load %arg11[%swap3A_931, %swap3A_932] {strides = array<i32>} : memref<4x128xi32, #tpu.memory_space<vmem>>, vector<1x16xi32>,
    %swap3A_934 = vector.shape_cast %swap3A_933 : vector<1x16xi32> to vector<16xi32>
    %swap3A_935 = vector.shape_cast %add3A_929 : vector<16xi32> to vector<1x16xi32>
    tpu.vector_store %arg11[%swap3A_931, %swap3A_932], %swap3A_935 {strides = array<i32>} : memref<4x128xi32, #tpu.memory_space<vmem>>, vector<1x16xi32>,
    %dma_start3A_936 = arith.constant 2 : i32
    %dma_start3A_937 = arith.constant 0 : i32
    %dma_start3A_938 = arith.constant 0 : i32
    %dma_start3A_939 = tpu.memref_slice %arg12[%dma_start3A_936, %dma_start3A_937, %dma_start3A_938] : memref<4x128x32xf32, #tpu.memory_space<vmem>> -> memref<1x128x32xf32, #tpu.memory_space<vmem>>
    %dma_start3A_940 = tpu.memref_squeeze %dma_start3A_939 : memref<1x128x32xf32, #tpu.memory_space<vmem>> -> memref<128x32xf32, #tpu.memory_space<vmem>>
    %dma_start3A_941 = arith.constant 256 : i32
    %dma_start3A_942 = tpu.memref_slice %arg9[%dma_start3A_941] : memref<512xi32, #tpu.memory_space<vmem>> -> memref<128xi32, #tpu.memory_space<vmem>>
    %dma_start3A_943 = arith.constant 0 : i32
    %dma_start3A_944 = arith.constant 0 : i32
    %dma_start3A_945 = tpu.memref_slice %arg6[%dma_start3A_943, %dma_start3A_944] : memref<1000000x32xf32, #tpu.memory_space<hbm>> -> memref<1000000x32xf32, #tpu.memory_space<hbm>>
    tpu.enqueue_indirect_dma source(%dma_start3A_945 : memref<1000000x32xf32, #tpu.memory_space<hbm>>) target(%dma_start3A_940 : memref<128x32xf32, #tpu.memory_space<vmem>>) offsets(%dma_start3A_942 : memref<128xi32, #tpu.memory_space<vmem>>) semaphore(%arg13 : memref<!tpu.dma_semaphore, #tpu.memory_space<semaphore_mem>>)
    %add3A_946 = arith.constant 0 : i32
    %add3A_947 = vector.broadcast %add3A_946 : i32 to vector<16xi32>
    %add3A_948 = arith.addi %iota3A, %add3A_947 : vector<16xi32>
    %add3A_949 = arith.constant 256 : i32
    %add3A_950 = arith.addi %mul3A_10, %add3A_949 : i32
    %add3A_951 = vector.broadcast %add3A_950 : i32 to vector<16xi32>
    %add3A_952 = arith.addi %add3A_951, %add3A_948 : vector<16xi32>
    %mul3A_953 = arith.constant 22 : i32
    %mul3A_954 = vector.broadcast %mul3A_953 : i32 to vector<16xi32>
    %mul3A_955 = arith.muli %add3A_952, %mul3A_954 : vector<16xi32>
    %add3A_956 = arith.constant 1 : i32
    %add3A_957 = vector.broadcast %add3A_956 : i32 to vector<16xi32>
    %add3A_958 = arith.addi %mul3A_955, %add3A_957 : vector<16xi32>
    %swap3A_959 = arith.constant 2 : i32
    %swap3A_960 = arith.index_cast %swap3A_959 : i32 to index
    %swap3A_961 = arith.constant 0 : index
    %swap3A_962 = tpu.vector_load %arg11[%swap3A_960, %swap3A_961] {strides = array<i32>} : memref<4x128xi32, #tpu.memory_space<vmem>>, vector<1x16xi32>,
    %swap3A_963 = vector.shape_cast %swap3A_962 : vector<1x16xi32> to vector<16xi32>
    %swap3A_964 = vector.shape_cast %add3A_958 : vector<16xi32> to vector<1x16xi32>
    tpu.vector_store %arg11[%swap3A_960, %swap3A_961], %swap3A_964 {strides = array<i32>} : memref<4x128xi32, #tpu.memory_space<vmem>>, vector<1x16xi32>,
    %add3A_965 = arith.constant 16 : i32
    %add3A_966 = vector.broadcast %add3A_965 : i32 to vector<16xi32>
    %add3A_967 = arith.addi %iota3A, %add3A_966 : vector<16xi32>
    %add3A_968 = arith.constant 256 : i32
    %add3A_969 = arith.addi %mul3A_10, %add3A_968 : i32
    %add3A_970 = vector.broadcast %add3A_969 : i32 to vector<16xi32>
    %add3A_971 = arith.addi %add3A_970, %add3A_967 : vector<16xi32>
    %mul3A_972 = arith.constant 22 : i32
    %mul3A_973 = vector.broadcast %mul3A_972 : i32 to vector<16xi32>
    %mul3A_974 = arith.muli %add3A_971, %mul3A_973 : vector<16xi32>
    %add3A_975 = arith.constant 1 : i32
    %add3A_976 = vector.broadcast %add3A_975 : i32 to vector<16xi32>
    %add3A_977 = arith.addi %mul3A_974, %add3A_976 : vector<16xi32>
    %swap3A_978 = arith.constant 2 : i32
    %swap3A_979 = arith.index_cast %swap3A_978 : i32 to index
    %swap3A_980 = arith.constant 16 : index
    %swap3A_981 = tpu.vector_load %arg11[%swap3A_979, %swap3A_980] {strides = array<i32>} : memref<4x128xi32, #tpu.memory_space<vmem>>, vector<1x16xi32>,
    %swap3A_982 = vector.shape_cast %swap3A_981 : vector<1x16xi32> to vector<16xi32>
    %swap3A_983 = vector.shape_cast %add3A_977 : vector<16xi32> to vector<1x16xi32>
    tpu.vector_store %arg11[%swap3A_979, %swap3A_980], %swap3A_983 {strides = array<i32>} : memref<4x128xi32, #tpu.memory_space<vmem>>, vector<1x16xi32>,
    %add3A_984 = arith.constant 32 : i32
    %add3A_985 = vector.broadcast %add3A_984 : i32 to vector<16xi32>
    %add3A_986 = arith.addi %iota3A, %add3A_985 : vector<16xi32>
    %add3A_987 = arith.constant 256 : i32
    %add3A_988 = arith.addi %mul3A_10, %add3A_987 : i32
    %add3A_989 = vector.broadcast %add3A_988 : i32 to vector<16xi32>
    %add3A_990 = arith.addi %add3A_989, %add3A_986 : vector<16xi32>
    %mul3A_991 = arith.constant 22 : i32
    %mul3A_992 = vector.broadcast %mul3A_991 : i32 to vector<16xi32>
    %mul3A_993 = arith.muli %add3A_990, %mul3A_992 : vector<16xi32>
    %add3A_994 = arith.constant 1 : i32
    %add3A_995 = vector.broadcast %add3A_994 : i32 to vector<16xi32>
    %add3A_996 = arith.addi %mul3A_993, %add3A_995 : vector<16xi32>
    %swap3A_997 = arith.constant 2 : i32
    %swap3A_998 = arith.index_cast %swap3A_997 : i32 to index
    %swap3A_999 = arith.constant 32 : index
    %swap3A_1000 = tpu.vector_load %arg11[%swap3A_998, %swap3A_999] {strides = array<i32>} : memref<4x128xi32, #tpu.memory_space<vmem>>, vector<1x16xi32>,
    %swap3A_1001 = vector.shape_cast %swap3A_1000 : vector<1x16xi32> to vector<16xi32>
    %swap3A_1002 = vector.shape_cast %add3A_996 : vector<16xi32> to vector<1x16xi32>
    tpu.vector_store %arg11[%swap3A_998, %swap3A_999], %swap3A_1002 {strides = array<i32>} : memref<4x128xi32, #tpu.memory_space<vmem>>, vector<1x16xi32>,
    %add3A_1003 = arith.constant 48 : i32
    %add3A_1004 = vector.broadcast %add3A_1003 : i32 to vector<16xi32>
    %add3A_1005 = arith.addi %iota3A, %add3A_1004 : vector<16xi32>
    %add3A_1006 = arith.constant 256 : i32
    %add3A_1007 = arith.addi %mul3A_10, %add3A_1006 : i32
    %add3A_1008 = vector.broadcast %add3A_1007 : i32 to vector<16xi32>
    %add3A_1009 = arith.addi %add3A_1008, %add3A_1005 : vector<16xi32>
    %mul3A_1010 = arith.constant 22 : i32
    %mul3A_1011 = vector.broadcast %mul3A_1010 : i32 to vector<16xi32>
    %mul3A_1012 = arith.muli %add3A_1009, %mul3A_1011 : vector<16xi32>
    %add3A_1013 = arith.constant 1 : i32
    %add3A_1014 = vector.broadcast %add3A_1013 : i32 to vector<16xi32>
    %add3A_1015 = arith.addi %mul3A_1012, %add3A_1014 : vector<16xi32>
    %swap3A_1016 = arith.constant 2 : i32
    %swap3A_1017 = arith.index_cast %swap3A_1016 : i32 to index
    %swap3A_1018 = arith.constant 48 : index
    %swap3A_1019 = tpu.vector_load %arg11[%swap3A_1017, %swap3A_1018] {strides = array<i32>} : memref<4x128xi32, #tpu.memory_space<vmem>>, vector<1x16xi32>,
    %swap3A_1020 = vector.shape_cast %swap3A_1019 : vector<1x16xi32> to vector<16xi32>
    %swap3A_1021 = vector.shape_cast %add3A_1015 : vector<16xi32> to vector<1x16xi32>
    tpu.vector_store %arg11[%swap3A_1017, %swap3A_1018], %swap3A_1021 {strides = array<i32>} : memref<4x128xi32, #tpu.memory_space<vmem>>, vector<1x16xi32>,
    %add3A_1022 = arith.constant 64 : i32
    %add3A_1023 = vector.broadcast %add3A_1022 : i32 to vector<16xi32>
    %add3A_1024 = arith.addi %iota3A, %add3A_1023 : vector<16xi32>
    %add3A_1025 = arith.constant 256 : i32
    %add3A_1026 = arith.addi %mul3A_10, %add3A_1025 : i32
    %add3A_1027 = vector.broadcast %add3A_1026 : i32 to vector<16xi32>
    %add3A_1028 = arith.addi %add3A_1027, %add3A_1024 : vector<16xi32>
    %mul3A_1029 = arith.constant 22 : i32
    %mul3A_1030 = vector.broadcast %mul3A_1029 : i32 to vector<16xi32>
    %mul3A_1031 = arith.muli %add3A_1028, %mul3A_1030 : vector<16xi32>
    %add3A_1032 = arith.constant 1 : i32
    %add3A_1033 = vector.broadcast %add3A_1032 : i32 to vector<16xi32>
    %add3A_1034 = arith.addi %mul3A_1031, %add3A_1033 : vector<16xi32>
    %swap3A_1035 = arith.constant 2 : i32
    %swap3A_1036 = arith.index_cast %swap3A_1035 : i32 to index
    %swap3A_1037 = arith.constant 64 : index
    %swap3A_1038 = tpu.vector_load %arg11[%swap3A_1036, %swap3A_1037] {strides = array<i32>} : memref<4x128xi32, #tpu.memory_space<vmem>>, vector<1x16xi32>,
    %swap3A_1039 = vector.shape_cast %swap3A_1038 : vector<1x16xi32> to vector<16xi32>
    %swap3A_1040 = vector.shape_cast %add3A_1034 : vector<16xi32> to vector<1x16xi32>
    tpu.vector_store %arg11[%swap3A_1036, %swap3A_1037], %swap3A_1040 {strides = array<i32>} : memref<4x128xi32, #tpu.memory_space<vmem>>, vector<1x16xi32>,
    %add3A_1041 = arith.constant 80 : i32
    %add3A_1042 = vector.broadcast %add3A_1041 : i32 to vector<16xi32>
    %add3A_1043 = arith.addi %iota3A, %add3A_1042 : vector<16xi32>
    %add3A_1044 = arith.constant 256 : i32
    %add3A_1045 = arith.addi %mul3A_10, %add3A_1044 : i32
    %add3A_1046 = vector.broadcast %add3A_1045 : i32 to vector<16xi32>
    %add3A_1047 = arith.addi %add3A_1046, %add3A_1043 : vector<16xi32>
    %mul3A_1048 = arith.constant 22 : i32
    %mul3A_1049 = vector.broadcast %mul3A_1048 : i32 to vector<16xi32>
    %mul3A_1050 = arith.muli %add3A_1047, %mul3A_1049 : vector<16xi32>
    %add3A_1051 = arith.constant 1 : i32
    %add3A_1052 = vector.broadcast %add3A_1051 : i32 to vector<16xi32>
    %add3A_1053 = arith.addi %mul3A_1050, %add3A_1052 : vector<16xi32>
    %swap3A_1054 = arith.constant 2 : i32
    %swap3A_1055 = arith.index_cast %swap3A_1054 : i32 to index
    %swap3A_1056 = arith.constant 80 : index
    %swap3A_1057 = tpu.vector_load %arg11[%swap3A_1055, %swap3A_1056] {strides = array<i32>} : memref<4x128xi32, #tpu.memory_space<vmem>>, vector<1x16xi32>,
    %swap3A_1058 = vector.shape_cast %swap3A_1057 : vector<1x16xi32> to vector<16xi32>
    %swap3A_1059 = vector.shape_cast %add3A_1053 : vector<16xi32> to vector<1x16xi32>
    tpu.vector_store %arg11[%swap3A_1055, %swap3A_1056], %swap3A_1059 {strides = array<i32>} : memref<4x128xi32, #tpu.memory_space<vmem>>, vector<1x16xi32>,
    %add3A_1060 = arith.constant 96 : i32
    %add3A_1061 = vector.broadcast %add3A_1060 : i32 to vector<16xi32>
    %add3A_1062 = arith.addi %iota3A, %add3A_1061 : vector<16xi32>
    %add3A_1063 = arith.constant 256 : i32
    %add3A_1064 = arith.addi %mul3A_10, %add3A_1063 : i32
    %add3A_1065 = vector.broadcast %add3A_1064 : i32 to vector<16xi32>
    %add3A_1066 = arith.addi %add3A_1065, %add3A_1062 : vector<16xi32>
    %mul3A_1067 = arith.constant 22 : i32
    %mul3A_1068 = vector.broadcast %mul3A_1067 : i32 to vector<16xi32>
    %mul3A_1069 = arith.muli %add3A_1066, %mul3A_1068 : vector<16xi32>
    %add3A_1070 = arith.constant 1 : i32
    %add3A_1071 = vector.broadcast %add3A_1070 : i32 to vector<16xi32>
    %add3A_1072 = arith.addi %mul3A_1069, %add3A_1071 : vector<16xi32>
    %swap3A_1073 = arith.constant 2 : i32
    %swap3A_1074 = arith.index_cast %swap3A_1073 : i32 to index
    %swap3A_1075 = arith.constant 96 : index
    %swap3A_1076 = tpu.vector_load %arg11[%swap3A_1074, %swap3A_1075] {strides = array<i32>} : memref<4x128xi32, #tpu.memory_space<vmem>>, vector<1x16xi32>,
    %swap3A_1077 = vector.shape_cast %swap3A_1076 : vector<1x16xi32> to vector<16xi32>
    %swap3A_1078 = vector.shape_cast %add3A_1072 : vector<16xi32> to vector<1x16xi32>
    tpu.vector_store %arg11[%swap3A_1074, %swap3A_1075], %swap3A_1078 {strides = array<i32>} : memref<4x128xi32, #tpu.memory_space<vmem>>, vector<1x16xi32>,
    %add3A_1079 = arith.constant 112 : i32
    %add3A_1080 = vector.broadcast %add3A_1079 : i32 to vector<16xi32>
    %add3A_1081 = arith.addi %iota3A, %add3A_1080 : vector<16xi32>
    %add3A_1082 = arith.constant 256 : i32
    %add3A_1083 = arith.addi %mul3A_10, %add3A_1082 : i32
    %add3A_1084 = vector.broadcast %add3A_1083 : i32 to vector<16xi32>
    %add3A_1085 = arith.addi %add3A_1084, %add3A_1081 : vector<16xi32>
    %mul3A_1086 = arith.constant 22 : i32
    %mul3A_1087 = vector.broadcast %mul3A_1086 : i32 to vector<16xi32>
    %mul3A_1088 = arith.muli %add3A_1085, %mul3A_1087 : vector<16xi32>
    %add3A_1089 = arith.constant 1 : i32
    %add3A_1090 = vector.broadcast %add3A_1089 : i32 to vector<16xi32>
    %add3A_1091 = arith.addi %mul3A_1088, %add3A_1090 : vector<16xi32>
    %swap3A_1092 = arith.constant 2 : i32
    %swap3A_1093 = arith.index_cast %swap3A_1092 : i32 to index
    %swap3A_1094 = arith.constant 112 : index
    %swap3A_1095 = tpu.vector_load %arg11[%swap3A_1093, %swap3A_1094] {strides = array<i32>} : memref<4x128xi32, #tpu.memory_space<vmem>>, vector<1x16xi32>,
    %swap3A_1096 = vector.shape_cast %swap3A_1095 : vector<1x16xi32> to vector<16xi32>
    %swap3A_1097 = vector.shape_cast %add3A_1091 : vector<16xi32> to vector<1x16xi32>
    tpu.vector_store %arg11[%swap3A_1093, %swap3A_1094], %swap3A_1097 {strides = array<i32>} : memref<4x128xi32, #tpu.memory_space<vmem>>, vector<1x16xi32>,
    %scan3A_1098 = arith.constant 0 : i32
    %scan3A_1099 = arith.constant 0 : i32
    %mul3A_1100 = arith.constant 4 : i32
    %mul3A_1101 = arith.muli %scan3A_1099, %mul3A_1100 : i32
    %add3A_1102 = arith.constant 0 : i32
    %add3A_1103 = arith.addi %mul3A_1101, %add3A_1102 : i32
    %dma_wait3A_1104 = arith.constant 0 : i32
    %dma_wait3A_1105 = arith.constant 0 : i32
    %dma_wait3A_1106 = arith.constant 0 : i32
    %dma_wait3A_1107 = tpu.memref_slice %arg12[%dma_wait3A_1104, %dma_wait3A_1105, %dma_wait3A_1106] : memref<4x128x32xf32, #tpu.memory_space<vmem>> -> memref<1x128x32xf32, #tpu.memory_space<vmem>>
    %dma_wait3A_1108 = tpu.memref_squeeze %dma_wait3A_1107 : memref<1x128x32xf32, #tpu.memory_space<vmem>> -> memref<128x32xf32, #tpu.memory_space<vmem>>
    %dma_wait3A_1109 = arith.constant 0 : i32
    %dma_wait3A_1110 = tpu.memref_slice %arg9[%dma_wait3A_1109] : memref<512xi32, #tpu.memory_space<vmem>> -> memref<128xi32, #tpu.memory_space<vmem>>
    %dma_wait3A_1111 = arith.constant 0 : i32
    %dma_wait3A_1112 = arith.constant 0 : i32
    %dma_wait3A_1113 = tpu.memref_slice %arg6[%dma_wait3A_1111, %dma_wait3A_1112] : memref<1000000x32xf32, #tpu.memory_space<hbm>> -> memref<1000000x32xf32, #tpu.memory_space<hbm>>
    tpu.wait_indirect_dma semaphore(%arg13 : memref<!tpu.dma_semaphore, #tpu.memory_space<semaphore_mem>>) src(%dma_wait3A_1113 : memref<1000000x32xf32, #tpu.memory_space<hbm>>) dst(%dma_wait3A_1108 : memref<128x32xf32, #tpu.memory_space<vmem>>)
    %gt3A_1114 = arith.constant 0 : i32
    %gt3A_1115 = arith.cmpi sgt, %scan3A_1099, %gt3A_1114 : i32
    %convert_element_type3A_1116 = arith.extui %gt3A_1115 : i1 to i32
    %cond3A_1117 = arith.constant 0 : i32
    %cond3A_1118 = arith.cmpi ne, %convert_element_type3A_1116, %cond3A_1117 : i32
    scf.if %cond3A_1118 {
      %dma_wait3A_2514 = arith.constant 0 : i32
      %dma_wait3A_2515 = arith.constant 0 : i32
      %dma_wait3A_2516 = arith.constant 0 : i32
      %dma_wait3A_2517 = arith.constant 0 : i32
      %dma_wait3A_2518 = tpu.memref_slice %arg12[%dma_wait3A_2514, %dma_wait3A_2516, %dma_wait3A_2517] : memref<4x128x32xf32, #tpu.memory_space<vmem>> -> memref<1x128x32xf32, #tpu.memory_space<vmem>>
      %dma_wait3A_2519 = tpu.memref_squeeze %dma_wait3A_2518 : memref<1x128x32xf32, #tpu.memory_space<vmem>> -> memref<128x32xf32, #tpu.memory_space<vmem>>
      %dma_wait3A_2520 = arith.constant 0 : i32
      %dma_wait3A_2521 = tpu.memref_slice %arg11[%dma_wait3A_2515, %dma_wait3A_2520] : memref<4x128xi32, #tpu.memory_space<vmem>> -> memref<1x128xi32, #tpu.memory_space<vmem>>
      %dma_wait3A_2522 = tpu.memref_squeeze %dma_wait3A_2521 : memref<1x128xi32, #tpu.memory_space<vmem>> -> memref<128xi32, #tpu.memory_space<vmem>>
      %dma_wait3A_2523 = arith.constant 0 : i32
      %dma_wait3A_2524 = arith.constant 0 : i32
      %dma_wait3A_2525 = tpu.memref_slice %arg7[%dma_wait3A_2523, %dma_wait3A_2524] : memref<360448x32xf32, #tpu.memory_space<hbm>> -> memref<360448x32xf32, #tpu.memory_space<hbm>>
      tpu.wait_indirect_dma semaphore(%arg14 : memref<!tpu.dma_semaphore, #tpu.memory_space<semaphore_mem>>) src(%dma_wait3A_2519 : memref<128x32xf32, #tpu.memory_space<vmem>>) dst(%dma_wait3A_2525 : memref<360448x32xf32, #tpu.memory_space<hbm>>)
    } else {
    }
    %dma_start3A_1119 = arith.constant 0 : i32
    %dma_start3A_1120 = arith.constant 0 : i32
    %dma_start3A_1121 = arith.constant 0 : i32
    %dma_start3A_1122 = arith.constant 0 : i32
    %dma_start3A_1123 = tpu.memref_slice %arg12[%dma_start3A_1119, %dma_start3A_1121, %dma_start3A_1122] : memref<4x128x32xf32, #tpu.memory_space<vmem>> -> memref<1x128x32xf32, #tpu.memory_space<vmem>>
    %dma_start3A_1124 = tpu.memref_squeeze %dma_start3A_1123 : memref<1x128x32xf32, #tpu.memory_space<vmem>> -> memref<128x32xf32, #tpu.memory_space<vmem>>
    %dma_start3A_1125 = arith.constant 0 : i32
    %dma_start3A_1126 = tpu.memref_slice %arg11[%dma_start3A_1120, %dma_start3A_1125] : memref<4x128xi32, #tpu.memory_space<vmem>> -> memref<1x128xi32, #tpu.memory_space<vmem>>
    %dma_start3A_1127 = tpu.memref_squeeze %dma_start3A_1126 : memref<1x128xi32, #tpu.memory_space<vmem>> -> memref<128xi32, #tpu.memory_space<vmem>>
    %dma_start3A_1128 = arith.constant 0 : i32
    %dma_start3A_1129 = arith.constant 0 : i32
    %dma_start3A_1130 = tpu.memref_slice %arg7[%dma_start3A_1128, %dma_start3A_1129] : memref<360448x32xf32, #tpu.memory_space<hbm>> -> memref<360448x32xf32, #tpu.memory_space<hbm>>
    tpu.enqueue_indirect_dma source(%dma_start3A_1124 : memref<128x32xf32, #tpu.memory_space<vmem>>) target(%dma_start3A_1130 : memref<360448x32xf32, #tpu.memory_space<hbm>>) offsets(%dma_start3A_1127 : memref<128xi32, #tpu.memory_space<vmem>>) semaphore(%arg14 : memref<!tpu.dma_semaphore, #tpu.memory_space<semaphore_mem>>)
    %add3A_1131 = arith.constant 4 : i32
    %add3A_1132 = arith.addi %add3A_1103, %add3A_1131 : i32
    %sub3A_1133 = arith.constant 1 : i32
    %sub3A_1134 = arith.subi %add3A_1132, %sub3A_1133 : i32
    %lt3A_1135 = arith.constant 4 : i32
    %lt3A_1136 = arith.cmpi slt, %sub3A_1134, %lt3A_1135 : i32
    %convert_element_type3A_1137 = arith.extui %lt3A_1136 : i1 to i32
    %cond3A_1138 = arith.constant 0 : i32
    %cond3A_1139 = arith.cmpi ne, %convert_element_type3A_1137, %cond3A_1138 : i32
    scf.if %cond3A_1139 {
      %mul3A_2514 = arith.constant 128 : i32
      %mul3A_2515 = arith.muli %sub3A_1134, %mul3A_2514 : i32
      %dma_start3A_2516 = arith.constant 3 : i32
      %dma_start3A_2517 = arith.constant 0 : i32
      %dma_start3A_2518 = arith.constant 0 : i32
      %dma_start3A_2519 = tpu.memref_slice %arg12[%dma_start3A_2516, %dma_start3A_2517, %dma_start3A_2518] : memref<4x128x32xf32, #tpu.memory_space<vmem>> -> memref<1x128x32xf32, #tpu.memory_space<vmem>>
      %dma_start3A_2520 = tpu.memref_squeeze %dma_start3A_2519 : memref<1x128x32xf32, #tpu.memory_space<vmem>> -> memref<128x32xf32, #tpu.memory_space<vmem>>
      %dma_start3A_2521 = tpu.memref_slice %arg9[%mul3A_2515] : memref<512xi32, #tpu.memory_space<vmem>> -> memref<128xi32, #tpu.memory_space<vmem>>
      %dma_start3A_2522 = arith.constant 0 : i32
      %dma_start3A_2523 = arith.constant 0 : i32
      %dma_start3A_2524 = tpu.memref_slice %arg6[%dma_start3A_2522, %dma_start3A_2523] : memref<1000000x32xf32, #tpu.memory_space<hbm>> -> memref<1000000x32xf32, #tpu.memory_space<hbm>>
      tpu.enqueue_indirect_dma source(%dma_start3A_2524 : memref<1000000x32xf32, #tpu.memory_space<hbm>>) target(%dma_start3A_2520 : memref<128x32xf32, #tpu.memory_space<vmem>>) offsets(%dma_start3A_2521 : memref<128xi32, #tpu.memory_space<vmem>>) semaphore(%arg13 : memref<!tpu.dma_semaphore, #tpu.memory_space<semaphore_mem>>)
      %add3A_2525 = arith.constant 0 : i32
      %add3A_2526 = vector.broadcast %add3A_2525 : i32 to vector<16xi32>
      %add3A_2527 = arith.addi %iota3A, %add3A_2526 : vector<16xi32>
      %mul3A_2528 = arith.constant 128 : i32
      %mul3A_2529 = arith.muli %sub3A_1134, %mul3A_2528 : i32
      %add3A_2530 = arith.addi %mul3A_10, %mul3A_2529 : i32
      %add3A_2531 = vector.broadcast %add3A_2530 : i32 to vector<16xi32>
      %add3A_2532 = arith.addi %add3A_2531, %add3A_2527 : vector<16xi32>
      %mul3A_2533 = arith.constant 22 : i32
      %mul3A_2534 = vector.broadcast %mul3A_2533 : i32 to vector<16xi32>
      %mul3A_2535 = arith.muli %add3A_2532, %mul3A_2534 : vector<16xi32>
      %add3A_2536 = arith.constant 1 : i32
      %add3A_2537 = vector.broadcast %add3A_2536 : i32 to vector<16xi32>
      %add3A_2538 = arith.addi %mul3A_2535, %add3A_2537 : vector<16xi32>
      %swap3A_2539 = arith.constant 3 : i32
      %swap3A_2540 = arith.index_cast %swap3A_2539 : i32 to index
      %swap3A_2541 = arith.constant 0 : index
      %swap3A_2542 = tpu.vector_load %arg11[%swap3A_2540, %swap3A_2541] {strides = array<i32>} : memref<4x128xi32, #tpu.memory_space<vmem>>, vector<1x16xi32>,
      %swap3A_2543 = vector.shape_cast %swap3A_2542 : vector<1x16xi32> to vector<16xi32>
      %swap3A_2544 = vector.shape_cast %add3A_2538 : vector<16xi32> to vector<1x16xi32>
      tpu.vector_store %arg11[%swap3A_2540, %swap3A_2541], %swap3A_2544 {strides = array<i32>} : memref<4x128xi32, #tpu.memory_space<vmem>>, vector<1x16xi32>,
      %add3A_2545 = arith.constant 16 : i32
      %add3A_2546 = vector.broadcast %add3A_2545 : i32 to vector<16xi32>
      %add3A_2547 = arith.addi %iota3A, %add3A_2546 : vector<16xi32>
      %mul3A_2548 = arith.constant 128 : i32
      %mul3A_2549 = arith.muli %sub3A_1134, %mul3A_2548 : i32
      %add3A_2550 = arith.addi %mul3A_10, %mul3A_2549 : i32
      %add3A_2551 = vector.broadcast %add3A_2550 : i32 to vector<16xi32>
      %add3A_2552 = arith.addi %add3A_2551, %add3A_2547 : vector<16xi32>
      %mul3A_2553 = arith.constant 22 : i32
      %mul3A_2554 = vector.broadcast %mul3A_2553 : i32 to vector<16xi32>
      %mul3A_2555 = arith.muli %add3A_2552, %mul3A_2554 : vector<16xi32>
      %add3A_2556 = arith.constant 1 : i32
      %add3A_2557 = vector.broadcast %add3A_2556 : i32 to vector<16xi32>
      %add3A_2558 = arith.addi %mul3A_2555, %add3A_2557 : vector<16xi32>
      %swap3A_2559 = arith.constant 3 : i32
      %swap3A_2560 = arith.index_cast %swap3A_2559 : i32 to index
      %swap3A_2561 = arith.constant 16 : index
      %swap3A_2562 = tpu.vector_load %arg11[%swap3A_2560, %swap3A_2561] {strides = array<i32>} : memref<4x128xi32, #tpu.memory_space<vmem>>, vector<1x16xi32>,
      %swap3A_2563 = vector.shape_cast %swap3A_2562 : vector<1x16xi32> to vector<16xi32>
      %swap3A_2564 = vector.shape_cast %add3A_2558 : vector<16xi32> to vector<1x16xi32>
      tpu.vector_store %arg11[%swap3A_2560, %swap3A_2561], %swap3A_2564 {strides = array<i32>} : memref<4x128xi32, #tpu.memory_space<vmem>>, vector<1x16xi32>,
      %add3A_2565 = arith.constant 32 : i32
      %add3A_2566 = vector.broadcast %add3A_2565 : i32 to vector<16xi32>
      %add3A_2567 = arith.addi %iota3A, %add3A_2566 : vector<16xi32>
      %mul3A_2568 = arith.constant 128 : i32
      %mul3A_2569 = arith.muli %sub3A_1134, %mul3A_2568 : i32
      %add3A_2570 = arith.addi %mul3A_10, %mul3A_2569 : i32
      %add3A_2571 = vector.broadcast %add3A_2570 : i32 to vector<16xi32>
      %add3A_2572 = arith.addi %add3A_2571, %add3A_2567 : vector<16xi32>
      %mul3A_2573 = arith.constant 22 : i32
      %mul3A_2574 = vector.broadcast %mul3A_2573 : i32 to vector<16xi32>
      %mul3A_2575 = arith.muli %add3A_2572, %mul3A_2574 : vector<16xi32>
      %add3A_2576 = arith.constant 1 : i32
      %add3A_2577 = vector.broadcast %add3A_2576 : i32 to vector<16xi32>
      %add3A_2578 = arith.addi %mul3A_2575, %add3A_2577 : vector<16xi32>
      %swap3A_2579 = arith.constant 3 : i32
      %swap3A_2580 = arith.index_cast %swap3A_2579 : i32 to index
      %swap3A_2581 = arith.constant 32 : index
      %swap3A_2582 = tpu.vector_load %arg11[%swap3A_2580, %swap3A_2581] {strides = array<i32>} : memref<4x128xi32, #tpu.memory_space<vmem>>, vector<1x16xi32>,
      %swap3A_2583 = vector.shape_cast %swap3A_2582 : vector<1x16xi32> to vector<16xi32>
      %swap3A_2584 = vector.shape_cast %add3A_2578 : vector<16xi32> to vector<1x16xi32>
      tpu.vector_store %arg11[%swap3A_2580, %swap3A_2581], %swap3A_2584 {strides = array<i32>} : memref<4x128xi32, #tpu.memory_space<vmem>>, vector<1x16xi32>,
      %add3A_2585 = arith.constant 48 : i32
      %add3A_2586 = vector.broadcast %add3A_2585 : i32 to vector<16xi32>
      %add3A_2587 = arith.addi %iota3A, %add3A_2586 : vector<16xi32>
      %mul3A_2588 = arith.constant 128 : i32
      %mul3A_2589 = arith.muli %sub3A_1134, %mul3A_2588 : i32
      %add3A_2590 = arith.addi %mul3A_10, %mul3A_2589 : i32
      %add3A_2591 = vector.broadcast %add3A_2590 : i32 to vector<16xi32>
      %add3A_2592 = arith.addi %add3A_2591, %add3A_2587 : vector<16xi32>
      %mul3A_2593 = arith.constant 22 : i32
      %mul3A_2594 = vector.broadcast %mul3A_2593 : i32 to vector<16xi32>
      %mul3A_2595 = arith.muli %add3A_2592, %mul3A_2594 : vector<16xi32>
      %add3A_2596 = arith.constant 1 : i32
      %add3A_2597 = vector.broadcast %add3A_2596 : i32 to vector<16xi32>
      %add3A_2598 = arith.addi %mul3A_2595, %add3A_2597 : vector<16xi32>
      %swap3A_2599 = arith.constant 3 : i32
      %swap3A_2600 = arith.index_cast %swap3A_2599 : i32 to index
      %swap3A_2601 = arith.constant 48 : index
      %swap3A_2602 = tpu.vector_load %arg11[%swap3A_2600, %swap3A_2601] {strides = array<i32>} : memref<4x128xi32, #tpu.memory_space<vmem>>, vector<1x16xi32>,
      %swap3A_2603 = vector.shape_cast %swap3A_2602 : vector<1x16xi32> to vector<16xi32>
      %swap3A_2604 = vector.shape_cast %add3A_2598 : vector<16xi32> to vector<1x16xi32>
      tpu.vector_store %arg11[%swap3A_2600, %swap3A_2601], %swap3A_2604 {strides = array<i32>} : memref<4x128xi32, #tpu.memory_space<vmem>>, vector<1x16xi32>,
      %add3A_2605 = arith.constant 64 : i32
      %add3A_2606 = vector.broadcast %add3A_2605 : i32 to vector<16xi32>
      %add3A_2607 = arith.addi %iota3A, %add3A_2606 : vector<16xi32>
      %mul3A_2608 = arith.constant 128 : i32
      %mul3A_2609 = arith.muli %sub3A_1134, %mul3A_2608 : i32
      %add3A_2610 = arith.addi %mul3A_10, %mul3A_2609 : i32
      %add3A_2611 = vector.broadcast %add3A_2610 : i32 to vector<16xi32>
      %add3A_2612 = arith.addi %add3A_2611, %add3A_2607 : vector<16xi32>
      %mul3A_2613 = arith.constant 22 : i32
      %mul3A_2614 = vector.broadcast %mul3A_2613 : i32 to vector<16xi32>
      %mul3A_2615 = arith.muli %add3A_2612, %mul3A_2614 : vector<16xi32>
      %add3A_2616 = arith.constant 1 : i32
      %add3A_2617 = vector.broadcast %add3A_2616 : i32 to vector<16xi32>
      %add3A_2618 = arith.addi %mul3A_2615, %add3A_2617 : vector<16xi32>
      %swap3A_2619 = arith.constant 3 : i32
      %swap3A_2620 = arith.index_cast %swap3A_2619 : i32 to index
      %swap3A_2621 = arith.constant 64 : index
      %swap3A_2622 = tpu.vector_load %arg11[%swap3A_2620, %swap3A_2621] {strides = array<i32>} : memref<4x128xi32, #tpu.memory_space<vmem>>, vector<1x16xi32>,
      %swap3A_2623 = vector.shape_cast %swap3A_2622 : vector<1x16xi32> to vector<16xi32>
      %swap3A_2624 = vector.shape_cast %add3A_2618 : vector<16xi32> to vector<1x16xi32>
      tpu.vector_store %arg11[%swap3A_2620, %swap3A_2621], %swap3A_2624 {strides = array<i32>} : memref<4x128xi32, #tpu.memory_space<vmem>>, vector<1x16xi32>,
      %add3A_2625 = arith.constant 80 : i32
      %add3A_2626 = vector.broadcast %add3A_2625 : i32 to vector<16xi32>
      %add3A_2627 = arith.addi %iota3A, %add3A_2626 : vector<16xi32>
      %mul3A_2628 = arith.constant 128 : i32
      %mul3A_2629 = arith.muli %sub3A_1134, %mul3A_2628 : i32
      %add3A_2630 = arith.addi %mul3A_10, %mul3A_2629 : i32
      %add3A_2631 = vector.broadcast %add3A_2630 : i32 to vector<16xi32>
      %add3A_2632 = arith.addi %add3A_2631, %add3A_2627 : vector<16xi32>
      %mul3A_2633 = arith.constant 22 : i32
      %mul3A_2634 = vector.broadcast %mul3A_2633 : i32 to vector<16xi32>
      %mul3A_2635 = arith.muli %add3A_2632, %mul3A_2634 : vector<16xi32>
      %add3A_2636 = arith.constant 1 : i32
      %add3A_2637 = vector.broadcast %add3A_2636 : i32 to vector<16xi32>
      %add3A_2638 = arith.addi %mul3A_2635, %add3A_2637 : vector<16xi32>
      %swap3A_2639 = arith.constant 3 : i32
      %swap3A_2640 = arith.index_cast %swap3A_2639 : i32 to index
      %swap3A_2641 = arith.constant 80 : index
      %swap3A_2642 = tpu.vector_load %arg11[%swap3A_2640, %swap3A_2641] {strides = array<i32>} : memref<4x128xi32, #tpu.memory_space<vmem>>, vector<1x16xi32>,
      %swap3A_2643 = vector.shape_cast %swap3A_2642 : vector<1x16xi32> to vector<16xi32>
      %swap3A_2644 = vector.shape_cast %add3A_2638 : vector<16xi32> to vector<1x16xi32>
      tpu.vector_store %arg11[%swap3A_2640, %swap3A_2641], %swap3A_2644 {strides = array<i32>} : memref<4x128xi32, #tpu.memory_space<vmem>>, vector<1x16xi32>,
      %add3A_2645 = arith.constant 96 : i32
      %add3A_2646 = vector.broadcast %add3A_2645 : i32 to vector<16xi32>
      %add3A_2647 = arith.addi %iota3A, %add3A_2646 : vector<16xi32>
      %mul3A_2648 = arith.constant 128 : i32
      %mul3A_2649 = arith.muli %sub3A_1134, %mul3A_2648 : i32
      %add3A_2650 = arith.addi %mul3A_10, %mul3A_2649 : i32
      %add3A_2651 = vector.broadcast %add3A_2650 : i32 to vector<16xi32>
      %add3A_2652 = arith.addi %add3A_2651, %add3A_2647 : vector<16xi32>
      %mul3A_2653 = arith.constant 22 : i32
      %mul3A_2654 = vector.broadcast %mul3A_2653 : i32 to vector<16xi32>
      %mul3A_2655 = arith.muli %add3A_2652, %mul3A_2654 : vector<16xi32>
      %add3A_2656 = arith.constant 1 : i32
      %add3A_2657 = vector.broadcast %add3A_2656 : i32 to vector<16xi32>
      %add3A_2658 = arith.addi %mul3A_2655, %add3A_2657 : vector<16xi32>
      %swap3A_2659 = arith.constant 3 : i32
      %swap3A_2660 = arith.index_cast %swap3A_2659 : i32 to index
      %swap3A_2661 = arith.constant 96 : index
      %swap3A_2662 = tpu.vector_load %arg11[%swap3A_2660, %swap3A_2661] {strides = array<i32>} : memref<4x128xi32, #tpu.memory_space<vmem>>, vector<1x16xi32>,
      %swap3A_2663 = vector.shape_cast %swap3A_2662 : vector<1x16xi32> to vector<16xi32>
      %swap3A_2664 = vector.shape_cast %add3A_2658 : vector<16xi32> to vector<1x16xi32>
      tpu.vector_store %arg11[%swap3A_2660, %swap3A_2661], %swap3A_2664 {strides = array<i32>} : memref<4x128xi32, #tpu.memory_space<vmem>>, vector<1x16xi32>,
      %add3A_2665 = arith.constant 112 : i32
      %add3A_2666 = vector.broadcast %add3A_2665 : i32 to vector<16xi32>
      %add3A_2667 = arith.addi %iota3A, %add3A_2666 : vector<16xi32>
      %mul3A_2668 = arith.constant 128 : i32
      %mul3A_2669 = arith.muli %sub3A_1134, %mul3A_2668 : i32
      %add3A_2670 = arith.addi %mul3A_10, %mul3A_2669 : i32
      %add3A_2671 = vector.broadcast %add3A_2670 : i32 to vector<16xi32>
      %add3A_2672 = arith.addi %add3A_2671, %add3A_2667 : vector<16xi32>
      %mul3A_2673 = arith.constant 22 : i32
      %mul3A_2674 = vector.broadcast %mul3A_2673 : i32 to vector<16xi32>
      %mul3A_2675 = arith.muli %add3A_2672, %mul3A_2674 : vector<16xi32>
      %add3A_2676 = arith.constant 1 : i32
      %add3A_2677 = vector.broadcast %add3A_2676 : i32 to vector<16xi32>
      %add3A_2678 = arith.addi %mul3A_2675, %add3A_2677 : vector<16xi32>
      %swap3A_2679 = arith.constant 3 : i32
      %swap3A_2680 = arith.index_cast %swap3A_2679 : i32 to index
      %swap3A_2681 = arith.constant 112 : index
      %swap3A_2682 = tpu.vector_load %arg11[%swap3A_2680, %swap3A_2681] {strides = array<i32>} : memref<4x128xi32, #tpu.memory_space<vmem>>, vector<1x16xi32>,
      %swap3A_2683 = vector.shape_cast %swap3A_2682 : vector<1x16xi32> to vector<16xi32>
      %swap3A_2684 = vector.shape_cast %add3A_2678 : vector<16xi32> to vector<1x16xi32>
      tpu.vector_store %arg11[%swap3A_2680, %swap3A_2681], %swap3A_2684 {strides = array<i32>} : memref<4x128xi32, #tpu.memory_space<vmem>>, vector<1x16xi32>,
    } else {
    }
    %mul3A_1140 = arith.constant 4 : i32
    %mul3A_1141 = arith.muli %scan3A_1099, %mul3A_1140 : i32
    %add3A_1142 = arith.constant 1 : i32
    %add3A_1143 = arith.addi %mul3A_1141, %add3A_1142 : i32
    %dma_wait3A_1144 = arith.constant 1 : i32
    %dma_wait3A_1145 = arith.constant 0 : i32
    %dma_wait3A_1146 = arith.constant 0 : i32
    %dma_wait3A_1147 = tpu.memref_slice %arg12[%dma_wait3A_1144, %dma_wait3A_1145, %dma_wait3A_1146] : memref<4x128x32xf32, #tpu.memory_space<vmem>> -> memref<1x128x32xf32, #tpu.memory_space<vmem>>
    %dma_wait3A_1148 = tpu.memref_squeeze %dma_wait3A_1147 : memref<1x128x32xf32, #tpu.memory_space<vmem>> -> memref<128x32xf32, #tpu.memory_space<vmem>>
    %dma_wait3A_1149 = arith.constant 0 : i32
    %dma_wait3A_1150 = tpu.memref_slice %arg9[%dma_wait3A_1149] : memref<512xi32, #tpu.memory_space<vmem>> -> memref<128xi32, #tpu.memory_space<vmem>>
    %dma_wait3A_1151 = arith.constant 0 : i32
    %dma_wait3A_1152 = arith.constant 0 : i32
    %dma_wait3A_1153 = tpu.memref_slice %arg6[%dma_wait3A_1151, %dma_wait3A_1152] : memref<1000000x32xf32, #tpu.memory_space<hbm>> -> memref<1000000x32xf32, #tpu.memory_space<hbm>>
    tpu.wait_indirect_dma semaphore(%arg13 : memref<!tpu.dma_semaphore, #tpu.memory_space<semaphore_mem>>) src(%dma_wait3A_1153 : memref<1000000x32xf32, #tpu.memory_space<hbm>>) dst(%dma_wait3A_1148 : memref<128x32xf32, #tpu.memory_space<vmem>>)
    %dma_wait3A_1154 = arith.constant 0 : i32
    %dma_wait3A_1155 = arith.constant 0 : i32
    %dma_wait3A_1156 = arith.constant 0 : i32
    %dma_wait3A_1157 = arith.constant 0 : i32
    %dma_wait3A_1158 = tpu.memref_slice %arg12[%dma_wait3A_1154, %dma_wait3A_1156, %dma_wait3A_1157] : memref<4x128x32xf32, #tpu.memory_space<vmem>> -> memref<1x128x32xf32, #tpu.memory_space<vmem>>
    %dma_wait3A_1159 = tpu.memref_squeeze %dma_wait3A_1158 : memref<1x128x32xf32, #tpu.memory_space<vmem>> -> memref<128x32xf32, #tpu.memory_space<vmem>>
    %dma_wait3A_1160 = arith.constant 0 : i32
    %dma_wait3A_1161 = tpu.memref_slice %arg11[%dma_wait3A_1155, %dma_wait3A_1160] : memref<4x128xi32, #tpu.memory_space<vmem>> -> memref<1x128xi32, #tpu.memory_space<vmem>>
    %dma_wait3A_1162 = tpu.memref_squeeze %dma_wait3A_1161 : memref<1x128xi32, #tpu.memory_space<vmem>> -> memref<128xi32, #tpu.memory_space<vmem>>
    %dma_wait3A_1163 = arith.constant 0 : i32
    %dma_wait3A_1164 = arith.constant 0 : i32
    %dma_wait3A_1165 = tpu.memref_slice %arg7[%dma_wait3A_1163, %dma_wait3A_1164] : memref<360448x32xf32, #tpu.memory_space<hbm>> -> memref<360448x32xf32, #tpu.memory_space<hbm>>
    tpu.wait_indirect_dma semaphore(%arg14 : memref<!tpu.dma_semaphore, #tpu.memory_space<semaphore_mem>>) src(%dma_wait3A_1159 : memref<128x32xf32, #tpu.memory_space<vmem>>) dst(%dma_wait3A_1165 : memref<360448x32xf32, #tpu.memory_space<hbm>>)
    %dma_start3A_1166 = arith.constant 1 : i32
    %dma_start3A_1167 = arith.constant 1 : i32
    %dma_start3A_1168 = arith.constant 0 : i32
    %dma_start3A_1169 = arith.constant 0 : i32
    %dma_start3A_1170 = tpu.memref_slice %arg12[%dma_start3A_1166, %dma_start3A_1168, %dma_start3A_1169] : memref<4x128x32xf32, #tpu.memory_space<vmem>> -> memref<1x128x32xf32, #tpu.memory_space<vmem>>
    %dma_start3A_1171 = tpu.memref_squeeze %dma_start3A_1170 : memref<1x128x32xf32, #tpu.memory_space<vmem>> -> memref<128x32xf32, #tpu.memory_space<vmem>>
    %dma_start3A_1172 = arith.constant 0 : i32
    %dma_start3A_1173 = tpu.memref_slice %arg11[%dma_start3A_1167, %dma_start3A_1172] : memref<4x128xi32, #tpu.memory_space<vmem>> -> memref<1x128xi32, #tpu.memory_space<vmem>>
    %dma_start3A_1174 = tpu.memref_squeeze %dma_start3A_1173 : memref<1x128xi32, #tpu.memory_space<vmem>> -> memref<128xi32, #tpu.memory_space<vmem>>
    %dma_start3A_1175 = arith.constant 0 : i32
    %dma_start3A_1176 = arith.constant 0 : i32
    %dma_start3A_1177 = tpu.memref_slice %arg7[%dma_start3A_1175, %dma_start3A_1176] : memref<360448x32xf32, #tpu.memory_space<hbm>> -> memref<360448x32xf32, #tpu.memory_space<hbm>>
    tpu.enqueue_indirect_dma source(%dma_start3A_1171 : memref<128x32xf32, #tpu.memory_space<vmem>>) target(%dma_start3A_1177 : memref<360448x32xf32, #tpu.memory_space<hbm>>) offsets(%dma_start3A_1174 : memref<128xi32, #tpu.memory_space<vmem>>) semaphore(%arg14 : memref<!tpu.dma_semaphore, #tpu.memory_space<semaphore_mem>>)
    %add3A_1178 = arith.constant 4 : i32
    %add3A_1179 = arith.addi %add3A_1143, %add3A_1178 : i32
    %sub3A_1180 = arith.constant 1 : i32
    %sub3A_1181 = arith.subi %add3A_1179, %sub3A_1180 : i32
    %lt3A_1182 = arith.constant 4 : i32
    %lt3A_1183 = arith.cmpi slt, %sub3A_1181, %lt3A_1182 : i32
    %convert_element_type3A_1184 = arith.extui %lt3A_1183 : i1 to i32
    %cond3A_1185 = arith.constant 0 : i32
    %cond3A_1186 = arith.cmpi ne, %convert_element_type3A_1184, %cond3A_1185 : i32
    scf.if %cond3A_1186 {
      %mul3A_2514 = arith.constant 128 : i32
      %mul3A_2515 = arith.muli %sub3A_1181, %mul3A_2514 : i32
      %dma_start3A_2516 = arith.constant 0 : i32
      %dma_start3A_2517 = arith.constant 0 : i32
      %dma_start3A_2518 = arith.constant 0 : i32
      %dma_start3A_2519 = tpu.memref_slice %arg12[%dma_start3A_2516, %dma_start3A_2517, %dma_start3A_2518] : memref<4x128x32xf32, #tpu.memory_space<vmem>> -> memref<1x128x32xf32, #tpu.memory_space<vmem>>
      %dma_start3A_2520 = tpu.memref_squeeze %dma_start3A_2519 : memref<1x128x32xf32, #tpu.memory_space<vmem>> -> memref<128x32xf32, #tpu.memory_space<vmem>>
      %dma_start3A_2521 = tpu.memref_slice %arg9[%mul3A_2515] : memref<512xi32, #tpu.memory_space<vmem>> -> memref<128xi32, #tpu.memory_space<vmem>>
      %dma_start3A_2522 = arith.constant 0 : i32
      %dma_start3A_2523 = arith.constant 0 : i32
      %dma_start3A_2524 = tpu.memref_slice %arg6[%dma_start3A_2522, %dma_start3A_2523] : memref<1000000x32xf32, #tpu.memory_space<hbm>> -> memref<1000000x32xf32, #tpu.memory_space<hbm>>
      tpu.enqueue_indirect_dma source(%dma_start3A_2524 : memref<1000000x32xf32, #tpu.memory_space<hbm>>) target(%dma_start3A_2520 : memref<128x32xf32, #tpu.memory_space<vmem>>) offsets(%dma_start3A_2521 : memref<128xi32, #tpu.memory_space<vmem>>) semaphore(%arg13 : memref<!tpu.dma_semaphore, #tpu.memory_space<semaphore_mem>>)
      %add3A_2525 = arith.constant 0 : i32
      %add3A_2526 = vector.broadcast %add3A_2525 : i32 to vector<16xi32>
      %add3A_2527 = arith.addi %iota3A, %add3A_2526 : vector<16xi32>
      %mul3A_2528 = arith.constant 128 : i32
      %mul3A_2529 = arith.muli %sub3A_1181, %mul3A_2528 : i32
      %add3A_2530 = arith.addi %mul3A_10, %mul3A_2529 : i32
      %add3A_2531 = vector.broadcast %add3A_2530 : i32 to vector<16xi32>
      %add3A_2532 = arith.addi %add3A_2531, %add3A_2527 : vector<16xi32>
      %mul3A_2533 = arith.constant 22 : i32
      %mul3A_2534 = vector.broadcast %mul3A_2533 : i32 to vector<16xi32>
      %mul3A_2535 = arith.muli %add3A_2532, %mul3A_2534 : vector<16xi32>
      %add3A_2536 = arith.constant 1 : i32
      %add3A_2537 = vector.broadcast %add3A_2536 : i32 to vector<16xi32>
      %add3A_2538 = arith.addi %mul3A_2535, %add3A_2537 : vector<16xi32>
      %swap3A_2539 = arith.constant 0 : i32
      %swap3A_2540 = arith.index_cast %swap3A_2539 : i32 to index
      %swap3A_2541 = arith.constant 0 : index
      %swap3A_2542 = tpu.vector_load %arg11[%swap3A_2540, %swap3A_2541] {strides = array<i32>} : memref<4x128xi32, #tpu.memory_space<vmem>>, vector<1x16xi32>,
      %swap3A_2543 = vector.shape_cast %swap3A_2542 : vector<1x16xi32> to vector<16xi32>
      %swap3A_2544 = vector.shape_cast %add3A_2538 : vector<16xi32> to vector<1x16xi32>
      tpu.vector_store %arg11[%swap3A_2540, %swap3A_2541], %swap3A_2544 {strides = array<i32>} : memref<4x128xi32, #tpu.memory_space<vmem>>, vector<1x16xi32>,
      %add3A_2545 = arith.constant 16 : i32
      %add3A_2546 = vector.broadcast %add3A_2545 : i32 to vector<16xi32>
      %add3A_2547 = arith.addi %iota3A, %add3A_2546 : vector<16xi32>
      %mul3A_2548 = arith.constant 128 : i32
      %mul3A_2549 = arith.muli %sub3A_1181, %mul3A_2548 : i32
      %add3A_2550 = arith.addi %mul3A_10, %mul3A_2549 : i32
      %add3A_2551 = vector.broadcast %add3A_2550 : i32 to vector<16xi32>
      %add3A_2552 = arith.addi %add3A_2551, %add3A_2547 : vector<16xi32>
      %mul3A_2553 = arith.constant 22 : i32
      %mul3A_2554 = vector.broadcast %mul3A_2553 : i32 to vector<16xi32>
      %mul3A_2555 = arith.muli %add3A_2552, %mul3A_2554 : vector<16xi32>
      %add3A_2556 = arith.constant 1 : i32
      %add3A_2557 = vector.broadcast %add3A_2556 : i32 to vector<16xi32>
      %add3A_2558 = arith.addi %mul3A_2555, %add3A_2557 : vector<16xi32>
      %swap3A_2559 = arith.constant 0 : i32
      %swap3A_2560 = arith.index_cast %swap3A_2559 : i32 to index
      %swap3A_2561 = arith.constant 16 : index
      %swap3A_2562 = tpu.vector_load %arg11[%swap3A_2560, %swap3A_2561] {strides = array<i32>} : memref<4x128xi32, #tpu.memory_space<vmem>>, vector<1x16xi32>,
      %swap3A_2563 = vector.shape_cast %swap3A_2562 : vector<1x16xi32> to vector<16xi32>
      %swap3A_2564 = vector.shape_cast %add3A_2558 : vector<16xi32> to vector<1x16xi32>
      tpu.vector_store %arg11[%swap3A_2560, %swap3A_2561], %swap3A_2564 {strides = array<i32>} : memref<4x128xi32, #tpu.memory_space<vmem>>, vector<1x16xi32>,
      %add3A_2565 = arith.constant 32 : i32
      %add3A_2566 = vector.broadcast %add3A_2565 : i32 to vector<16xi32>
      %add3A_2567 = arith.addi %iota3A, %add3A_2566 : vector<16xi32>
      %mul3A_2568 = arith.constant 128 : i32
      %mul3A_2569 = arith.muli %sub3A_1181, %mul3A_2568 : i32
      %add3A_2570 = arith.addi %mul3A_10, %mul3A_2569 : i32
      %add3A_2571 = vector.broadcast %add3A_2570 : i32 to vector<16xi32>
      %add3A_2572 = arith.addi %add3A_2571, %add3A_2567 : vector<16xi32>
      %mul3A_2573 = arith.constant 22 : i32
      %mul3A_2574 = vector.broadcast %mul3A_2573 : i32 to vector<16xi32>
      %mul3A_2575 = arith.muli %add3A_2572, %mul3A_2574 : vector<16xi32>
      %add3A_2576 = arith.constant 1 : i32
      %add3A_2577 = vector.broadcast %add3A_2576 : i32 to vector<16xi32>
      %add3A_2578 = arith.addi %mul3A_2575, %add3A_2577 : vector<16xi32>
      %swap3A_2579 = arith.constant 0 : i32
      %swap3A_2580 = arith.index_cast %swap3A_2579 : i32 to index
      %swap3A_2581 = arith.constant 32 : index
      %swap3A_2582 = tpu.vector_load %arg11[%swap3A_2580, %swap3A_2581] {strides = array<i32>} : memref<4x128xi32, #tpu.memory_space<vmem>>, vector<1x16xi32>,
      %swap3A_2583 = vector.shape_cast %swap3A_2582 : vector<1x16xi32> to vector<16xi32>
      %swap3A_2584 = vector.shape_cast %add3A_2578 : vector<16xi32> to vector<1x16xi32>
      tpu.vector_store %arg11[%swap3A_2580, %swap3A_2581], %swap3A_2584 {strides = array<i32>} : memref<4x128xi32, #tpu.memory_space<vmem>>, vector<1x16xi32>,
      %add3A_2585 = arith.constant 48 : i32
      %add3A_2586 = vector.broadcast %add3A_2585 : i32 to vector<16xi32>
      %add3A_2587 = arith.addi %iota3A, %add3A_2586 : vector<16xi32>
      %mul3A_2588 = arith.constant 128 : i32
      %mul3A_2589 = arith.muli %sub3A_1181, %mul3A_2588 : i32
      %add3A_2590 = arith.addi %mul3A_10, %mul3A_2589 : i32
      %add3A_2591 = vector.broadcast %add3A_2590 : i32 to vector<16xi32>
      %add3A_2592 = arith.addi %add3A_2591, %add3A_2587 : vector<16xi32>
      %mul3A_2593 = arith.constant 22 : i32
      %mul3A_2594 = vector.broadcast %mul3A_2593 : i32 to vector<16xi32>
      %mul3A_2595 = arith.muli %add3A_2592, %mul3A_2594 : vector<16xi32>
      %add3A_2596 = arith.constant 1 : i32
      %add3A_2597 = vector.broadcast %add3A_2596 : i32 to vector<16xi32>
      %add3A_2598 = arith.addi %mul3A_2595, %add3A_2597 : vector<16xi32>
      %swap3A_2599 = arith.constant 0 : i32
      %swap3A_2600 = arith.index_cast %swap3A_2599 : i32 to index
      %swap3A_2601 = arith.constant 48 : index
      %swap3A_2602 = tpu.vector_load %arg11[%swap3A_2600, %swap3A_2601] {strides = array<i32>} : memref<4x128xi32, #tpu.memory_space<vmem>>, vector<1x16xi32>,
      %swap3A_2603 = vector.shape_cast %swap3A_2602 : vector<1x16xi32> to vector<16xi32>
      %swap3A_2604 = vector.shape_cast %add3A_2598 : vector<16xi32> to vector<1x16xi32>
      tpu.vector_store %arg11[%swap3A_2600, %swap3A_2601], %swap3A_2604 {strides = array<i32>} : memref<4x128xi32, #tpu.memory_space<vmem>>, vector<1x16xi32>,
      %add3A_2605 = arith.constant 64 : i32
      %add3A_2606 = vector.broadcast %add3A_2605 : i32 to vector<16xi32>
      %add3A_2607 = arith.addi %iota3A, %add3A_2606 : vector<16xi32>
      %mul3A_2608 = arith.constant 128 : i32
      %mul3A_2609 = arith.muli %sub3A_1181, %mul3A_2608 : i32
      %add3A_2610 = arith.addi %mul3A_10, %mul3A_2609 : i32
      %add3A_2611 = vector.broadcast %add3A_2610 : i32 to vector<16xi32>
      %add3A_2612 = arith.addi %add3A_2611, %add3A_2607 : vector<16xi32>
      %mul3A_2613 = arith.constant 22 : i32
      %mul3A_2614 = vector.broadcast %mul3A_2613 : i32 to vector<16xi32>
      %mul3A_2615 = arith.muli %add3A_2612, %mul3A_2614 : vector<16xi32>
      %add3A_2616 = arith.constant 1 : i32
      %add3A_2617 = vector.broadcast %add3A_2616 : i32 to vector<16xi32>
      %add3A_2618 = arith.addi %mul3A_2615, %add3A_2617 : vector<16xi32>
      %swap3A_2619 = arith.constant 0 : i32
      %swap3A_2620 = arith.index_cast %swap3A_2619 : i32 to index
      %swap3A_2621 = arith.constant 64 : index
      %swap3A_2622 = tpu.vector_load %arg11[%swap3A_2620, %swap3A_2621] {strides = array<i32>} : memref<4x128xi32, #tpu.memory_space<vmem>>, vector<1x16xi32>,
      %swap3A_2623 = vector.shape_cast %swap3A_2622 : vector<1x16xi32> to vector<16xi32>
      %swap3A_2624 = vector.shape_cast %add3A_2618 : vector<16xi32> to vector<1x16xi32>
      tpu.vector_store %arg11[%swap3A_2620, %swap3A_2621], %swap3A_2624 {strides = array<i32>} : memref<4x128xi32, #tpu.memory_space<vmem>>, vector<1x16xi32>,
      %add3A_2625 = arith.constant 80 : i32
      %add3A_2626 = vector.broadcast %add3A_2625 : i32 to vector<16xi32>
      %add3A_2627 = arith.addi %iota3A, %add3A_2626 : vector<16xi32>
      %mul3A_2628 = arith.constant 128 : i32
      %mul3A_2629 = arith.muli %sub3A_1181, %mul3A_2628 : i32
      %add3A_2630 = arith.addi %mul3A_10, %mul3A_2629 : i32
      %add3A_2631 = vector.broadcast %add3A_2630 : i32 to vector<16xi32>
      %add3A_2632 = arith.addi %add3A_2631, %add3A_2627 : vector<16xi32>
      %mul3A_2633 = arith.constant 22 : i32
      %mul3A_2634 = vector.broadcast %mul3A_2633 : i32 to vector<16xi32>
      %mul3A_2635 = arith.muli %add3A_2632, %mul3A_2634 : vector<16xi32>
      %add3A_2636 = arith.constant 1 : i32
      %add3A_2637 = vector.broadcast %add3A_2636 : i32 to vector<16xi32>
      %add3A_2638 = arith.addi %mul3A_2635, %add3A_2637 : vector<16xi32>
      %swap3A_2639 = arith.constant 0 : i32
      %swap3A_2640 = arith.index_cast %swap3A_2639 : i32 to index
      %swap3A_2641 = arith.constant 80 : index
      %swap3A_2642 = tpu.vector_load %arg11[%swap3A_2640, %swap3A_2641] {strides = array<i32>} : memref<4x128xi32, #tpu.memory_space<vmem>>, vector<1x16xi32>,
      %swap3A_2643 = vector.shape_cast %swap3A_2642 : vector<1x16xi32> to vector<16xi32>
      %swap3A_2644 = vector.shape_cast %add3A_2638 : vector<16xi32> to vector<1x16xi32>
      tpu.vector_store %arg11[%swap3A_2640, %swap3A_2641], %swap3A_2644 {strides = array<i32>} : memref<4x128xi32, #tpu.memory_space<vmem>>, vector<1x16xi32>,
      %add3A_2645 = arith.constant 96 : i32
      %add3A_2646 = vector.broadcast %add3A_2645 : i32 to vector<16xi32>
      %add3A_2647 = arith.addi %iota3A, %add3A_2646 : vector<16xi32>
      %mul3A_2648 = arith.constant 128 : i32
      %mul3A_2649 = arith.muli %sub3A_1181, %mul3A_2648 : i32
      %add3A_2650 = arith.addi %mul3A_10, %mul3A_2649 : i32
      %add3A_2651 = vector.broadcast %add3A_2650 : i32 to vector<16xi32>
      %add3A_2652 = arith.addi %add3A_2651, %add3A_2647 : vector<16xi32>
      %mul3A_2653 = arith.constant 22 : i32
      %mul3A_2654 = vector.broadcast %mul3A_2653 : i32 to vector<16xi32>
      %mul3A_2655 = arith.muli %add3A_2652, %mul3A_2654 : vector<16xi32>
      %add3A_2656 = arith.constant 1 : i32
      %add3A_2657 = vector.broadcast %add3A_2656 : i32 to vector<16xi32>
      %add3A_2658 = arith.addi %mul3A_2655, %add3A_2657 : vector<16xi32>
      %swap3A_2659 = arith.constant 0 : i32
      %swap3A_2660 = arith.index_cast %swap3A_2659 : i32 to index
      %swap3A_2661 = arith.constant 96 : index
      %swap3A_2662 = tpu.vector_load %arg11[%swap3A_2660, %swap3A_2661] {strides = array<i32>} : memref<4x128xi32, #tpu.memory_space<vmem>>, vector<1x16xi32>,
      %swap3A_2663 = vector.shape_cast %swap3A_2662 : vector<1x16xi32> to vector<16xi32>
      %swap3A_2664 = vector.shape_cast %add3A_2658 : vector<16xi32> to vector<1x16xi32>
      tpu.vector_store %arg11[%swap3A_2660, %swap3A_2661], %swap3A_2664 {strides = array<i32>} : memref<4x128xi32, #tpu.memory_space<vmem>>, vector<1x16xi32>,
      %add3A_2665 = arith.constant 112 : i32
      %add3A_2666 = vector.broadcast %add3A_2665 : i32 to vector<16xi32>
      %add3A_2667 = arith.addi %iota3A, %add3A_2666 : vector<16xi32>
      %mul3A_2668 = arith.constant 128 : i32
      %mul3A_2669 = arith.muli %sub3A_1181, %mul3A_2668 : i32
      %add3A_2670 = arith.addi %mul3A_10, %mul3A_2669 : i32
      %add3A_2671 = vector.broadcast %add3A_2670 : i32 to vector<16xi32>
      %add3A_2672 = arith.addi %add3A_2671, %add3A_2667 : vector<16xi32>
      %mul3A_2673 = arith.constant 22 : i32
      %mul3A_2674 = vector.broadcast %mul3A_2673 : i32 to vector<16xi32>
      %mul3A_2675 = arith.muli %add3A_2672, %mul3A_2674 : vector<16xi32>
      %add3A_2676 = arith.constant 1 : i32
      %add3A_2677 = vector.broadcast %add3A_2676 : i32 to vector<16xi32>
      %add3A_2678 = arith.addi %mul3A_2675, %add3A_2677 : vector<16xi32>
      %swap3A_2679 = arith.constant 0 : i32
      %swap3A_2680 = arith.index_cast %swap3A_2679 : i32 to index
      %swap3A_2681 = arith.constant 112 : index
      %swap3A_2682 = tpu.vector_load %arg11[%swap3A_2680, %swap3A_2681] {strides = array<i32>} : memref<4x128xi32, #tpu.memory_space<vmem>>, vector<1x16xi32>,
      %swap3A_2683 = vector.shape_cast %swap3A_2682 : vector<1x16xi32> to vector<16xi32>
      %swap3A_2684 = vector.shape_cast %add3A_2678 : vector<16xi32> to vector<1x16xi32>
      tpu.vector_store %arg11[%swap3A_2680, %swap3A_2681], %swap3A_2684 {strides = array<i32>} : memref<4x128xi32, #tpu.memory_space<vmem>>, vector<1x16xi32>,
    } else {
    }
    %mul3A_1187 = arith.constant 4 : i32
    %mul3A_1188 = arith.muli %scan3A_1099, %mul3A_1187 : i32
    %add3A_1189 = arith.constant 2 : i32
    %add3A_1190 = arith.addi %mul3A_1188, %add3A_1189 : i32
    %dma_wait3A_1191 = arith.constant 2 : i32
    %dma_wait3A_1192 = arith.constant 0 : i32
    %dma_wait3A_1193 = arith.constant 0 : i32
    %dma_wait3A_1194 = tpu.memref_slice %arg12[%dma_wait3A_1191, %dma_wait3A_1192, %dma_wait3A_1193] : memref<4x128x32xf32, #tpu.memory_space<vmem>> -> memref<1x128x32xf32, #tpu.memory_space<vmem>>
    %dma_wait3A_1195 = tpu.memref_squeeze %dma_wait3A_1194 : memref<1x128x32xf32, #tpu.memory_space<vmem>> -> memref<128x32xf32, #tpu.memory_space<vmem>>
    %dma_wait3A_1196 = arith.constant 0 : i32
    %dma_wait3A_1197 = tpu.memref_slice %arg9[%dma_wait3A_1196] : memref<512xi32, #tpu.memory_space<vmem>> -> memref<128xi32, #tpu.memory_space<vmem>>
    %dma_wait3A_1198 = arith.constant 0 : i32
    %dma_wait3A_1199 = arith.constant 0 : i32
    %dma_wait3A_1200 = tpu.memref_slice %arg6[%dma_wait3A_1198, %dma_wait3A_1199] : memref<1000000x32xf32, #tpu.memory_space<hbm>> -> memref<1000000x32xf32, #tpu.memory_space<hbm>>
    tpu.wait_indirect_dma semaphore(%arg13 : memref<!tpu.dma_semaphore, #tpu.memory_space<semaphore_mem>>) src(%dma_wait3A_1200 : memref<1000000x32xf32, #tpu.memory_space<hbm>>) dst(%dma_wait3A_1195 : memref<128x32xf32, #tpu.memory_space<vmem>>)
    %dma_wait3A_1201 = arith.constant 0 : i32
    %dma_wait3A_1202 = arith.constant 0 : i32
    %dma_wait3A_1203 = arith.constant 0 : i32
    %dma_wait3A_1204 = arith.constant 0 : i32
    %dma_wait3A_1205 = tpu.memref_slice %arg12[%dma_wait3A_1201, %dma_wait3A_1203, %dma_wait3A_1204] : memref<4x128x32xf32, #tpu.memory_space<vmem>> -> memref<1x128x32xf32, #tpu.memory_space<vmem>>
    %dma_wait3A_1206 = tpu.memref_squeeze %dma_wait3A_1205 : memref<1x128x32xf32, #tpu.memory_space<vmem>> -> memref<128x32xf32, #tpu.memory_space<vmem>>
    %dma_wait3A_1207 = arith.constant 0 : i32
    %dma_wait3A_1208 = tpu.memref_slice %arg11[%dma_wait3A_1202, %dma_wait3A_1207] : memref<4x128xi32, #tpu.memory_space<vmem>> -> memref<1x128xi32, #tpu.memory_space<vmem>>
    %dma_wait3A_1209 = tpu.memref_squeeze %dma_wait3A_1208 : memref<1x128xi32, #tpu.memory_space<vmem>> -> memref<128xi32, #tpu.memory_space<vmem>>
    %dma_wait3A_1210 = arith.constant 0 : i32
    %dma_wait3A_1211 = arith.constant 0 : i32
    %dma_wait3A_1212 = tpu.memref_slice %arg7[%dma_wait3A_1210, %dma_wait3A_1211] : memref<360448x32xf32, #tpu.memory_space<hbm>> -> memref<360448x32xf32, #tpu.memory_space<hbm>>
    tpu.wait_indirect_dma semaphore(%arg14 : memref<!tpu.dma_semaphore, #tpu.memory_space<semaphore_mem>>) src(%dma_wait3A_1206 : memref<128x32xf32, #tpu.memory_space<vmem>>) dst(%dma_wait3A_1212 : memref<360448x32xf32, #tpu.memory_space<hbm>>)
    %dma_start3A_1213 = arith.constant 2 : i32
    %dma_start3A_1214 = arith.constant 2 : i32
    %dma_start3A_1215 = arith.constant 0 : i32
    %dma_start3A_1216 = arith.constant 0 : i32
    %dma_start3A_1217 = tpu.memref_slice %arg12[%dma_start3A_1213, %dma_start3A_1215, %dma_start3A_1216] : memref<4x128x32xf32, #tpu.memory_space<vmem>> -> memref<1x128x32xf32, #tpu.memory_space<vmem>>
    %dma_start3A_1218 = tpu.memref_squeeze %dma_start3A_1217 : memref<1x128x32xf32, #tpu.memory_space<vmem>> -> memref<128x32xf32, #tpu.memory_space<vmem>>
    %dma_start3A_1219 = arith.constant 0 : i32
    %dma_start3A_1220 = tpu.memref_slice %arg11[%dma_start3A_1214, %dma_start3A_1219] : memref<4x128xi32, #tpu.memory_space<vmem>> -> memref<1x128xi32, #tpu.memory_space<vmem>>
    %dma_start3A_1221 = tpu.memref_squeeze %dma_start3A_1220 : memref<1x128xi32, #tpu.memory_space<vmem>> -> memref<128xi32, #tpu.memory_space<vmem>>
    %dma_start3A_1222 = arith.constant 0 : i32
    %dma_start3A_1223 = arith.constant 0 : i32
    %dma_start3A_1224 = tpu.memref_slice %arg7[%dma_start3A_1222, %dma_start3A_1223] : memref<360448x32xf32, #tpu.memory_space<hbm>> -> memref<360448x32xf32, #tpu.memory_space<hbm>>
    tpu.enqueue_indirect_dma source(%dma_start3A_1218 : memref<128x32xf32, #tpu.memory_space<vmem>>) target(%dma_start3A_1224 : memref<360448x32xf32, #tpu.memory_space<hbm>>) offsets(%dma_start3A_1221 : memref<128xi32, #tpu.memory_space<vmem>>) semaphore(%arg14 : memref<!tpu.dma_semaphore, #tpu.memory_space<semaphore_mem>>)
    %add3A_1225 = arith.constant 4 : i32
    %add3A_1226 = arith.addi %add3A_1190, %add3A_1225 : i32
    %sub3A_1227 = arith.constant 1 : i32
    %sub3A_1228 = arith.subi %add3A_1226, %sub3A_1227 : i32
    %lt3A_1229 = arith.constant 4 : i32
    %lt3A_1230 = arith.cmpi slt, %sub3A_1228, %lt3A_1229 : i32
    %convert_element_type3A_1231 = arith.extui %lt3A_1230 : i1 to i32
    %cond3A_1232 = arith.constant 0 : i32
    %cond3A_1233 = arith.cmpi ne, %convert_element_type3A_1231, %cond3A_1232 : i32
    scf.if %cond3A_1233 {
      %mul3A_2514 = arith.constant 128 : i32
      %mul3A_2515 = arith.muli %sub3A_1228, %mul3A_2514 : i32
      %dma_start3A_2516 = arith.constant 1 : i32
      %dma_start3A_2517 = arith.constant 0 : i32
      %dma_start3A_2518 = arith.constant 0 : i32
      %dma_start3A_2519 = tpu.memref_slice %arg12[%dma_start3A_2516, %dma_start3A_2517, %dma_start3A_2518] : memref<4x128x32xf32, #tpu.memory_space<vmem>> -> memref<1x128x32xf32, #tpu.memory_space<vmem>>
      %dma_start3A_2520 = tpu.memref_squeeze %dma_start3A_2519 : memref<1x128x32xf32, #tpu.memory_space<vmem>> -> memref<128x32xf32, #tpu.memory_space<vmem>>
      %dma_start3A_2521 = tpu.memref_slice %arg9[%mul3A_2515] : memref<512xi32, #tpu.memory_space<vmem>> -> memref<128xi32, #tpu.memory_space<vmem>>
      %dma_start3A_2522 = arith.constant 0 : i32
      %dma_start3A_2523 = arith.constant 0 : i32
      %dma_start3A_2524 = tpu.memref_slice %arg6[%dma_start3A_2522, %dma_start3A_2523] : memref<1000000x32xf32, #tpu.memory_space<hbm>> -> memref<1000000x32xf32, #tpu.memory_space<hbm>>
      tpu.enqueue_indirect_dma source(%dma_start3A_2524 : memref<1000000x32xf32, #tpu.memory_space<hbm>>) target(%dma_start3A_2520 : memref<128x32xf32, #tpu.memory_space<vmem>>) offsets(%dma_start3A_2521 : memref<128xi32, #tpu.memory_space<vmem>>) semaphore(%arg13 : memref<!tpu.dma_semaphore, #tpu.memory_space<semaphore_mem>>)
      %add3A_2525 = arith.constant 0 : i32
      %add3A_2526 = vector.broadcast %add3A_2525 : i32 to vector<16xi32>
      %add3A_2527 = arith.addi %iota3A, %add3A_2526 : vector<16xi32>
      %mul3A_2528 = arith.constant 128 : i32
      %mul3A_2529 = arith.muli %sub3A_1228, %mul3A_2528 : i32
      %add3A_2530 = arith.addi %mul3A_10, %mul3A_2529 : i32
      %add3A_2531 = vector.broadcast %add3A_2530 : i32 to vector<16xi32>
      %add3A_2532 = arith.addi %add3A_2531, %add3A_2527 : vector<16xi32>
      %mul3A_2533 = arith.constant 22 : i32
      %mul3A_2534 = vector.broadcast %mul3A_2533 : i32 to vector<16xi32>
      %mul3A_2535 = arith.muli %add3A_2532, %mul3A_2534 : vector<16xi32>
      %add3A_2536 = arith.constant 1 : i32
      %add3A_2537 = vector.broadcast %add3A_2536 : i32 to vector<16xi32>
      %add3A_2538 = arith.addi %mul3A_2535, %add3A_2537 : vector<16xi32>
      %swap3A_2539 = arith.constant 1 : i32
      %swap3A_2540 = arith.index_cast %swap3A_2539 : i32 to index
      %swap3A_2541 = arith.constant 0 : index
      %swap3A_2542 = tpu.vector_load %arg11[%swap3A_2540, %swap3A_2541] {strides = array<i32>} : memref<4x128xi32, #tpu.memory_space<vmem>>, vector<1x16xi32>,
      %swap3A_2543 = vector.shape_cast %swap3A_2542 : vector<1x16xi32> to vector<16xi32>
      %swap3A_2544 = vector.shape_cast %add3A_2538 : vector<16xi32> to vector<1x16xi32>
      tpu.vector_store %arg11[%swap3A_2540, %swap3A_2541], %swap3A_2544 {strides = array<i32>} : memref<4x128xi32, #tpu.memory_space<vmem>>, vector<1x16xi32>,
      %add3A_2545 = arith.constant 16 : i32
      %add3A_2546 = vector.broadcast %add3A_2545 : i32 to vector<16xi32>
      %add3A_2547 = arith.addi %iota3A, %add3A_2546 : vector<16xi32>
      %mul3A_2548 = arith.constant 128 : i32
      %mul3A_2549 = arith.muli %sub3A_1228, %mul3A_2548 : i32
      %add3A_2550 = arith.addi %mul3A_10, %mul3A_2549 : i32
      %add3A_2551 = vector.broadcast %add3A_2550 : i32 to vector<16xi32>
      %add3A_2552 = arith.addi %add3A_2551, %add3A_2547 : vector<16xi32>
      %mul3A_2553 = arith.constant 22 : i32
      %mul3A_2554 = vector.broadcast %mul3A_2553 : i32 to vector<16xi32>
      %mul3A_2555 = arith.muli %add3A_2552, %mul3A_2554 : vector<16xi32>
      %add3A_2556 = arith.constant 1 : i32
      %add3A_2557 = vector.broadcast %add3A_2556 : i32 to vector<16xi32>
      %add3A_2558 = arith.addi %mul3A_2555, %add3A_2557 : vector<16xi32>
      %swap3A_2559 = arith.constant 1 : i32
      %swap3A_2560 = arith.index_cast %swap3A_2559 : i32 to index
      %swap3A_2561 = arith.constant 16 : index
      %swap3A_2562 = tpu.vector_load %arg11[%swap3A_2560, %swap3A_2561] {strides = array<i32>} : memref<4x128xi32, #tpu.memory_space<vmem>>, vector<1x16xi32>,
      %swap3A_2563 = vector.shape_cast %swap3A_2562 : vector<1x16xi32> to vector<16xi32>
      %swap3A_2564 = vector.shape_cast %add3A_2558 : vector<16xi32> to vector<1x16xi32>
      tpu.vector_store %arg11[%swap3A_2560, %swap3A_2561], %swap3A_2564 {strides = array<i32>} : memref<4x128xi32, #tpu.memory_space<vmem>>, vector<1x16xi32>,
      %add3A_2565 = arith.constant 32 : i32
      %add3A_2566 = vector.broadcast %add3A_2565 : i32 to vector<16xi32>
      %add3A_2567 = arith.addi %iota3A, %add3A_2566 : vector<16xi32>
      %mul3A_2568 = arith.constant 128 : i32
      %mul3A_2569 = arith.muli %sub3A_1228, %mul3A_2568 : i32
      %add3A_2570 = arith.addi %mul3A_10, %mul3A_2569 : i32
      %add3A_2571 = vector.broadcast %add3A_2570 : i32 to vector<16xi32>
      %add3A_2572 = arith.addi %add3A_2571, %add3A_2567 : vector<16xi32>
      %mul3A_2573 = arith.constant 22 : i32
      %mul3A_2574 = vector.broadcast %mul3A_2573 : i32 to vector<16xi32>
      %mul3A_2575 = arith.muli %add3A_2572, %mul3A_2574 : vector<16xi32>
      %add3A_2576 = arith.constant 1 : i32
      %add3A_2577 = vector.broadcast %add3A_2576 : i32 to vector<16xi32>
      %add3A_2578 = arith.addi %mul3A_2575, %add3A_2577 : vector<16xi32>
      %swap3A_2579 = arith.constant 1 : i32
      %swap3A_2580 = arith.index_cast %swap3A_2579 : i32 to index
      %swap3A_2581 = arith.constant 32 : index
      %swap3A_2582 = tpu.vector_load %arg11[%swap3A_2580, %swap3A_2581] {strides = array<i32>} : memref<4x128xi32, #tpu.memory_space<vmem>>, vector<1x16xi32>,
      %swap3A_2583 = vector.shape_cast %swap3A_2582 : vector<1x16xi32> to vector<16xi32>
      %swap3A_2584 = vector.shape_cast %add3A_2578 : vector<16xi32> to vector<1x16xi32>
      tpu.vector_store %arg11[%swap3A_2580, %swap3A_2581], %swap3A_2584 {strides = array<i32>} : memref<4x128xi32, #tpu.memory_space<vmem>>, vector<1x16xi32>,
      %add3A_2585 = arith.constant 48 : i32
      %add3A_2586 = vector.broadcast %add3A_2585 : i32 to vector<16xi32>
      %add3A_2587 = arith.addi %iota3A, %add3A_2586 : vector<16xi32>
      %mul3A_2588 = arith.constant 128 : i32
      %mul3A_2589 = arith.muli %sub3A_1228, %mul3A_2588 : i32
      %add3A_2590 = arith.addi %mul3A_10, %mul3A_2589 : i32
      %add3A_2591 = vector.broadcast %add3A_2590 : i32 to vector<16xi32>
      %add3A_2592 = arith.addi %add3A_2591, %add3A_2587 : vector<16xi32>
      %mul3A_2593 = arith.constant 22 : i32
      %mul3A_2594 = vector.broadcast %mul3A_2593 : i32 to vector<16xi32>
      %mul3A_2595 = arith.muli %add3A_2592, %mul3A_2594 : vector<16xi32>
      %add3A_2596 = arith.constant 1 : i32
      %add3A_2597 = vector.broadcast %add3A_2596 : i32 to vector<16xi32>
      %add3A_2598 = arith.addi %mul3A_2595, %add3A_2597 : vector<16xi32>
      %swap3A_2599 = arith.constant 1 : i32
      %swap3A_2600 = arith.index_cast %swap3A_2599 : i32 to index
      %swap3A_2601 = arith.constant 48 : index
      %swap3A_2602 = tpu.vector_load %arg11[%swap3A_2600, %swap3A_2601] {strides = array<i32>} : memref<4x128xi32, #tpu.memory_space<vmem>>, vector<1x16xi32>,
      %swap3A_2603 = vector.shape_cast %swap3A_2602 : vector<1x16xi32> to vector<16xi32>
      %swap3A_2604 = vector.shape_cast %add3A_2598 : vector<16xi32> to vector<1x16xi32>
      tpu.vector_store %arg11[%swap3A_2600, %swap3A_2601], %swap3A_2604 {strides = array<i32>} : memref<4x128xi32, #tpu.memory_space<vmem>>, vector<1x16xi32>,
      %add3A_2605 = arith.constant 64 : i32
      %add3A_2606 = vector.broadcast %add3A_2605 : i32 to vector<16xi32>
      %add3A_2607 = arith.addi %iota3A, %add3A_2606 : vector<16xi32>
      %mul3A_2608 = arith.constant 128 : i32
      %mul3A_2609 = arith.muli %sub3A_1228, %mul3A_2608 : i32
      %add3A_2610 = arith.addi %mul3A_10, %mul3A_2609 : i32
      %add3A_2611 = vector.broadcast %add3A_2610 : i32 to vector<16xi32>
      %add3A_2612 = arith.addi %add3A_2611, %add3A_2607 : vector<16xi32>
      %mul3A_2613 = arith.constant 22 : i32
      %mul3A_2614 = vector.broadcast %mul3A_2613 : i32 to vector<16xi32>
      %mul3A_2615 = arith.muli %add3A_2612, %mul3A_2614 : vector<16xi32>
      %add3A_2616 = arith.constant 1 : i32
      %add3A_2617 = vector.broadcast %add3A_2616 : i32 to vector<16xi32>
      %add3A_2618 = arith.addi %mul3A_2615, %add3A_2617 : vector<16xi32>
      %swap3A_2619 = arith.constant 1 : i32
      %swap3A_2620 = arith.index_cast %swap3A_2619 : i32 to index
      %swap3A_2621 = arith.constant 64 : index
      %swap3A_2622 = tpu.vector_load %arg11[%swap3A_2620, %swap3A_2621] {strides = array<i32>} : memref<4x128xi32, #tpu.memory_space<vmem>>, vector<1x16xi32>,
      %swap3A_2623 = vector.shape_cast %swap3A_2622 : vector<1x16xi32> to vector<16xi32>
      %swap3A_2624 = vector.shape_cast %add3A_2618 : vector<16xi32> to vector<1x16xi32>
      tpu.vector_store %arg11[%swap3A_2620, %swap3A_2621], %swap3A_2624 {strides = array<i32>} : memref<4x128xi32, #tpu.memory_space<vmem>>, vector<1x16xi32>,
      %add3A_2625 = arith.constant 80 : i32
      %add3A_2626 = vector.broadcast %add3A_2625 : i32 to vector<16xi32>
      %add3A_2627 = arith.addi %iota3A, %add3A_2626 : vector<16xi32>
      %mul3A_2628 = arith.constant 128 : i32
      %mul3A_2629 = arith.muli %sub3A_1228, %mul3A_2628 : i32
      %add3A_2630 = arith.addi %mul3A_10, %mul3A_2629 : i32
      %add3A_2631 = vector.broadcast %add3A_2630 : i32 to vector<16xi32>
      %add3A_2632 = arith.addi %add3A_2631, %add3A_2627 : vector<16xi32>
      %mul3A_2633 = arith.constant 22 : i32
      %mul3A_2634 = vector.broadcast %mul3A_2633 : i32 to vector<16xi32>
      %mul3A_2635 = arith.muli %add3A_2632, %mul3A_2634 : vector<16xi32>
      %add3A_2636 = arith.constant 1 : i32
      %add3A_2637 = vector.broadcast %add3A_2636 : i32 to vector<16xi32>
      %add3A_2638 = arith.addi %mul3A_2635, %add3A_2637 : vector<16xi32>
      %swap3A_2639 = arith.constant 1 : i32
      %swap3A_2640 = arith.index_cast %swap3A_2639 : i32 to index
      %swap3A_2641 = arith.constant 80 : index
      %swap3A_2642 = tpu.vector_load %arg11[%swap3A_2640, %swap3A_2641] {strides = array<i32>} : memref<4x128xi32, #tpu.memory_space<vmem>>, vector<1x16xi32>,
      %swap3A_2643 = vector.shape_cast %swap3A_2642 : vector<1x16xi32> to vector<16xi32>
      %swap3A_2644 = vector.shape_cast %add3A_2638 : vector<16xi32> to vector<1x16xi32>
      tpu.vector_store %arg11[%swap3A_2640, %swap3A_2641], %swap3A_2644 {strides = array<i32>} : memref<4x128xi32, #tpu.memory_space<vmem>>, vector<1x16xi32>,
      %add3A_2645 = arith.constant 96 : i32
      %add3A_2646 = vector.broadcast %add3A_2645 : i32 to vector<16xi32>
      %add3A_2647 = arith.addi %iota3A, %add3A_2646 : vector<16xi32>
      %mul3A_2648 = arith.constant 128 : i32
      %mul3A_2649 = arith.muli %sub3A_1228, %mul3A_2648 : i32
      %add3A_2650 = arith.addi %mul3A_10, %mul3A_2649 : i32
      %add3A_2651 = vector.broadcast %add3A_2650 : i32 to vector<16xi32>
      %add3A_2652 = arith.addi %add3A_2651, %add3A_2647 : vector<16xi32>
      %mul3A_2653 = arith.constant 22 : i32
      %mul3A_2654 = vector.broadcast %mul3A_2653 : i32 to vector<16xi32>
      %mul3A_2655 = arith.muli %add3A_2652, %mul3A_2654 : vector<16xi32>
      %add3A_2656 = arith.constant 1 : i32
      %add3A_2657 = vector.broadcast %add3A_2656 : i32 to vector<16xi32>
      %add3A_2658 = arith.addi %mul3A_2655, %add3A_2657 : vector<16xi32>
      %swap3A_2659 = arith.constant 1 : i32
      %swap3A_2660 = arith.index_cast %swap3A_2659 : i32 to index
      %swap3A_2661 = arith.constant 96 : index
      %swap3A_2662 = tpu.vector_load %arg11[%swap3A_2660, %swap3A_2661] {strides = array<i32>} : memref<4x128xi32, #tpu.memory_space<vmem>>, vector<1x16xi32>,
      %swap3A_2663 = vector.shape_cast %swap3A_2662 : vector<1x16xi32> to vector<16xi32>
      %swap3A_2664 = vector.shape_cast %add3A_2658 : vector<16xi32> to vector<1x16xi32>
      tpu.vector_store %arg11[%swap3A_2660, %swap3A_2661], %swap3A_2664 {strides = array<i32>} : memref<4x128xi32, #tpu.memory_space<vmem>>, vector<1x16xi32>,
      %add3A_2665 = arith.constant 112 : i32
      %add3A_2666 = vector.broadcast %add3A_2665 : i32 to vector<16xi32>
      %add3A_2667 = arith.addi %iota3A, %add3A_2666 : vector<16xi32>
      %mul3A_2668 = arith.constant 128 : i32
      %mul3A_2669 = arith.muli %sub3A_1228, %mul3A_2668 : i32
      %add3A_2670 = arith.addi %mul3A_10, %mul3A_2669 : i32
      %add3A_2671 = vector.broadcast %add3A_2670 : i32 to vector<16xi32>
      %add3A_2672 = arith.addi %add3A_2671, %add3A_2667 : vector<16xi32>
      %mul3A_2673 = arith.constant 22 : i32
      %mul3A_2674 = vector.broadcast %mul3A_2673 : i32 to vector<16xi32>
      %mul3A_2675 = arith.muli %add3A_2672, %mul3A_2674 : vector<16xi32>
      %add3A_2676 = arith.constant 1 : i32
      %add3A_2677 = vector.broadcast %add3A_2676 : i32 to vector<16xi32>
      %add3A_2678 = arith.addi %mul3A_2675, %add3A_2677 : vector<16xi32>
      %swap3A_2679 = arith.constant 1 : i32
      %swap3A_2680 = arith.index_cast %swap3A_2679 : i32 to index
      %swap3A_2681 = arith.constant 112 : index
      %swap3A_2682 = tpu.vector_load %arg11[%swap3A_2680, %swap3A_2681] {strides = array<i32>} : memref<4x128xi32, #tpu.memory_space<vmem>>, vector<1x16xi32>,
      %swap3A_2683 = vector.shape_cast %swap3A_2682 : vector<1x16xi32> to vector<16xi32>
      %swap3A_2684 = vector.shape_cast %add3A_2678 : vector<16xi32> to vector<1x16xi32>
      tpu.vector_store %arg11[%swap3A_2680, %swap3A_2681], %swap3A_2684 {strides = array<i32>} : memref<4x128xi32, #tpu.memory_space<vmem>>, vector<1x16xi32>,
    } else {
    }
    %mul3A_1234 = arith.constant 4 : i32
    %mul3A_1235 = arith.muli %scan3A_1099, %mul3A_1234 : i32
    %add3A_1236 = arith.constant 3 : i32
    %add3A_1237 = arith.addi %mul3A_1235, %add3A_1236 : i32
    %dma_wait3A_1238 = arith.constant 3 : i32
    %dma_wait3A_1239 = arith.constant 0 : i32
    %dma_wait3A_1240 = arith.constant 0 : i32
    %dma_wait3A_1241 = tpu.memref_slice %arg12[%dma_wait3A_1238, %dma_wait3A_1239, %dma_wait3A_1240] : memref<4x128x32xf32, #tpu.memory_space<vmem>> -> memref<1x128x32xf32, #tpu.memory_space<vmem>>
    %dma_wait3A_1242 = tpu.memref_squeeze %dma_wait3A_1241 : memref<1x128x32xf32, #tpu.memory_space<vmem>> -> memref<128x32xf32, #tpu.memory_space<vmem>>
    %dma_wait3A_1243 = arith.constant 0 : i32
    %dma_wait3A_1244 = tpu.memref_slice %arg9[%dma_wait3A_1243] : memref<512xi32, #tpu.memory_space<vmem>> -> memref<128xi32, #tpu.memory_space<vmem>>
    %dma_wait3A_1245 = arith.constant 0 : i32
    %dma_wait3A_1246 = arith.constant 0 : i32
    %dma_wait3A_1247 = tpu.memref_slice %arg6[%dma_wait3A_1245, %dma_wait3A_1246] : memref<1000000x32xf32, #tpu.memory_space<hbm>> -> memref<1000000x32xf32, #tpu.memory_space<hbm>>
    tpu.wait_indirect_dma semaphore(%arg13 : memref<!tpu.dma_semaphore, #tpu.memory_space<semaphore_mem>>) src(%dma_wait3A_1247 : memref<1000000x32xf32, #tpu.memory_space<hbm>>) dst(%dma_wait3A_1242 : memref<128x32xf32, #tpu.memory_space<vmem>>)
    %dma_wait3A_1248 = arith.constant 0 : i32
    %dma_wait3A_1249 = arith.constant 0 : i32
    %dma_wait3A_1250 = arith.constant 0 : i32
    %dma_wait3A_1251 = arith.constant 0 : i32
    %dma_wait3A_1252 = tpu.memref_slice %arg12[%dma_wait3A_1248, %dma_wait3A_1250, %dma_wait3A_1251] : memref<4x128x32xf32, #tpu.memory_space<vmem>> -> memref<1x128x32xf32, #tpu.memory_space<vmem>>
    %dma_wait3A_1253 = tpu.memref_squeeze %dma_wait3A_1252 : memref<1x128x32xf32, #tpu.memory_space<vmem>> -> memref<128x32xf32, #tpu.memory_space<vmem>>
    %dma_wait3A_1254 = arith.constant 0 : i32
    %dma_wait3A_1255 = tpu.memref_slice %arg11[%dma_wait3A_1249, %dma_wait3A_1254] : memref<4x128xi32, #tpu.memory_space<vmem>> -> memref<1x128xi32, #tpu.memory_space<vmem>>
    %dma_wait3A_1256 = tpu.memref_squeeze %dma_wait3A_1255 : memref<1x128xi32, #tpu.memory_space<vmem>> -> memref<128xi32, #tpu.memory_space<vmem>>
    %dma_wait3A_1257 = arith.constant 0 : i32
    %dma_wait3A_1258 = arith.constant 0 : i32
    %dma_wait3A_1259 = tpu.memref_slice %arg7[%dma_wait3A_1257, %dma_wait3A_1258] : memref<360448x32xf32, #tpu.memory_space<hbm>> -> memref<360448x32xf32, #tpu.memory_space<hbm>>
    tpu.wait_indirect_dma semaphore(%arg14 : memref<!tpu.dma_semaphore, #tpu.memory_space<semaphore_mem>>) src(%dma_wait3A_1253 : memref<128x32xf32, #tpu.memory_space<vmem>>) dst(%dma_wait3A_1259 : memref<360448x32xf32, #tpu.memory_space<hbm>>)
    %dma_start3A_1260 = arith.constant 3 : i32
    %dma_start3A_1261 = arith.constant 3 : i32
    %dma_start3A_1262 = arith.constant 0 : i32
    %dma_start3A_1263 = arith.constant 0 : i32
    %dma_start3A_1264 = tpu.memref_slice %arg12[%dma_start3A_1260, %dma_start3A_1262, %dma_start3A_1263] : memref<4x128x32xf32, #tpu.memory_space<vmem>> -> memref<1x128x32xf32, #tpu.memory_space<vmem>>
    %dma_start3A_1265 = tpu.memref_squeeze %dma_start3A_1264 : memref<1x128x32xf32, #tpu.memory_space<vmem>> -> memref<128x32xf32, #tpu.memory_space<vmem>>
    %dma_start3A_1266 = arith.constant 0 : i32
    %dma_start3A_1267 = tpu.memref_slice %arg11[%dma_start3A_1261, %dma_start3A_1266] : memref<4x128xi32, #tpu.memory_space<vmem>> -> memref<1x128xi32, #tpu.memory_space<vmem>>
    %dma_start3A_1268 = tpu.memref_squeeze %dma_start3A_1267 : memref<1x128xi32, #tpu.memory_space<vmem>> -> memref<128xi32, #tpu.memory_space<vmem>>
    %dma_start3A_1269 = arith.constant 0 : i32
    %dma_start3A_1270 = arith.constant 0 : i32
    %dma_start3A_1271 = tpu.memref_slice %arg7[%dma_start3A_1269, %dma_start3A_1270] : memref<360448x32xf32, #tpu.memory_space<hbm>> -> memref<360448x32xf32, #tpu.memory_space<hbm>>
    tpu.enqueue_indirect_dma source(%dma_start3A_1265 : memref<128x32xf32, #tpu.memory_space<vmem>>) target(%dma_start3A_1271 : memref<360448x32xf32, #tpu.memory_space<hbm>>) offsets(%dma_start3A_1268 : memref<128xi32, #tpu.memory_space<vmem>>) semaphore(%arg14 : memref<!tpu.dma_semaphore, #tpu.memory_space<semaphore_mem>>)
    %add3A_1272 = arith.constant 4 : i32
    %add3A_1273 = arith.addi %add3A_1237, %add3A_1272 : i32
    %sub3A_1274 = arith.constant 1 : i32
    %sub3A_1275 = arith.subi %add3A_1273, %sub3A_1274 : i32
    %lt3A_1276 = arith.constant 4 : i32
    %lt3A_1277 = arith.cmpi slt, %sub3A_1275, %lt3A_1276 : i32
    %convert_element_type3A_1278 = arith.extui %lt3A_1277 : i1 to i32
    %cond3A_1279 = arith.constant 0 : i32
    %cond3A_1280 = arith.cmpi ne, %convert_element_type3A_1278, %cond3A_1279 : i32
    scf.if %cond3A_1280 {
      %mul3A_2514 = arith.constant 128 : i32
      %mul3A_2515 = arith.muli %sub3A_1275, %mul3A_2514 : i32
      %dma_start3A_2516 = arith.constant 2 : i32
      %dma_start3A_2517 = arith.constant 0 : i32
      %dma_start3A_2518 = arith.constant 0 : i32
      %dma_start3A_2519 = tpu.memref_slice %arg12[%dma_start3A_2516, %dma_start3A_2517, %dma_start3A_2518] : memref<4x128x32xf32, #tpu.memory_space<vmem>> -> memref<1x128x32xf32, #tpu.memory_space<vmem>>
      %dma_start3A_2520 = tpu.memref_squeeze %dma_start3A_2519 : memref<1x128x32xf32, #tpu.memory_space<vmem>> -> memref<128x32xf32, #tpu.memory_space<vmem>>
      %dma_start3A_2521 = tpu.memref_slice %arg9[%mul3A_2515] : memref<512xi32, #tpu.memory_space<vmem>> -> memref<128xi32, #tpu.memory_space<vmem>>
      %dma_start3A_2522 = arith.constant 0 : i32
      %dma_start3A_2523 = arith.constant 0 : i32
      %dma_start3A_2524 = tpu.memref_slice %arg6[%dma_start3A_2522, %dma_start3A_2523] : memref<1000000x32xf32, #tpu.memory_space<hbm>> -> memref<1000000x32xf32, #tpu.memory_space<hbm>>
      tpu.enqueue_indirect_dma source(%dma_start3A_2524 : memref<1000000x32xf32, #tpu.memory_space<hbm>>) target(%dma_start3A_2520 : memref<128x32xf32, #tpu.memory_space<vmem>>) offsets(%dma_start3A_2521 : memref<128xi32, #tpu.memory_space<vmem>>) semaphore(%arg13 : memref<!tpu.dma_semaphore, #tpu.memory_space<semaphore_mem>>)
      %add3A_2525 = arith.constant 0 : i32
      %add3A_2526 = vector.broadcast %add3A_2525 : i32 to vector<16xi32>
      %add3A_2527 = arith.addi %iota3A, %add3A_2526 : vector<16xi32>
      %mul3A_2528 = arith.constant 128 : i32
      %mul3A_2529 = arith.muli %sub3A_1275, %mul3A_2528 : i32
      %add3A_2530 = arith.addi %mul3A_10, %mul3A_2529 : i32
      %add3A_2531 = vector.broadcast %add3A_2530 : i32 to vector<16xi32>
      %add3A_2532 = arith.addi %add3A_2531, %add3A_2527 : vector<16xi32>
      %mul3A_2533 = arith.constant 22 : i32
      %mul3A_2534 = vector.broadcast %mul3A_2533 : i32 to vector<16xi32>
      %mul3A_2535 = arith.muli %add3A_2532, %mul3A_2534 : vector<16xi32>
      %add3A_2536 = arith.constant 1 : i32
      %add3A_2537 = vector.broadcast %add3A_2536 : i32 to vector<16xi32>
      %add3A_2538 = arith.addi %mul3A_2535, %add3A_2537 : vector<16xi32>
      %swap3A_2539 = arith.constant 2 : i32
      %swap3A_2540 = arith.index_cast %swap3A_2539 : i32 to index
      %swap3A_2541 = arith.constant 0 : index
      %swap3A_2542 = tpu.vector_load %arg11[%swap3A_2540, %swap3A_2541] {strides = array<i32>} : memref<4x128xi32, #tpu.memory_space<vmem>>, vector<1x16xi32>,
      %swap3A_2543 = vector.shape_cast %swap3A_2542 : vector<1x16xi32> to vector<16xi32>
      %swap3A_2544 = vector.shape_cast %add3A_2538 : vector<16xi32> to vector<1x16xi32>
      tpu.vector_store %arg11[%swap3A_2540, %swap3A_2541], %swap3A_2544 {strides = array<i32>} : memref<4x128xi32, #tpu.memory_space<vmem>>, vector<1x16xi32>,
      %add3A_2545 = arith.constant 16 : i32
      %add3A_2546 = vector.broadcast %add3A_2545 : i32 to vector<16xi32>
      %add3A_2547 = arith.addi %iota3A, %add3A_2546 : vector<16xi32>
      %mul3A_2548 = arith.constant 128 : i32
      %mul3A_2549 = arith.muli %sub3A_1275, %mul3A_2548 : i32
      %add3A_2550 = arith.addi %mul3A_10, %mul3A_2549 : i32
      %add3A_2551 = vector.broadcast %add3A_2550 : i32 to vector<16xi32>
      %add3A_2552 = arith.addi %add3A_2551, %add3A_2547 : vector<16xi32>
      %mul3A_2553 = arith.constant 22 : i32
      %mul3A_2554 = vector.broadcast %mul3A_2553 : i32 to vector<16xi32>
      %mul3A_2555 = arith.muli %add3A_2552, %mul3A_2554 : vector<16xi32>
      %add3A_2556 = arith.constant 1 : i32
      %add3A_2557 = vector.broadcast %add3A_2556 : i32 to vector<16xi32>
      %add3A_2558 = arith.addi %mul3A_2555, %add3A_2557 : vector<16xi32>
      %swap3A_2559 = arith.constant 2 : i32
      %swap3A_2560 = arith.index_cast %swap3A_2559 : i32 to index
      %swap3A_2561 = arith.constant 16 : index
      %swap3A_2562 = tpu.vector_load %arg11[%swap3A_2560, %swap3A_2561] {strides = array<i32>} : memref<4x128xi32, #tpu.memory_space<vmem>>, vector<1x16xi32>,
      %swap3A_2563 = vector.shape_cast %swap3A_2562 : vector<1x16xi32> to vector<16xi32>
      %swap3A_2564 = vector.shape_cast %add3A_2558 : vector<16xi32> to vector<1x16xi32>
      tpu.vector_store %arg11[%swap3A_2560, %swap3A_2561], %swap3A_2564 {strides = array<i32>} : memref<4x128xi32, #tpu.memory_space<vmem>>, vector<1x16xi32>,
      %add3A_2565 = arith.constant 32 : i32
      %add3A_2566 = vector.broadcast %add3A_2565 : i32 to vector<16xi32>
      %add3A_2567 = arith.addi %iota3A, %add3A_2566 : vector<16xi32>
      %mul3A_2568 = arith.constant 128 : i32
      %mul3A_2569 = arith.muli %sub3A_1275, %mul3A_2568 : i32
      %add3A_2570 = arith.addi %mul3A_10, %mul3A_2569 : i32
      %add3A_2571 = vector.broadcast %add3A_2570 : i32 to vector<16xi32>
      %add3A_2572 = arith.addi %add3A_2571, %add3A_2567 : vector<16xi32>
      %mul3A_2573 = arith.constant 22 : i32
      %mul3A_2574 = vector.broadcast %mul3A_2573 : i32 to vector<16xi32>
      %mul3A_2575 = arith.muli %add3A_2572, %mul3A_2574 : vector<16xi32>
      %add3A_2576 = arith.constant 1 : i32
      %add3A_2577 = vector.broadcast %add3A_2576 : i32 to vector<16xi32>
      %add3A_2578 = arith.addi %mul3A_2575, %add3A_2577 : vector<16xi32>
      %swap3A_2579 = arith.constant 2 : i32
      %swap3A_2580 = arith.index_cast %swap3A_2579 : i32 to index
      %swap3A_2581 = arith.constant 32 : index
      %swap3A_2582 = tpu.vector_load %arg11[%swap3A_2580, %swap3A_2581] {strides = array<i32>} : memref<4x128xi32, #tpu.memory_space<vmem>>, vector<1x16xi32>,
      %swap3A_2583 = vector.shape_cast %swap3A_2582 : vector<1x16xi32> to vector<16xi32>
      %swap3A_2584 = vector.shape_cast %add3A_2578 : vector<16xi32> to vector<1x16xi32>
      tpu.vector_store %arg11[%swap3A_2580, %swap3A_2581], %swap3A_2584 {strides = array<i32>} : memref<4x128xi32, #tpu.memory_space<vmem>>, vector<1x16xi32>,
      %add3A_2585 = arith.constant 48 : i32
      %add3A_2586 = vector.broadcast %add3A_2585 : i32 to vector<16xi32>
      %add3A_2587 = arith.addi %iota3A, %add3A_2586 : vector<16xi32>
      %mul3A_2588 = arith.constant 128 : i32
      %mul3A_2589 = arith.muli %sub3A_1275, %mul3A_2588 : i32
      %add3A_2590 = arith.addi %mul3A_10, %mul3A_2589 : i32
      %add3A_2591 = vector.broadcast %add3A_2590 : i32 to vector<16xi32>
      %add3A_2592 = arith.addi %add3A_2591, %add3A_2587 : vector<16xi32>
      %mul3A_2593 = arith.constant 22 : i32
      %mul3A_2594 = vector.broadcast %mul3A_2593 : i32 to vector<16xi32>
      %mul3A_2595 = arith.muli %add3A_2592, %mul3A_2594 : vector<16xi32>
      %add3A_2596 = arith.constant 1 : i32
      %add3A_2597 = vector.broadcast %add3A_2596 : i32 to vector<16xi32>
      %add3A_2598 = arith.addi %mul3A_2595, %add3A_2597 : vector<16xi32>
      %swap3A_2599 = arith.constant 2 : i32
      %swap3A_2600 = arith.index_cast %swap3A_2599 : i32 to index
      %swap3A_2601 = arith.constant 48 : index
      %swap3A_2602 = tpu.vector_load %arg11[%swap3A_2600, %swap3A_2601] {strides = array<i32>} : memref<4x128xi32, #tpu.memory_space<vmem>>, vector<1x16xi32>,
      %swap3A_2603 = vector.shape_cast %swap3A_2602 : vector<1x16xi32> to vector<16xi32>
      %swap3A_2604 = vector.shape_cast %add3A_2598 : vector<16xi32> to vector<1x16xi32>
      tpu.vector_store %arg11[%swap3A_2600, %swap3A_2601], %swap3A_2604 {strides = array<i32>} : memref<4x128xi32, #tpu.memory_space<vmem>>, vector<1x16xi32>,
      %add3A_2605 = arith.constant 64 : i32
      %add3A_2606 = vector.broadcast %add3A_2605 : i32 to vector<16xi32>
      %add3A_2607 = arith.addi %iota3A, %add3A_2606 : vector<16xi32>
      %mul3A_2608 = arith.constant 128 : i32
      %mul3A_2609 = arith.muli %sub3A_1275, %mul3A_2608 : i32
      %add3A_2610 = arith.addi %mul3A_10, %mul3A_2609 : i32
      %add3A_2611 = vector.broadcast %add3A_2610 : i32 to vector<16xi32>
      %add3A_2612 = arith.addi %add3A_2611, %add3A_2607 : vector<16xi32>
      %mul3A_2613 = arith.constant 22 : i32
      %mul3A_2614 = vector.broadcast %mul3A_2613 : i32 to vector<16xi32>
      %mul3A_2615 = arith.muli %add3A_2612, %mul3A_2614 : vector<16xi32>
      %add3A_2616 = arith.constant 1 : i32
      %add3A_2617 = vector.broadcast %add3A_2616 : i32 to vector<16xi32>
      %add3A_2618 = arith.addi %mul3A_2615, %add3A_2617 : vector<16xi32>
      %swap3A_2619 = arith.constant 2 : i32
      %swap3A_2620 = arith.index_cast %swap3A_2619 : i32 to index
      %swap3A_2621 = arith.constant 64 : index
      %swap3A_2622 = tpu.vector_load %arg11[%swap3A_2620, %swap3A_2621] {strides = array<i32>} : memref<4x128xi32, #tpu.memory_space<vmem>>, vector<1x16xi32>,
      %swap3A_2623 = vector.shape_cast %swap3A_2622 : vector<1x16xi32> to vector<16xi32>
      %swap3A_2624 = vector.shape_cast %add3A_2618 : vector<16xi32> to vector<1x16xi32>
      tpu.vector_store %arg11[%swap3A_2620, %swap3A_2621], %swap3A_2624 {strides = array<i32>} : memref<4x128xi32, #tpu.memory_space<vmem>>, vector<1x16xi32>,
      %add3A_2625 = arith.constant 80 : i32
      %add3A_2626 = vector.broadcast %add3A_2625 : i32 to vector<16xi32>
      %add3A_2627 = arith.addi %iota3A, %add3A_2626 : vector<16xi32>
      %mul3A_2628 = arith.constant 128 : i32
      %mul3A_2629 = arith.muli %sub3A_1275, %mul3A_2628 : i32
      %add3A_2630 = arith.addi %mul3A_10, %mul3A_2629 : i32
      %add3A_2631 = vector.broadcast %add3A_2630 : i32 to vector<16xi32>
      %add3A_2632 = arith.addi %add3A_2631, %add3A_2627 : vector<16xi32>
      %mul3A_2633 = arith.constant 22 : i32
      %mul3A_2634 = vector.broadcast %mul3A_2633 : i32 to vector<16xi32>
      %mul3A_2635 = arith.muli %add3A_2632, %mul3A_2634 : vector<16xi32>
      %add3A_2636 = arith.constant 1 : i32
      %add3A_2637 = vector.broadcast %add3A_2636 : i32 to vector<16xi32>
      %add3A_2638 = arith.addi %mul3A_2635, %add3A_2637 : vector<16xi32>
      %swap3A_2639 = arith.constant 2 : i32
      %swap3A_2640 = arith.index_cast %swap3A_2639 : i32 to index
      %swap3A_2641 = arith.constant 80 : index
      %swap3A_2642 = tpu.vector_load %arg11[%swap3A_2640, %swap3A_2641] {strides = array<i32>} : memref<4x128xi32, #tpu.memory_space<vmem>>, vector<1x16xi32>,
      %swap3A_2643 = vector.shape_cast %swap3A_2642 : vector<1x16xi32> to vector<16xi32>
      %swap3A_2644 = vector.shape_cast %add3A_2638 : vector<16xi32> to vector<1x16xi32>
      tpu.vector_store %arg11[%swap3A_2640, %swap3A_2641], %swap3A_2644 {strides = array<i32>} : memref<4x128xi32, #tpu.memory_space<vmem>>, vector<1x16xi32>,
      %add3A_2645 = arith.constant 96 : i32
      %add3A_2646 = vector.broadcast %add3A_2645 : i32 to vector<16xi32>
      %add3A_2647 = arith.addi %iota3A, %add3A_2646 : vector<16xi32>
      %mul3A_2648 = arith.constant 128 : i32
      %mul3A_2649 = arith.muli %sub3A_1275, %mul3A_2648 : i32
      %add3A_2650 = arith.addi %mul3A_10, %mul3A_2649 : i32
      %add3A_2651 = vector.broadcast %add3A_2650 : i32 to vector<16xi32>
      %add3A_2652 = arith.addi %add3A_2651, %add3A_2647 : vector<16xi32>
      %mul3A_2653 = arith.constant 22 : i32
      %mul3A_2654 = vector.broadcast %mul3A_2653 : i32 to vector<16xi32>
      %mul3A_2655 = arith.muli %add3A_2652, %mul3A_2654 : vector<16xi32>
      %add3A_2656 = arith.constant 1 : i32
      %add3A_2657 = vector.broadcast %add3A_2656 : i32 to vector<16xi32>
      %add3A_2658 = arith.addi %mul3A_2655, %add3A_2657 : vector<16xi32>
      %swap3A_2659 = arith.constant 2 : i32
      %swap3A_2660 = arith.index_cast %swap3A_2659 : i32 to index
      %swap3A_2661 = arith.constant 96 : index
      %swap3A_2662 = tpu.vector_load %arg11[%swap3A_2660, %swap3A_2661] {strides = array<i32>} : memref<4x128xi32, #tpu.memory_space<vmem>>, vector<1x16xi32>,
      %swap3A_2663 = vector.shape_cast %swap3A_2662 : vector<1x16xi32> to vector<16xi32>
      %swap3A_2664 = vector.shape_cast %add3A_2658 : vector<16xi32> to vector<1x16xi32>
      tpu.vector_store %arg11[%swap3A_2660, %swap3A_2661], %swap3A_2664 {strides = array<i32>} : memref<4x128xi32, #tpu.memory_space<vmem>>, vector<1x16xi32>,
      %add3A_2665 = arith.constant 112 : i32
      %add3A_2666 = vector.broadcast %add3A_2665 : i32 to vector<16xi32>
      %add3A_2667 = arith.addi %iota3A, %add3A_2666 : vector<16xi32>
      %mul3A_2668 = arith.constant 128 : i32
      %mul3A_2669 = arith.muli %sub3A_1275, %mul3A_2668 : i32
      %add3A_2670 = arith.addi %mul3A_10, %mul3A_2669 : i32
      %add3A_2671 = vector.broadcast %add3A_2670 : i32 to vector<16xi32>
      %add3A_2672 = arith.addi %add3A_2671, %add3A_2667 : vector<16xi32>
      %mul3A_2673 = arith.constant 22 : i32
      %mul3A_2674 = vector.broadcast %mul3A_2673 : i32 to vector<16xi32>
      %mul3A_2675 = arith.muli %add3A_2672, %mul3A_2674 : vector<16xi32>
      %add3A_2676 = arith.constant 1 : i32
      %add3A_2677 = vector.broadcast %add3A_2676 : i32 to vector<16xi32>
      %add3A_2678 = arith.addi %mul3A_2675, %add3A_2677 : vector<16xi32>
      %swap3A_2679 = arith.constant 2 : i32
      %swap3A_2680 = arith.index_cast %swap3A_2679 : i32 to index
      %swap3A_2681 = arith.constant 112 : index
      %swap3A_2682 = tpu.vector_load %arg11[%swap3A_2680, %swap3A_2681] {strides = array<i32>} : memref<4x128xi32, #tpu.memory_space<vmem>>, vector<1x16xi32>,
      %swap3A_2683 = vector.shape_cast %swap3A_2682 : vector<1x16xi32> to vector<16xi32>
      %swap3A_2684 = vector.shape_cast %add3A_2678 : vector<16xi32> to vector<1x16xi32>
      tpu.vector_store %arg11[%swap3A_2680, %swap3A_2681], %swap3A_2684 {strides = array<i32>} : memref<4x128xi32, #tpu.memory_space<vmem>>, vector<1x16xi32>,
    } else {
    }
    %scan3A_1281 = arith.constant 1 : i32
    %dma_wait3A_1282 = arith.constant 0 : i32
    %dma_wait3A_1283 = arith.constant 0 : i32
    %dma_wait3A_1284 = arith.constant 0 : i32
    %dma_wait3A_1285 = arith.constant 0 : i32
    %dma_wait3A_1286 = tpu.memref_slice %arg12[%dma_wait3A_1282, %dma_wait3A_1284, %dma_wait3A_1285] : memref<4x128x32xf32, #tpu.memory_space<vmem>> -> memref<1x128x32xf32, #tpu.memory_space<vmem>>
    %dma_wait3A_1287 = tpu.memref_squeeze %dma_wait3A_1286 : memref<1x128x32xf32, #tpu.memory_space<vmem>> -> memref<128x32xf32, #tpu.memory_space<vmem>>
    %dma_wait3A_1288 = arith.constant 0 : i32
    %dma_wait3A_1289 = tpu.memref_slice %arg11[%dma_wait3A_1283, %dma_wait3A_1288] : memref<4x128xi32, #tpu.memory_space<vmem>> -> memref<1x128xi32, #tpu.memory_space<vmem>>
    %dma_wait3A_1290 = tpu.memref_squeeze %dma_wait3A_1289 : memref<1x128xi32, #tpu.memory_space<vmem>> -> memref<128xi32, #tpu.memory_space<vmem>>
    %dma_wait3A_1291 = arith.constant 0 : i32
    %dma_wait3A_1292 = arith.constant 0 : i32
    %dma_wait3A_1293 = tpu.memref_slice %arg7[%dma_wait3A_1291, %dma_wait3A_1292] : memref<360448x32xf32, #tpu.memory_space<hbm>> -> memref<360448x32xf32, #tpu.memory_space<hbm>>
    tpu.wait_indirect_dma semaphore(%arg14 : memref<!tpu.dma_semaphore, #tpu.memory_space<semaphore_mem>>) src(%dma_wait3A_1287 : memref<128x32xf32, #tpu.memory_space<vmem>>) dst(%dma_wait3A_1293 : memref<360448x32xf32, #tpu.memory_space<hbm>>)
    %dma_start3A_1294 = arith.constant 0 : i32
    %dma_start3A_1295 = arith.constant 0 : i32
    %dma_start3A_1296 = arith.constant 0 : i32
    %dma_start3A_1297 = tpu.memref_slice %arg12[%dma_start3A_1294, %dma_start3A_1295, %dma_start3A_1296] : memref<4x128x32xf32, #tpu.memory_space<vmem>> -> memref<1x128x32xf32, #tpu.memory_space<vmem>>
    %dma_start3A_1298 = tpu.memref_squeeze %dma_start3A_1297 : memref<1x128x32xf32, #tpu.memory_space<vmem>> -> memref<128x32xf32, #tpu.memory_space<vmem>>
    %dma_start3A_1299 = arith.constant 0 : i32
    %dma_start3A_1300 = tpu.memref_slice %arg10[%dma_start3A_1299] : memref<10240xi32, #tpu.memory_space<vmem>> -> memref<128xi32, #tpu.memory_space<vmem>>
    %dma_start3A_1301 = arith.constant 0 : i32
    %dma_start3A_1302 = arith.constant 0 : i32
    %dma_start3A_1303 = tpu.memref_slice %arg6[%dma_start3A_1301, %dma_start3A_1302] : memref<1000000x32xf32, #tpu.memory_space<hbm>> -> memref<1000000x32xf32, #tpu.memory_space<hbm>>
    tpu.enqueue_indirect_dma source(%dma_start3A_1303 : memref<1000000x32xf32, #tpu.memory_space<hbm>>) target(%dma_start3A_1298 : memref<128x32xf32, #tpu.memory_space<vmem>>) offsets(%dma_start3A_1300 : memref<128xi32, #tpu.memory_space<vmem>>) semaphore(%arg13 : memref<!tpu.dma_semaphore, #tpu.memory_space<semaphore_mem>>)
    %add3A_1304 = arith.constant 0 : i32
    %add3A_1305 = vector.broadcast %add3A_1304 : i32 to vector<16xi32>
    %add3A_1306 = arith.addi %iota3A, %add3A_1305 : vector<16xi32>
    %mul3A_1307 = arith.constant 20 : i32
    %mul3A_1308 = arith.muli %mul3A_10, %mul3A_1307 : i32
    %add3A_1309 = arith.constant 0 : i32
    %add3A_1310 = arith.addi %mul3A_1308, %add3A_1309 : i32
    %add3A_1311 = vector.broadcast %add3A_1310 : i32 to vector<16xi32>
    %add3A_1312 = arith.addi %add3A_1311, %add3A_1306 : vector<16xi32>
    %convert_element_type3A_1313 = arith.sitofp %add3A_1312 : vector<16xi32> to vector<16xf32>
    %mul3A_1314 = arith.constant 5.000000e-02 : f32
    %mul3A_1315 = vector.broadcast %mul3A_1314 : f32 to vector<16xf32>
    %mul3A_1316 = arith.mulf %convert_element_type3A_1313, %mul3A_1315 : vector<16xf32>
    %convert_element_type3A_1317 = arith.fptosi %mul3A_1316 : vector<16xf32> to vector<16xi32>
    %mul3A_1318 = arith.constant 20 : i32
    %mul3A_1319 = vector.broadcast %mul3A_1318 : i32 to vector<16xi32>
    %mul3A_1320 = arith.muli %convert_element_type3A_1317, %mul3A_1319 : vector<16xi32>
    %sub3A_1321 = arith.subi %add3A_1312, %mul3A_1320 : vector<16xi32>
    %ge3A = arith.constant 20 : i32
    %ge3A_1322 = vector.broadcast %ge3A : i32 to vector<16xi32>
    %ge3A_1323 = arith.cmpi sge, %sub3A_1321, %ge3A_1322 : vector<16xi32>
    %jit3A = arith.constant 1 : i32
    %jit3A_1324 = arith.constant 0 : i32
    %broadcast_in_dim3A = vector.broadcast %jit3A : i32 to vector<16xi32>
    %broadcast_in_dim3A_1325 = vector.broadcast %jit3A_1324 : i32 to vector<16xi32>
    %select_n3A = arith.select %ge3A_1323, %broadcast_in_dim3A, %broadcast_in_dim3A_1325 : vector<16xi1>, vector<16xi32>
    %add3A_1326 = arith.addi %convert_element_type3A_1317, %select_n3A : vector<16xi32>
    %lt3A_1327 = arith.constant 0 : i32
    %lt3A_1328 = vector.broadcast %lt3A_1327 : i32 to vector<16xi32>
    %lt3A_1329 = arith.cmpi slt, %sub3A_1321, %lt3A_1328 : vector<16xi32>
    %jit3A_1330 = arith.constant 1 : i32
    %jit3A_1331 = arith.constant 0 : i32
    %broadcast_in_dim3A_1332 = vector.broadcast %jit3A_1330 : i32 to vector<16xi32>
    %broadcast_in_dim3A_1333 = vector.broadcast %jit3A_1331 : i32 to vector<16xi32>
    %select_n3A_1334 = arith.select %lt3A_1329, %broadcast_in_dim3A_1332, %broadcast_in_dim3A_1333 : vector<16xi1>, vector<16xi32>
    %sub3A_1335 = arith.subi %add3A_1326, %select_n3A_1334 : vector<16xi32>
    %add3A_1336 = arith.constant 2 : i32
    %add3A_1337 = vector.broadcast %add3A_1336 : i32 to vector<16xi32>
    %add3A_1338 = arith.addi %add3A_1312, %add3A_1337 : vector<16xi32>
    %mul3A_1339 = arith.constant 2 : i32
    %mul3A_1340 = vector.broadcast %mul3A_1339 : i32 to vector<16xi32>
    %mul3A_1341 = arith.muli %mul3A_1340, %sub3A_1335 : vector<16xi32>
    %add3A_1342 = arith.addi %add3A_1338, %mul3A_1341 : vector<16xi32>
    %swap3A_1343 = arith.constant 0 : i32
    %swap3A_1344 = arith.index_cast %swap3A_1343 : i32 to index
    %swap3A_1345 = arith.constant 0 : index
    %swap3A_1346 = tpu.vector_load %arg11[%swap3A_1344, %swap3A_1345] {strides = array<i32>} : memref<4x128xi32, #tpu.memory_space<vmem>>, vector<1x16xi32>,
    %swap3A_1347 = vector.shape_cast %swap3A_1346 : vector<1x16xi32> to vector<16xi32>
    %swap3A_1348 = vector.shape_cast %add3A_1342 : vector<16xi32> to vector<1x16xi32>
    tpu.vector_store %arg11[%swap3A_1344, %swap3A_1345], %swap3A_1348 {strides = array<i32>} : memref<4x128xi32, #tpu.memory_space<vmem>>, vector<1x16xi32>,
    %add3A_1349 = arith.constant 16 : i32
    %add3A_1350 = vector.broadcast %add3A_1349 : i32 to vector<16xi32>
    %add3A_1351 = arith.addi %iota3A, %add3A_1350 : vector<16xi32>
    %mul3A_1352 = arith.constant 20 : i32
    %mul3A_1353 = arith.muli %mul3A_10, %mul3A_1352 : i32
    %add3A_1354 = arith.constant 0 : i32
    %add3A_1355 = arith.addi %mul3A_1353, %add3A_1354 : i32
    %add3A_1356 = vector.broadcast %add3A_1355 : i32 to vector<16xi32>
    %add3A_1357 = arith.addi %add3A_1356, %add3A_1351 : vector<16xi32>
    %convert_element_type3A_1358 = arith.sitofp %add3A_1357 : vector<16xi32> to vector<16xf32>
    %mul3A_1359 = arith.constant 5.000000e-02 : f32
    %mul3A_1360 = vector.broadcast %mul3A_1359 : f32 to vector<16xf32>
    %mul3A_1361 = arith.mulf %convert_element_type3A_1358, %mul3A_1360 : vector<16xf32>
    %convert_element_type3A_1362 = arith.fptosi %mul3A_1361 : vector<16xf32> to vector<16xi32>
    %mul3A_1363 = arith.constant 20 : i32
    %mul3A_1364 = vector.broadcast %mul3A_1363 : i32 to vector<16xi32>
    %mul3A_1365 = arith.muli %convert_element_type3A_1362, %mul3A_1364 : vector<16xi32>
    %sub3A_1366 = arith.subi %add3A_1357, %mul3A_1365 : vector<16xi32>
    %ge3A_1367 = arith.constant 20 : i32
    %ge3A_1368 = vector.broadcast %ge3A_1367 : i32 to vector<16xi32>
    %ge3A_1369 = arith.cmpi sge, %sub3A_1366, %ge3A_1368 : vector<16xi32>
    %jit3A_1370 = arith.constant 1 : i32
    %jit3A_1371 = arith.constant 0 : i32
    %broadcast_in_dim3A_1372 = vector.broadcast %jit3A_1370 : i32 to vector<16xi32>
    %broadcast_in_dim3A_1373 = vector.broadcast %jit3A_1371 : i32 to vector<16xi32>
    %select_n3A_1374 = arith.select %ge3A_1369, %broadcast_in_dim3A_1372, %broadcast_in_dim3A_1373 : vector<16xi1>, vector<16xi32>
    %add3A_1375 = arith.addi %convert_element_type3A_1362, %select_n3A_1374 : vector<16xi32>
    %lt3A_1376 = arith.constant 0 : i32
    %lt3A_1377 = vector.broadcast %lt3A_1376 : i32 to vector<16xi32>
    %lt3A_1378 = arith.cmpi slt, %sub3A_1366, %lt3A_1377 : vector<16xi32>
    %jit3A_1379 = arith.constant 1 : i32
    %jit3A_1380 = arith.constant 0 : i32
    %broadcast_in_dim3A_1381 = vector.broadcast %jit3A_1379 : i32 to vector<16xi32>
    %broadcast_in_dim3A_1382 = vector.broadcast %jit3A_1380 : i32 to vector<16xi32>
    %select_n3A_1383 = arith.select %lt3A_1378, %broadcast_in_dim3A_1381, %broadcast_in_dim3A_1382 : vector<16xi1>, vector<16xi32>
    %sub3A_1384 = arith.subi %add3A_1375, %select_n3A_1383 : vector<16xi32>
    %add3A_1385 = arith.constant 2 : i32
    %add3A_1386 = vector.broadcast %add3A_1385 : i32 to vector<16xi32>
    %add3A_1387 = arith.addi %add3A_1357, %add3A_1386 : vector<16xi32>
    %mul3A_1388 = arith.constant 2 : i32
    %mul3A_1389 = vector.broadcast %mul3A_1388 : i32 to vector<16xi32>
    %mul3A_1390 = arith.muli %mul3A_1389, %sub3A_1384 : vector<16xi32>
    %add3A_1391 = arith.addi %add3A_1387, %mul3A_1390 : vector<16xi32>
    %swap3A_1392 = arith.constant 0 : i32
    %swap3A_1393 = arith.index_cast %swap3A_1392 : i32 to index
    %swap3A_1394 = arith.constant 16 : index
    %swap3A_1395 = tpu.vector_load %arg11[%swap3A_1393, %swap3A_1394] {strides = array<i32>} : memref<4x128xi32, #tpu.memory_space<vmem>>, vector<1x16xi32>,
    %swap3A_1396 = vector.shape_cast %swap3A_1395 : vector<1x16xi32> to vector<16xi32>
    %swap3A_1397 = vector.shape_cast %add3A_1391 : vector<16xi32> to vector<1x16xi32>
    tpu.vector_store %arg11[%swap3A_1393, %swap3A_1394], %swap3A_1397 {strides = array<i32>} : memref<4x128xi32, #tpu.memory_space<vmem>>, vector<1x16xi32>,
    %add3A_1398 = arith.constant 32 : i32
    %add3A_1399 = vector.broadcast %add3A_1398 : i32 to vector<16xi32>
    %add3A_1400 = arith.addi %iota3A, %add3A_1399 : vector<16xi32>
    %mul3A_1401 = arith.constant 20 : i32
    %mul3A_1402 = arith.muli %mul3A_10, %mul3A_1401 : i32
    %add3A_1403 = arith.constant 0 : i32
    %add3A_1404 = arith.addi %mul3A_1402, %add3A_1403 : i32
    %add3A_1405 = vector.broadcast %add3A_1404 : i32 to vector<16xi32>
    %add3A_1406 = arith.addi %add3A_1405, %add3A_1400 : vector<16xi32>
    %convert_element_type3A_1407 = arith.sitofp %add3A_1406 : vector<16xi32> to vector<16xf32>
    %mul3A_1408 = arith.constant 5.000000e-02 : f32
    %mul3A_1409 = vector.broadcast %mul3A_1408 : f32 to vector<16xf32>
    %mul3A_1410 = arith.mulf %convert_element_type3A_1407, %mul3A_1409 : vector<16xf32>
    %convert_element_type3A_1411 = arith.fptosi %mul3A_1410 : vector<16xf32> to vector<16xi32>
    %mul3A_1412 = arith.constant 20 : i32
    %mul3A_1413 = vector.broadcast %mul3A_1412 : i32 to vector<16xi32>
    %mul3A_1414 = arith.muli %convert_element_type3A_1411, %mul3A_1413 : vector<16xi32>
    %sub3A_1415 = arith.subi %add3A_1406, %mul3A_1414 : vector<16xi32>
    %ge3A_1416 = arith.constant 20 : i32
    %ge3A_1417 = vector.broadcast %ge3A_1416 : i32 to vector<16xi32>
    %ge3A_1418 = arith.cmpi sge, %sub3A_1415, %ge3A_1417 : vector<16xi32>
    %jit3A_1419 = arith.constant 1 : i32
    %jit3A_1420 = arith.constant 0 : i32
    %broadcast_in_dim3A_1421 = vector.broadcast %jit3A_1419 : i32 to vector<16xi32>
    %broadcast_in_dim3A_1422 = vector.broadcast %jit3A_1420 : i32 to vector<16xi32>
    %select_n3A_1423 = arith.select %ge3A_1418, %broadcast_in_dim3A_1421, %broadcast_in_dim3A_1422 : vector<16xi1>, vector<16xi32>
    %add3A_1424 = arith.addi %convert_element_type3A_1411, %select_n3A_1423 : vector<16xi32>
    %lt3A_1425 = arith.constant 0 : i32
    %lt3A_1426 = vector.broadcast %lt3A_1425 : i32 to vector<16xi32>
    %lt3A_1427 = arith.cmpi slt, %sub3A_1415, %lt3A_1426 : vector<16xi32>
    %jit3A_1428 = arith.constant 1 : i32
    %jit3A_1429 = arith.constant 0 : i32
    %broadcast_in_dim3A_1430 = vector.broadcast %jit3A_1428 : i32 to vector<16xi32>
    %broadcast_in_dim3A_1431 = vector.broadcast %jit3A_1429 : i32 to vector<16xi32>
    %select_n3A_1432 = arith.select %lt3A_1427, %broadcast_in_dim3A_1430, %broadcast_in_dim3A_1431 : vector<16xi1>, vector<16xi32>
    %sub3A_1433 = arith.subi %add3A_1424, %select_n3A_1432 : vector<16xi32>
    %add3A_1434 = arith.constant 2 : i32
    %add3A_1435 = vector.broadcast %add3A_1434 : i32 to vector<16xi32>
    %add3A_1436 = arith.addi %add3A_1406, %add3A_1435 : vector<16xi32>
    %mul3A_1437 = arith.constant 2 : i32
    %mul3A_1438 = vector.broadcast %mul3A_1437 : i32 to vector<16xi32>
    %mul3A_1439 = arith.muli %mul3A_1438, %sub3A_1433 : vector<16xi32>
    %add3A_1440 = arith.addi %add3A_1436, %mul3A_1439 : vector<16xi32>
    %swap3A_1441 = arith.constant 0 : i32
    %swap3A_1442 = arith.index_cast %swap3A_1441 : i32 to index
    %swap3A_1443 = arith.constant 32 : index
    %swap3A_1444 = tpu.vector_load %arg11[%swap3A_1442, %swap3A_1443] {strides = array<i32>} : memref<4x128xi32, #tpu.memory_space<vmem>>, vector<1x16xi32>,
    %swap3A_1445 = vector.shape_cast %swap3A_1444 : vector<1x16xi32> to vector<16xi32>
    %swap3A_1446 = vector.shape_cast %add3A_1440 : vector<16xi32> to vector<1x16xi32>
    tpu.vector_store %arg11[%swap3A_1442, %swap3A_1443], %swap3A_1446 {strides = array<i32>} : memref<4x128xi32, #tpu.memory_space<vmem>>, vector<1x16xi32>,
    %add3A_1447 = arith.constant 48 : i32
    %add3A_1448 = vector.broadcast %add3A_1447 : i32 to vector<16xi32>
    %add3A_1449 = arith.addi %iota3A, %add3A_1448 : vector<16xi32>
    %mul3A_1450 = arith.constant 20 : i32
    %mul3A_1451 = arith.muli %mul3A_10, %mul3A_1450 : i32
    %add3A_1452 = arith.constant 0 : i32
    %add3A_1453 = arith.addi %mul3A_1451, %add3A_1452 : i32
    %add3A_1454 = vector.broadcast %add3A_1453 : i32 to vector<16xi32>
    %add3A_1455 = arith.addi %add3A_1454, %add3A_1449 : vector<16xi32>
    %convert_element_type3A_1456 = arith.sitofp %add3A_1455 : vector<16xi32> to vector<16xf32>
    %mul3A_1457 = arith.constant 5.000000e-02 : f32
    %mul3A_1458 = vector.broadcast %mul3A_1457 : f32 to vector<16xf32>
    %mul3A_1459 = arith.mulf %convert_element_type3A_1456, %mul3A_1458 : vector<16xf32>
    %convert_element_type3A_1460 = arith.fptosi %mul3A_1459 : vector<16xf32> to vector<16xi32>
    %mul3A_1461 = arith.constant 20 : i32
    %mul3A_1462 = vector.broadcast %mul3A_1461 : i32 to vector<16xi32>
    %mul3A_1463 = arith.muli %convert_element_type3A_1460, %mul3A_1462 : vector<16xi32>
    %sub3A_1464 = arith.subi %add3A_1455, %mul3A_1463 : vector<16xi32>
    %ge3A_1465 = arith.constant 20 : i32
    %ge3A_1466 = vector.broadcast %ge3A_1465 : i32 to vector<16xi32>
    %ge3A_1467 = arith.cmpi sge, %sub3A_1464, %ge3A_1466 : vector<16xi32>
    %jit3A_1468 = arith.constant 1 : i32
    %jit3A_1469 = arith.constant 0 : i32
    %broadcast_in_dim3A_1470 = vector.broadcast %jit3A_1468 : i32 to vector<16xi32>
    %broadcast_in_dim3A_1471 = vector.broadcast %jit3A_1469 : i32 to vector<16xi32>
    %select_n3A_1472 = arith.select %ge3A_1467, %broadcast_in_dim3A_1470, %broadcast_in_dim3A_1471 : vector<16xi1>, vector<16xi32>
    %add3A_1473 = arith.addi %convert_element_type3A_1460, %select_n3A_1472 : vector<16xi32>
    %lt3A_1474 = arith.constant 0 : i32
    %lt3A_1475 = vector.broadcast %lt3A_1474 : i32 to vector<16xi32>
    %lt3A_1476 = arith.cmpi slt, %sub3A_1464, %lt3A_1475 : vector<16xi32>
    %jit3A_1477 = arith.constant 1 : i32
    %jit3A_1478 = arith.constant 0 : i32
    %broadcast_in_dim3A_1479 = vector.broadcast %jit3A_1477 : i32 to vector<16xi32>
    %broadcast_in_dim3A_1480 = vector.broadcast %jit3A_1478 : i32 to vector<16xi32>
    %select_n3A_1481 = arith.select %lt3A_1476, %broadcast_in_dim3A_1479, %broadcast_in_dim3A_1480 : vector<16xi1>, vector<16xi32>
    %sub3A_1482 = arith.subi %add3A_1473, %select_n3A_1481 : vector<16xi32>
    %add3A_1483 = arith.constant 2 : i32
    %add3A_1484 = vector.broadcast %add3A_1483 : i32 to vector<16xi32>
    %add3A_1485 = arith.addi %add3A_1455, %add3A_1484 : vector<16xi32>
    %mul3A_1486 = arith.constant 2 : i32
    %mul3A_1487 = vector.broadcast %mul3A_1486 : i32 to vector<16xi32>
    %mul3A_1488 = arith.muli %mul3A_1487, %sub3A_1482 : vector<16xi32>
    %add3A_1489 = arith.addi %add3A_1485, %mul3A_1488 : vector<16xi32>
    %swap3A_1490 = arith.constant 0 : i32
    %swap3A_1491 = arith.index_cast %swap3A_1490 : i32 to index
    %swap3A_1492 = arith.constant 48 : index
    %swap3A_1493 = tpu.vector_load %arg11[%swap3A_1491, %swap3A_1492] {strides = array<i32>} : memref<4x128xi32, #tpu.memory_space<vmem>>, vector<1x16xi32>,
    %swap3A_1494 = vector.shape_cast %swap3A_1493 : vector<1x16xi32> to vector<16xi32>
    %swap3A_1495 = vector.shape_cast %add3A_1489 : vector<16xi32> to vector<1x16xi32>
    tpu.vector_store %arg11[%swap3A_1491, %swap3A_1492], %swap3A_1495 {strides = array<i32>} : memref<4x128xi32, #tpu.memory_space<vmem>>, vector<1x16xi32>,
    %add3A_1496 = arith.constant 64 : i32
    %add3A_1497 = vector.broadcast %add3A_1496 : i32 to vector<16xi32>
    %add3A_1498 = arith.addi %iota3A, %add3A_1497 : vector<16xi32>
    %mul3A_1499 = arith.constant 20 : i32
    %mul3A_1500 = arith.muli %mul3A_10, %mul3A_1499 : i32
    %add3A_1501 = arith.constant 0 : i32
    %add3A_1502 = arith.addi %mul3A_1500, %add3A_1501 : i32
    %add3A_1503 = vector.broadcast %add3A_1502 : i32 to vector<16xi32>
    %add3A_1504 = arith.addi %add3A_1503, %add3A_1498 : vector<16xi32>
    %convert_element_type3A_1505 = arith.sitofp %add3A_1504 : vector<16xi32> to vector<16xf32>
    %mul3A_1506 = arith.constant 5.000000e-02 : f32
    %mul3A_1507 = vector.broadcast %mul3A_1506 : f32 to vector<16xf32>
    %mul3A_1508 = arith.mulf %convert_element_type3A_1505, %mul3A_1507 : vector<16xf32>
    %convert_element_type3A_1509 = arith.fptosi %mul3A_1508 : vector<16xf32> to vector<16xi32>
    %mul3A_1510 = arith.constant 20 : i32
    %mul3A_1511 = vector.broadcast %mul3A_1510 : i32 to vector<16xi32>
    %mul3A_1512 = arith.muli %convert_element_type3A_1509, %mul3A_1511 : vector<16xi32>
    %sub3A_1513 = arith.subi %add3A_1504, %mul3A_1512 : vector<16xi32>
    %ge3A_1514 = arith.constant 20 : i32
    %ge3A_1515 = vector.broadcast %ge3A_1514 : i32 to vector<16xi32>
    %ge3A_1516 = arith.cmpi sge, %sub3A_1513, %ge3A_1515 : vector<16xi32>
    %jit3A_1517 = arith.constant 1 : i32
    %jit3A_1518 = arith.constant 0 : i32
    %broadcast_in_dim3A_1519 = vector.broadcast %jit3A_1517 : i32 to vector<16xi32>
    %broadcast_in_dim3A_1520 = vector.broadcast %jit3A_1518 : i32 to vector<16xi32>
    %select_n3A_1521 = arith.select %ge3A_1516, %broadcast_in_dim3A_1519, %broadcast_in_dim3A_1520 : vector<16xi1>, vector<16xi32>
    %add3A_1522 = arith.addi %convert_element_type3A_1509, %select_n3A_1521 : vector<16xi32>
    %lt3A_1523 = arith.constant 0 : i32
    %lt3A_1524 = vector.broadcast %lt3A_1523 : i32 to vector<16xi32>
    %lt3A_1525 = arith.cmpi slt, %sub3A_1513, %lt3A_1524 : vector<16xi32>
    %jit3A_1526 = arith.constant 1 : i32
    %jit3A_1527 = arith.constant 0 : i32
    %broadcast_in_dim3A_1528 = vector.broadcast %jit3A_1526 : i32 to vector<16xi32>
    %broadcast_in_dim3A_1529 = vector.broadcast %jit3A_1527 : i32 to vector<16xi32>
    %select_n3A_1530 = arith.select %lt3A_1525, %broadcast_in_dim3A_1528, %broadcast_in_dim3A_1529 : vector<16xi1>, vector<16xi32>
    %sub3A_1531 = arith.subi %add3A_1522, %select_n3A_1530 : vector<16xi32>
    %add3A_1532 = arith.constant 2 : i32
    %add3A_1533 = vector.broadcast %add3A_1532 : i32 to vector<16xi32>
    %add3A_1534 = arith.addi %add3A_1504, %add3A_1533 : vector<16xi32>
    %mul3A_1535 = arith.constant 2 : i32
    %mul3A_1536 = vector.broadcast %mul3A_1535 : i32 to vector<16xi32>
    %mul3A_1537 = arith.muli %mul3A_1536, %sub3A_1531 : vector<16xi32>
    %add3A_1538 = arith.addi %add3A_1534, %mul3A_1537 : vector<16xi32>
    %swap3A_1539 = arith.constant 0 : i32
    %swap3A_1540 = arith.index_cast %swap3A_1539 : i32 to index
    %swap3A_1541 = arith.constant 64 : index
    %swap3A_1542 = tpu.vector_load %arg11[%swap3A_1540, %swap3A_1541] {strides = array<i32>} : memref<4x128xi32, #tpu.memory_space<vmem>>, vector<1x16xi32>,
    %swap3A_1543 = vector.shape_cast %swap3A_1542 : vector<1x16xi32> to vector<16xi32>
    %swap3A_1544 = vector.shape_cast %add3A_1538 : vector<16xi32> to vector<1x16xi32>
    tpu.vector_store %arg11[%swap3A_1540, %swap3A_1541], %swap3A_1544 {strides = array<i32>} : memref<4x128xi32, #tpu.memory_space<vmem>>, vector<1x16xi32>,
    %add3A_1545 = arith.constant 80 : i32
    %add3A_1546 = vector.broadcast %add3A_1545 : i32 to vector<16xi32>
    %add3A_1547 = arith.addi %iota3A, %add3A_1546 : vector<16xi32>
    %mul3A_1548 = arith.constant 20 : i32
    %mul3A_1549 = arith.muli %mul3A_10, %mul3A_1548 : i32
    %add3A_1550 = arith.constant 0 : i32
    %add3A_1551 = arith.addi %mul3A_1549, %add3A_1550 : i32
    %add3A_1552 = vector.broadcast %add3A_1551 : i32 to vector<16xi32>
    %add3A_1553 = arith.addi %add3A_1552, %add3A_1547 : vector<16xi32>
    %convert_element_type3A_1554 = arith.sitofp %add3A_1553 : vector<16xi32> to vector<16xf32>
    %mul3A_1555 = arith.constant 5.000000e-02 : f32
    %mul3A_1556 = vector.broadcast %mul3A_1555 : f32 to vector<16xf32>
    %mul3A_1557 = arith.mulf %convert_element_type3A_1554, %mul3A_1556 : vector<16xf32>
    %convert_element_type3A_1558 = arith.fptosi %mul3A_1557 : vector<16xf32> to vector<16xi32>
    %mul3A_1559 = arith.constant 20 : i32
    %mul3A_1560 = vector.broadcast %mul3A_1559 : i32 to vector<16xi32>
    %mul3A_1561 = arith.muli %convert_element_type3A_1558, %mul3A_1560 : vector<16xi32>
    %sub3A_1562 = arith.subi %add3A_1553, %mul3A_1561 : vector<16xi32>
    %ge3A_1563 = arith.constant 20 : i32
    %ge3A_1564 = vector.broadcast %ge3A_1563 : i32 to vector<16xi32>
    %ge3A_1565 = arith.cmpi sge, %sub3A_1562, %ge3A_1564 : vector<16xi32>
    %jit3A_1566 = arith.constant 1 : i32
    %jit3A_1567 = arith.constant 0 : i32
    %broadcast_in_dim3A_1568 = vector.broadcast %jit3A_1566 : i32 to vector<16xi32>
    %broadcast_in_dim3A_1569 = vector.broadcast %jit3A_1567 : i32 to vector<16xi32>
    %select_n3A_1570 = arith.select %ge3A_1565, %broadcast_in_dim3A_1568, %broadcast_in_dim3A_1569 : vector<16xi1>, vector<16xi32>
    %add3A_1571 = arith.addi %convert_element_type3A_1558, %select_n3A_1570 : vector<16xi32>
    %lt3A_1572 = arith.constant 0 : i32
    %lt3A_1573 = vector.broadcast %lt3A_1572 : i32 to vector<16xi32>
    %lt3A_1574 = arith.cmpi slt, %sub3A_1562, %lt3A_1573 : vector<16xi32>
    %jit3A_1575 = arith.constant 1 : i32
    %jit3A_1576 = arith.constant 0 : i32
    %broadcast_in_dim3A_1577 = vector.broadcast %jit3A_1575 : i32 to vector<16xi32>
    %broadcast_in_dim3A_1578 = vector.broadcast %jit3A_1576 : i32 to vector<16xi32>
    %select_n3A_1579 = arith.select %lt3A_1574, %broadcast_in_dim3A_1577, %broadcast_in_dim3A_1578 : vector<16xi1>, vector<16xi32>
    %sub3A_1580 = arith.subi %add3A_1571, %select_n3A_1579 : vector<16xi32>
    %add3A_1581 = arith.constant 2 : i32
    %add3A_1582 = vector.broadcast %add3A_1581 : i32 to vector<16xi32>
    %add3A_1583 = arith.addi %add3A_1553, %add3A_1582 : vector<16xi32>
    %mul3A_1584 = arith.constant 2 : i32
    %mul3A_1585 = vector.broadcast %mul3A_1584 : i32 to vector<16xi32>
    %mul3A_1586 = arith.muli %mul3A_1585, %sub3A_1580 : vector<16xi32>
    %add3A_1587 = arith.addi %add3A_1583, %mul3A_1586 : vector<16xi32>
    %swap3A_1588 = arith.constant 0 : i32
    %swap3A_1589 = arith.index_cast %swap3A_1588 : i32 to index
    %swap3A_1590 = arith.constant 80 : index
    %swap3A_1591 = tpu.vector_load %arg11[%swap3A_1589, %swap3A_1590] {strides = array<i32>} : memref<4x128xi32, #tpu.memory_space<vmem>>, vector<1x16xi32>,
    %swap3A_1592 = vector.shape_cast %swap3A_1591 : vector<1x16xi32> to vector<16xi32>
    %swap3A_1593 = vector.shape_cast %add3A_1587 : vector<16xi32> to vector<1x16xi32>
    tpu.vector_store %arg11[%swap3A_1589, %swap3A_1590], %swap3A_1593 {strides = array<i32>} : memref<4x128xi32, #tpu.memory_space<vmem>>, vector<1x16xi32>,
    %add3A_1594 = arith.constant 96 : i32
    %add3A_1595 = vector.broadcast %add3A_1594 : i32 to vector<16xi32>
    %add3A_1596 = arith.addi %iota3A, %add3A_1595 : vector<16xi32>
    %mul3A_1597 = arith.constant 20 : i32
    %mul3A_1598 = arith.muli %mul3A_10, %mul3A_1597 : i32
    %add3A_1599 = arith.constant 0 : i32
    %add3A_1600 = arith.addi %mul3A_1598, %add3A_1599 : i32
    %add3A_1601 = vector.broadcast %add3A_1600 : i32 to vector<16xi32>
    %add3A_1602 = arith.addi %add3A_1601, %add3A_1596 : vector<16xi32>
    %convert_element_type3A_1603 = arith.sitofp %add3A_1602 : vector<16xi32> to vector<16xf32>
    %mul3A_1604 = arith.constant 5.000000e-02 : f32
    %mul3A_1605 = vector.broadcast %mul3A_1604 : f32 to vector<16xf32>
    %mul3A_1606 = arith.mulf %convert_element_type3A_1603, %mul3A_1605 : vector<16xf32>
    %convert_element_type3A_1607 = arith.fptosi %mul3A_1606 : vector<16xf32> to vector<16xi32>
    %mul3A_1608 = arith.constant 20 : i32
    %mul3A_1609 = vector.broadcast %mul3A_1608 : i32 to vector<16xi32>
    %mul3A_1610 = arith.muli %convert_element_type3A_1607, %mul3A_1609 : vector<16xi32>
    %sub3A_1611 = arith.subi %add3A_1602, %mul3A_1610 : vector<16xi32>
    %ge3A_1612 = arith.constant 20 : i32
    %ge3A_1613 = vector.broadcast %ge3A_1612 : i32 to vector<16xi32>
    %ge3A_1614 = arith.cmpi sge, %sub3A_1611, %ge3A_1613 : vector<16xi32>
    %jit3A_1615 = arith.constant 1 : i32
    %jit3A_1616 = arith.constant 0 : i32
    %broadcast_in_dim3A_1617 = vector.broadcast %jit3A_1615 : i32 to vector<16xi32>
    %broadcast_in_dim3A_1618 = vector.broadcast %jit3A_1616 : i32 to vector<16xi32>
    %select_n3A_1619 = arith.select %ge3A_1614, %broadcast_in_dim3A_1617, %broadcast_in_dim3A_1618 : vector<16xi1>, vector<16xi32>
    %add3A_1620 = arith.addi %convert_element_type3A_1607, %select_n3A_1619 : vector<16xi32>
    %lt3A_1621 = arith.constant 0 : i32
    %lt3A_1622 = vector.broadcast %lt3A_1621 : i32 to vector<16xi32>
    %lt3A_1623 = arith.cmpi slt, %sub3A_1611, %lt3A_1622 : vector<16xi32>
    %jit3A_1624 = arith.constant 1 : i32
    %jit3A_1625 = arith.constant 0 : i32
    %broadcast_in_dim3A_1626 = vector.broadcast %jit3A_1624 : i32 to vector<16xi32>
    %broadcast_in_dim3A_1627 = vector.broadcast %jit3A_1625 : i32 to vector<16xi32>
    %select_n3A_1628 = arith.select %lt3A_1623, %broadcast_in_dim3A_1626, %broadcast_in_dim3A_1627 : vector<16xi1>, vector<16xi32>
    %sub3A_1629 = arith.subi %add3A_1620, %select_n3A_1628 : vector<16xi32>
    %add3A_1630 = arith.constant 2 : i32
    %add3A_1631 = vector.broadcast %add3A_1630 : i32 to vector<16xi32>
    %add3A_1632 = arith.addi %add3A_1602, %add3A_1631 : vector<16xi32>
    %mul3A_1633 = arith.constant 2 : i32
    %mul3A_1634 = vector.broadcast %mul3A_1633 : i32 to vector<16xi32>
    %mul3A_1635 = arith.muli %mul3A_1634, %sub3A_1629 : vector<16xi32>
    %add3A_1636 = arith.addi %add3A_1632, %mul3A_1635 : vector<16xi32>
    %swap3A_1637 = arith.constant 0 : i32
    %swap3A_1638 = arith.index_cast %swap3A_1637 : i32 to index
    %swap3A_1639 = arith.constant 96 : index
    %swap3A_1640 = tpu.vector_load %arg11[%swap3A_1638, %swap3A_1639] {strides = array<i32>} : memref<4x128xi32, #tpu.memory_space<vmem>>, vector<1x16xi32>,
    %swap3A_1641 = vector.shape_cast %swap3A_1640 : vector<1x16xi32> to vector<16xi32>
    %swap3A_1642 = vector.shape_cast %add3A_1636 : vector<16xi32> to vector<1x16xi32>
    tpu.vector_store %arg11[%swap3A_1638, %swap3A_1639], %swap3A_1642 {strides = array<i32>} : memref<4x128xi32, #tpu.memory_space<vmem>>, vector<1x16xi32>,
    %add3A_1643 = arith.constant 112 : i32
    %add3A_1644 = vector.broadcast %add3A_1643 : i32 to vector<16xi32>
    %add3A_1645 = arith.addi %iota3A, %add3A_1644 : vector<16xi32>
    %mul3A_1646 = arith.constant 20 : i32
    %mul3A_1647 = arith.muli %mul3A_10, %mul3A_1646 : i32
    %add3A_1648 = arith.constant 0 : i32
    %add3A_1649 = arith.addi %mul3A_1647, %add3A_1648 : i32
    %add3A_1650 = vector.broadcast %add3A_1649 : i32 to vector<16xi32>
    %add3A_1651 = arith.addi %add3A_1650, %add3A_1645 : vector<16xi32>
    %convert_element_type3A_1652 = arith.sitofp %add3A_1651 : vector<16xi32> to vector<16xf32>
    %mul3A_1653 = arith.constant 5.000000e-02 : f32
    %mul3A_1654 = vector.broadcast %mul3A_1653 : f32 to vector<16xf32>
    %mul3A_1655 = arith.mulf %convert_element_type3A_1652, %mul3A_1654 : vector<16xf32>
    %convert_element_type3A_1656 = arith.fptosi %mul3A_1655 : vector<16xf32> to vector<16xi32>
    %mul3A_1657 = arith.constant 20 : i32
    %mul3A_1658 = vector.broadcast %mul3A_1657 : i32 to vector<16xi32>
    %mul3A_1659 = arith.muli %convert_element_type3A_1656, %mul3A_1658 : vector<16xi32>
    %sub3A_1660 = arith.subi %add3A_1651, %mul3A_1659 : vector<16xi32>
    %ge3A_1661 = arith.constant 20 : i32
    %ge3A_1662 = vector.broadcast %ge3A_1661 : i32 to vector<16xi32>
    %ge3A_1663 = arith.cmpi sge, %sub3A_1660, %ge3A_1662 : vector<16xi32>
    %jit3A_1664 = arith.constant 1 : i32
    %jit3A_1665 = arith.constant 0 : i32
    %broadcast_in_dim3A_1666 = vector.broadcast %jit3A_1664 : i32 to vector<16xi32>
    %broadcast_in_dim3A_1667 = vector.broadcast %jit3A_1665 : i32 to vector<16xi32>
    %select_n3A_1668 = arith.select %ge3A_1663, %broadcast_in_dim3A_1666, %broadcast_in_dim3A_1667 : vector<16xi1>, vector<16xi32>
    %add3A_1669 = arith.addi %convert_element_type3A_1656, %select_n3A_1668 : vector<16xi32>
    %lt3A_1670 = arith.constant 0 : i32
    %lt3A_1671 = vector.broadcast %lt3A_1670 : i32 to vector<16xi32>
    %lt3A_1672 = arith.cmpi slt, %sub3A_1660, %lt3A_1671 : vector<16xi32>
    %jit3A_1673 = arith.constant 1 : i32
    %jit3A_1674 = arith.constant 0 : i32
    %broadcast_in_dim3A_1675 = vector.broadcast %jit3A_1673 : i32 to vector<16xi32>
    %broadcast_in_dim3A_1676 = vector.broadcast %jit3A_1674 : i32 to vector<16xi32>
    %select_n3A_1677 = arith.select %lt3A_1672, %broadcast_in_dim3A_1675, %broadcast_in_dim3A_1676 : vector<16xi1>, vector<16xi32>
    %sub3A_1678 = arith.subi %add3A_1669, %select_n3A_1677 : vector<16xi32>
    %add3A_1679 = arith.constant 2 : i32
    %add3A_1680 = vector.broadcast %add3A_1679 : i32 to vector<16xi32>
    %add3A_1681 = arith.addi %add3A_1651, %add3A_1680 : vector<16xi32>
    %mul3A_1682 = arith.constant 2 : i32
    %mul3A_1683 = vector.broadcast %mul3A_1682 : i32 to vector<16xi32>
    %mul3A_1684 = arith.muli %mul3A_1683, %sub3A_1678 : vector<16xi32>
    %add3A_1685 = arith.addi %add3A_1681, %mul3A_1684 : vector<16xi32>
    %swap3A_1686 = arith.constant 0 : i32
    %swap3A_1687 = arith.index_cast %swap3A_1686 : i32 to index
    %swap3A_1688 = arith.constant 112 : index
    %swap3A_1689 = tpu.vector_load %arg11[%swap3A_1687, %swap3A_1688] {strides = array<i32>} : memref<4x128xi32, #tpu.memory_space<vmem>>, vector<1x16xi32>,
    %swap3A_1690 = vector.shape_cast %swap3A_1689 : vector<1x16xi32> to vector<16xi32>
    %swap3A_1691 = vector.shape_cast %add3A_1685 : vector<16xi32> to vector<1x16xi32>
    tpu.vector_store %arg11[%swap3A_1687, %swap3A_1688], %swap3A_1691 {strides = array<i32>} : memref<4x128xi32, #tpu.memory_space<vmem>>, vector<1x16xi32>,
    %dma_start3A_1692 = arith.constant 1 : i32
    %dma_start3A_1693 = arith.constant 0 : i32
    %dma_start3A_1694 = arith.constant 0 : i32
    %dma_start3A_1695 = tpu.memref_slice %arg12[%dma_start3A_1692, %dma_start3A_1693, %dma_start3A_1694] : memref<4x128x32xf32, #tpu.memory_space<vmem>> -> memref<1x128x32xf32, #tpu.memory_space<vmem>>
    %dma_start3A_1696 = tpu.memref_squeeze %dma_start3A_1695 : memref<1x128x32xf32, #tpu.memory_space<vmem>> -> memref<128x32xf32, #tpu.memory_space<vmem>>
    %dma_start3A_1697 = arith.constant 128 : i32
    %dma_start3A_1698 = tpu.memref_slice %arg10[%dma_start3A_1697] : memref<10240xi32, #tpu.memory_space<vmem>> -> memref<128xi32, #tpu.memory_space<vmem>>
    %dma_start3A_1699 = arith.constant 0 : i32
    %dma_start3A_1700 = arith.constant 0 : i32
    %dma_start3A_1701 = tpu.memref_slice %arg6[%dma_start3A_1699, %dma_start3A_1700] : memref<1000000x32xf32, #tpu.memory_space<hbm>> -> memref<1000000x32xf32, #tpu.memory_space<hbm>>
    tpu.enqueue_indirect_dma source(%dma_start3A_1701 : memref<1000000x32xf32, #tpu.memory_space<hbm>>) target(%dma_start3A_1696 : memref<128x32xf32, #tpu.memory_space<vmem>>) offsets(%dma_start3A_1698 : memref<128xi32, #tpu.memory_space<vmem>>) semaphore(%arg13 : memref<!tpu.dma_semaphore, #tpu.memory_space<semaphore_mem>>)
    %add3A_1702 = arith.constant 0 : i32
    %add3A_1703 = vector.broadcast %add3A_1702 : i32 to vector<16xi32>
    %add3A_1704 = arith.addi %iota3A, %add3A_1703 : vector<16xi32>
    %mul3A_1705 = arith.constant 20 : i32
    %mul3A_1706 = arith.muli %mul3A_10, %mul3A_1705 : i32
    %add3A_1707 = arith.constant 128 : i32
    %add3A_1708 = arith.addi %mul3A_1706, %add3A_1707 : i32
    %add3A_1709 = vector.broadcast %add3A_1708 : i32 to vector<16xi32>
    %add3A_1710 = arith.addi %add3A_1709, %add3A_1704 : vector<16xi32>
    %convert_element_type3A_1711 = arith.sitofp %add3A_1710 : vector<16xi32> to vector<16xf32>
    %mul3A_1712 = arith.constant 5.000000e-02 : f32
    %mul3A_1713 = vector.broadcast %mul3A_1712 : f32 to vector<16xf32>
    %mul3A_1714 = arith.mulf %convert_element_type3A_1711, %mul3A_1713 : vector<16xf32>
    %convert_element_type3A_1715 = arith.fptosi %mul3A_1714 : vector<16xf32> to vector<16xi32>
    %mul3A_1716 = arith.constant 20 : i32
    %mul3A_1717 = vector.broadcast %mul3A_1716 : i32 to vector<16xi32>
    %mul3A_1718 = arith.muli %convert_element_type3A_1715, %mul3A_1717 : vector<16xi32>
    %sub3A_1719 = arith.subi %add3A_1710, %mul3A_1718 : vector<16xi32>
    %ge3A_1720 = arith.constant 20 : i32
    %ge3A_1721 = vector.broadcast %ge3A_1720 : i32 to vector<16xi32>
    %ge3A_1722 = arith.cmpi sge, %sub3A_1719, %ge3A_1721 : vector<16xi32>
    %jit3A_1723 = arith.constant 1 : i32
    %jit3A_1724 = arith.constant 0 : i32
    %broadcast_in_dim3A_1725 = vector.broadcast %jit3A_1723 : i32 to vector<16xi32>
    %broadcast_in_dim3A_1726 = vector.broadcast %jit3A_1724 : i32 to vector<16xi32>
    %select_n3A_1727 = arith.select %ge3A_1722, %broadcast_in_dim3A_1725, %broadcast_in_dim3A_1726 : vector<16xi1>, vector<16xi32>
    %add3A_1728 = arith.addi %convert_element_type3A_1715, %select_n3A_1727 : vector<16xi32>
    %lt3A_1729 = arith.constant 0 : i32
    %lt3A_1730 = vector.broadcast %lt3A_1729 : i32 to vector<16xi32>
    %lt3A_1731 = arith.cmpi slt, %sub3A_1719, %lt3A_1730 : vector<16xi32>
    %jit3A_1732 = arith.constant 1 : i32
    %jit3A_1733 = arith.constant 0 : i32
    %broadcast_in_dim3A_1734 = vector.broadcast %jit3A_1732 : i32 to vector<16xi32>
    %broadcast_in_dim3A_1735 = vector.broadcast %jit3A_1733 : i32 to vector<16xi32>
    %select_n3A_1736 = arith.select %lt3A_1731, %broadcast_in_dim3A_1734, %broadcast_in_dim3A_1735 : vector<16xi1>, vector<16xi32>
    %sub3A_1737 = arith.subi %add3A_1728, %select_n3A_1736 : vector<16xi32>
    %add3A_1738 = arith.constant 2 : i32
    %add3A_1739 = vector.broadcast %add3A_1738 : i32 to vector<16xi32>
    %add3A_1740 = arith.addi %add3A_1710, %add3A_1739 : vector<16xi32>
    %mul3A_1741 = arith.constant 2 : i32
    %mul3A_1742 = vector.broadcast %mul3A_1741 : i32 to vector<16xi32>
    %mul3A_1743 = arith.muli %mul3A_1742, %sub3A_1737 : vector<16xi32>
    %add3A_1744 = arith.addi %add3A_1740, %mul3A_1743 : vector<16xi32>
    %swap3A_1745 = arith.constant 1 : i32
    %swap3A_1746 = arith.index_cast %swap3A_1745 : i32 to index
    %swap3A_1747 = arith.constant 0 : index
    %swap3A_1748 = tpu.vector_load %arg11[%swap3A_1746, %swap3A_1747] {strides = array<i32>} : memref<4x128xi32, #tpu.memory_space<vmem>>, vector<1x16xi32>,
    %swap3A_1749 = vector.shape_cast %swap3A_1748 : vector<1x16xi32> to vector<16xi32>
    %swap3A_1750 = vector.shape_cast %add3A_1744 : vector<16xi32> to vector<1x16xi32>
    tpu.vector_store %arg11[%swap3A_1746, %swap3A_1747], %swap3A_1750 {strides = array<i32>} : memref<4x128xi32, #tpu.memory_space<vmem>>, vector<1x16xi32>,
    %add3A_1751 = arith.constant 16 : i32
    %add3A_1752 = vector.broadcast %add3A_1751 : i32 to vector<16xi32>
    %add3A_1753 = arith.addi %iota3A, %add3A_1752 : vector<16xi32>
    %mul3A_1754 = arith.constant 20 : i32
    %mul3A_1755 = arith.muli %mul3A_10, %mul3A_1754 : i32
    %add3A_1756 = arith.constant 128 : i32
    %add3A_1757 = arith.addi %mul3A_1755, %add3A_1756 : i32
    %add3A_1758 = vector.broadcast %add3A_1757 : i32 to vector<16xi32>
    %add3A_1759 = arith.addi %add3A_1758, %add3A_1753 : vector<16xi32>
    %convert_element_type3A_1760 = arith.sitofp %add3A_1759 : vector<16xi32> to vector<16xf32>
    %mul3A_1761 = arith.constant 5.000000e-02 : f32
    %mul3A_1762 = vector.broadcast %mul3A_1761 : f32 to vector<16xf32>
    %mul3A_1763 = arith.mulf %convert_element_type3A_1760, %mul3A_1762 : vector<16xf32>
    %convert_element_type3A_1764 = arith.fptosi %mul3A_1763 : vector<16xf32> to vector<16xi32>
    %mul3A_1765 = arith.constant 20 : i32
    %mul3A_1766 = vector.broadcast %mul3A_1765 : i32 to vector<16xi32>
    %mul3A_1767 = arith.muli %convert_element_type3A_1764, %mul3A_1766 : vector<16xi32>
    %sub3A_1768 = arith.subi %add3A_1759, %mul3A_1767 : vector<16xi32>
    %ge3A_1769 = arith.constant 20 : i32
    %ge3A_1770 = vector.broadcast %ge3A_1769 : i32 to vector<16xi32>
    %ge3A_1771 = arith.cmpi sge, %sub3A_1768, %ge3A_1770 : vector<16xi32>
    %jit3A_1772 = arith.constant 1 : i32
    %jit3A_1773 = arith.constant 0 : i32
    %broadcast_in_dim3A_1774 = vector.broadcast %jit3A_1772 : i32 to vector<16xi32>
    %broadcast_in_dim3A_1775 = vector.broadcast %jit3A_1773 : i32 to vector<16xi32>
    %select_n3A_1776 = arith.select %ge3A_1771, %broadcast_in_dim3A_1774, %broadcast_in_dim3A_1775 : vector<16xi1>, vector<16xi32>
    %add3A_1777 = arith.addi %convert_element_type3A_1764, %select_n3A_1776 : vector<16xi32>
    %lt3A_1778 = arith.constant 0 : i32
    %lt3A_1779 = vector.broadcast %lt3A_1778 : i32 to vector<16xi32>
    %lt3A_1780 = arith.cmpi slt, %sub3A_1768, %lt3A_1779 : vector<16xi32>
    %jit3A_1781 = arith.constant 1 : i32
    %jit3A_1782 = arith.constant 0 : i32
    %broadcast_in_dim3A_1783 = vector.broadcast %jit3A_1781 : i32 to vector<16xi32>
    %broadcast_in_dim3A_1784 = vector.broadcast %jit3A_1782 : i32 to vector<16xi32>
    %select_n3A_1785 = arith.select %lt3A_1780, %broadcast_in_dim3A_1783, %broadcast_in_dim3A_1784 : vector<16xi1>, vector<16xi32>
    %sub3A_1786 = arith.subi %add3A_1777, %select_n3A_1785 : vector<16xi32>
    %add3A_1787 = arith.constant 2 : i32
    %add3A_1788 = vector.broadcast %add3A_1787 : i32 to vector<16xi32>
    %add3A_1789 = arith.addi %add3A_1759, %add3A_1788 : vector<16xi32>
    %mul3A_1790 = arith.constant 2 : i32
    %mul3A_1791 = vector.broadcast %mul3A_1790 : i32 to vector<16xi32>
    %mul3A_1792 = arith.muli %mul3A_1791, %sub3A_1786 : vector<16xi32>
    %add3A_1793 = arith.addi %add3A_1789, %mul3A_1792 : vector<16xi32>
    %swap3A_1794 = arith.constant 1 : i32
    %swap3A_1795 = arith.index_cast %swap3A_1794 : i32 to index
    %swap3A_1796 = arith.constant 16 : index
    %swap3A_1797 = tpu.vector_load %arg11[%swap3A_1795, %swap3A_1796] {strides = array<i32>} : memref<4x128xi32, #tpu.memory_space<vmem>>, vector<1x16xi32>,
    %swap3A_1798 = vector.shape_cast %swap3A_1797 : vector<1x16xi32> to vector<16xi32>
    %swap3A_1799 = vector.shape_cast %add3A_1793 : vector<16xi32> to vector<1x16xi32>
    tpu.vector_store %arg11[%swap3A_1795, %swap3A_1796], %swap3A_1799 {strides = array<i32>} : memref<4x128xi32, #tpu.memory_space<vmem>>, vector<1x16xi32>,
    %add3A_1800 = arith.constant 32 : i32
    %add3A_1801 = vector.broadcast %add3A_1800 : i32 to vector<16xi32>
    %add3A_1802 = arith.addi %iota3A, %add3A_1801 : vector<16xi32>
    %mul3A_1803 = arith.constant 20 : i32
    %mul3A_1804 = arith.muli %mul3A_10, %mul3A_1803 : i32
    %add3A_1805 = arith.constant 128 : i32
    %add3A_1806 = arith.addi %mul3A_1804, %add3A_1805 : i32
    %add3A_1807 = vector.broadcast %add3A_1806 : i32 to vector<16xi32>
    %add3A_1808 = arith.addi %add3A_1807, %add3A_1802 : vector<16xi32>
    %convert_element_type3A_1809 = arith.sitofp %add3A_1808 : vector<16xi32> to vector<16xf32>
    %mul3A_1810 = arith.constant 5.000000e-02 : f32
    %mul3A_1811 = vector.broadcast %mul3A_1810 : f32 to vector<16xf32>
    %mul3A_1812 = arith.mulf %convert_element_type3A_1809, %mul3A_1811 : vector<16xf32>
    %convert_element_type3A_1813 = arith.fptosi %mul3A_1812 : vector<16xf32> to vector<16xi32>
    %mul3A_1814 = arith.constant 20 : i32
    %mul3A_1815 = vector.broadcast %mul3A_1814 : i32 to vector<16xi32>
    %mul3A_1816 = arith.muli %convert_element_type3A_1813, %mul3A_1815 : vector<16xi32>
    %sub3A_1817 = arith.subi %add3A_1808, %mul3A_1816 : vector<16xi32>
    %ge3A_1818 = arith.constant 20 : i32
    %ge3A_1819 = vector.broadcast %ge3A_1818 : i32 to vector<16xi32>
    %ge3A_1820 = arith.cmpi sge, %sub3A_1817, %ge3A_1819 : vector<16xi32>
    %jit3A_1821 = arith.constant 1 : i32
    %jit3A_1822 = arith.constant 0 : i32
    %broadcast_in_dim3A_1823 = vector.broadcast %jit3A_1821 : i32 to vector<16xi32>
    %broadcast_in_dim3A_1824 = vector.broadcast %jit3A_1822 : i32 to vector<16xi32>
    %select_n3A_1825 = arith.select %ge3A_1820, %broadcast_in_dim3A_1823, %broadcast_in_dim3A_1824 : vector<16xi1>, vector<16xi32>
    %add3A_1826 = arith.addi %convert_element_type3A_1813, %select_n3A_1825 : vector<16xi32>
    %lt3A_1827 = arith.constant 0 : i32
    %lt3A_1828 = vector.broadcast %lt3A_1827 : i32 to vector<16xi32>
    %lt3A_1829 = arith.cmpi slt, %sub3A_1817, %lt3A_1828 : vector<16xi32>
    %jit3A_1830 = arith.constant 1 : i32
    %jit3A_1831 = arith.constant 0 : i32
    %broadcast_in_dim3A_1832 = vector.broadcast %jit3A_1830 : i32 to vector<16xi32>
    %broadcast_in_dim3A_1833 = vector.broadcast %jit3A_1831 : i32 to vector<16xi32>
    %select_n3A_1834 = arith.select %lt3A_1829, %broadcast_in_dim3A_1832, %broadcast_in_dim3A_1833 : vector<16xi1>, vector<16xi32>
    %sub3A_1835 = arith.subi %add3A_1826, %select_n3A_1834 : vector<16xi32>
    %add3A_1836 = arith.constant 2 : i32
    %add3A_1837 = vector.broadcast %add3A_1836 : i32 to vector<16xi32>
    %add3A_1838 = arith.addi %add3A_1808, %add3A_1837 : vector<16xi32>
    %mul3A_1839 = arith.constant 2 : i32
    %mul3A_1840 = vector.broadcast %mul3A_1839 : i32 to vector<16xi32>
    %mul3A_1841 = arith.muli %mul3A_1840, %sub3A_1835 : vector<16xi32>
    %add3A_1842 = arith.addi %add3A_1838, %mul3A_1841 : vector<16xi32>
    %swap3A_1843 = arith.constant 1 : i32
    %swap3A_1844 = arith.index_cast %swap3A_1843 : i32 to index
    %swap3A_1845 = arith.constant 32 : index
    %swap3A_1846 = tpu.vector_load %arg11[%swap3A_1844, %swap3A_1845] {strides = array<i32>} : memref<4x128xi32, #tpu.memory_space<vmem>>, vector<1x16xi32>,
    %swap3A_1847 = vector.shape_cast %swap3A_1846 : vector<1x16xi32> to vector<16xi32>
    %swap3A_1848 = vector.shape_cast %add3A_1842 : vector<16xi32> to vector<1x16xi32>
    tpu.vector_store %arg11[%swap3A_1844, %swap3A_1845], %swap3A_1848 {strides = array<i32>} : memref<4x128xi32, #tpu.memory_space<vmem>>, vector<1x16xi32>,
    %add3A_1849 = arith.constant 48 : i32
    %add3A_1850 = vector.broadcast %add3A_1849 : i32 to vector<16xi32>
    %add3A_1851 = arith.addi %iota3A, %add3A_1850 : vector<16xi32>
    %mul3A_1852 = arith.constant 20 : i32
    %mul3A_1853 = arith.muli %mul3A_10, %mul3A_1852 : i32
    %add3A_1854 = arith.constant 128 : i32
    %add3A_1855 = arith.addi %mul3A_1853, %add3A_1854 : i32
    %add3A_1856 = vector.broadcast %add3A_1855 : i32 to vector<16xi32>
    %add3A_1857 = arith.addi %add3A_1856, %add3A_1851 : vector<16xi32>
    %convert_element_type3A_1858 = arith.sitofp %add3A_1857 : vector<16xi32> to vector<16xf32>
    %mul3A_1859 = arith.constant 5.000000e-02 : f32
    %mul3A_1860 = vector.broadcast %mul3A_1859 : f32 to vector<16xf32>
    %mul3A_1861 = arith.mulf %convert_element_type3A_1858, %mul3A_1860 : vector<16xf32>
    %convert_element_type3A_1862 = arith.fptosi %mul3A_1861 : vector<16xf32> to vector<16xi32>
    %mul3A_1863 = arith.constant 20 : i32
    %mul3A_1864 = vector.broadcast %mul3A_1863 : i32 to vector<16xi32>
    %mul3A_1865 = arith.muli %convert_element_type3A_1862, %mul3A_1864 : vector<16xi32>
    %sub3A_1866 = arith.subi %add3A_1857, %mul3A_1865 : vector<16xi32>
    %ge3A_1867 = arith.constant 20 : i32
    %ge3A_1868 = vector.broadcast %ge3A_1867 : i32 to vector<16xi32>
    %ge3A_1869 = arith.cmpi sge, %sub3A_1866, %ge3A_1868 : vector<16xi32>
    %jit3A_1870 = arith.constant 1 : i32
    %jit3A_1871 = arith.constant 0 : i32
    %broadcast_in_dim3A_1872 = vector.broadcast %jit3A_1870 : i32 to vector<16xi32>
    %broadcast_in_dim3A_1873 = vector.broadcast %jit3A_1871 : i32 to vector<16xi32>
    %select_n3A_1874 = arith.select %ge3A_1869, %broadcast_in_dim3A_1872, %broadcast_in_dim3A_1873 : vector<16xi1>, vector<16xi32>
    %add3A_1875 = arith.addi %convert_element_type3A_1862, %select_n3A_1874 : vector<16xi32>
    %lt3A_1876 = arith.constant 0 : i32
    %lt3A_1877 = vector.broadcast %lt3A_1876 : i32 to vector<16xi32>
    %lt3A_1878 = arith.cmpi slt, %sub3A_1866, %lt3A_1877 : vector<16xi32>
    %jit3A_1879 = arith.constant 1 : i32
    %jit3A_1880 = arith.constant 0 : i32
    %broadcast_in_dim3A_1881 = vector.broadcast %jit3A_1879 : i32 to vector<16xi32>
    %broadcast_in_dim3A_1882 = vector.broadcast %jit3A_1880 : i32 to vector<16xi32>
    %select_n3A_1883 = arith.select %lt3A_1878, %broadcast_in_dim3A_1881, %broadcast_in_dim3A_1882 : vector<16xi1>, vector<16xi32>
    %sub3A_1884 = arith.subi %add3A_1875, %select_n3A_1883 : vector<16xi32>
    %add3A_1885 = arith.constant 2 : i32
    %add3A_1886 = vector.broadcast %add3A_1885 : i32 to vector<16xi32>
    %add3A_1887 = arith.addi %add3A_1857, %add3A_1886 : vector<16xi32>
    %mul3A_1888 = arith.constant 2 : i32
    %mul3A_1889 = vector.broadcast %mul3A_1888 : i32 to vector<16xi32>
    %mul3A_1890 = arith.muli %mul3A_1889, %sub3A_1884 : vector<16xi32>
    %add3A_1891 = arith.addi %add3A_1887, %mul3A_1890 : vector<16xi32>
    %swap3A_1892 = arith.constant 1 : i32
    %swap3A_1893 = arith.index_cast %swap3A_1892 : i32 to index
    %swap3A_1894 = arith.constant 48 : index
    %swap3A_1895 = tpu.vector_load %arg11[%swap3A_1893, %swap3A_1894] {strides = array<i32>} : memref<4x128xi32, #tpu.memory_space<vmem>>, vector<1x16xi32>,
    %swap3A_1896 = vector.shape_cast %swap3A_1895 : vector<1x16xi32> to vector<16xi32>
    %swap3A_1897 = vector.shape_cast %add3A_1891 : vector<16xi32> to vector<1x16xi32>
    tpu.vector_store %arg11[%swap3A_1893, %swap3A_1894], %swap3A_1897 {strides = array<i32>} : memref<4x128xi32, #tpu.memory_space<vmem>>, vector<1x16xi32>,
    %add3A_1898 = arith.constant 64 : i32
    %add3A_1899 = vector.broadcast %add3A_1898 : i32 to vector<16xi32>
    %add3A_1900 = arith.addi %iota3A, %add3A_1899 : vector<16xi32>
    %mul3A_1901 = arith.constant 20 : i32
    %mul3A_1902 = arith.muli %mul3A_10, %mul3A_1901 : i32
    %add3A_1903 = arith.constant 128 : i32
    %add3A_1904 = arith.addi %mul3A_1902, %add3A_1903 : i32
    %add3A_1905 = vector.broadcast %add3A_1904 : i32 to vector<16xi32>
    %add3A_1906 = arith.addi %add3A_1905, %add3A_1900 : vector<16xi32>
    %convert_element_type3A_1907 = arith.sitofp %add3A_1906 : vector<16xi32> to vector<16xf32>
    %mul3A_1908 = arith.constant 5.000000e-02 : f32
    %mul3A_1909 = vector.broadcast %mul3A_1908 : f32 to vector<16xf32>
    %mul3A_1910 = arith.mulf %convert_element_type3A_1907, %mul3A_1909 : vector<16xf32>
    %convert_element_type3A_1911 = arith.fptosi %mul3A_1910 : vector<16xf32> to vector<16xi32>
    %mul3A_1912 = arith.constant 20 : i32
    %mul3A_1913 = vector.broadcast %mul3A_1912 : i32 to vector<16xi32>
    %mul3A_1914 = arith.muli %convert_element_type3A_1911, %mul3A_1913 : vector<16xi32>
    %sub3A_1915 = arith.subi %add3A_1906, %mul3A_1914 : vector<16xi32>
    %ge3A_1916 = arith.constant 20 : i32
    %ge3A_1917 = vector.broadcast %ge3A_1916 : i32 to vector<16xi32>
    %ge3A_1918 = arith.cmpi sge, %sub3A_1915, %ge3A_1917 : vector<16xi32>
    %jit3A_1919 = arith.constant 1 : i32
    %jit3A_1920 = arith.constant 0 : i32
    %broadcast_in_dim3A_1921 = vector.broadcast %jit3A_1919 : i32 to vector<16xi32>
    %broadcast_in_dim3A_1922 = vector.broadcast %jit3A_1920 : i32 to vector<16xi32>
    %select_n3A_1923 = arith.select %ge3A_1918, %broadcast_in_dim3A_1921, %broadcast_in_dim3A_1922 : vector<16xi1>, vector<16xi32>
    %add3A_1924 = arith.addi %convert_element_type3A_1911, %select_n3A_1923 : vector<16xi32>
    %lt3A_1925 = arith.constant 0 : i32
    %lt3A_1926 = vector.broadcast %lt3A_1925 : i32 to vector<16xi32>
    %lt3A_1927 = arith.cmpi slt, %sub3A_1915, %lt3A_1926 : vector<16xi32>
    %jit3A_1928 = arith.constant 1 : i32
    %jit3A_1929 = arith.constant 0 : i32
    %broadcast_in_dim3A_1930 = vector.broadcast %jit3A_1928 : i32 to vector<16xi32>
    %broadcast_in_dim3A_1931 = vector.broadcast %jit3A_1929 : i32 to vector<16xi32>
    %select_n3A_1932 = arith.select %lt3A_1927, %broadcast_in_dim3A_1930, %broadcast_in_dim3A_1931 : vector<16xi1>, vector<16xi32>
    %sub3A_1933 = arith.subi %add3A_1924, %select_n3A_1932 : vector<16xi32>
    %add3A_1934 = arith.constant 2 : i32
    %add3A_1935 = vector.broadcast %add3A_1934 : i32 to vector<16xi32>
    %add3A_1936 = arith.addi %add3A_1906, %add3A_1935 : vector<16xi32>
    %mul3A_1937 = arith.constant 2 : i32
    %mul3A_1938 = vector.broadcast %mul3A_1937 : i32 to vector<16xi32>
    %mul3A_1939 = arith.muli %mul3A_1938, %sub3A_1933 : vector<16xi32>
    %add3A_1940 = arith.addi %add3A_1936, %mul3A_1939 : vector<16xi32>
    %swap3A_1941 = arith.constant 1 : i32
    %swap3A_1942 = arith.index_cast %swap3A_1941 : i32 to index
    %swap3A_1943 = arith.constant 64 : index
    %swap3A_1944 = tpu.vector_load %arg11[%swap3A_1942, %swap3A_1943] {strides = array<i32>} : memref<4x128xi32, #tpu.memory_space<vmem>>, vector<1x16xi32>,
    %swap3A_1945 = vector.shape_cast %swap3A_1944 : vector<1x16xi32> to vector<16xi32>
    %swap3A_1946 = vector.shape_cast %add3A_1940 : vector<16xi32> to vector<1x16xi32>
    tpu.vector_store %arg11[%swap3A_1942, %swap3A_1943], %swap3A_1946 {strides = array<i32>} : memref<4x128xi32, #tpu.memory_space<vmem>>, vector<1x16xi32>,
    %add3A_1947 = arith.constant 80 : i32
    %add3A_1948 = vector.broadcast %add3A_1947 : i32 to vector<16xi32>
    %add3A_1949 = arith.addi %iota3A, %add3A_1948 : vector<16xi32>
    %mul3A_1950 = arith.constant 20 : i32
    %mul3A_1951 = arith.muli %mul3A_10, %mul3A_1950 : i32
    %add3A_1952 = arith.constant 128 : i32
    %add3A_1953 = arith.addi %mul3A_1951, %add3A_1952 : i32
    %add3A_1954 = vector.broadcast %add3A_1953 : i32 to vector<16xi32>
    %add3A_1955 = arith.addi %add3A_1954, %add3A_1949 : vector<16xi32>
    %convert_element_type3A_1956 = arith.sitofp %add3A_1955 : vector<16xi32> to vector<16xf32>
    %mul3A_1957 = arith.constant 5.000000e-02 : f32
    %mul3A_1958 = vector.broadcast %mul3A_1957 : f32 to vector<16xf32>
    %mul3A_1959 = arith.mulf %convert_element_type3A_1956, %mul3A_1958 : vector<16xf32>
    %convert_element_type3A_1960 = arith.fptosi %mul3A_1959 : vector<16xf32> to vector<16xi32>
    %mul3A_1961 = arith.constant 20 : i32
    %mul3A_1962 = vector.broadcast %mul3A_1961 : i32 to vector<16xi32>
    %mul3A_1963 = arith.muli %convert_element_type3A_1960, %mul3A_1962 : vector<16xi32>
    %sub3A_1964 = arith.subi %add3A_1955, %mul3A_1963 : vector<16xi32>
    %ge3A_1965 = arith.constant 20 : i32
    %ge3A_1966 = vector.broadcast %ge3A_1965 : i32 to vector<16xi32>
    %ge3A_1967 = arith.cmpi sge, %sub3A_1964, %ge3A_1966 : vector<16xi32>
    %jit3A_1968 = arith.constant 1 : i32
    %jit3A_1969 = arith.constant 0 : i32
    %broadcast_in_dim3A_1970 = vector.broadcast %jit3A_1968 : i32 to vector<16xi32>
    %broadcast_in_dim3A_1971 = vector.broadcast %jit3A_1969 : i32 to vector<16xi32>
    %select_n3A_1972 = arith.select %ge3A_1967, %broadcast_in_dim3A_1970, %broadcast_in_dim3A_1971 : vector<16xi1>, vector<16xi32>
    %add3A_1973 = arith.addi %convert_element_type3A_1960, %select_n3A_1972 : vector<16xi32>
    %lt3A_1974 = arith.constant 0 : i32
    %lt3A_1975 = vector.broadcast %lt3A_1974 : i32 to vector<16xi32>
    %lt3A_1976 = arith.cmpi slt, %sub3A_1964, %lt3A_1975 : vector<16xi32>
    %jit3A_1977 = arith.constant 1 : i32
    %jit3A_1978 = arith.constant 0 : i32
    %broadcast_in_dim3A_1979 = vector.broadcast %jit3A_1977 : i32 to vector<16xi32>
    %broadcast_in_dim3A_1980 = vector.broadcast %jit3A_1978 : i32 to vector<16xi32>
    %select_n3A_1981 = arith.select %lt3A_1976, %broadcast_in_dim3A_1979, %broadcast_in_dim3A_1980 : vector<16xi1>, vector<16xi32>
    %sub3A_1982 = arith.subi %add3A_1973, %select_n3A_1981 : vector<16xi32>
    %add3A_1983 = arith.constant 2 : i32
    %add3A_1984 = vector.broadcast %add3A_1983 : i32 to vector<16xi32>
    %add3A_1985 = arith.addi %add3A_1955, %add3A_1984 : vector<16xi32>
    %mul3A_1986 = arith.constant 2 : i32
    %mul3A_1987 = vector.broadcast %mul3A_1986 : i32 to vector<16xi32>
    %mul3A_1988 = arith.muli %mul3A_1987, %sub3A_1982 : vector<16xi32>
    %add3A_1989 = arith.addi %add3A_1985, %mul3A_1988 : vector<16xi32>
    %swap3A_1990 = arith.constant 1 : i32
    %swap3A_1991 = arith.index_cast %swap3A_1990 : i32 to index
    %swap3A_1992 = arith.constant 80 : index
    %swap3A_1993 = tpu.vector_load %arg11[%swap3A_1991, %swap3A_1992] {strides = array<i32>} : memref<4x128xi32, #tpu.memory_space<vmem>>, vector<1x16xi32>,
    %swap3A_1994 = vector.shape_cast %swap3A_1993 : vector<1x16xi32> to vector<16xi32>
    %swap3A_1995 = vector.shape_cast %add3A_1989 : vector<16xi32> to vector<1x16xi32>
    tpu.vector_store %arg11[%swap3A_1991, %swap3A_1992], %swap3A_1995 {strides = array<i32>} : memref<4x128xi32, #tpu.memory_space<vmem>>, vector<1x16xi32>,
    %add3A_1996 = arith.constant 96 : i32
    %add3A_1997 = vector.broadcast %add3A_1996 : i32 to vector<16xi32>
    %add3A_1998 = arith.addi %iota3A, %add3A_1997 : vector<16xi32>
    %mul3A_1999 = arith.constant 20 : i32
    %mul3A_2000 = arith.muli %mul3A_10, %mul3A_1999 : i32
    %add3A_2001 = arith.constant 128 : i32
    %add3A_2002 = arith.addi %mul3A_2000, %add3A_2001 : i32
    %add3A_2003 = vector.broadcast %add3A_2002 : i32 to vector<16xi32>
    %add3A_2004 = arith.addi %add3A_2003, %add3A_1998 : vector<16xi32>
    %convert_element_type3A_2005 = arith.sitofp %add3A_2004 : vector<16xi32> to vector<16xf32>
    %mul3A_2006 = arith.constant 5.000000e-02 : f32
    %mul3A_2007 = vector.broadcast %mul3A_2006 : f32 to vector<16xf32>
    %mul3A_2008 = arith.mulf %convert_element_type3A_2005, %mul3A_2007 : vector<16xf32>
    %convert_element_type3A_2009 = arith.fptosi %mul3A_2008 : vector<16xf32> to vector<16xi32>
    %mul3A_2010 = arith.constant 20 : i32
    %mul3A_2011 = vector.broadcast %mul3A_2010 : i32 to vector<16xi32>
    %mul3A_2012 = arith.muli %convert_element_type3A_2009, %mul3A_2011 : vector<16xi32>
    %sub3A_2013 = arith.subi %add3A_2004, %mul3A_2012 : vector<16xi32>
    %ge3A_2014 = arith.constant 20 : i32
    %ge3A_2015 = vector.broadcast %ge3A_2014 : i32 to vector<16xi32>
    %ge3A_2016 = arith.cmpi sge, %sub3A_2013, %ge3A_2015 : vector<16xi32>
    %jit3A_2017 = arith.constant 1 : i32
    %jit3A_2018 = arith.constant 0 : i32
    %broadcast_in_dim3A_2019 = vector.broadcast %jit3A_2017 : i32 to vector<16xi32>
    %broadcast_in_dim3A_2020 = vector.broadcast %jit3A_2018 : i32 to vector<16xi32>
    %select_n3A_2021 = arith.select %ge3A_2016, %broadcast_in_dim3A_2019, %broadcast_in_dim3A_2020 : vector<16xi1>, vector<16xi32>
    %add3A_2022 = arith.addi %convert_element_type3A_2009, %select_n3A_2021 : vector<16xi32>
    %lt3A_2023 = arith.constant 0 : i32
    %lt3A_2024 = vector.broadcast %lt3A_2023 : i32 to vector<16xi32>
    %lt3A_2025 = arith.cmpi slt, %sub3A_2013, %lt3A_2024 : vector<16xi32>
    %jit3A_2026 = arith.constant 1 : i32
    %jit3A_2027 = arith.constant 0 : i32
    %broadcast_in_dim3A_2028 = vector.broadcast %jit3A_2026 : i32 to vector<16xi32>
    %broadcast_in_dim3A_2029 = vector.broadcast %jit3A_2027 : i32 to vector<16xi32>
    %select_n3A_2030 = arith.select %lt3A_2025, %broadcast_in_dim3A_2028, %broadcast_in_dim3A_2029 : vector<16xi1>, vector<16xi32>
    %sub3A_2031 = arith.subi %add3A_2022, %select_n3A_2030 : vector<16xi32>
    %add3A_2032 = arith.constant 2 : i32
    %add3A_2033 = vector.broadcast %add3A_2032 : i32 to vector<16xi32>
    %add3A_2034 = arith.addi %add3A_2004, %add3A_2033 : vector<16xi32>
    %mul3A_2035 = arith.constant 2 : i32
    %mul3A_2036 = vector.broadcast %mul3A_2035 : i32 to vector<16xi32>
    %mul3A_2037 = arith.muli %mul3A_2036, %sub3A_2031 : vector<16xi32>
    %add3A_2038 = arith.addi %add3A_2034, %mul3A_2037 : vector<16xi32>
    %swap3A_2039 = arith.constant 1 : i32
    %swap3A_2040 = arith.index_cast %swap3A_2039 : i32 to index
    %swap3A_2041 = arith.constant 96 : index
    %swap3A_2042 = tpu.vector_load %arg11[%swap3A_2040, %swap3A_2041] {strides = array<i32>} : memref<4x128xi32, #tpu.memory_space<vmem>>, vector<1x16xi32>,
    %swap3A_2043 = vector.shape_cast %swap3A_2042 : vector<1x16xi32> to vector<16xi32>
    %swap3A_2044 = vector.shape_cast %add3A_2038 : vector<16xi32> to vector<1x16xi32>
    tpu.vector_store %arg11[%swap3A_2040, %swap3A_2041], %swap3A_2044 {strides = array<i32>} : memref<4x128xi32, #tpu.memory_space<vmem>>, vector<1x16xi32>,
    %add3A_2045 = arith.constant 112 : i32
    %add3A_2046 = vector.broadcast %add3A_2045 : i32 to vector<16xi32>
    %add3A_2047 = arith.addi %iota3A, %add3A_2046 : vector<16xi32>
    %mul3A_2048 = arith.constant 20 : i32
    %mul3A_2049 = arith.muli %mul3A_10, %mul3A_2048 : i32
    %add3A_2050 = arith.constant 128 : i32
    %add3A_2051 = arith.addi %mul3A_2049, %add3A_2050 : i32
    %add3A_2052 = vector.broadcast %add3A_2051 : i32 to vector<16xi32>
    %add3A_2053 = arith.addi %add3A_2052, %add3A_2047 : vector<16xi32>
    %convert_element_type3A_2054 = arith.sitofp %add3A_2053 : vector<16xi32> to vector<16xf32>
    %mul3A_2055 = arith.constant 5.000000e-02 : f32
    %mul3A_2056 = vector.broadcast %mul3A_2055 : f32 to vector<16xf32>
    %mul3A_2057 = arith.mulf %convert_element_type3A_2054, %mul3A_2056 : vector<16xf32>
    %convert_element_type3A_2058 = arith.fptosi %mul3A_2057 : vector<16xf32> to vector<16xi32>
    %mul3A_2059 = arith.constant 20 : i32
    %mul3A_2060 = vector.broadcast %mul3A_2059 : i32 to vector<16xi32>
    %mul3A_2061 = arith.muli %convert_element_type3A_2058, %mul3A_2060 : vector<16xi32>
    %sub3A_2062 = arith.subi %add3A_2053, %mul3A_2061 : vector<16xi32>
    %ge3A_2063 = arith.constant 20 : i32
    %ge3A_2064 = vector.broadcast %ge3A_2063 : i32 to vector<16xi32>
    %ge3A_2065 = arith.cmpi sge, %sub3A_2062, %ge3A_2064 : vector<16xi32>
    %jit3A_2066 = arith.constant 1 : i32
    %jit3A_2067 = arith.constant 0 : i32
    %broadcast_in_dim3A_2068 = vector.broadcast %jit3A_2066 : i32 to vector<16xi32>
    %broadcast_in_dim3A_2069 = vector.broadcast %jit3A_2067 : i32 to vector<16xi32>
    %select_n3A_2070 = arith.select %ge3A_2065, %broadcast_in_dim3A_2068, %broadcast_in_dim3A_2069 : vector<16xi1>, vector<16xi32>
    %add3A_2071 = arith.addi %convert_element_type3A_2058, %select_n3A_2070 : vector<16xi32>
    %lt3A_2072 = arith.constant 0 : i32
    %lt3A_2073 = vector.broadcast %lt3A_2072 : i32 to vector<16xi32>
    %lt3A_2074 = arith.cmpi slt, %sub3A_2062, %lt3A_2073 : vector<16xi32>
    %jit3A_2075 = arith.constant 1 : i32
    %jit3A_2076 = arith.constant 0 : i32
    %broadcast_in_dim3A_2077 = vector.broadcast %jit3A_2075 : i32 to vector<16xi32>
    %broadcast_in_dim3A_2078 = vector.broadcast %jit3A_2076 : i32 to vector<16xi32>
    %select_n3A_2079 = arith.select %lt3A_2074, %broadcast_in_dim3A_2077, %broadcast_in_dim3A_2078 : vector<16xi1>, vector<16xi32>
    %sub3A_2080 = arith.subi %add3A_2071, %select_n3A_2079 : vector<16xi32>
    %add3A_2081 = arith.constant 2 : i32
    %add3A_2082 = vector.broadcast %add3A_2081 : i32 to vector<16xi32>
    %add3A_2083 = arith.addi %add3A_2053, %add3A_2082 : vector<16xi32>
    %mul3A_2084 = arith.constant 2 : i32
    %mul3A_2085 = vector.broadcast %mul3A_2084 : i32 to vector<16xi32>
    %mul3A_2086 = arith.muli %mul3A_2085, %sub3A_2080 : vector<16xi32>
    %add3A_2087 = arith.addi %add3A_2083, %mul3A_2086 : vector<16xi32>
    %swap3A_2088 = arith.constant 1 : i32
    %swap3A_2089 = arith.index_cast %swap3A_2088 : i32 to index
    %swap3A_2090 = arith.constant 112 : index
    %swap3A_2091 = tpu.vector_load %arg11[%swap3A_2089, %swap3A_2090] {strides = array<i32>} : memref<4x128xi32, #tpu.memory_space<vmem>>, vector<1x16xi32>,
    %swap3A_2092 = vector.shape_cast %swap3A_2091 : vector<1x16xi32> to vector<16xi32>
    %swap3A_2093 = vector.shape_cast %add3A_2087 : vector<16xi32> to vector<1x16xi32>
    tpu.vector_store %arg11[%swap3A_2089, %swap3A_2090], %swap3A_2093 {strides = array<i32>} : memref<4x128xi32, #tpu.memory_space<vmem>>, vector<1x16xi32>,
    %dma_start3A_2094 = arith.constant 2 : i32
    %dma_start3A_2095 = arith.constant 0 : i32
    %dma_start3A_2096 = arith.constant 0 : i32
    %dma_start3A_2097 = tpu.memref_slice %arg12[%dma_start3A_2094, %dma_start3A_2095, %dma_start3A_2096] : memref<4x128x32xf32, #tpu.memory_space<vmem>> -> memref<1x128x32xf32, #tpu.memory_space<vmem>>
    %dma_start3A_2098 = tpu.memref_squeeze %dma_start3A_2097 : memref<1x128x32xf32, #tpu.memory_space<vmem>> -> memref<128x32xf32, #tpu.memory_space<vmem>>
    %dma_start3A_2099 = arith.constant 256 : i32
    %dma_start3A_2100 = tpu.memref_slice %arg10[%dma_start3A_2099] : memref<10240xi32, #tpu.memory_space<vmem>> -> memref<128xi32, #tpu.memory_space<vmem>>
    %dma_start3A_2101 = arith.constant 0 : i32
    %dma_start3A_2102 = arith.constant 0 : i32
    %dma_start3A_2103 = tpu.memref_slice %arg6[%dma_start3A_2101, %dma_start3A_2102] : memref<1000000x32xf32, #tpu.memory_space<hbm>> -> memref<1000000x32xf32, #tpu.memory_space<hbm>>
    tpu.enqueue_indirect_dma source(%dma_start3A_2103 : memref<1000000x32xf32, #tpu.memory_space<hbm>>) target(%dma_start3A_2098 : memref<128x32xf32, #tpu.memory_space<vmem>>) offsets(%dma_start3A_2100 : memref<128xi32, #tpu.memory_space<vmem>>) semaphore(%arg13 : memref<!tpu.dma_semaphore, #tpu.memory_space<semaphore_mem>>)
    %add3A_2104 = arith.constant 0 : i32
    %add3A_2105 = vector.broadcast %add3A_2104 : i32 to vector<16xi32>
    %add3A_2106 = arith.addi %iota3A, %add3A_2105 : vector<16xi32>
    %mul3A_2107 = arith.constant 20 : i32
    %mul3A_2108 = arith.muli %mul3A_10, %mul3A_2107 : i32
    %add3A_2109 = arith.constant 256 : i32
    %add3A_2110 = arith.addi %mul3A_2108, %add3A_2109 : i32
    %add3A_2111 = vector.broadcast %add3A_2110 : i32 to vector<16xi32>
    %add3A_2112 = arith.addi %add3A_2111, %add3A_2106 : vector<16xi32>
    %convert_element_type3A_2113 = arith.sitofp %add3A_2112 : vector<16xi32> to vector<16xf32>
    %mul3A_2114 = arith.constant 5.000000e-02 : f32
    %mul3A_2115 = vector.broadcast %mul3A_2114 : f32 to vector<16xf32>
    %mul3A_2116 = arith.mulf %convert_element_type3A_2113, %mul3A_2115 : vector<16xf32>
    %convert_element_type3A_2117 = arith.fptosi %mul3A_2116 : vector<16xf32> to vector<16xi32>
    %mul3A_2118 = arith.constant 20 : i32
    %mul3A_2119 = vector.broadcast %mul3A_2118 : i32 to vector<16xi32>
    %mul3A_2120 = arith.muli %convert_element_type3A_2117, %mul3A_2119 : vector<16xi32>
    %sub3A_2121 = arith.subi %add3A_2112, %mul3A_2120 : vector<16xi32>
    %ge3A_2122 = arith.constant 20 : i32
    %ge3A_2123 = vector.broadcast %ge3A_2122 : i32 to vector<16xi32>
    %ge3A_2124 = arith.cmpi sge, %sub3A_2121, %ge3A_2123 : vector<16xi32>
    %jit3A_2125 = arith.constant 1 : i32
    %jit3A_2126 = arith.constant 0 : i32
    %broadcast_in_dim3A_2127 = vector.broadcast %jit3A_2125 : i32 to vector<16xi32>
    %broadcast_in_dim3A_2128 = vector.broadcast %jit3A_2126 : i32 to vector<16xi32>
    %select_n3A_2129 = arith.select %ge3A_2124, %broadcast_in_dim3A_2127, %broadcast_in_dim3A_2128 : vector<16xi1>, vector<16xi32>
    %add3A_2130 = arith.addi %convert_element_type3A_2117, %select_n3A_2129 : vector<16xi32>
    %lt3A_2131 = arith.constant 0 : i32
    %lt3A_2132 = vector.broadcast %lt3A_2131 : i32 to vector<16xi32>
    %lt3A_2133 = arith.cmpi slt, %sub3A_2121, %lt3A_2132 : vector<16xi32>
    %jit3A_2134 = arith.constant 1 : i32
    %jit3A_2135 = arith.constant 0 : i32
    %broadcast_in_dim3A_2136 = vector.broadcast %jit3A_2134 : i32 to vector<16xi32>
    %broadcast_in_dim3A_2137 = vector.broadcast %jit3A_2135 : i32 to vector<16xi32>
    %select_n3A_2138 = arith.select %lt3A_2133, %broadcast_in_dim3A_2136, %broadcast_in_dim3A_2137 : vector<16xi1>, vector<16xi32>
    %sub3A_2139 = arith.subi %add3A_2130, %select_n3A_2138 : vector<16xi32>
    %add3A_2140 = arith.constant 2 : i32
    %add3A_2141 = vector.broadcast %add3A_2140 : i32 to vector<16xi32>
    %add3A_2142 = arith.addi %add3A_2112, %add3A_2141 : vector<16xi32>
    %mul3A_2143 = arith.constant 2 : i32
    %mul3A_2144 = vector.broadcast %mul3A_2143 : i32 to vector<16xi32>
    %mul3A_2145 = arith.muli %mul3A_2144, %sub3A_2139 : vector<16xi32>
    %add3A_2146 = arith.addi %add3A_2142, %mul3A_2145 : vector<16xi32>
    %swap3A_2147 = arith.constant 2 : i32
    %swap3A_2148 = arith.index_cast %swap3A_2147 : i32 to index
    %swap3A_2149 = arith.constant 0 : index
    %swap3A_2150 = tpu.vector_load %arg11[%swap3A_2148, %swap3A_2149] {strides = array<i32>} : memref<4x128xi32, #tpu.memory_space<vmem>>, vector<1x16xi32>,
    %swap3A_2151 = vector.shape_cast %swap3A_2150 : vector<1x16xi32> to vector<16xi32>
    %swap3A_2152 = vector.shape_cast %add3A_2146 : vector<16xi32> to vector<1x16xi32>
    tpu.vector_store %arg11[%swap3A_2148, %swap3A_2149], %swap3A_2152 {strides = array<i32>} : memref<4x128xi32, #tpu.memory_space<vmem>>, vector<1x16xi32>,
    %add3A_2153 = arith.constant 16 : i32
    %add3A_2154 = vector.broadcast %add3A_2153 : i32 to vector<16xi32>
    %add3A_2155 = arith.addi %iota3A, %add3A_2154 : vector<16xi32>
    %mul3A_2156 = arith.constant 20 : i32
    %mul3A_2157 = arith.muli %mul3A_10, %mul3A_2156 : i32
    %add3A_2158 = arith.constant 256 : i32
    %add3A_2159 = arith.addi %mul3A_2157, %add3A_2158 : i32
    %add3A_2160 = vector.broadcast %add3A_2159 : i32 to vector<16xi32>
    %add3A_2161 = arith.addi %add3A_2160, %add3A_2155 : vector<16xi32>
    %convert_element_type3A_2162 = arith.sitofp %add3A_2161 : vector<16xi32> to vector<16xf32>
    %mul3A_2163 = arith.constant 5.000000e-02 : f32
    %mul3A_2164 = vector.broadcast %mul3A_2163 : f32 to vector<16xf32>
    %mul3A_2165 = arith.mulf %convert_element_type3A_2162, %mul3A_2164 : vector<16xf32>
    %convert_element_type3A_2166 = arith.fptosi %mul3A_2165 : vector<16xf32> to vector<16xi32>
    %mul3A_2167 = arith.constant 20 : i32
    %mul3A_2168 = vector.broadcast %mul3A_2167 : i32 to vector<16xi32>
    %mul3A_2169 = arith.muli %convert_element_type3A_2166, %mul3A_2168 : vector<16xi32>
    %sub3A_2170 = arith.subi %add3A_2161, %mul3A_2169 : vector<16xi32>
    %ge3A_2171 = arith.constant 20 : i32
    %ge3A_2172 = vector.broadcast %ge3A_2171 : i32 to vector<16xi32>
    %ge3A_2173 = arith.cmpi sge, %sub3A_2170, %ge3A_2172 : vector<16xi32>
    %jit3A_2174 = arith.constant 1 : i32
    %jit3A_2175 = arith.constant 0 : i32
    %broadcast_in_dim3A_2176 = vector.broadcast %jit3A_2174 : i32 to vector<16xi32>
    %broadcast_in_dim3A_2177 = vector.broadcast %jit3A_2175 : i32 to vector<16xi32>
    %select_n3A_2178 = arith.select %ge3A_2173, %broadcast_in_dim3A_2176, %broadcast_in_dim3A_2177 : vector<16xi1>, vector<16xi32>
    %add3A_2179 = arith.addi %convert_element_type3A_2166, %select_n3A_2178 : vector<16xi32>
    %lt3A_2180 = arith.constant 0 : i32
    %lt3A_2181 = vector.broadcast %lt3A_2180 : i32 to vector<16xi32>
    %lt3A_2182 = arith.cmpi slt, %sub3A_2170, %lt3A_2181 : vector<16xi32>
    %jit3A_2183 = arith.constant 1 : i32
    %jit3A_2184 = arith.constant 0 : i32
    %broadcast_in_dim3A_2185 = vector.broadcast %jit3A_2183 : i32 to vector<16xi32>
    %broadcast_in_dim3A_2186 = vector.broadcast %jit3A_2184 : i32 to vector<16xi32>
    %select_n3A_2187 = arith.select %lt3A_2182, %broadcast_in_dim3A_2185, %broadcast_in_dim3A_2186 : vector<16xi1>, vector<16xi32>
    %sub3A_2188 = arith.subi %add3A_2179, %select_n3A_2187 : vector<16xi32>
    %add3A_2189 = arith.constant 2 : i32
    %add3A_2190 = vector.broadcast %add3A_2189 : i32 to vector<16xi32>
    %add3A_2191 = arith.addi %add3A_2161, %add3A_2190 : vector<16xi32>
    %mul3A_2192 = arith.constant 2 : i32
    %mul3A_2193 = vector.broadcast %mul3A_2192 : i32 to vector<16xi32>
    %mul3A_2194 = arith.muli %mul3A_2193, %sub3A_2188 : vector<16xi32>
    %add3A_2195 = arith.addi %add3A_2191, %mul3A_2194 : vector<16xi32>
    %swap3A_2196 = arith.constant 2 : i32
    %swap3A_2197 = arith.index_cast %swap3A_2196 : i32 to index
    %swap3A_2198 = arith.constant 16 : index
    %swap3A_2199 = tpu.vector_load %arg11[%swap3A_2197, %swap3A_2198] {strides = array<i32>} : memref<4x128xi32, #tpu.memory_space<vmem>>, vector<1x16xi32>,
    %swap3A_2200 = vector.shape_cast %swap3A_2199 : vector<1x16xi32> to vector<16xi32>
    %swap3A_2201 = vector.shape_cast %add3A_2195 : vector<16xi32> to vector<1x16xi32>
    tpu.vector_store %arg11[%swap3A_2197, %swap3A_2198], %swap3A_2201 {strides = array<i32>} : memref<4x128xi32, #tpu.memory_space<vmem>>, vector<1x16xi32>,
    %add3A_2202 = arith.constant 32 : i32
    %add3A_2203 = vector.broadcast %add3A_2202 : i32 to vector<16xi32>
    %add3A_2204 = arith.addi %iota3A, %add3A_2203 : vector<16xi32>
    %mul3A_2205 = arith.constant 20 : i32
    %mul3A_2206 = arith.muli %mul3A_10, %mul3A_2205 : i32
    %add3A_2207 = arith.constant 256 : i32
    %add3A_2208 = arith.addi %mul3A_2206, %add3A_2207 : i32
    %add3A_2209 = vector.broadcast %add3A_2208 : i32 to vector<16xi32>
    %add3A_2210 = arith.addi %add3A_2209, %add3A_2204 : vector<16xi32>
    %convert_element_type3A_2211 = arith.sitofp %add3A_2210 : vector<16xi32> to vector<16xf32>
    %mul3A_2212 = arith.constant 5.000000e-02 : f32
    %mul3A_2213 = vector.broadcast %mul3A_2212 : f32 to vector<16xf32>
    %mul3A_2214 = arith.mulf %convert_element_type3A_2211, %mul3A_2213 : vector<16xf32>
    %convert_element_type3A_2215 = arith.fptosi %mul3A_2214 : vector<16xf32> to vector<16xi32>
    %mul3A_2216 = arith.constant 20 : i32
    %mul3A_2217 = vector.broadcast %mul3A_2216 : i32 to vector<16xi32>
    %mul3A_2218 = arith.muli %convert_element_type3A_2215, %mul3A_2217 : vector<16xi32>
    %sub3A_2219 = arith.subi %add3A_2210, %mul3A_2218 : vector<16xi32>
    %ge3A_2220 = arith.constant 20 : i32
    %ge3A_2221 = vector.broadcast %ge3A_2220 : i32 to vector<16xi32>
    %ge3A_2222 = arith.cmpi sge, %sub3A_2219, %ge3A_2221 : vector<16xi32>
    %jit3A_2223 = arith.constant 1 : i32
    %jit3A_2224 = arith.constant 0 : i32
    %broadcast_in_dim3A_2225 = vector.broadcast %jit3A_2223 : i32 to vector<16xi32>
    %broadcast_in_dim3A_2226 = vector.broadcast %jit3A_2224 : i32 to vector<16xi32>
    %select_n3A_2227 = arith.select %ge3A_2222, %broadcast_in_dim3A_2225, %broadcast_in_dim3A_2226 : vector<16xi1>, vector<16xi32>
    %add3A_2228 = arith.addi %convert_element_type3A_2215, %select_n3A_2227 : vector<16xi32>
    %lt3A_2229 = arith.constant 0 : i32
    %lt3A_2230 = vector.broadcast %lt3A_2229 : i32 to vector<16xi32>
    %lt3A_2231 = arith.cmpi slt, %sub3A_2219, %lt3A_2230 : vector<16xi32>
    %jit3A_2232 = arith.constant 1 : i32
    %jit3A_2233 = arith.constant 0 : i32
    %broadcast_in_dim3A_2234 = vector.broadcast %jit3A_2232 : i32 to vector<16xi32>
    %broadcast_in_dim3A_2235 = vector.broadcast %jit3A_2233 : i32 to vector<16xi32>
    %select_n3A_2236 = arith.select %lt3A_2231, %broadcast_in_dim3A_2234, %broadcast_in_dim3A_2235 : vector<16xi1>, vector<16xi32>
    %sub3A_2237 = arith.subi %add3A_2228, %select_n3A_2236 : vector<16xi32>
    %add3A_2238 = arith.constant 2 : i32
    %add3A_2239 = vector.broadcast %add3A_2238 : i32 to vector<16xi32>
    %add3A_2240 = arith.addi %add3A_2210, %add3A_2239 : vector<16xi32>
    %mul3A_2241 = arith.constant 2 : i32
    %mul3A_2242 = vector.broadcast %mul3A_2241 : i32 to vector<16xi32>
    %mul3A_2243 = arith.muli %mul3A_2242, %sub3A_2237 : vector<16xi32>
    %add3A_2244 = arith.addi %add3A_2240, %mul3A_2243 : vector<16xi32>
    %swap3A_2245 = arith.constant 2 : i32
    %swap3A_2246 = arith.index_cast %swap3A_2245 : i32 to index
    %swap3A_2247 = arith.constant 32 : index
    %swap3A_2248 = tpu.vector_load %arg11[%swap3A_2246, %swap3A_2247] {strides = array<i32>} : memref<4x128xi32, #tpu.memory_space<vmem>>, vector<1x16xi32>,
    %swap3A_2249 = vector.shape_cast %swap3A_2248 : vector<1x16xi32> to vector<16xi32>
    %swap3A_2250 = vector.shape_cast %add3A_2244 : vector<16xi32> to vector<1x16xi32>
    tpu.vector_store %arg11[%swap3A_2246, %swap3A_2247], %swap3A_2250 {strides = array<i32>} : memref<4x128xi32, #tpu.memory_space<vmem>>, vector<1x16xi32>,
    %add3A_2251 = arith.constant 48 : i32
    %add3A_2252 = vector.broadcast %add3A_2251 : i32 to vector<16xi32>
    %add3A_2253 = arith.addi %iota3A, %add3A_2252 : vector<16xi32>
    %mul3A_2254 = arith.constant 20 : i32
    %mul3A_2255 = arith.muli %mul3A_10, %mul3A_2254 : i32
    %add3A_2256 = arith.constant 256 : i32
    %add3A_2257 = arith.addi %mul3A_2255, %add3A_2256 : i32
    %add3A_2258 = vector.broadcast %add3A_2257 : i32 to vector<16xi32>
    %add3A_2259 = arith.addi %add3A_2258, %add3A_2253 : vector<16xi32>
    %convert_element_type3A_2260 = arith.sitofp %add3A_2259 : vector<16xi32> to vector<16xf32>
    %mul3A_2261 = arith.constant 5.000000e-02 : f32
    %mul3A_2262 = vector.broadcast %mul3A_2261 : f32 to vector<16xf32>
    %mul3A_2263 = arith.mulf %convert_element_type3A_2260, %mul3A_2262 : vector<16xf32>
    %convert_element_type3A_2264 = arith.fptosi %mul3A_2263 : vector<16xf32> to vector<16xi32>
    %mul3A_2265 = arith.constant 20 : i32
    %mul3A_2266 = vector.broadcast %mul3A_2265 : i32 to vector<16xi32>
    %mul3A_2267 = arith.muli %convert_element_type3A_2264, %mul3A_2266 : vector<16xi32>
    %sub3A_2268 = arith.subi %add3A_2259, %mul3A_2267 : vector<16xi32>
    %ge3A_2269 = arith.constant 20 : i32
    %ge3A_2270 = vector.broadcast %ge3A_2269 : i32 to vector<16xi32>
    %ge3A_2271 = arith.cmpi sge, %sub3A_2268, %ge3A_2270 : vector<16xi32>
    %jit3A_2272 = arith.constant 1 : i32
    %jit3A_2273 = arith.constant 0 : i32
    %broadcast_in_dim3A_2274 = vector.broadcast %jit3A_2272 : i32 to vector<16xi32>
    %broadcast_in_dim3A_2275 = vector.broadcast %jit3A_2273 : i32 to vector<16xi32>
    %select_n3A_2276 = arith.select %ge3A_2271, %broadcast_in_dim3A_2274, %broadcast_in_dim3A_2275 : vector<16xi1>, vector<16xi32>
    %add3A_2277 = arith.addi %convert_element_type3A_2264, %select_n3A_2276 : vector<16xi32>
    %lt3A_2278 = arith.constant 0 : i32
    %lt3A_2279 = vector.broadcast %lt3A_2278 : i32 to vector<16xi32>
    %lt3A_2280 = arith.cmpi slt, %sub3A_2268, %lt3A_2279 : vector<16xi32>
    %jit3A_2281 = arith.constant 1 : i32
    %jit3A_2282 = arith.constant 0 : i32
    %broadcast_in_dim3A_2283 = vector.broadcast %jit3A_2281 : i32 to vector<16xi32>
    %broadcast_in_dim3A_2284 = vector.broadcast %jit3A_2282 : i32 to vector<16xi32>
    %select_n3A_2285 = arith.select %lt3A_2280, %broadcast_in_dim3A_2283, %broadcast_in_dim3A_2284 : vector<16xi1>, vector<16xi32>
    %sub3A_2286 = arith.subi %add3A_2277, %select_n3A_2285 : vector<16xi32>
    %add3A_2287 = arith.constant 2 : i32
    %add3A_2288 = vector.broadcast %add3A_2287 : i32 to vector<16xi32>
    %add3A_2289 = arith.addi %add3A_2259, %add3A_2288 : vector<16xi32>
    %mul3A_2290 = arith.constant 2 : i32
    %mul3A_2291 = vector.broadcast %mul3A_2290 : i32 to vector<16xi32>
    %mul3A_2292 = arith.muli %mul3A_2291, %sub3A_2286 : vector<16xi32>
    %add3A_2293 = arith.addi %add3A_2289, %mul3A_2292 : vector<16xi32>
    %swap3A_2294 = arith.constant 2 : i32
    %swap3A_2295 = arith.index_cast %swap3A_2294 : i32 to index
    %swap3A_2296 = arith.constant 48 : index
    %swap3A_2297 = tpu.vector_load %arg11[%swap3A_2295, %swap3A_2296] {strides = array<i32>} : memref<4x128xi32, #tpu.memory_space<vmem>>, vector<1x16xi32>,
    %swap3A_2298 = vector.shape_cast %swap3A_2297 : vector<1x16xi32> to vector<16xi32>
    %swap3A_2299 = vector.shape_cast %add3A_2293 : vector<16xi32> to vector<1x16xi32>
    tpu.vector_store %arg11[%swap3A_2295, %swap3A_2296], %swap3A_2299 {strides = array<i32>} : memref<4x128xi32, #tpu.memory_space<vmem>>, vector<1x16xi32>,
    %add3A_2300 = arith.constant 64 : i32
    %add3A_2301 = vector.broadcast %add3A_2300 : i32 to vector<16xi32>
    %add3A_2302 = arith.addi %iota3A, %add3A_2301 : vector<16xi32>
    %mul3A_2303 = arith.constant 20 : i32
    %mul3A_2304 = arith.muli %mul3A_10, %mul3A_2303 : i32
    %add3A_2305 = arith.constant 256 : i32
    %add3A_2306 = arith.addi %mul3A_2304, %add3A_2305 : i32
    %add3A_2307 = vector.broadcast %add3A_2306 : i32 to vector<16xi32>
    %add3A_2308 = arith.addi %add3A_2307, %add3A_2302 : vector<16xi32>
    %convert_element_type3A_2309 = arith.sitofp %add3A_2308 : vector<16xi32> to vector<16xf32>
    %mul3A_2310 = arith.constant 5.000000e-02 : f32
    %mul3A_2311 = vector.broadcast %mul3A_2310 : f32 to vector<16xf32>
    %mul3A_2312 = arith.mulf %convert_element_type3A_2309, %mul3A_2311 : vector<16xf32>
    %convert_element_type3A_2313 = arith.fptosi %mul3A_2312 : vector<16xf32> to vector<16xi32>
    %mul3A_2314 = arith.constant 20 : i32
    %mul3A_2315 = vector.broadcast %mul3A_2314 : i32 to vector<16xi32>
    %mul3A_2316 = arith.muli %convert_element_type3A_2313, %mul3A_2315 : vector<16xi32>
    %sub3A_2317 = arith.subi %add3A_2308, %mul3A_2316 : vector<16xi32>
    %ge3A_2318 = arith.constant 20 : i32
    %ge3A_2319 = vector.broadcast %ge3A_2318 : i32 to vector<16xi32>
    %ge3A_2320 = arith.cmpi sge, %sub3A_2317, %ge3A_2319 : vector<16xi32>
    %jit3A_2321 = arith.constant 1 : i32
    %jit3A_2322 = arith.constant 0 : i32
    %broadcast_in_dim3A_2323 = vector.broadcast %jit3A_2321 : i32 to vector<16xi32>
    %broadcast_in_dim3A_2324 = vector.broadcast %jit3A_2322 : i32 to vector<16xi32>
    %select_n3A_2325 = arith.select %ge3A_2320, %broadcast_in_dim3A_2323, %broadcast_in_dim3A_2324 : vector<16xi1>, vector<16xi32>
    %add3A_2326 = arith.addi %convert_element_type3A_2313, %select_n3A_2325 : vector<16xi32>
    %lt3A_2327 = arith.constant 0 : i32
    %lt3A_2328 = vector.broadcast %lt3A_2327 : i32 to vector<16xi32>
    %lt3A_2329 = arith.cmpi slt, %sub3A_2317, %lt3A_2328 : vector<16xi32>
    %jit3A_2330 = arith.constant 1 : i32
    %jit3A_2331 = arith.constant 0 : i32
    %broadcast_in_dim3A_2332 = vector.broadcast %jit3A_2330 : i32 to vector<16xi32>
    %broadcast_in_dim3A_2333 = vector.broadcast %jit3A_2331 : i32 to vector<16xi32>
    %select_n3A_2334 = arith.select %lt3A_2329, %broadcast_in_dim3A_2332, %broadcast_in_dim3A_2333 : vector<16xi1>, vector<16xi32>
    %sub3A_2335 = arith.subi %add3A_2326, %select_n3A_2334 : vector<16xi32>
    %add3A_2336 = arith.constant 2 : i32
    %add3A_2337 = vector.broadcast %add3A_2336 : i32 to vector<16xi32>
    %add3A_2338 = arith.addi %add3A_2308, %add3A_2337 : vector<16xi32>
    %mul3A_2339 = arith.constant 2 : i32
    %mul3A_2340 = vector.broadcast %mul3A_2339 : i32 to vector<16xi32>
    %mul3A_2341 = arith.muli %mul3A_2340, %sub3A_2335 : vector<16xi32>
    %add3A_2342 = arith.addi %add3A_2338, %mul3A_2341 : vector<16xi32>
    %swap3A_2343 = arith.constant 2 : i32
    %swap3A_2344 = arith.index_cast %swap3A_2343 : i32 to index
    %swap3A_2345 = arith.constant 64 : index
    %swap3A_2346 = tpu.vector_load %arg11[%swap3A_2344, %swap3A_2345] {strides = array<i32>} : memref<4x128xi32, #tpu.memory_space<vmem>>, vector<1x16xi32>,
    %swap3A_2347 = vector.shape_cast %swap3A_2346 : vector<1x16xi32> to vector<16xi32>
    %swap3A_2348 = vector.shape_cast %add3A_2342 : vector<16xi32> to vector<1x16xi32>
    tpu.vector_store %arg11[%swap3A_2344, %swap3A_2345], %swap3A_2348 {strides = array<i32>} : memref<4x128xi32, #tpu.memory_space<vmem>>, vector<1x16xi32>,
    %add3A_2349 = arith.constant 80 : i32
    %add3A_2350 = vector.broadcast %add3A_2349 : i32 to vector<16xi32>
    %add3A_2351 = arith.addi %iota3A, %add3A_2350 : vector<16xi32>
    %mul3A_2352 = arith.constant 20 : i32
    %mul3A_2353 = arith.muli %mul3A_10, %mul3A_2352 : i32
    %add3A_2354 = arith.constant 256 : i32
    %add3A_2355 = arith.addi %mul3A_2353, %add3A_2354 : i32
    %add3A_2356 = vector.broadcast %add3A_2355 : i32 to vector<16xi32>
    %add3A_2357 = arith.addi %add3A_2356, %add3A_2351 : vector<16xi32>
    %convert_element_type3A_2358 = arith.sitofp %add3A_2357 : vector<16xi32> to vector<16xf32>
    %mul3A_2359 = arith.constant 5.000000e-02 : f32
    %mul3A_2360 = vector.broadcast %mul3A_2359 : f32 to vector<16xf32>
    %mul3A_2361 = arith.mulf %convert_element_type3A_2358, %mul3A_2360 : vector<16xf32>
    %convert_element_type3A_2362 = arith.fptosi %mul3A_2361 : vector<16xf32> to vector<16xi32>
    %mul3A_2363 = arith.constant 20 : i32
    %mul3A_2364 = vector.broadcast %mul3A_2363 : i32 to vector<16xi32>
    %mul3A_2365 = arith.muli %convert_element_type3A_2362, %mul3A_2364 : vector<16xi32>
    %sub3A_2366 = arith.subi %add3A_2357, %mul3A_2365 : vector<16xi32>
    %ge3A_2367 = arith.constant 20 : i32
    %ge3A_2368 = vector.broadcast %ge3A_2367 : i32 to vector<16xi32>
    %ge3A_2369 = arith.cmpi sge, %sub3A_2366, %ge3A_2368 : vector<16xi32>
    %jit3A_2370 = arith.constant 1 : i32
    %jit3A_2371 = arith.constant 0 : i32
    %broadcast_in_dim3A_2372 = vector.broadcast %jit3A_2370 : i32 to vector<16xi32>
    %broadcast_in_dim3A_2373 = vector.broadcast %jit3A_2371 : i32 to vector<16xi32>
    %select_n3A_2374 = arith.select %ge3A_2369, %broadcast_in_dim3A_2372, %broadcast_in_dim3A_2373 : vector<16xi1>, vector<16xi32>
    %add3A_2375 = arith.addi %convert_element_type3A_2362, %select_n3A_2374 : vector<16xi32>
    %lt3A_2376 = arith.constant 0 : i32
    %lt3A_2377 = vector.broadcast %lt3A_2376 : i32 to vector<16xi32>
    %lt3A_2378 = arith.cmpi slt, %sub3A_2366, %lt3A_2377 : vector<16xi32>
    %jit3A_2379 = arith.constant 1 : i32
    %jit3A_2380 = arith.constant 0 : i32
    %broadcast_in_dim3A_2381 = vector.broadcast %jit3A_2379 : i32 to vector<16xi32>
    %broadcast_in_dim3A_2382 = vector.broadcast %jit3A_2380 : i32 to vector<16xi32>
    %select_n3A_2383 = arith.select %lt3A_2378, %broadcast_in_dim3A_2381, %broadcast_in_dim3A_2382 : vector<16xi1>, vector<16xi32>
    %sub3A_2384 = arith.subi %add3A_2375, %select_n3A_2383 : vector<16xi32>
    %add3A_2385 = arith.constant 2 : i32
    %add3A_2386 = vector.broadcast %add3A_2385 : i32 to vector<16xi32>
    %add3A_2387 = arith.addi %add3A_2357, %add3A_2386 : vector<16xi32>
    %mul3A_2388 = arith.constant 2 : i32
    %mul3A_2389 = vector.broadcast %mul3A_2388 : i32 to vector<16xi32>
    %mul3A_2390 = arith.muli %mul3A_2389, %sub3A_2384 : vector<16xi32>
    %add3A_2391 = arith.addi %add3A_2387, %mul3A_2390 : vector<16xi32>
    %swap3A_2392 = arith.constant 2 : i32
    %swap3A_2393 = arith.index_cast %swap3A_2392 : i32 to index
    %swap3A_2394 = arith.constant 80 : index
    %swap3A_2395 = tpu.vector_load %arg11[%swap3A_2393, %swap3A_2394] {strides = array<i32>} : memref<4x128xi32, #tpu.memory_space<vmem>>, vector<1x16xi32>,
    %swap3A_2396 = vector.shape_cast %swap3A_2395 : vector<1x16xi32> to vector<16xi32>
    %swap3A_2397 = vector.shape_cast %add3A_2391 : vector<16xi32> to vector<1x16xi32>
    tpu.vector_store %arg11[%swap3A_2393, %swap3A_2394], %swap3A_2397 {strides = array<i32>} : memref<4x128xi32, #tpu.memory_space<vmem>>, vector<1x16xi32>,
    %add3A_2398 = arith.constant 96 : i32
    %add3A_2399 = vector.broadcast %add3A_2398 : i32 to vector<16xi32>
    %add3A_2400 = arith.addi %iota3A, %add3A_2399 : vector<16xi32>
    %mul3A_2401 = arith.constant 20 : i32
    %mul3A_2402 = arith.muli %mul3A_10, %mul3A_2401 : i32
    %add3A_2403 = arith.constant 256 : i32
    %add3A_2404 = arith.addi %mul3A_2402, %add3A_2403 : i32
    %add3A_2405 = vector.broadcast %add3A_2404 : i32 to vector<16xi32>
    %add3A_2406 = arith.addi %add3A_2405, %add3A_2400 : vector<16xi32>
    %convert_element_type3A_2407 = arith.sitofp %add3A_2406 : vector<16xi32> to vector<16xf32>
    %mul3A_2408 = arith.constant 5.000000e-02 : f32
    %mul3A_2409 = vector.broadcast %mul3A_2408 : f32 to vector<16xf32>
    %mul3A_2410 = arith.mulf %convert_element_type3A_2407, %mul3A_2409 : vector<16xf32>
    %convert_element_type3A_2411 = arith.fptosi %mul3A_2410 : vector<16xf32> to vector<16xi32>
    %mul3A_2412 = arith.constant 20 : i32
    %mul3A_2413 = vector.broadcast %mul3A_2412 : i32 to vector<16xi32>
    %mul3A_2414 = arith.muli %convert_element_type3A_2411, %mul3A_2413 : vector<16xi32>
    %sub3A_2415 = arith.subi %add3A_2406, %mul3A_2414 : vector<16xi32>
    %ge3A_2416 = arith.constant 20 : i32
    %ge3A_2417 = vector.broadcast %ge3A_2416 : i32 to vector<16xi32>
    %ge3A_2418 = arith.cmpi sge, %sub3A_2415, %ge3A_2417 : vector<16xi32>
    %jit3A_2419 = arith.constant 1 : i32
    %jit3A_2420 = arith.constant 0 : i32
    %broadcast_in_dim3A_2421 = vector.broadcast %jit3A_2419 : i32 to vector<16xi32>
    %broadcast_in_dim3A_2422 = vector.broadcast %jit3A_2420 : i32 to vector<16xi32>
    %select_n3A_2423 = arith.select %ge3A_2418, %broadcast_in_dim3A_2421, %broadcast_in_dim3A_2422 : vector<16xi1>, vector<16xi32>
    %add3A_2424 = arith.addi %convert_element_type3A_2411, %select_n3A_2423 : vector<16xi32>
    %lt3A_2425 = arith.constant 0 : i32
    %lt3A_2426 = vector.broadcast %lt3A_2425 : i32 to vector<16xi32>
    %lt3A_2427 = arith.cmpi slt, %sub3A_2415, %lt3A_2426 : vector<16xi32>
    %jit3A_2428 = arith.constant 1 : i32
    %jit3A_2429 = arith.constant 0 : i32
    %broadcast_in_dim3A_2430 = vector.broadcast %jit3A_2428 : i32 to vector<16xi32>
    %broadcast_in_dim3A_2431 = vector.broadcast %jit3A_2429 : i32 to vector<16xi32>
    %select_n3A_2432 = arith.select %lt3A_2427, %broadcast_in_dim3A_2430, %broadcast_in_dim3A_2431 : vector<16xi1>, vector<16xi32>
    %sub3A_2433 = arith.subi %add3A_2424, %select_n3A_2432 : vector<16xi32>
    %add3A_2434 = arith.constant 2 : i32
    %add3A_2435 = vector.broadcast %add3A_2434 : i32 to vector<16xi32>
    %add3A_2436 = arith.addi %add3A_2406, %add3A_2435 : vector<16xi32>
    %mul3A_2437 = arith.constant 2 : i32
    %mul3A_2438 = vector.broadcast %mul3A_2437 : i32 to vector<16xi32>
    %mul3A_2439 = arith.muli %mul3A_2438, %sub3A_2433 : vector<16xi32>
    %add3A_2440 = arith.addi %add3A_2436, %mul3A_2439 : vector<16xi32>
    %swap3A_2441 = arith.constant 2 : i32
    %swap3A_2442 = arith.index_cast %swap3A_2441 : i32 to index
    %swap3A_2443 = arith.constant 96 : index
    %swap3A_2444 = tpu.vector_load %arg11[%swap3A_2442, %swap3A_2443] {strides = array<i32>} : memref<4x128xi32, #tpu.memory_space<vmem>>, vector<1x16xi32>,
    %swap3A_2445 = vector.shape_cast %swap3A_2444 : vector<1x16xi32> to vector<16xi32>
    %swap3A_2446 = vector.shape_cast %add3A_2440 : vector<16xi32> to vector<1x16xi32>
    tpu.vector_store %arg11[%swap3A_2442, %swap3A_2443], %swap3A_2446 {strides = array<i32>} : memref<4x128xi32, #tpu.memory_space<vmem>>, vector<1x16xi32>,
    %add3A_2447 = arith.constant 112 : i32
    %add3A_2448 = vector.broadcast %add3A_2447 : i32 to vector<16xi32>
    %add3A_2449 = arith.addi %iota3A, %add3A_2448 : vector<16xi32>
    %mul3A_2450 = arith.constant 20 : i32
    %mul3A_2451 = arith.muli %mul3A_10, %mul3A_2450 : i32
    %add3A_2452 = arith.constant 256 : i32
    %add3A_2453 = arith.addi %mul3A_2451, %add3A_2452 : i32
    %add3A_2454 = vector.broadcast %add3A_2453 : i32 to vector<16xi32>
    %add3A_2455 = arith.addi %add3A_2454, %add3A_2449 : vector<16xi32>
    %convert_element_type3A_2456 = arith.sitofp %add3A_2455 : vector<16xi32> to vector<16xf32>
    %mul3A_2457 = arith.constant 5.000000e-02 : f32
    %mul3A_2458 = vector.broadcast %mul3A_2457 : f32 to vector<16xf32>
    %mul3A_2459 = arith.mulf %convert_element_type3A_2456, %mul3A_2458 : vector<16xf32>
    %convert_element_type3A_2460 = arith.fptosi %mul3A_2459 : vector<16xf32> to vector<16xi32>
    %mul3A_2461 = arith.constant 20 : i32
    %mul3A_2462 = vector.broadcast %mul3A_2461 : i32 to vector<16xi32>
    %mul3A_2463 = arith.muli %convert_element_type3A_2460, %mul3A_2462 : vector<16xi32>
    %sub3A_2464 = arith.subi %add3A_2455, %mul3A_2463 : vector<16xi32>
    %ge3A_2465 = arith.constant 20 : i32
    %ge3A_2466 = vector.broadcast %ge3A_2465 : i32 to vector<16xi32>
    %ge3A_2467 = arith.cmpi sge, %sub3A_2464, %ge3A_2466 : vector<16xi32>
    %jit3A_2468 = arith.constant 1 : i32
    %jit3A_2469 = arith.constant 0 : i32
    %broadcast_in_dim3A_2470 = vector.broadcast %jit3A_2468 : i32 to vector<16xi32>
    %broadcast_in_dim3A_2471 = vector.broadcast %jit3A_2469 : i32 to vector<16xi32>
    %select_n3A_2472 = arith.select %ge3A_2467, %broadcast_in_dim3A_2470, %broadcast_in_dim3A_2471 : vector<16xi1>, vector<16xi32>
    %add3A_2473 = arith.addi %convert_element_type3A_2460, %select_n3A_2472 : vector<16xi32>
    %lt3A_2474 = arith.constant 0 : i32
    %lt3A_2475 = vector.broadcast %lt3A_2474 : i32 to vector<16xi32>
    %lt3A_2476 = arith.cmpi slt, %sub3A_2464, %lt3A_2475 : vector<16xi32>
    %jit3A_2477 = arith.constant 1 : i32
    %jit3A_2478 = arith.constant 0 : i32
    %broadcast_in_dim3A_2479 = vector.broadcast %jit3A_2477 : i32 to vector<16xi32>
    %broadcast_in_dim3A_2480 = vector.broadcast %jit3A_2478 : i32 to vector<16xi32>
    %select_n3A_2481 = arith.select %lt3A_2476, %broadcast_in_dim3A_2479, %broadcast_in_dim3A_2480 : vector<16xi1>, vector<16xi32>
    %sub3A_2482 = arith.subi %add3A_2473, %select_n3A_2481 : vector<16xi32>
    %add3A_2483 = arith.constant 2 : i32
    %add3A_2484 = vector.broadcast %add3A_2483 : i32 to vector<16xi32>
    %add3A_2485 = arith.addi %add3A_2455, %add3A_2484 : vector<16xi32>
    %mul3A_2486 = arith.constant 2 : i32
    %mul3A_2487 = vector.broadcast %mul3A_2486 : i32 to vector<16xi32>
    %mul3A_2488 = arith.muli %mul3A_2487, %sub3A_2482 : vector<16xi32>
    %add3A_2489 = arith.addi %add3A_2485, %mul3A_2488 : vector<16xi32>
    %swap3A_2490 = arith.constant 2 : i32
    %swap3A_2491 = arith.index_cast %swap3A_2490 : i32 to index
    %swap3A_2492 = arith.constant 112 : index
    %swap3A_2493 = tpu.vector_load %arg11[%swap3A_2491, %swap3A_2492] {strides = array<i32>} : memref<4x128xi32, #tpu.memory_space<vmem>>, vector<1x16xi32>,
    %swap3A_2494 = vector.shape_cast %swap3A_2493 : vector<1x16xi32> to vector<16xi32>
    %swap3A_2495 = vector.shape_cast %add3A_2489 : vector<16xi32> to vector<1x16xi32>
    tpu.vector_store %arg11[%swap3A_2491, %swap3A_2492], %swap3A_2495 {strides = array<i32>} : memref<4x128xi32, #tpu.memory_space<vmem>>, vector<1x16xi32>,
    %scan3A_2496 = arith.constant 0 : i32
    %scan3A_2497 = arith.constant 0 : i32
    %scan3A_2498 = arith.constant 20 : i32
    %scan3A_2499 = arith.addi %scan3A_2497, %scan3A_2498 : i32
    %scan3A_2500 = arith.constant 1 : i32
    scf.for %scan3A_2514 = %scan3A_2497 to %scan3A_2499 step %scan3A_2500  : i32 {
      %mul3A_2515 = arith.constant 4 : i32
      %mul3A_2516 = arith.muli %scan3A_2514, %mul3A_2515 : i32
      %add3A_2517 = arith.constant 0 : i32
      %add3A_2518 = arith.addi %mul3A_2516, %add3A_2517 : i32
      %dma_wait3A_2519 = arith.constant 0 : i32
      %dma_wait3A_2520 = arith.constant 0 : i32
      %dma_wait3A_2521 = arith.constant 0 : i32
      %dma_wait3A_2522 = tpu.memref_slice %arg12[%dma_wait3A_2519, %dma_wait3A_2520, %dma_wait3A_2521] : memref<4x128x32xf32, #tpu.memory_space<vmem>> -> memref<1x128x32xf32, #tpu.memory_space<vmem>>
      %dma_wait3A_2523 = tpu.memref_squeeze %dma_wait3A_2522 : memref<1x128x32xf32, #tpu.memory_space<vmem>> -> memref<128x32xf32, #tpu.memory_space<vmem>>
      %dma_wait3A_2524 = arith.constant 0 : i32
      %dma_wait3A_2525 = tpu.memref_slice %arg10[%dma_wait3A_2524] : memref<10240xi32, #tpu.memory_space<vmem>> -> memref<128xi32, #tpu.memory_space<vmem>>
      %dma_wait3A_2526 = arith.constant 0 : i32
      %dma_wait3A_2527 = arith.constant 0 : i32
      %dma_wait3A_2528 = tpu.memref_slice %arg6[%dma_wait3A_2526, %dma_wait3A_2527] : memref<1000000x32xf32, #tpu.memory_space<hbm>> -> memref<1000000x32xf32, #tpu.memory_space<hbm>>
      tpu.wait_indirect_dma semaphore(%arg13 : memref<!tpu.dma_semaphore, #tpu.memory_space<semaphore_mem>>) src(%dma_wait3A_2528 : memref<1000000x32xf32, #tpu.memory_space<hbm>>) dst(%dma_wait3A_2523 : memref<128x32xf32, #tpu.memory_space<vmem>>)
      %gt3A_2529 = arith.constant 0 : i32
      %gt3A_2530 = arith.cmpi sgt, %scan3A_2514, %gt3A_2529 : i32
      %convert_element_type3A_2531 = arith.extui %gt3A_2530 : i1 to i32
      %cond3A_2532 = arith.constant 0 : i32
      %cond3A_2533 = arith.cmpi ne, %convert_element_type3A_2531, %cond3A_2532 : i32
      scf.if %cond3A_2533 {
        %dma_wait3A_2696 = arith.constant 0 : i32
        %dma_wait3A_2697 = arith.constant 0 : i32
        %dma_wait3A_2698 = arith.constant 0 : i32
        %dma_wait3A_2699 = arith.constant 0 : i32
        %dma_wait3A_2700 = tpu.memref_slice %arg12[%dma_wait3A_2696, %dma_wait3A_2698, %dma_wait3A_2699] : memref<4x128x32xf32, #tpu.memory_space<vmem>> -> memref<1x128x32xf32, #tpu.memory_space<vmem>>
        %dma_wait3A_2701 = tpu.memref_squeeze %dma_wait3A_2700 : memref<1x128x32xf32, #tpu.memory_space<vmem>> -> memref<128x32xf32, #tpu.memory_space<vmem>>
        %dma_wait3A_2702 = arith.constant 0 : i32
        %dma_wait3A_2703 = tpu.memref_slice %arg11[%dma_wait3A_2697, %dma_wait3A_2702] : memref<4x128xi32, #tpu.memory_space<vmem>> -> memref<1x128xi32, #tpu.memory_space<vmem>>
        %dma_wait3A_2704 = tpu.memref_squeeze %dma_wait3A_2703 : memref<1x128xi32, #tpu.memory_space<vmem>> -> memref<128xi32, #tpu.memory_space<vmem>>
        %dma_wait3A_2705 = arith.constant 0 : i32
        %dma_wait3A_2706 = arith.constant 0 : i32
        %dma_wait3A_2707 = tpu.memref_slice %arg7[%dma_wait3A_2705, %dma_wait3A_2706] : memref<360448x32xf32, #tpu.memory_space<hbm>> -> memref<360448x32xf32, #tpu.memory_space<hbm>>
        tpu.wait_indirect_dma semaphore(%arg14 : memref<!tpu.dma_semaphore, #tpu.memory_space<semaphore_mem>>) src(%dma_wait3A_2701 : memref<128x32xf32, #tpu.memory_space<vmem>>) dst(%dma_wait3A_2707 : memref<360448x32xf32, #tpu.memory_space<hbm>>)
      } else {
      }
      %dma_start3A_2534 = arith.constant 0 : i32
      %dma_start3A_2535 = arith.constant 0 : i32
      %dma_start3A_2536 = arith.constant 0 : i32
      %dma_start3A_2537 = arith.constant 0 : i32
      %dma_start3A_2538 = tpu.memref_slice %arg12[%dma_start3A_2534, %dma_start3A_2536, %dma_start3A_2537] : memref<4x128x32xf32, #tpu.memory_space<vmem>> -> memref<1x128x32xf32, #tpu.memory_space<vmem>>
      %dma_start3A_2539 = tpu.memref_squeeze %dma_start3A_2538 : memref<1x128x32xf32, #tpu.memory_space<vmem>> -> memref<128x32xf32, #tpu.memory_space<vmem>>
      %dma_start3A_2540 = arith.constant 0 : i32
      %dma_start3A_2541 = tpu.memref_slice %arg11[%dma_start3A_2535, %dma_start3A_2540] : memref<4x128xi32, #tpu.memory_space<vmem>> -> memref<1x128xi32, #tpu.memory_space<vmem>>
      %dma_start3A_2542 = tpu.memref_squeeze %dma_start3A_2541 : memref<1x128xi32, #tpu.memory_space<vmem>> -> memref<128xi32, #tpu.memory_space<vmem>>
      %dma_start3A_2543 = arith.constant 0 : i32
      %dma_start3A_2544 = arith.constant 0 : i32
      %dma_start3A_2545 = tpu.memref_slice %arg7[%dma_start3A_2543, %dma_start3A_2544] : memref<360448x32xf32, #tpu.memory_space<hbm>> -> memref<360448x32xf32, #tpu.memory_space<hbm>>
      tpu.enqueue_indirect_dma source(%dma_start3A_2539 : memref<128x32xf32, #tpu.memory_space<vmem>>) target(%dma_start3A_2545 : memref<360448x32xf32, #tpu.memory_space<hbm>>) offsets(%dma_start3A_2542 : memref<128xi32, #tpu.memory_space<vmem>>) semaphore(%arg14 : memref<!tpu.dma_semaphore, #tpu.memory_space<semaphore_mem>>)
      %add3A_2546 = arith.constant 4 : i32
      %add3A_2547 = arith.addi %add3A_2518, %add3A_2546 : i32
      %sub3A_2548 = arith.constant 1 : i32
      %sub3A_2549 = arith.subi %add3A_2547, %sub3A_2548 : i32
      %lt3A_2550 = arith.constant 80 : i32
      %lt3A_2551 = arith.cmpi slt, %sub3A_2549, %lt3A_2550 : i32
      %convert_element_type3A_2552 = arith.extui %lt3A_2551 : i1 to i32
      %cond3A_2553 = arith.constant 0 : i32
      %cond3A_2554 = arith.cmpi ne, %convert_element_type3A_2552, %cond3A_2553 : i32
      scf.if %cond3A_2554 {
        %mul3A_2696 = arith.constant 128 : i32
        %mul3A_2697 = arith.muli %sub3A_2549, %mul3A_2696 : i32
        %dma_start3A_2698 = arith.constant 3 : i32
        %dma_start3A_2699 = arith.constant 0 : i32
        %dma_start3A_2700 = arith.constant 0 : i32
        %dma_start3A_2701 = tpu.memref_slice %arg12[%dma_start3A_2698, %dma_start3A_2699, %dma_start3A_2700] : memref<4x128x32xf32, #tpu.memory_space<vmem>> -> memref<1x128x32xf32, #tpu.memory_space<vmem>>
        %dma_start3A_2702 = tpu.memref_squeeze %dma_start3A_2701 : memref<1x128x32xf32, #tpu.memory_space<vmem>> -> memref<128x32xf32, #tpu.memory_space<vmem>>
        %dma_start3A_2703 = tpu.memref_slice %arg10[%mul3A_2697] : memref<10240xi32, #tpu.memory_space<vmem>> -> memref<128xi32, #tpu.memory_space<vmem>>
        %dma_start3A_2704 = arith.constant 0 : i32
        %dma_start3A_2705 = arith.constant 0 : i32
        %dma_start3A_2706 = tpu.memref_slice %arg6[%dma_start3A_2704, %dma_start3A_2705] : memref<1000000x32xf32, #tpu.memory_space<hbm>> -> memref<1000000x32xf32, #tpu.memory_space<hbm>>
        tpu.enqueue_indirect_dma source(%dma_start3A_2706 : memref<1000000x32xf32, #tpu.memory_space<hbm>>) target(%dma_start3A_2702 : memref<128x32xf32, #tpu.memory_space<vmem>>) offsets(%dma_start3A_2703 : memref<128xi32, #tpu.memory_space<vmem>>) semaphore(%arg13 : memref<!tpu.dma_semaphore, #tpu.memory_space<semaphore_mem>>)
        %add3A_2707 = arith.constant 0 : i32
        %add3A_2708 = vector.broadcast %add3A_2707 : i32 to vector<16xi32>
        %add3A_2709 = arith.addi %iota3A, %add3A_2708 : vector<16xi32>
        %mul3A_2710 = arith.constant 20 : i32
        %mul3A_2711 = arith.muli %mul3A_10, %mul3A_2710 : i32
        %mul3A_2712 = arith.constant 128 : i32
        %mul3A_2713 = arith.muli %sub3A_2549, %mul3A_2712 : i32
        %add3A_2714 = arith.addi %mul3A_2711, %mul3A_2713 : i32
        %add3A_2715 = vector.broadcast %add3A_2714 : i32 to vector<16xi32>
        %add3A_2716 = arith.addi %add3A_2715, %add3A_2709 : vector<16xi32>
        %convert_element_type3A_2717 = arith.sitofp %add3A_2716 : vector<16xi32> to vector<16xf32>
        %mul3A_2718 = arith.constant 5.000000e-02 : f32
        %mul3A_2719 = vector.broadcast %mul3A_2718 : f32 to vector<16xf32>
        %mul3A_2720 = arith.mulf %convert_element_type3A_2717, %mul3A_2719 : vector<16xf32>
        %convert_element_type3A_2721 = arith.fptosi %mul3A_2720 : vector<16xf32> to vector<16xi32>
        %mul3A_2722 = arith.constant 20 : i32
        %mul3A_2723 = vector.broadcast %mul3A_2722 : i32 to vector<16xi32>
        %mul3A_2724 = arith.muli %convert_element_type3A_2721, %mul3A_2723 : vector<16xi32>
        %sub3A_2725 = arith.subi %add3A_2716, %mul3A_2724 : vector<16xi32>
        %ge3A_2726 = arith.constant 20 : i32
        %ge3A_2727 = vector.broadcast %ge3A_2726 : i32 to vector<16xi32>
        %ge3A_2728 = arith.cmpi sge, %sub3A_2725, %ge3A_2727 : vector<16xi32>
        %jit3A_2729 = arith.constant 1 : i32
        %jit3A_2730 = arith.constant 0 : i32
        %broadcast_in_dim3A_2731 = vector.broadcast %jit3A_2729 : i32 to vector<16xi32>
        %broadcast_in_dim3A_2732 = vector.broadcast %jit3A_2730 : i32 to vector<16xi32>
        %select_n3A_2733 = arith.select %ge3A_2728, %broadcast_in_dim3A_2731, %broadcast_in_dim3A_2732 : vector<16xi1>, vector<16xi32>
        %add3A_2734 = arith.addi %convert_element_type3A_2721, %select_n3A_2733 : vector<16xi32>
        %lt3A_2735 = arith.constant 0 : i32
        %lt3A_2736 = vector.broadcast %lt3A_2735 : i32 to vector<16xi32>
        %lt3A_2737 = arith.cmpi slt, %sub3A_2725, %lt3A_2736 : vector<16xi32>
        %jit3A_2738 = arith.constant 1 : i32
        %jit3A_2739 = arith.constant 0 : i32
        %broadcast_in_dim3A_2740 = vector.broadcast %jit3A_2738 : i32 to vector<16xi32>
        %broadcast_in_dim3A_2741 = vector.broadcast %jit3A_2739 : i32 to vector<16xi32>
        %select_n3A_2742 = arith.select %lt3A_2737, %broadcast_in_dim3A_2740, %broadcast_in_dim3A_2741 : vector<16xi1>, vector<16xi32>
        %sub3A_2743 = arith.subi %add3A_2734, %select_n3A_2742 : vector<16xi32>
        %add3A_2744 = arith.constant 2 : i32
        %add3A_2745 = vector.broadcast %add3A_2744 : i32 to vector<16xi32>
        %add3A_2746 = arith.addi %add3A_2716, %add3A_2745 : vector<16xi32>
        %mul3A_2747 = arith.constant 2 : i32
        %mul3A_2748 = vector.broadcast %mul3A_2747 : i32 to vector<16xi32>
        %mul3A_2749 = arith.muli %mul3A_2748, %sub3A_2743 : vector<16xi32>
        %add3A_2750 = arith.addi %add3A_2746, %mul3A_2749 : vector<16xi32>
        %swap3A_2751 = arith.constant 3 : i32
        %swap3A_2752 = arith.index_cast %swap3A_2751 : i32 to index
        %swap3A_2753 = arith.constant 0 : index
        %swap3A_2754 = tpu.vector_load %arg11[%swap3A_2752, %swap3A_2753] {strides = array<i32>} : memref<4x128xi32, #tpu.memory_space<vmem>>, vector<1x16xi32>,
        %swap3A_2755 = vector.shape_cast %swap3A_2754 : vector<1x16xi32> to vector<16xi32>
        %swap3A_2756 = vector.shape_cast %add3A_2750 : vector<16xi32> to vector<1x16xi32>
        tpu.vector_store %arg11[%swap3A_2752, %swap3A_2753], %swap3A_2756 {strides = array<i32>} : memref<4x128xi32, #tpu.memory_space<vmem>>, vector<1x16xi32>,
        %add3A_2757 = arith.constant 16 : i32
        %add3A_2758 = vector.broadcast %add3A_2757 : i32 to vector<16xi32>
        %add3A_2759 = arith.addi %iota3A, %add3A_2758 : vector<16xi32>
        %mul3A_2760 = arith.constant 20 : i32
        %mul3A_2761 = arith.muli %mul3A_10, %mul3A_2760 : i32
        %mul3A_2762 = arith.constant 128 : i32
        %mul3A_2763 = arith.muli %sub3A_2549, %mul3A_2762 : i32
        %add3A_2764 = arith.addi %mul3A_2761, %mul3A_2763 : i32
        %add3A_2765 = vector.broadcast %add3A_2764 : i32 to vector<16xi32>
        %add3A_2766 = arith.addi %add3A_2765, %add3A_2759 : vector<16xi32>
        %convert_element_type3A_2767 = arith.sitofp %add3A_2766 : vector<16xi32> to vector<16xf32>
        %mul3A_2768 = arith.constant 5.000000e-02 : f32
        %mul3A_2769 = vector.broadcast %mul3A_2768 : f32 to vector<16xf32>
        %mul3A_2770 = arith.mulf %convert_element_type3A_2767, %mul3A_2769 : vector<16xf32>
        %convert_element_type3A_2771 = arith.fptosi %mul3A_2770 : vector<16xf32> to vector<16xi32>
        %mul3A_2772 = arith.constant 20 : i32
        %mul3A_2773 = vector.broadcast %mul3A_2772 : i32 to vector<16xi32>
        %mul3A_2774 = arith.muli %convert_element_type3A_2771, %mul3A_2773 : vector<16xi32>
        %sub3A_2775 = arith.subi %add3A_2766, %mul3A_2774 : vector<16xi32>
        %ge3A_2776 = arith.constant 20 : i32
        %ge3A_2777 = vector.broadcast %ge3A_2776 : i32 to vector<16xi32>
        %ge3A_2778 = arith.cmpi sge, %sub3A_2775, %ge3A_2777 : vector<16xi32>
        %jit3A_2779 = arith.constant 1 : i32
        %jit3A_2780 = arith.constant 0 : i32
        %broadcast_in_dim3A_2781 = vector.broadcast %jit3A_2779 : i32 to vector<16xi32>
        %broadcast_in_dim3A_2782 = vector.broadcast %jit3A_2780 : i32 to vector<16xi32>
        %select_n3A_2783 = arith.select %ge3A_2778, %broadcast_in_dim3A_2781, %broadcast_in_dim3A_2782 : vector<16xi1>, vector<16xi32>
        %add3A_2784 = arith.addi %convert_element_type3A_2771, %select_n3A_2783 : vector<16xi32>
        %lt3A_2785 = arith.constant 0 : i32
        %lt3A_2786 = vector.broadcast %lt3A_2785 : i32 to vector<16xi32>
        %lt3A_2787 = arith.cmpi slt, %sub3A_2775, %lt3A_2786 : vector<16xi32>
        %jit3A_2788 = arith.constant 1 : i32
        %jit3A_2789 = arith.constant 0 : i32
        %broadcast_in_dim3A_2790 = vector.broadcast %jit3A_2788 : i32 to vector<16xi32>
        %broadcast_in_dim3A_2791 = vector.broadcast %jit3A_2789 : i32 to vector<16xi32>
        %select_n3A_2792 = arith.select %lt3A_2787, %broadcast_in_dim3A_2790, %broadcast_in_dim3A_2791 : vector<16xi1>, vector<16xi32>
        %sub3A_2793 = arith.subi %add3A_2784, %select_n3A_2792 : vector<16xi32>
        %add3A_2794 = arith.constant 2 : i32
        %add3A_2795 = vector.broadcast %add3A_2794 : i32 to vector<16xi32>
        %add3A_2796 = arith.addi %add3A_2766, %add3A_2795 : vector<16xi32>
        %mul3A_2797 = arith.constant 2 : i32
        %mul3A_2798 = vector.broadcast %mul3A_2797 : i32 to vector<16xi32>
        %mul3A_2799 = arith.muli %mul3A_2798, %sub3A_2793 : vector<16xi32>
        %add3A_2800 = arith.addi %add3A_2796, %mul3A_2799 : vector<16xi32>
        %swap3A_2801 = arith.constant 3 : i32
        %swap3A_2802 = arith.index_cast %swap3A_2801 : i32 to index
        %swap3A_2803 = arith.constant 16 : index
        %swap3A_2804 = tpu.vector_load %arg11[%swap3A_2802, %swap3A_2803] {strides = array<i32>} : memref<4x128xi32, #tpu.memory_space<vmem>>, vector<1x16xi32>,
        %swap3A_2805 = vector.shape_cast %swap3A_2804 : vector<1x16xi32> to vector<16xi32>
        %swap3A_2806 = vector.shape_cast %add3A_2800 : vector<16xi32> to vector<1x16xi32>
        tpu.vector_store %arg11[%swap3A_2802, %swap3A_2803], %swap3A_2806 {strides = array<i32>} : memref<4x128xi32, #tpu.memory_space<vmem>>, vector<1x16xi32>,
        %add3A_2807 = arith.constant 32 : i32
        %add3A_2808 = vector.broadcast %add3A_2807 : i32 to vector<16xi32>
        %add3A_2809 = arith.addi %iota3A, %add3A_2808 : vector<16xi32>
        %mul3A_2810 = arith.constant 20 : i32
        %mul3A_2811 = arith.muli %mul3A_10, %mul3A_2810 : i32
        %mul3A_2812 = arith.constant 128 : i32
        %mul3A_2813 = arith.muli %sub3A_2549, %mul3A_2812 : i32
        %add3A_2814 = arith.addi %mul3A_2811, %mul3A_2813 : i32
        %add3A_2815 = vector.broadcast %add3A_2814 : i32 to vector<16xi32>
        %add3A_2816 = arith.addi %add3A_2815, %add3A_2809 : vector<16xi32>
        %convert_element_type3A_2817 = arith.sitofp %add3A_2816 : vector<16xi32> to vector<16xf32>
        %mul3A_2818 = arith.constant 5.000000e-02 : f32
        %mul3A_2819 = vector.broadcast %mul3A_2818 : f32 to vector<16xf32>
        %mul3A_2820 = arith.mulf %convert_element_type3A_2817, %mul3A_2819 : vector<16xf32>
        %convert_element_type3A_2821 = arith.fptosi %mul3A_2820 : vector<16xf32> to vector<16xi32>
        %mul3A_2822 = arith.constant 20 : i32
        %mul3A_2823 = vector.broadcast %mul3A_2822 : i32 to vector<16xi32>
        %mul3A_2824 = arith.muli %convert_element_type3A_2821, %mul3A_2823 : vector<16xi32>
        %sub3A_2825 = arith.subi %add3A_2816, %mul3A_2824 : vector<16xi32>
        %ge3A_2826 = arith.constant 20 : i32
        %ge3A_2827 = vector.broadcast %ge3A_2826 : i32 to vector<16xi32>
        %ge3A_2828 = arith.cmpi sge, %sub3A_2825, %ge3A_2827 : vector<16xi32>
        %jit3A_2829 = arith.constant 1 : i32
        %jit3A_2830 = arith.constant 0 : i32
        %broadcast_in_dim3A_2831 = vector.broadcast %jit3A_2829 : i32 to vector<16xi32>
        %broadcast_in_dim3A_2832 = vector.broadcast %jit3A_2830 : i32 to vector<16xi32>
        %select_n3A_2833 = arith.select %ge3A_2828, %broadcast_in_dim3A_2831, %broadcast_in_dim3A_2832 : vector<16xi1>, vector<16xi32>
        %add3A_2834 = arith.addi %convert_element_type3A_2821, %select_n3A_2833 : vector<16xi32>
        %lt3A_2835 = arith.constant 0 : i32
        %lt3A_2836 = vector.broadcast %lt3A_2835 : i32 to vector<16xi32>
        %lt3A_2837 = arith.cmpi slt, %sub3A_2825, %lt3A_2836 : vector<16xi32>
        %jit3A_2838 = arith.constant 1 : i32
        %jit3A_2839 = arith.constant 0 : i32
        %broadcast_in_dim3A_2840 = vector.broadcast %jit3A_2838 : i32 to vector<16xi32>
        %broadcast_in_dim3A_2841 = vector.broadcast %jit3A_2839 : i32 to vector<16xi32>
        %select_n3A_2842 = arith.select %lt3A_2837, %broadcast_in_dim3A_2840, %broadcast_in_dim3A_2841 : vector<16xi1>, vector<16xi32>
        %sub3A_2843 = arith.subi %add3A_2834, %select_n3A_2842 : vector<16xi32>
        %add3A_2844 = arith.constant 2 : i32
        %add3A_2845 = vector.broadcast %add3A_2844 : i32 to vector<16xi32>
        %add3A_2846 = arith.addi %add3A_2816, %add3A_2845 : vector<16xi32>
        %mul3A_2847 = arith.constant 2 : i32
        %mul3A_2848 = vector.broadcast %mul3A_2847 : i32 to vector<16xi32>
        %mul3A_2849 = arith.muli %mul3A_2848, %sub3A_2843 : vector<16xi32>
        %add3A_2850 = arith.addi %add3A_2846, %mul3A_2849 : vector<16xi32>
        %swap3A_2851 = arith.constant 3 : i32
        %swap3A_2852 = arith.index_cast %swap3A_2851 : i32 to index
        %swap3A_2853 = arith.constant 32 : index
        %swap3A_2854 = tpu.vector_load %arg11[%swap3A_2852, %swap3A_2853] {strides = array<i32>} : memref<4x128xi32, #tpu.memory_space<vmem>>, vector<1x16xi32>,
        %swap3A_2855 = vector.shape_cast %swap3A_2854 : vector<1x16xi32> to vector<16xi32>
        %swap3A_2856 = vector.shape_cast %add3A_2850 : vector<16xi32> to vector<1x16xi32>
        tpu.vector_store %arg11[%swap3A_2852, %swap3A_2853], %swap3A_2856 {strides = array<i32>} : memref<4x128xi32, #tpu.memory_space<vmem>>, vector<1x16xi32>,
        %add3A_2857 = arith.constant 48 : i32
        %add3A_2858 = vector.broadcast %add3A_2857 : i32 to vector<16xi32>
        %add3A_2859 = arith.addi %iota3A, %add3A_2858 : vector<16xi32>
        %mul3A_2860 = arith.constant 20 : i32
        %mul3A_2861 = arith.muli %mul3A_10, %mul3A_2860 : i32
        %mul3A_2862 = arith.constant 128 : i32
        %mul3A_2863 = arith.muli %sub3A_2549, %mul3A_2862 : i32
        %add3A_2864 = arith.addi %mul3A_2861, %mul3A_2863 : i32
        %add3A_2865 = vector.broadcast %add3A_2864 : i32 to vector<16xi32>
        %add3A_2866 = arith.addi %add3A_2865, %add3A_2859 : vector<16xi32>
        %convert_element_type3A_2867 = arith.sitofp %add3A_2866 : vector<16xi32> to vector<16xf32>
        %mul3A_2868 = arith.constant 5.000000e-02 : f32
        %mul3A_2869 = vector.broadcast %mul3A_2868 : f32 to vector<16xf32>
        %mul3A_2870 = arith.mulf %convert_element_type3A_2867, %mul3A_2869 : vector<16xf32>
        %convert_element_type3A_2871 = arith.fptosi %mul3A_2870 : vector<16xf32> to vector<16xi32>
        %mul3A_2872 = arith.constant 20 : i32
        %mul3A_2873 = vector.broadcast %mul3A_2872 : i32 to vector<16xi32>
        %mul3A_2874 = arith.muli %convert_element_type3A_2871, %mul3A_2873 : vector<16xi32>
        %sub3A_2875 = arith.subi %add3A_2866, %mul3A_2874 : vector<16xi32>
        %ge3A_2876 = arith.constant 20 : i32
        %ge3A_2877 = vector.broadcast %ge3A_2876 : i32 to vector<16xi32>
        %ge3A_2878 = arith.cmpi sge, %sub3A_2875, %ge3A_2877 : vector<16xi32>
        %jit3A_2879 = arith.constant 1 : i32
        %jit3A_2880 = arith.constant 0 : i32
        %broadcast_in_dim3A_2881 = vector.broadcast %jit3A_2879 : i32 to vector<16xi32>
        %broadcast_in_dim3A_2882 = vector.broadcast %jit3A_2880 : i32 to vector<16xi32>
        %select_n3A_2883 = arith.select %ge3A_2878, %broadcast_in_dim3A_2881, %broadcast_in_dim3A_2882 : vector<16xi1>, vector<16xi32>
        %add3A_2884 = arith.addi %convert_element_type3A_2871, %select_n3A_2883 : vector<16xi32>
        %lt3A_2885 = arith.constant 0 : i32
        %lt3A_2886 = vector.broadcast %lt3A_2885 : i32 to vector<16xi32>
        %lt3A_2887 = arith.cmpi slt, %sub3A_2875, %lt3A_2886 : vector<16xi32>
        %jit3A_2888 = arith.constant 1 : i32
        %jit3A_2889 = arith.constant 0 : i32
        %broadcast_in_dim3A_2890 = vector.broadcast %jit3A_2888 : i32 to vector<16xi32>
        %broadcast_in_dim3A_2891 = vector.broadcast %jit3A_2889 : i32 to vector<16xi32>
        %select_n3A_2892 = arith.select %lt3A_2887, %broadcast_in_dim3A_2890, %broadcast_in_dim3A_2891 : vector<16xi1>, vector<16xi32>
        %sub3A_2893 = arith.subi %add3A_2884, %select_n3A_2892 : vector<16xi32>
        %add3A_2894 = arith.constant 2 : i32
        %add3A_2895 = vector.broadcast %add3A_2894 : i32 to vector<16xi32>
        %add3A_2896 = arith.addi %add3A_2866, %add3A_2895 : vector<16xi32>
        %mul3A_2897 = arith.constant 2 : i32
        %mul3A_2898 = vector.broadcast %mul3A_2897 : i32 to vector<16xi32>
        %mul3A_2899 = arith.muli %mul3A_2898, %sub3A_2893 : vector<16xi32>
        %add3A_2900 = arith.addi %add3A_2896, %mul3A_2899 : vector<16xi32>
        %swap3A_2901 = arith.constant 3 : i32
        %swap3A_2902 = arith.index_cast %swap3A_2901 : i32 to index
        %swap3A_2903 = arith.constant 48 : index
        %swap3A_2904 = tpu.vector_load %arg11[%swap3A_2902, %swap3A_2903] {strides = array<i32>} : memref<4x128xi32, #tpu.memory_space<vmem>>, vector<1x16xi32>,
        %swap3A_2905 = vector.shape_cast %swap3A_2904 : vector<1x16xi32> to vector<16xi32>
        %swap3A_2906 = vector.shape_cast %add3A_2900 : vector<16xi32> to vector<1x16xi32>
        tpu.vector_store %arg11[%swap3A_2902, %swap3A_2903], %swap3A_2906 {strides = array<i32>} : memref<4x128xi32, #tpu.memory_space<vmem>>, vector<1x16xi32>,
        %add3A_2907 = arith.constant 64 : i32
        %add3A_2908 = vector.broadcast %add3A_2907 : i32 to vector<16xi32>
        %add3A_2909 = arith.addi %iota3A, %add3A_2908 : vector<16xi32>
        %mul3A_2910 = arith.constant 20 : i32
        %mul3A_2911 = arith.muli %mul3A_10, %mul3A_2910 : i32
        %mul3A_2912 = arith.constant 128 : i32
        %mul3A_2913 = arith.muli %sub3A_2549, %mul3A_2912 : i32
        %add3A_2914 = arith.addi %mul3A_2911, %mul3A_2913 : i32
        %add3A_2915 = vector.broadcast %add3A_2914 : i32 to vector<16xi32>
        %add3A_2916 = arith.addi %add3A_2915, %add3A_2909 : vector<16xi32>
        %convert_element_type3A_2917 = arith.sitofp %add3A_2916 : vector<16xi32> to vector<16xf32>
        %mul3A_2918 = arith.constant 5.000000e-02 : f32
        %mul3A_2919 = vector.broadcast %mul3A_2918 : f32 to vector<16xf32>
        %mul3A_2920 = arith.mulf %convert_element_type3A_2917, %mul3A_2919 : vector<16xf32>
        %convert_element_type3A_2921 = arith.fptosi %mul3A_2920 : vector<16xf32> to vector<16xi32>
        %mul3A_2922 = arith.constant 20 : i32
        %mul3A_2923 = vector.broadcast %mul3A_2922 : i32 to vector<16xi32>
        %mul3A_2924 = arith.muli %convert_element_type3A_2921, %mul3A_2923 : vector<16xi32>
        %sub3A_2925 = arith.subi %add3A_2916, %mul3A_2924 : vector<16xi32>
        %ge3A_2926 = arith.constant 20 : i32
        %ge3A_2927 = vector.broadcast %ge3A_2926 : i32 to vector<16xi32>
        %ge3A_2928 = arith.cmpi sge, %sub3A_2925, %ge3A_2927 : vector<16xi32>
        %jit3A_2929 = arith.constant 1 : i32
        %jit3A_2930 = arith.constant 0 : i32
        %broadcast_in_dim3A_2931 = vector.broadcast %jit3A_2929 : i32 to vector<16xi32>
        %broadcast_in_dim3A_2932 = vector.broadcast %jit3A_2930 : i32 to vector<16xi32>
        %select_n3A_2933 = arith.select %ge3A_2928, %broadcast_in_dim3A_2931, %broadcast_in_dim3A_2932 : vector<16xi1>, vector<16xi32>
        %add3A_2934 = arith.addi %convert_element_type3A_2921, %select_n3A_2933 : vector<16xi32>
        %lt3A_2935 = arith.constant 0 : i32
        %lt3A_2936 = vector.broadcast %lt3A_2935 : i32 to vector<16xi32>
        %lt3A_2937 = arith.cmpi slt, %sub3A_2925, %lt3A_2936 : vector<16xi32>
        %jit3A_2938 = arith.constant 1 : i32
        %jit3A_2939 = arith.constant 0 : i32
        %broadcast_in_dim3A_2940 = vector.broadcast %jit3A_2938 : i32 to vector<16xi32>
        %broadcast_in_dim3A_2941 = vector.broadcast %jit3A_2939 : i32 to vector<16xi32>
        %select_n3A_2942 = arith.select %lt3A_2937, %broadcast_in_dim3A_2940, %broadcast_in_dim3A_2941 : vector<16xi1>, vector<16xi32>
        %sub3A_2943 = arith.subi %add3A_2934, %select_n3A_2942 : vector<16xi32>
        %add3A_2944 = arith.constant 2 : i32
        %add3A_2945 = vector.broadcast %add3A_2944 : i32 to vector<16xi32>
        %add3A_2946 = arith.addi %add3A_2916, %add3A_2945 : vector<16xi32>
        %mul3A_2947 = arith.constant 2 : i32
        %mul3A_2948 = vector.broadcast %mul3A_2947 : i32 to vector<16xi32>
        %mul3A_2949 = arith.muli %mul3A_2948, %sub3A_2943 : vector<16xi32>
        %add3A_2950 = arith.addi %add3A_2946, %mul3A_2949 : vector<16xi32>
        %swap3A_2951 = arith.constant 3 : i32
        %swap3A_2952 = arith.index_cast %swap3A_2951 : i32 to index
        %swap3A_2953 = arith.constant 64 : index
        %swap3A_2954 = tpu.vector_load %arg11[%swap3A_2952, %swap3A_2953] {strides = array<i32>} : memref<4x128xi32, #tpu.memory_space<vmem>>, vector<1x16xi32>,
        %swap3A_2955 = vector.shape_cast %swap3A_2954 : vector<1x16xi32> to vector<16xi32>
        %swap3A_2956 = vector.shape_cast %add3A_2950 : vector<16xi32> to vector<1x16xi32>
        tpu.vector_store %arg11[%swap3A_2952, %swap3A_2953], %swap3A_2956 {strides = array<i32>} : memref<4x128xi32, #tpu.memory_space<vmem>>, vector<1x16xi32>,
        %add3A_2957 = arith.constant 80 : i32
        %add3A_2958 = vector.broadcast %add3A_2957 : i32 to vector<16xi32>
        %add3A_2959 = arith.addi %iota3A, %add3A_2958 : vector<16xi32>
        %mul3A_2960 = arith.constant 20 : i32
        %mul3A_2961 = arith.muli %mul3A_10, %mul3A_2960 : i32
        %mul3A_2962 = arith.constant 128 : i32
        %mul3A_2963 = arith.muli %sub3A_2549, %mul3A_2962 : i32
        %add3A_2964 = arith.addi %mul3A_2961, %mul3A_2963 : i32
        %add3A_2965 = vector.broadcast %add3A_2964 : i32 to vector<16xi32>
        %add3A_2966 = arith.addi %add3A_2965, %add3A_2959 : vector<16xi32>
        %convert_element_type3A_2967 = arith.sitofp %add3A_2966 : vector<16xi32> to vector<16xf32>
        %mul3A_2968 = arith.constant 5.000000e-02 : f32
        %mul3A_2969 = vector.broadcast %mul3A_2968 : f32 to vector<16xf32>
        %mul3A_2970 = arith.mulf %convert_element_type3A_2967, %mul3A_2969 : vector<16xf32>
        %convert_element_type3A_2971 = arith.fptosi %mul3A_2970 : vector<16xf32> to vector<16xi32>
        %mul3A_2972 = arith.constant 20 : i32
        %mul3A_2973 = vector.broadcast %mul3A_2972 : i32 to vector<16xi32>
        %mul3A_2974 = arith.muli %convert_element_type3A_2971, %mul3A_2973 : vector<16xi32>
        %sub3A_2975 = arith.subi %add3A_2966, %mul3A_2974 : vector<16xi32>
        %ge3A_2976 = arith.constant 20 : i32
        %ge3A_2977 = vector.broadcast %ge3A_2976 : i32 to vector<16xi32>
        %ge3A_2978 = arith.cmpi sge, %sub3A_2975, %ge3A_2977 : vector<16xi32>
        %jit3A_2979 = arith.constant 1 : i32
        %jit3A_2980 = arith.constant 0 : i32
        %broadcast_in_dim3A_2981 = vector.broadcast %jit3A_2979 : i32 to vector<16xi32>
        %broadcast_in_dim3A_2982 = vector.broadcast %jit3A_2980 : i32 to vector<16xi32>
        %select_n3A_2983 = arith.select %ge3A_2978, %broadcast_in_dim3A_2981, %broadcast_in_dim3A_2982 : vector<16xi1>, vector<16xi32>
        %add3A_2984 = arith.addi %convert_element_type3A_2971, %select_n3A_2983 : vector<16xi32>
        %lt3A_2985 = arith.constant 0 : i32
        %lt3A_2986 = vector.broadcast %lt3A_2985 : i32 to vector<16xi32>
        %lt3A_2987 = arith.cmpi slt, %sub3A_2975, %lt3A_2986 : vector<16xi32>
        %jit3A_2988 = arith.constant 1 : i32
        %jit3A_2989 = arith.constant 0 : i32
        %broadcast_in_dim3A_2990 = vector.broadcast %jit3A_2988 : i32 to vector<16xi32>
        %broadcast_in_dim3A_2991 = vector.broadcast %jit3A_2989 : i32 to vector<16xi32>
        %select_n3A_2992 = arith.select %lt3A_2987, %broadcast_in_dim3A_2990, %broadcast_in_dim3A_2991 : vector<16xi1>, vector<16xi32>
        %sub3A_2993 = arith.subi %add3A_2984, %select_n3A_2992 : vector<16xi32>
        %add3A_2994 = arith.constant 2 : i32
        %add3A_2995 = vector.broadcast %add3A_2994 : i32 to vector<16xi32>
        %add3A_2996 = arith.addi %add3A_2966, %add3A_2995 : vector<16xi32>
        %mul3A_2997 = arith.constant 2 : i32
        %mul3A_2998 = vector.broadcast %mul3A_2997 : i32 to vector<16xi32>
        %mul3A_2999 = arith.muli %mul3A_2998, %sub3A_2993 : vector<16xi32>
        %add3A_3000 = arith.addi %add3A_2996, %mul3A_2999 : vector<16xi32>
        %swap3A_3001 = arith.constant 3 : i32
        %swap3A_3002 = arith.index_cast %swap3A_3001 : i32 to index
        %swap3A_3003 = arith.constant 80 : index
        %swap3A_3004 = tpu.vector_load %arg11[%swap3A_3002, %swap3A_3003] {strides = array<i32>} : memref<4x128xi32, #tpu.memory_space<vmem>>, vector<1x16xi32>,
        %swap3A_3005 = vector.shape_cast %swap3A_3004 : vector<1x16xi32> to vector<16xi32>
        %swap3A_3006 = vector.shape_cast %add3A_3000 : vector<16xi32> to vector<1x16xi32>
        tpu.vector_store %arg11[%swap3A_3002, %swap3A_3003], %swap3A_3006 {strides = array<i32>} : memref<4x128xi32, #tpu.memory_space<vmem>>, vector<1x16xi32>,
        %add3A_3007 = arith.constant 96 : i32
        %add3A_3008 = vector.broadcast %add3A_3007 : i32 to vector<16xi32>
        %add3A_3009 = arith.addi %iota3A, %add3A_3008 : vector<16xi32>
        %mul3A_3010 = arith.constant 20 : i32
        %mul3A_3011 = arith.muli %mul3A_10, %mul3A_3010 : i32
        %mul3A_3012 = arith.constant 128 : i32
        %mul3A_3013 = arith.muli %sub3A_2549, %mul3A_3012 : i32
        %add3A_3014 = arith.addi %mul3A_3011, %mul3A_3013 : i32
        %add3A_3015 = vector.broadcast %add3A_3014 : i32 to vector<16xi32>
        %add3A_3016 = arith.addi %add3A_3015, %add3A_3009 : vector<16xi32>
        %convert_element_type3A_3017 = arith.sitofp %add3A_3016 : vector<16xi32> to vector<16xf32>
        %mul3A_3018 = arith.constant 5.000000e-02 : f32
        %mul3A_3019 = vector.broadcast %mul3A_3018 : f32 to vector<16xf32>
        %mul3A_3020 = arith.mulf %convert_element_type3A_3017, %mul3A_3019 : vector<16xf32>
        %convert_element_type3A_3021 = arith.fptosi %mul3A_3020 : vector<16xf32> to vector<16xi32>
        %mul3A_3022 = arith.constant 20 : i32
        %mul3A_3023 = vector.broadcast %mul3A_3022 : i32 to vector<16xi32>
        %mul3A_3024 = arith.muli %convert_element_type3A_3021, %mul3A_3023 : vector<16xi32>
        %sub3A_3025 = arith.subi %add3A_3016, %mul3A_3024 : vector<16xi32>
        %ge3A_3026 = arith.constant 20 : i32
        %ge3A_3027 = vector.broadcast %ge3A_3026 : i32 to vector<16xi32>
        %ge3A_3028 = arith.cmpi sge, %sub3A_3025, %ge3A_3027 : vector<16xi32>
        %jit3A_3029 = arith.constant 1 : i32
        %jit3A_3030 = arith.constant 0 : i32
        %broadcast_in_dim3A_3031 = vector.broadcast %jit3A_3029 : i32 to vector<16xi32>
        %broadcast_in_dim3A_3032 = vector.broadcast %jit3A_3030 : i32 to vector<16xi32>
        %select_n3A_3033 = arith.select %ge3A_3028, %broadcast_in_dim3A_3031, %broadcast_in_dim3A_3032 : vector<16xi1>, vector<16xi32>
        %add3A_3034 = arith.addi %convert_element_type3A_3021, %select_n3A_3033 : vector<16xi32>
        %lt3A_3035 = arith.constant 0 : i32
        %lt3A_3036 = vector.broadcast %lt3A_3035 : i32 to vector<16xi32>
        %lt3A_3037 = arith.cmpi slt, %sub3A_3025, %lt3A_3036 : vector<16xi32>
        %jit3A_3038 = arith.constant 1 : i32
        %jit3A_3039 = arith.constant 0 : i32
        %broadcast_in_dim3A_3040 = vector.broadcast %jit3A_3038 : i32 to vector<16xi32>
        %broadcast_in_dim3A_3041 = vector.broadcast %jit3A_3039 : i32 to vector<16xi32>
        %select_n3A_3042 = arith.select %lt3A_3037, %broadcast_in_dim3A_3040, %broadcast_in_dim3A_3041 : vector<16xi1>, vector<16xi32>
        %sub3A_3043 = arith.subi %add3A_3034, %select_n3A_3042 : vector<16xi32>
        %add3A_3044 = arith.constant 2 : i32
        %add3A_3045 = vector.broadcast %add3A_3044 : i32 to vector<16xi32>
        %add3A_3046 = arith.addi %add3A_3016, %add3A_3045 : vector<16xi32>
        %mul3A_3047 = arith.constant 2 : i32
        %mul3A_3048 = vector.broadcast %mul3A_3047 : i32 to vector<16xi32>
        %mul3A_3049 = arith.muli %mul3A_3048, %sub3A_3043 : vector<16xi32>
        %add3A_3050 = arith.addi %add3A_3046, %mul3A_3049 : vector<16xi32>
        %swap3A_3051 = arith.constant 3 : i32
        %swap3A_3052 = arith.index_cast %swap3A_3051 : i32 to index
        %swap3A_3053 = arith.constant 96 : index
        %swap3A_3054 = tpu.vector_load %arg11[%swap3A_3052, %swap3A_3053] {strides = array<i32>} : memref<4x128xi32, #tpu.memory_space<vmem>>, vector<1x16xi32>,
        %swap3A_3055 = vector.shape_cast %swap3A_3054 : vector<1x16xi32> to vector<16xi32>
        %swap3A_3056 = vector.shape_cast %add3A_3050 : vector<16xi32> to vector<1x16xi32>
        tpu.vector_store %arg11[%swap3A_3052, %swap3A_3053], %swap3A_3056 {strides = array<i32>} : memref<4x128xi32, #tpu.memory_space<vmem>>, vector<1x16xi32>,
        %add3A_3057 = arith.constant 112 : i32
        %add3A_3058 = vector.broadcast %add3A_3057 : i32 to vector<16xi32>
        %add3A_3059 = arith.addi %iota3A, %add3A_3058 : vector<16xi32>
        %mul3A_3060 = arith.constant 20 : i32
        %mul3A_3061 = arith.muli %mul3A_10, %mul3A_3060 : i32
        %mul3A_3062 = arith.constant 128 : i32
        %mul3A_3063 = arith.muli %sub3A_2549, %mul3A_3062 : i32
        %add3A_3064 = arith.addi %mul3A_3061, %mul3A_3063 : i32
        %add3A_3065 = vector.broadcast %add3A_3064 : i32 to vector<16xi32>
        %add3A_3066 = arith.addi %add3A_3065, %add3A_3059 : vector<16xi32>
        %convert_element_type3A_3067 = arith.sitofp %add3A_3066 : vector<16xi32> to vector<16xf32>
        %mul3A_3068 = arith.constant 5.000000e-02 : f32
        %mul3A_3069 = vector.broadcast %mul3A_3068 : f32 to vector<16xf32>
        %mul3A_3070 = arith.mulf %convert_element_type3A_3067, %mul3A_3069 : vector<16xf32>
        %convert_element_type3A_3071 = arith.fptosi %mul3A_3070 : vector<16xf32> to vector<16xi32>
        %mul3A_3072 = arith.constant 20 : i32
        %mul3A_3073 = vector.broadcast %mul3A_3072 : i32 to vector<16xi32>
        %mul3A_3074 = arith.muli %convert_element_type3A_3071, %mul3A_3073 : vector<16xi32>
        %sub3A_3075 = arith.subi %add3A_3066, %mul3A_3074 : vector<16xi32>
        %ge3A_3076 = arith.constant 20 : i32
        %ge3A_3077 = vector.broadcast %ge3A_3076 : i32 to vector<16xi32>
        %ge3A_3078 = arith.cmpi sge, %sub3A_3075, %ge3A_3077 : vector<16xi32>
        %jit3A_3079 = arith.constant 1 : i32
        %jit3A_3080 = arith.constant 0 : i32
        %broadcast_in_dim3A_3081 = vector.broadcast %jit3A_3079 : i32 to vector<16xi32>
        %broadcast_in_dim3A_3082 = vector.broadcast %jit3A_3080 : i32 to vector<16xi32>
        %select_n3A_3083 = arith.select %ge3A_3078, %broadcast_in_dim3A_3081, %broadcast_in_dim3A_3082 : vector<16xi1>, vector<16xi32>
        %add3A_3084 = arith.addi %convert_element_type3A_3071, %select_n3A_3083 : vector<16xi32>
        %lt3A_3085 = arith.constant 0 : i32
        %lt3A_3086 = vector.broadcast %lt3A_3085 : i32 to vector<16xi32>
        %lt3A_3087 = arith.cmpi slt, %sub3A_3075, %lt3A_3086 : vector<16xi32>
        %jit3A_3088 = arith.constant 1 : i32
        %jit3A_3089 = arith.constant 0 : i32
        %broadcast_in_dim3A_3090 = vector.broadcast %jit3A_3088 : i32 to vector<16xi32>
        %broadcast_in_dim3A_3091 = vector.broadcast %jit3A_3089 : i32 to vector<16xi32>
        %select_n3A_3092 = arith.select %lt3A_3087, %broadcast_in_dim3A_3090, %broadcast_in_dim3A_3091 : vector<16xi1>, vector<16xi32>
        %sub3A_3093 = arith.subi %add3A_3084, %select_n3A_3092 : vector<16xi32>
        %add3A_3094 = arith.constant 2 : i32
        %add3A_3095 = vector.broadcast %add3A_3094 : i32 to vector<16xi32>
        %add3A_3096 = arith.addi %add3A_3066, %add3A_3095 : vector<16xi32>
        %mul3A_3097 = arith.constant 2 : i32
        %mul3A_3098 = vector.broadcast %mul3A_3097 : i32 to vector<16xi32>
        %mul3A_3099 = arith.muli %mul3A_3098, %sub3A_3093 : vector<16xi32>
        %add3A_3100 = arith.addi %add3A_3096, %mul3A_3099 : vector<16xi32>
        %swap3A_3101 = arith.constant 3 : i32
        %swap3A_3102 = arith.index_cast %swap3A_3101 : i32 to index
        %swap3A_3103 = arith.constant 112 : index
        %swap3A_3104 = tpu.vector_load %arg11[%swap3A_3102, %swap3A_3103] {strides = array<i32>} : memref<4x128xi32, #tpu.memory_space<vmem>>, vector<1x16xi32>,
        %swap3A_3105 = vector.shape_cast %swap3A_3104 : vector<1x16xi32> to vector<16xi32>
        %swap3A_3106 = vector.shape_cast %add3A_3100 : vector<16xi32> to vector<1x16xi32>
        tpu.vector_store %arg11[%swap3A_3102, %swap3A_3103], %swap3A_3106 {strides = array<i32>} : memref<4x128xi32, #tpu.memory_space<vmem>>, vector<1x16xi32>,
      } else {
      }
      %mul3A_2555 = arith.constant 4 : i32
      %mul3A_2556 = arith.muli %scan3A_2514, %mul3A_2555 : i32
      %add3A_2557 = arith.constant 1 : i32
      %add3A_2558 = arith.addi %mul3A_2556, %add3A_2557 : i32
      %dma_wait3A_2559 = arith.constant 1 : i32
      %dma_wait3A_2560 = arith.constant 0 : i32
      %dma_wait3A_2561 = arith.constant 0 : i32
      %dma_wait3A_2562 = tpu.memref_slice %arg12[%dma_wait3A_2559, %dma_wait3A_2560, %dma_wait3A_2561] : memref<4x128x32xf32, #tpu.memory_space<vmem>> -> memref<1x128x32xf32, #tpu.memory_space<vmem>>
      %dma_wait3A_2563 = tpu.memref_squeeze %dma_wait3A_2562 : memref<1x128x32xf32, #tpu.memory_space<vmem>> -> memref<128x32xf32, #tpu.memory_space<vmem>>
      %dma_wait3A_2564 = arith.constant 0 : i32
      %dma_wait3A_2565 = tpu.memref_slice %arg10[%dma_wait3A_2564] : memref<10240xi32, #tpu.memory_space<vmem>> -> memref<128xi32, #tpu.memory_space<vmem>>
      %dma_wait3A_2566 = arith.constant 0 : i32
      %dma_wait3A_2567 = arith.constant 0 : i32
      %dma_wait3A_2568 = tpu.memref_slice %arg6[%dma_wait3A_2566, %dma_wait3A_2567] : memref<1000000x32xf32, #tpu.memory_space<hbm>> -> memref<1000000x32xf32, #tpu.memory_space<hbm>>
      tpu.wait_indirect_dma semaphore(%arg13 : memref<!tpu.dma_semaphore, #tpu.memory_space<semaphore_mem>>) src(%dma_wait3A_2568 : memref<1000000x32xf32, #tpu.memory_space<hbm>>) dst(%dma_wait3A_2563 : memref<128x32xf32, #tpu.memory_space<vmem>>)
      %dma_wait3A_2569 = arith.constant 0 : i32
      %dma_wait3A_2570 = arith.constant 0 : i32
      %dma_wait3A_2571 = arith.constant 0 : i32
      %dma_wait3A_2572 = arith.constant 0 : i32
      %dma_wait3A_2573 = tpu.memref_slice %arg12[%dma_wait3A_2569, %dma_wait3A_2571, %dma_wait3A_2572] : memref<4x128x32xf32, #tpu.memory_space<vmem>> -> memref<1x128x32xf32, #tpu.memory_space<vmem>>
      %dma_wait3A_2574 = tpu.memref_squeeze %dma_wait3A_2573 : memref<1x128x32xf32, #tpu.memory_space<vmem>> -> memref<128x32xf32, #tpu.memory_space<vmem>>
      %dma_wait3A_2575 = arith.constant 0 : i32
      %dma_wait3A_2576 = tpu.memref_slice %arg11[%dma_wait3A_2570, %dma_wait3A_2575] : memref<4x128xi32, #tpu.memory_space<vmem>> -> memref<1x128xi32, #tpu.memory_space<vmem>>
      %dma_wait3A_2577 = tpu.memref_squeeze %dma_wait3A_2576 : memref<1x128xi32, #tpu.memory_space<vmem>> -> memref<128xi32, #tpu.memory_space<vmem>>
      %dma_wait3A_2578 = arith.constant 0 : i32
      %dma_wait3A_2579 = arith.constant 0 : i32
      %dma_wait3A_2580 = tpu.memref_slice %arg7[%dma_wait3A_2578, %dma_wait3A_2579] : memref<360448x32xf32, #tpu.memory_space<hbm>> -> memref<360448x32xf32, #tpu.memory_space<hbm>>
      tpu.wait_indirect_dma semaphore(%arg14 : memref<!tpu.dma_semaphore, #tpu.memory_space<semaphore_mem>>) src(%dma_wait3A_2574 : memref<128x32xf32, #tpu.memory_space<vmem>>) dst(%dma_wait3A_2580 : memref<360448x32xf32, #tpu.memory_space<hbm>>)
      %dma_start3A_2581 = arith.constant 1 : i32
      %dma_start3A_2582 = arith.constant 1 : i32
      %dma_start3A_2583 = arith.constant 0 : i32
      %dma_start3A_2584 = arith.constant 0 : i32
      %dma_start3A_2585 = tpu.memref_slice %arg12[%dma_start3A_2581, %dma_start3A_2583, %dma_start3A_2584] : memref<4x128x32xf32, #tpu.memory_space<vmem>> -> memref<1x128x32xf32, #tpu.memory_space<vmem>>
      %dma_start3A_2586 = tpu.memref_squeeze %dma_start3A_2585 : memref<1x128x32xf32, #tpu.memory_space<vmem>> -> memref<128x32xf32, #tpu.memory_space<vmem>>
      %dma_start3A_2587 = arith.constant 0 : i32
      %dma_start3A_2588 = tpu.memref_slice %arg11[%dma_start3A_2582, %dma_start3A_2587] : memref<4x128xi32, #tpu.memory_space<vmem>> -> memref<1x128xi32, #tpu.memory_space<vmem>>
      %dma_start3A_2589 = tpu.memref_squeeze %dma_start3A_2588 : memref<1x128xi32, #tpu.memory_space<vmem>> -> memref<128xi32, #tpu.memory_space<vmem>>
      %dma_start3A_2590 = arith.constant 0 : i32
      %dma_start3A_2591 = arith.constant 0 : i32
      %dma_start3A_2592 = tpu.memref_slice %arg7[%dma_start3A_2590, %dma_start3A_2591] : memref<360448x32xf32, #tpu.memory_space<hbm>> -> memref<360448x32xf32, #tpu.memory_space<hbm>>
      tpu.enqueue_indirect_dma source(%dma_start3A_2586 : memref<128x32xf32, #tpu.memory_space<vmem>>) target(%dma_start3A_2592 : memref<360448x32xf32, #tpu.memory_space<hbm>>) offsets(%dma_start3A_2589 : memref<128xi32, #tpu.memory_space<vmem>>) semaphore(%arg14 : memref<!tpu.dma_semaphore, #tpu.memory_space<semaphore_mem>>)
      %add3A_2593 = arith.constant 4 : i32
      %add3A_2594 = arith.addi %add3A_2558, %add3A_2593 : i32
      %sub3A_2595 = arith.constant 1 : i32
      %sub3A_2596 = arith.subi %add3A_2594, %sub3A_2595 : i32
      %lt3A_2597 = arith.constant 80 : i32
      %lt3A_2598 = arith.cmpi slt, %sub3A_2596, %lt3A_2597 : i32
      %convert_element_type3A_2599 = arith.extui %lt3A_2598 : i1 to i32
      %cond3A_2600 = arith.constant 0 : i32
      %cond3A_2601 = arith.cmpi ne, %convert_element_type3A_2599, %cond3A_2600 : i32
      scf.if %cond3A_2601 {
        %mul3A_2696 = arith.constant 128 : i32
        %mul3A_2697 = arith.muli %sub3A_2596, %mul3A_2696 : i32
        %dma_start3A_2698 = arith.constant 0 : i32
        %dma_start3A_2699 = arith.constant 0 : i32
        %dma_start3A_2700 = arith.constant 0 : i32
        %dma_start3A_2701 = tpu.memref_slice %arg12[%dma_start3A_2698, %dma_start3A_2699, %dma_start3A_2700] : memref<4x128x32xf32, #tpu.memory_space<vmem>> -> memref<1x128x32xf32, #tpu.memory_space<vmem>>
        %dma_start3A_2702 = tpu.memref_squeeze %dma_start3A_2701 : memref<1x128x32xf32, #tpu.memory_space<vmem>> -> memref<128x32xf32, #tpu.memory_space<vmem>>
        %dma_start3A_2703 = tpu.memref_slice %arg10[%mul3A_2697] : memref<10240xi32, #tpu.memory_space<vmem>> -> memref<128xi32, #tpu.memory_space<vmem>>
        %dma_start3A_2704 = arith.constant 0 : i32
        %dma_start3A_2705 = arith.constant 0 : i32
        %dma_start3A_2706 = tpu.memref_slice %arg6[%dma_start3A_2704, %dma_start3A_2705] : memref<1000000x32xf32, #tpu.memory_space<hbm>> -> memref<1000000x32xf32, #tpu.memory_space<hbm>>
        tpu.enqueue_indirect_dma source(%dma_start3A_2706 : memref<1000000x32xf32, #tpu.memory_space<hbm>>) target(%dma_start3A_2702 : memref<128x32xf32, #tpu.memory_space<vmem>>) offsets(%dma_start3A_2703 : memref<128xi32, #tpu.memory_space<vmem>>) semaphore(%arg13 : memref<!tpu.dma_semaphore, #tpu.memory_space<semaphore_mem>>)
        %add3A_2707 = arith.constant 0 : i32
        %add3A_2708 = vector.broadcast %add3A_2707 : i32 to vector<16xi32>
        %add3A_2709 = arith.addi %iota3A, %add3A_2708 : vector<16xi32>
        %mul3A_2710 = arith.constant 20 : i32
        %mul3A_2711 = arith.muli %mul3A_10, %mul3A_2710 : i32
        %mul3A_2712 = arith.constant 128 : i32
        %mul3A_2713 = arith.muli %sub3A_2596, %mul3A_2712 : i32
        %add3A_2714 = arith.addi %mul3A_2711, %mul3A_2713 : i32
        %add3A_2715 = vector.broadcast %add3A_2714 : i32 to vector<16xi32>
        %add3A_2716 = arith.addi %add3A_2715, %add3A_2709 : vector<16xi32>
        %convert_element_type3A_2717 = arith.sitofp %add3A_2716 : vector<16xi32> to vector<16xf32>
        %mul3A_2718 = arith.constant 5.000000e-02 : f32
        %mul3A_2719 = vector.broadcast %mul3A_2718 : f32 to vector<16xf32>
        %mul3A_2720 = arith.mulf %convert_element_type3A_2717, %mul3A_2719 : vector<16xf32>
        %convert_element_type3A_2721 = arith.fptosi %mul3A_2720 : vector<16xf32> to vector<16xi32>
        %mul3A_2722 = arith.constant 20 : i32
        %mul3A_2723 = vector.broadcast %mul3A_2722 : i32 to vector<16xi32>
        %mul3A_2724 = arith.muli %convert_element_type3A_2721, %mul3A_2723 : vector<16xi32>
        %sub3A_2725 = arith.subi %add3A_2716, %mul3A_2724 : vector<16xi32>
        %ge3A_2726 = arith.constant 20 : i32
        %ge3A_2727 = vector.broadcast %ge3A_2726 : i32 to vector<16xi32>
        %ge3A_2728 = arith.cmpi sge, %sub3A_2725, %ge3A_2727 : vector<16xi32>
        %jit3A_2729 = arith.constant 1 : i32
        %jit3A_2730 = arith.constant 0 : i32
        %broadcast_in_dim3A_2731 = vector.broadcast %jit3A_2729 : i32 to vector<16xi32>
        %broadcast_in_dim3A_2732 = vector.broadcast %jit3A_2730 : i32 to vector<16xi32>
        %select_n3A_2733 = arith.select %ge3A_2728, %broadcast_in_dim3A_2731, %broadcast_in_dim3A_2732 : vector<16xi1>, vector<16xi32>
        %add3A_2734 = arith.addi %convert_element_type3A_2721, %select_n3A_2733 : vector<16xi32>
        %lt3A_2735 = arith.constant 0 : i32
        %lt3A_2736 = vector.broadcast %lt3A_2735 : i32 to vector<16xi32>
        %lt3A_2737 = arith.cmpi slt, %sub3A_2725, %lt3A_2736 : vector<16xi32>
        %jit3A_2738 = arith.constant 1 : i32
        %jit3A_2739 = arith.constant 0 : i32
        %broadcast_in_dim3A_2740 = vector.broadcast %jit3A_2738 : i32 to vector<16xi32>
        %broadcast_in_dim3A_2741 = vector.broadcast %jit3A_2739 : i32 to vector<16xi32>
        %select_n3A_2742 = arith.select %lt3A_2737, %broadcast_in_dim3A_2740, %broadcast_in_dim3A_2741 : vector<16xi1>, vector<16xi32>
        %sub3A_2743 = arith.subi %add3A_2734, %select_n3A_2742 : vector<16xi32>
        %add3A_2744 = arith.constant 2 : i32
        %add3A_2745 = vector.broadcast %add3A_2744 : i32 to vector<16xi32>
        %add3A_2746 = arith.addi %add3A_2716, %add3A_2745 : vector<16xi32>
        %mul3A_2747 = arith.constant 2 : i32
        %mul3A_2748 = vector.broadcast %mul3A_2747 : i32 to vector<16xi32>
        %mul3A_2749 = arith.muli %mul3A_2748, %sub3A_2743 : vector<16xi32>
        %add3A_2750 = arith.addi %add3A_2746, %mul3A_2749 : vector<16xi32>
        %swap3A_2751 = arith.constant 0 : i32
        %swap3A_2752 = arith.index_cast %swap3A_2751 : i32 to index
        %swap3A_2753 = arith.constant 0 : index
        %swap3A_2754 = tpu.vector_load %arg11[%swap3A_2752, %swap3A_2753] {strides = array<i32>} : memref<4x128xi32, #tpu.memory_space<vmem>>, vector<1x16xi32>,
        %swap3A_2755 = vector.shape_cast %swap3A_2754 : vector<1x16xi32> to vector<16xi32>
        %swap3A_2756 = vector.shape_cast %add3A_2750 : vector<16xi32> to vector<1x16xi32>
        tpu.vector_store %arg11[%swap3A_2752, %swap3A_2753], %swap3A_2756 {strides = array<i32>} : memref<4x128xi32, #tpu.memory_space<vmem>>, vector<1x16xi32>,
        %add3A_2757 = arith.constant 16 : i32
        %add3A_2758 = vector.broadcast %add3A_2757 : i32 to vector<16xi32>
        %add3A_2759 = arith.addi %iota3A, %add3A_2758 : vector<16xi32>
        %mul3A_2760 = arith.constant 20 : i32
        %mul3A_2761 = arith.muli %mul3A_10, %mul3A_2760 : i32
        %mul3A_2762 = arith.constant 128 : i32
        %mul3A_2763 = arith.muli %sub3A_2596, %mul3A_2762 : i32
        %add3A_2764 = arith.addi %mul3A_2761, %mul3A_2763 : i32
        %add3A_2765 = vector.broadcast %add3A_2764 : i32 to vector<16xi32>
        %add3A_2766 = arith.addi %add3A_2765, %add3A_2759 : vector<16xi32>
        %convert_element_type3A_2767 = arith.sitofp %add3A_2766 : vector<16xi32> to vector<16xf32>
        %mul3A_2768 = arith.constant 5.000000e-02 : f32
        %mul3A_2769 = vector.broadcast %mul3A_2768 : f32 to vector<16xf32>
        %mul3A_2770 = arith.mulf %convert_element_type3A_2767, %mul3A_2769 : vector<16xf32>
        %convert_element_type3A_2771 = arith.fptosi %mul3A_2770 : vector<16xf32> to vector<16xi32>
        %mul3A_2772 = arith.constant 20 : i32
        %mul3A_2773 = vector.broadcast %mul3A_2772 : i32 to vector<16xi32>
        %mul3A_2774 = arith.muli %convert_element_type3A_2771, %mul3A_2773 : vector<16xi32>
        %sub3A_2775 = arith.subi %add3A_2766, %mul3A_2774 : vector<16xi32>
        %ge3A_2776 = arith.constant 20 : i32
        %ge3A_2777 = vector.broadcast %ge3A_2776 : i32 to vector<16xi32>
        %ge3A_2778 = arith.cmpi sge, %sub3A_2775, %ge3A_2777 : vector<16xi32>
        %jit3A_2779 = arith.constant 1 : i32
        %jit3A_2780 = arith.constant 0 : i32
        %broadcast_in_dim3A_2781 = vector.broadcast %jit3A_2779 : i32 to vector<16xi32>
        %broadcast_in_dim3A_2782 = vector.broadcast %jit3A_2780 : i32 to vector<16xi32>
        %select_n3A_2783 = arith.select %ge3A_2778, %broadcast_in_dim3A_2781, %broadcast_in_dim3A_2782 : vector<16xi1>, vector<16xi32>
        %add3A_2784 = arith.addi %convert_element_type3A_2771, %select_n3A_2783 : vector<16xi32>
        %lt3A_2785 = arith.constant 0 : i32
        %lt3A_2786 = vector.broadcast %lt3A_2785 : i32 to vector<16xi32>
        %lt3A_2787 = arith.cmpi slt, %sub3A_2775, %lt3A_2786 : vector<16xi32>
        %jit3A_2788 = arith.constant 1 : i32
        %jit3A_2789 = arith.constant 0 : i32
        %broadcast_in_dim3A_2790 = vector.broadcast %jit3A_2788 : i32 to vector<16xi32>
        %broadcast_in_dim3A_2791 = vector.broadcast %jit3A_2789 : i32 to vector<16xi32>
        %select_n3A_2792 = arith.select %lt3A_2787, %broadcast_in_dim3A_2790, %broadcast_in_dim3A_2791 : vector<16xi1>, vector<16xi32>
        %sub3A_2793 = arith.subi %add3A_2784, %select_n3A_2792 : vector<16xi32>
        %add3A_2794 = arith.constant 2 : i32
        %add3A_2795 = vector.broadcast %add3A_2794 : i32 to vector<16xi32>
        %add3A_2796 = arith.addi %add3A_2766, %add3A_2795 : vector<16xi32>
        %mul3A_2797 = arith.constant 2 : i32
        %mul3A_2798 = vector.broadcast %mul3A_2797 : i32 to vector<16xi32>
        %mul3A_2799 = arith.muli %mul3A_2798, %sub3A_2793 : vector<16xi32>
        %add3A_2800 = arith.addi %add3A_2796, %mul3A_2799 : vector<16xi32>
        %swap3A_2801 = arith.constant 0 : i32
        %swap3A_2802 = arith.index_cast %swap3A_2801 : i32 to index
        %swap3A_2803 = arith.constant 16 : index
        %swap3A_2804 = tpu.vector_load %arg11[%swap3A_2802, %swap3A_2803] {strides = array<i32>} : memref<4x128xi32, #tpu.memory_space<vmem>>, vector<1x16xi32>,
        %swap3A_2805 = vector.shape_cast %swap3A_2804 : vector<1x16xi32> to vector<16xi32>
        %swap3A_2806 = vector.shape_cast %add3A_2800 : vector<16xi32> to vector<1x16xi32>
        tpu.vector_store %arg11[%swap3A_2802, %swap3A_2803], %swap3A_2806 {strides = array<i32>} : memref<4x128xi32, #tpu.memory_space<vmem>>, vector<1x16xi32>,
        %add3A_2807 = arith.constant 32 : i32
        %add3A_2808 = vector.broadcast %add3A_2807 : i32 to vector<16xi32>
        %add3A_2809 = arith.addi %iota3A, %add3A_2808 : vector<16xi32>
        %mul3A_2810 = arith.constant 20 : i32
        %mul3A_2811 = arith.muli %mul3A_10, %mul3A_2810 : i32
        %mul3A_2812 = arith.constant 128 : i32
        %mul3A_2813 = arith.muli %sub3A_2596, %mul3A_2812 : i32
        %add3A_2814 = arith.addi %mul3A_2811, %mul3A_2813 : i32
        %add3A_2815 = vector.broadcast %add3A_2814 : i32 to vector<16xi32>
        %add3A_2816 = arith.addi %add3A_2815, %add3A_2809 : vector<16xi32>
        %convert_element_type3A_2817 = arith.sitofp %add3A_2816 : vector<16xi32> to vector<16xf32>
        %mul3A_2818 = arith.constant 5.000000e-02 : f32
        %mul3A_2819 = vector.broadcast %mul3A_2818 : f32 to vector<16xf32>
        %mul3A_2820 = arith.mulf %convert_element_type3A_2817, %mul3A_2819 : vector<16xf32>
        %convert_element_type3A_2821 = arith.fptosi %mul3A_2820 : vector<16xf32> to vector<16xi32>
        %mul3A_2822 = arith.constant 20 : i32
        %mul3A_2823 = vector.broadcast %mul3A_2822 : i32 to vector<16xi32>
        %mul3A_2824 = arith.muli %convert_element_type3A_2821, %mul3A_2823 : vector<16xi32>
        %sub3A_2825 = arith.subi %add3A_2816, %mul3A_2824 : vector<16xi32>
        %ge3A_2826 = arith.constant 20 : i32
        %ge3A_2827 = vector.broadcast %ge3A_2826 : i32 to vector<16xi32>
        %ge3A_2828 = arith.cmpi sge, %sub3A_2825, %ge3A_2827 : vector<16xi32>
        %jit3A_2829 = arith.constant 1 : i32
        %jit3A_2830 = arith.constant 0 : i32
        %broadcast_in_dim3A_2831 = vector.broadcast %jit3A_2829 : i32 to vector<16xi32>
        %broadcast_in_dim3A_2832 = vector.broadcast %jit3A_2830 : i32 to vector<16xi32>
        %select_n3A_2833 = arith.select %ge3A_2828, %broadcast_in_dim3A_2831, %broadcast_in_dim3A_2832 : vector<16xi1>, vector<16xi32>
        %add3A_2834 = arith.addi %convert_element_type3A_2821, %select_n3A_2833 : vector<16xi32>
        %lt3A_2835 = arith.constant 0 : i32
        %lt3A_2836 = vector.broadcast %lt3A_2835 : i32 to vector<16xi32>
        %lt3A_2837 = arith.cmpi slt, %sub3A_2825, %lt3A_2836 : vector<16xi32>
        %jit3A_2838 = arith.constant 1 : i32
        %jit3A_2839 = arith.constant 0 : i32
        %broadcast_in_dim3A_2840 = vector.broadcast %jit3A_2838 : i32 to vector<16xi32>
        %broadcast_in_dim3A_2841 = vector.broadcast %jit3A_2839 : i32 to vector<16xi32>
        %select_n3A_2842 = arith.select %lt3A_2837, %broadcast_in_dim3A_2840, %broadcast_in_dim3A_2841 : vector<16xi1>, vector<16xi32>
        %sub3A_2843 = arith.subi %add3A_2834, %select_n3A_2842 : vector<16xi32>
        %add3A_2844 = arith.constant 2 : i32
        %add3A_2845 = vector.broadcast %add3A_2844 : i32 to vector<16xi32>
        %add3A_2846 = arith.addi %add3A_2816, %add3A_2845 : vector<16xi32>
        %mul3A_2847 = arith.constant 2 : i32
        %mul3A_2848 = vector.broadcast %mul3A_2847 : i32 to vector<16xi32>
        %mul3A_2849 = arith.muli %mul3A_2848, %sub3A_2843 : vector<16xi32>
        %add3A_2850 = arith.addi %add3A_2846, %mul3A_2849 : vector<16xi32>
        %swap3A_2851 = arith.constant 0 : i32
        %swap3A_2852 = arith.index_cast %swap3A_2851 : i32 to index
        %swap3A_2853 = arith.constant 32 : index
        %swap3A_2854 = tpu.vector_load %arg11[%swap3A_2852, %swap3A_2853] {strides = array<i32>} : memref<4x128xi32, #tpu.memory_space<vmem>>, vector<1x16xi32>,
        %swap3A_2855 = vector.shape_cast %swap3A_2854 : vector<1x16xi32> to vector<16xi32>
        %swap3A_2856 = vector.shape_cast %add3A_2850 : vector<16xi32> to vector<1x16xi32>
        tpu.vector_store %arg11[%swap3A_2852, %swap3A_2853], %swap3A_2856 {strides = array<i32>} : memref<4x128xi32, #tpu.memory_space<vmem>>, vector<1x16xi32>,
        %add3A_2857 = arith.constant 48 : i32
        %add3A_2858 = vector.broadcast %add3A_2857 : i32 to vector<16xi32>
        %add3A_2859 = arith.addi %iota3A, %add3A_2858 : vector<16xi32>
        %mul3A_2860 = arith.constant 20 : i32
        %mul3A_2861 = arith.muli %mul3A_10, %mul3A_2860 : i32
        %mul3A_2862 = arith.constant 128 : i32
        %mul3A_2863 = arith.muli %sub3A_2596, %mul3A_2862 : i32
        %add3A_2864 = arith.addi %mul3A_2861, %mul3A_2863 : i32
        %add3A_2865 = vector.broadcast %add3A_2864 : i32 to vector<16xi32>
        %add3A_2866 = arith.addi %add3A_2865, %add3A_2859 : vector<16xi32>
        %convert_element_type3A_2867 = arith.sitofp %add3A_2866 : vector<16xi32> to vector<16xf32>
        %mul3A_2868 = arith.constant 5.000000e-02 : f32
        %mul3A_2869 = vector.broadcast %mul3A_2868 : f32 to vector<16xf32>
        %mul3A_2870 = arith.mulf %convert_element_type3A_2867, %mul3A_2869 : vector<16xf32>
        %convert_element_type3A_2871 = arith.fptosi %mul3A_2870 : vector<16xf32> to vector<16xi32>
        %mul3A_2872 = arith.constant 20 : i32
        %mul3A_2873 = vector.broadcast %mul3A_2872 : i32 to vector<16xi32>
        %mul3A_2874 = arith.muli %convert_element_type3A_2871, %mul3A_2873 : vector<16xi32>
        %sub3A_2875 = arith.subi %add3A_2866, %mul3A_2874 : vector<16xi32>
        %ge3A_2876 = arith.constant 20 : i32
        %ge3A_2877 = vector.broadcast %ge3A_2876 : i32 to vector<16xi32>
        %ge3A_2878 = arith.cmpi sge, %sub3A_2875, %ge3A_2877 : vector<16xi32>
        %jit3A_2879 = arith.constant 1 : i32
        %jit3A_2880 = arith.constant 0 : i32
        %broadcast_in_dim3A_2881 = vector.broadcast %jit3A_2879 : i32 to vector<16xi32>
        %broadcast_in_dim3A_2882 = vector.broadcast %jit3A_2880 : i32 to vector<16xi32>
        %select_n3A_2883 = arith.select %ge3A_2878, %broadcast_in_dim3A_2881, %broadcast_in_dim3A_2882 : vector<16xi1>, vector<16xi32>
        %add3A_2884 = arith.addi %convert_element_type3A_2871, %select_n3A_2883 : vector<16xi32>
        %lt3A_2885 = arith.constant 0 : i32
        %lt3A_2886 = vector.broadcast %lt3A_2885 : i32 to vector<16xi32>
        %lt3A_2887 = arith.cmpi slt, %sub3A_2875, %lt3A_2886 : vector<16xi32>
        %jit3A_2888 = arith.constant 1 : i32
        %jit3A_2889 = arith.constant 0 : i32
        %broadcast_in_dim3A_2890 = vector.broadcast %jit3A_2888 : i32 to vector<16xi32>
        %broadcast_in_dim3A_2891 = vector.broadcast %jit3A_2889 : i32 to vector<16xi32>
        %select_n3A_2892 = arith.select %lt3A_2887, %broadcast_in_dim3A_2890, %broadcast_in_dim3A_2891 : vector<16xi1>, vector<16xi32>
        %sub3A_2893 = arith.subi %add3A_2884, %select_n3A_2892 : vector<16xi32>
        %add3A_2894 = arith.constant 2 : i32
        %add3A_2895 = vector.broadcast %add3A_2894 : i32 to vector<16xi32>
        %add3A_2896 = arith.addi %add3A_2866, %add3A_2895 : vector<16xi32>
        %mul3A_2897 = arith.constant 2 : i32
        %mul3A_2898 = vector.broadcast %mul3A_2897 : i32 to vector<16xi32>
        %mul3A_2899 = arith.muli %mul3A_2898, %sub3A_2893 : vector<16xi32>
        %add3A_2900 = arith.addi %add3A_2896, %mul3A_2899 : vector<16xi32>
        %swap3A_2901 = arith.constant 0 : i32
        %swap3A_2902 = arith.index_cast %swap3A_2901 : i32 to index
        %swap3A_2903 = arith.constant 48 : index
        %swap3A_2904 = tpu.vector_load %arg11[%swap3A_2902, %swap3A_2903] {strides = array<i32>} : memref<4x128xi32, #tpu.memory_space<vmem>>, vector<1x16xi32>,
        %swap3A_2905 = vector.shape_cast %swap3A_2904 : vector<1x16xi32> to vector<16xi32>
        %swap3A_2906 = vector.shape_cast %add3A_2900 : vector<16xi32> to vector<1x16xi32>
        tpu.vector_store %arg11[%swap3A_2902, %swap3A_2903], %swap3A_2906 {strides = array<i32>} : memref<4x128xi32, #tpu.memory_space<vmem>>, vector<1x16xi32>,
        %add3A_2907 = arith.constant 64 : i32
        %add3A_2908 = vector.broadcast %add3A_2907 : i32 to vector<16xi32>
        %add3A_2909 = arith.addi %iota3A, %add3A_2908 : vector<16xi32>
        %mul3A_2910 = arith.constant 20 : i32
        %mul3A_2911 = arith.muli %mul3A_10, %mul3A_2910 : i32
        %mul3A_2912 = arith.constant 128 : i32
        %mul3A_2913 = arith.muli %sub3A_2596, %mul3A_2912 : i32
        %add3A_2914 = arith.addi %mul3A_2911, %mul3A_2913 : i32
        %add3A_2915 = vector.broadcast %add3A_2914 : i32 to vector<16xi32>
        %add3A_2916 = arith.addi %add3A_2915, %add3A_2909 : vector<16xi32>
        %convert_element_type3A_2917 = arith.sitofp %add3A_2916 : vector<16xi32> to vector<16xf32>
        %mul3A_2918 = arith.constant 5.000000e-02 : f32
        %mul3A_2919 = vector.broadcast %mul3A_2918 : f32 to vector<16xf32>
        %mul3A_2920 = arith.mulf %convert_element_type3A_2917, %mul3A_2919 : vector<16xf32>
        %convert_element_type3A_2921 = arith.fptosi %mul3A_2920 : vector<16xf32> to vector<16xi32>
        %mul3A_2922 = arith.constant 20 : i32
        %mul3A_2923 = vector.broadcast %mul3A_2922 : i32 to vector<16xi32>
        %mul3A_2924 = arith.muli %convert_element_type3A_2921, %mul3A_2923 : vector<16xi32>
        %sub3A_2925 = arith.subi %add3A_2916, %mul3A_2924 : vector<16xi32>
        %ge3A_2926 = arith.constant 20 : i32
        %ge3A_2927 = vector.broadcast %ge3A_2926 : i32 to vector<16xi32>
        %ge3A_2928 = arith.cmpi sge, %sub3A_2925, %ge3A_2927 : vector<16xi32>
        %jit3A_2929 = arith.constant 1 : i32
        %jit3A_2930 = arith.constant 0 : i32
        %broadcast_in_dim3A_2931 = vector.broadcast %jit3A_2929 : i32 to vector<16xi32>
        %broadcast_in_dim3A_2932 = vector.broadcast %jit3A_2930 : i32 to vector<16xi32>
        %select_n3A_2933 = arith.select %ge3A_2928, %broadcast_in_dim3A_2931, %broadcast_in_dim3A_2932 : vector<16xi1>, vector<16xi32>
        %add3A_2934 = arith.addi %convert_element_type3A_2921, %select_n3A_2933 : vector<16xi32>
        %lt3A_2935 = arith.constant 0 : i32
        %lt3A_2936 = vector.broadcast %lt3A_2935 : i32 to vector<16xi32>
        %lt3A_2937 = arith.cmpi slt, %sub3A_2925, %lt3A_2936 : vector<16xi32>
        %jit3A_2938 = arith.constant 1 : i32
        %jit3A_2939 = arith.constant 0 : i32
        %broadcast_in_dim3A_2940 = vector.broadcast %jit3A_2938 : i32 to vector<16xi32>
        %broadcast_in_dim3A_2941 = vector.broadcast %jit3A_2939 : i32 to vector<16xi32>
        %select_n3A_2942 = arith.select %lt3A_2937, %broadcast_in_dim3A_2940, %broadcast_in_dim3A_2941 : vector<16xi1>, vector<16xi32>
        %sub3A_2943 = arith.subi %add3A_2934, %select_n3A_2942 : vector<16xi32>
        %add3A_2944 = arith.constant 2 : i32
        %add3A_2945 = vector.broadcast %add3A_2944 : i32 to vector<16xi32>
        %add3A_2946 = arith.addi %add3A_2916, %add3A_2945 : vector<16xi32>
        %mul3A_2947 = arith.constant 2 : i32
        %mul3A_2948 = vector.broadcast %mul3A_2947 : i32 to vector<16xi32>
        %mul3A_2949 = arith.muli %mul3A_2948, %sub3A_2943 : vector<16xi32>
        %add3A_2950 = arith.addi %add3A_2946, %mul3A_2949 : vector<16xi32>
        %swap3A_2951 = arith.constant 0 : i32
        %swap3A_2952 = arith.index_cast %swap3A_2951 : i32 to index
        %swap3A_2953 = arith.constant 64 : index
        %swap3A_2954 = tpu.vector_load %arg11[%swap3A_2952, %swap3A_2953] {strides = array<i32>} : memref<4x128xi32, #tpu.memory_space<vmem>>, vector<1x16xi32>,
        %swap3A_2955 = vector.shape_cast %swap3A_2954 : vector<1x16xi32> to vector<16xi32>
        %swap3A_2956 = vector.shape_cast %add3A_2950 : vector<16xi32> to vector<1x16xi32>
        tpu.vector_store %arg11[%swap3A_2952, %swap3A_2953], %swap3A_2956 {strides = array<i32>} : memref<4x128xi32, #tpu.memory_space<vmem>>, vector<1x16xi32>,
        %add3A_2957 = arith.constant 80 : i32
        %add3A_2958 = vector.broadcast %add3A_2957 : i32 to vector<16xi32>
        %add3A_2959 = arith.addi %iota3A, %add3A_2958 : vector<16xi32>
        %mul3A_2960 = arith.constant 20 : i32
        %mul3A_2961 = arith.muli %mul3A_10, %mul3A_2960 : i32
        %mul3A_2962 = arith.constant 128 : i32
        %mul3A_2963 = arith.muli %sub3A_2596, %mul3A_2962 : i32
        %add3A_2964 = arith.addi %mul3A_2961, %mul3A_2963 : i32
        %add3A_2965 = vector.broadcast %add3A_2964 : i32 to vector<16xi32>
        %add3A_2966 = arith.addi %add3A_2965, %add3A_2959 : vector<16xi32>
        %convert_element_type3A_2967 = arith.sitofp %add3A_2966 : vector<16xi32> to vector<16xf32>
        %mul3A_2968 = arith.constant 5.000000e-02 : f32
        %mul3A_2969 = vector.broadcast %mul3A_2968 : f32 to vector<16xf32>
        %mul3A_2970 = arith.mulf %convert_element_type3A_2967, %mul3A_2969 : vector<16xf32>
        %convert_element_type3A_2971 = arith.fptosi %mul3A_2970 : vector<16xf32> to vector<16xi32>
        %mul3A_2972 = arith.constant 20 : i32
        %mul3A_2973 = vector.broadcast %mul3A_2972 : i32 to vector<16xi32>
        %mul3A_2974 = arith.muli %convert_element_type3A_2971, %mul3A_2973 : vector<16xi32>
        %sub3A_2975 = arith.subi %add3A_2966, %mul3A_2974 : vector<16xi32>
        %ge3A_2976 = arith.constant 20 : i32
        %ge3A_2977 = vector.broadcast %ge3A_2976 : i32 to vector<16xi32>
        %ge3A_2978 = arith.cmpi sge, %sub3A_2975, %ge3A_2977 : vector<16xi32>
        %jit3A_2979 = arith.constant 1 : i32
        %jit3A_2980 = arith.constant 0 : i32
        %broadcast_in_dim3A_2981 = vector.broadcast %jit3A_2979 : i32 to vector<16xi32>
        %broadcast_in_dim3A_2982 = vector.broadcast %jit3A_2980 : i32 to vector<16xi32>
        %select_n3A_2983 = arith.select %ge3A_2978, %broadcast_in_dim3A_2981, %broadcast_in_dim3A_2982 : vector<16xi1>, vector<16xi32>
        %add3A_2984 = arith.addi %convert_element_type3A_2971, %select_n3A_2983 : vector<16xi32>
        %lt3A_2985 = arith.constant 0 : i32
        %lt3A_2986 = vector.broadcast %lt3A_2985 : i32 to vector<16xi32>
        %lt3A_2987 = arith.cmpi slt, %sub3A_2975, %lt3A_2986 : vector<16xi32>
        %jit3A_2988 = arith.constant 1 : i32
        %jit3A_2989 = arith.constant 0 : i32
        %broadcast_in_dim3A_2990 = vector.broadcast %jit3A_2988 : i32 to vector<16xi32>
        %broadcast_in_dim3A_2991 = vector.broadcast %jit3A_2989 : i32 to vector<16xi32>
        %select_n3A_2992 = arith.select %lt3A_2987, %broadcast_in_dim3A_2990, %broadcast_in_dim3A_2991 : vector<16xi1>, vector<16xi32>
        %sub3A_2993 = arith.subi %add3A_2984, %select_n3A_2992 : vector<16xi32>
        %add3A_2994 = arith.constant 2 : i32
        %add3A_2995 = vector.broadcast %add3A_2994 : i32 to vector<16xi32>
        %add3A_2996 = arith.addi %add3A_2966, %add3A_2995 : vector<16xi32>
        %mul3A_2997 = arith.constant 2 : i32
        %mul3A_2998 = vector.broadcast %mul3A_2997 : i32 to vector<16xi32>
        %mul3A_2999 = arith.muli %mul3A_2998, %sub3A_2993 : vector<16xi32>
        %add3A_3000 = arith.addi %add3A_2996, %mul3A_2999 : vector<16xi32>
        %swap3A_3001 = arith.constant 0 : i32
        %swap3A_3002 = arith.index_cast %swap3A_3001 : i32 to index
        %swap3A_3003 = arith.constant 80 : index
        %swap3A_3004 = tpu.vector_load %arg11[%swap3A_3002, %swap3A_3003] {strides = array<i32>} : memref<4x128xi32, #tpu.memory_space<vmem>>, vector<1x16xi32>,
        %swap3A_3005 = vector.shape_cast %swap3A_3004 : vector<1x16xi32> to vector<16xi32>
        %swap3A_3006 = vector.shape_cast %add3A_3000 : vector<16xi32> to vector<1x16xi32>
        tpu.vector_store %arg11[%swap3A_3002, %swap3A_3003], %swap3A_3006 {strides = array<i32>} : memref<4x128xi32, #tpu.memory_space<vmem>>, vector<1x16xi32>,
        %add3A_3007 = arith.constant 96 : i32
        %add3A_3008 = vector.broadcast %add3A_3007 : i32 to vector<16xi32>
        %add3A_3009 = arith.addi %iota3A, %add3A_3008 : vector<16xi32>
        %mul3A_3010 = arith.constant 20 : i32
        %mul3A_3011 = arith.muli %mul3A_10, %mul3A_3010 : i32
        %mul3A_3012 = arith.constant 128 : i32
        %mul3A_3013 = arith.muli %sub3A_2596, %mul3A_3012 : i32
        %add3A_3014 = arith.addi %mul3A_3011, %mul3A_3013 : i32
        %add3A_3015 = vector.broadcast %add3A_3014 : i32 to vector<16xi32>
        %add3A_3016 = arith.addi %add3A_3015, %add3A_3009 : vector<16xi32>
        %convert_element_type3A_3017 = arith.sitofp %add3A_3016 : vector<16xi32> to vector<16xf32>
        %mul3A_3018 = arith.constant 5.000000e-02 : f32
        %mul3A_3019 = vector.broadcast %mul3A_3018 : f32 to vector<16xf32>
        %mul3A_3020 = arith.mulf %convert_element_type3A_3017, %mul3A_3019 : vector<16xf32>
        %convert_element_type3A_3021 = arith.fptosi %mul3A_3020 : vector<16xf32> to vector<16xi32>
        %mul3A_3022 = arith.constant 20 : i32
        %mul3A_3023 = vector.broadcast %mul3A_3022 : i32 to vector<16xi32>
        %mul3A_3024 = arith.muli %convert_element_type3A_3021, %mul3A_3023 : vector<16xi32>
        %sub3A_3025 = arith.subi %add3A_3016, %mul3A_3024 : vector<16xi32>
        %ge3A_3026 = arith.constant 20 : i32
        %ge3A_3027 = vector.broadcast %ge3A_3026 : i32 to vector<16xi32>
        %ge3A_3028 = arith.cmpi sge, %sub3A_3025, %ge3A_3027 : vector<16xi32>
        %jit3A_3029 = arith.constant 1 : i32
        %jit3A_3030 = arith.constant 0 : i32
        %broadcast_in_dim3A_3031 = vector.broadcast %jit3A_3029 : i32 to vector<16xi32>
        %broadcast_in_dim3A_3032 = vector.broadcast %jit3A_3030 : i32 to vector<16xi32>
        %select_n3A_3033 = arith.select %ge3A_3028, %broadcast_in_dim3A_3031, %broadcast_in_dim3A_3032 : vector<16xi1>, vector<16xi32>
        %add3A_3034 = arith.addi %convert_element_type3A_3021, %select_n3A_3033 : vector<16xi32>
        %lt3A_3035 = arith.constant 0 : i32
        %lt3A_3036 = vector.broadcast %lt3A_3035 : i32 to vector<16xi32>
        %lt3A_3037 = arith.cmpi slt, %sub3A_3025, %lt3A_3036 : vector<16xi32>
        %jit3A_3038 = arith.constant 1 : i32
        %jit3A_3039 = arith.constant 0 : i32
        %broadcast_in_dim3A_3040 = vector.broadcast %jit3A_3038 : i32 to vector<16xi32>
        %broadcast_in_dim3A_3041 = vector.broadcast %jit3A_3039 : i32 to vector<16xi32>
        %select_n3A_3042 = arith.select %lt3A_3037, %broadcast_in_dim3A_3040, %broadcast_in_dim3A_3041 : vector<16xi1>, vector<16xi32>
        %sub3A_3043 = arith.subi %add3A_3034, %select_n3A_3042 : vector<16xi32>
        %add3A_3044 = arith.constant 2 : i32
        %add3A_3045 = vector.broadcast %add3A_3044 : i32 to vector<16xi32>
        %add3A_3046 = arith.addi %add3A_3016, %add3A_3045 : vector<16xi32>
        %mul3A_3047 = arith.constant 2 : i32
        %mul3A_3048 = vector.broadcast %mul3A_3047 : i32 to vector<16xi32>
        %mul3A_3049 = arith.muli %mul3A_3048, %sub3A_3043 : vector<16xi32>
        %add3A_3050 = arith.addi %add3A_3046, %mul3A_3049 : vector<16xi32>
        %swap3A_3051 = arith.constant 0 : i32
        %swap3A_3052 = arith.index_cast %swap3A_3051 : i32 to index
        %swap3A_3053 = arith.constant 96 : index
        %swap3A_3054 = tpu.vector_load %arg11[%swap3A_3052, %swap3A_3053] {strides = array<i32>} : memref<4x128xi32, #tpu.memory_space<vmem>>, vector<1x16xi32>,
        %swap3A_3055 = vector.shape_cast %swap3A_3054 : vector<1x16xi32> to vector<16xi32>
        %swap3A_3056 = vector.shape_cast %add3A_3050 : vector<16xi32> to vector<1x16xi32>
        tpu.vector_store %arg11[%swap3A_3052, %swap3A_3053], %swap3A_3056 {strides = array<i32>} : memref<4x128xi32, #tpu.memory_space<vmem>>, vector<1x16xi32>,
        %add3A_3057 = arith.constant 112 : i32
        %add3A_3058 = vector.broadcast %add3A_3057 : i32 to vector<16xi32>
        %add3A_3059 = arith.addi %iota3A, %add3A_3058 : vector<16xi32>
        %mul3A_3060 = arith.constant 20 : i32
        %mul3A_3061 = arith.muli %mul3A_10, %mul3A_3060 : i32
        %mul3A_3062 = arith.constant 128 : i32
        %mul3A_3063 = arith.muli %sub3A_2596, %mul3A_3062 : i32
        %add3A_3064 = arith.addi %mul3A_3061, %mul3A_3063 : i32
        %add3A_3065 = vector.broadcast %add3A_3064 : i32 to vector<16xi32>
        %add3A_3066 = arith.addi %add3A_3065, %add3A_3059 : vector<16xi32>
        %convert_element_type3A_3067 = arith.sitofp %add3A_3066 : vector<16xi32> to vector<16xf32>
        %mul3A_3068 = arith.constant 5.000000e-02 : f32
        %mul3A_3069 = vector.broadcast %mul3A_3068 : f32 to vector<16xf32>
        %mul3A_3070 = arith.mulf %convert_element_type3A_3067, %mul3A_3069 : vector<16xf32>
        %convert_element_type3A_3071 = arith.fptosi %mul3A_3070 : vector<16xf32> to vector<16xi32>
        %mul3A_3072 = arith.constant 20 : i32
        %mul3A_3073 = vector.broadcast %mul3A_3072 : i32 to vector<16xi32>
        %mul3A_3074 = arith.muli %convert_element_type3A_3071, %mul3A_3073 : vector<16xi32>
        %sub3A_3075 = arith.subi %add3A_3066, %mul3A_3074 : vector<16xi32>
        %ge3A_3076 = arith.constant 20 : i32
        %ge3A_3077 = vector.broadcast %ge3A_3076 : i32 to vector<16xi32>
        %ge3A_3078 = arith.cmpi sge, %sub3A_3075, %ge3A_3077 : vector<16xi32>
        %jit3A_3079 = arith.constant 1 : i32
        %jit3A_3080 = arith.constant 0 : i32
        %broadcast_in_dim3A_3081 = vector.broadcast %jit3A_3079 : i32 to vector<16xi32>
        %broadcast_in_dim3A_3082 = vector.broadcast %jit3A_3080 : i32 to vector<16xi32>
        %select_n3A_3083 = arith.select %ge3A_3078, %broadcast_in_dim3A_3081, %broadcast_in_dim3A_3082 : vector<16xi1>, vector<16xi32>
        %add3A_3084 = arith.addi %convert_element_type3A_3071, %select_n3A_3083 : vector<16xi32>
        %lt3A_3085 = arith.constant 0 : i32
        %lt3A_3086 = vector.broadcast %lt3A_3085 : i32 to vector<16xi32>
        %lt3A_3087 = arith.cmpi slt, %sub3A_3075, %lt3A_3086 : vector<16xi32>
        %jit3A_3088 = arith.constant 1 : i32
        %jit3A_3089 = arith.constant 0 : i32
        %broadcast_in_dim3A_3090 = vector.broadcast %jit3A_3088 : i32 to vector<16xi32>
        %broadcast_in_dim3A_3091 = vector.broadcast %jit3A_3089 : i32 to vector<16xi32>
        %select_n3A_3092 = arith.select %lt3A_3087, %broadcast_in_dim3A_3090, %broadcast_in_dim3A_3091 : vector<16xi1>, vector<16xi32>
        %sub3A_3093 = arith.subi %add3A_3084, %select_n3A_3092 : vector<16xi32>
        %add3A_3094 = arith.constant 2 : i32
        %add3A_3095 = vector.broadcast %add3A_3094 : i32 to vector<16xi32>
        %add3A_3096 = arith.addi %add3A_3066, %add3A_3095 : vector<16xi32>
        %mul3A_3097 = arith.constant 2 : i32
        %mul3A_3098 = vector.broadcast %mul3A_3097 : i32 to vector<16xi32>
        %mul3A_3099 = arith.muli %mul3A_3098, %sub3A_3093 : vector<16xi32>
        %add3A_3100 = arith.addi %add3A_3096, %mul3A_3099 : vector<16xi32>
        %swap3A_3101 = arith.constant 0 : i32
        %swap3A_3102 = arith.index_cast %swap3A_3101 : i32 to index
        %swap3A_3103 = arith.constant 112 : index
        %swap3A_3104 = tpu.vector_load %arg11[%swap3A_3102, %swap3A_3103] {strides = array<i32>} : memref<4x128xi32, #tpu.memory_space<vmem>>, vector<1x16xi32>,
        %swap3A_3105 = vector.shape_cast %swap3A_3104 : vector<1x16xi32> to vector<16xi32>
        %swap3A_3106 = vector.shape_cast %add3A_3100 : vector<16xi32> to vector<1x16xi32>
        tpu.vector_store %arg11[%swap3A_3102, %swap3A_3103], %swap3A_3106 {strides = array<i32>} : memref<4x128xi32, #tpu.memory_space<vmem>>, vector<1x16xi32>,
      } else {
      }
      %mul3A_2602 = arith.constant 4 : i32
      %mul3A_2603 = arith.muli %scan3A_2514, %mul3A_2602 : i32
      %add3A_2604 = arith.constant 2 : i32
      %add3A_2605 = arith.addi %mul3A_2603, %add3A_2604 : i32
      %dma_wait3A_2606 = arith.constant 2 : i32
      %dma_wait3A_2607 = arith.constant 0 : i32
      %dma_wait3A_2608 = arith.constant 0 : i32
      %dma_wait3A_2609 = tpu.memref_slice %arg12[%dma_wait3A_2606, %dma_wait3A_2607, %dma_wait3A_2608] : memref<4x128x32xf32, #tpu.memory_space<vmem>> -> memref<1x128x32xf32, #tpu.memory_space<vmem>>
      %dma_wait3A_2610 = tpu.memref_squeeze %dma_wait3A_2609 : memref<1x128x32xf32, #tpu.memory_space<vmem>> -> memref<128x32xf32, #tpu.memory_space<vmem>>
      %dma_wait3A_2611 = arith.constant 0 : i32
      %dma_wait3A_2612 = tpu.memref_slice %arg10[%dma_wait3A_2611] : memref<10240xi32, #tpu.memory_space<vmem>> -> memref<128xi32, #tpu.memory_space<vmem>>
      %dma_wait3A_2613 = arith.constant 0 : i32
      %dma_wait3A_2614 = arith.constant 0 : i32
      %dma_wait3A_2615 = tpu.memref_slice %arg6[%dma_wait3A_2613, %dma_wait3A_2614] : memref<1000000x32xf32, #tpu.memory_space<hbm>> -> memref<1000000x32xf32, #tpu.memory_space<hbm>>
      tpu.wait_indirect_dma semaphore(%arg13 : memref<!tpu.dma_semaphore, #tpu.memory_space<semaphore_mem>>) src(%dma_wait3A_2615 : memref<1000000x32xf32, #tpu.memory_space<hbm>>) dst(%dma_wait3A_2610 : memref<128x32xf32, #tpu.memory_space<vmem>>)
      %dma_wait3A_2616 = arith.constant 0 : i32
      %dma_wait3A_2617 = arith.constant 0 : i32
      %dma_wait3A_2618 = arith.constant 0 : i32
      %dma_wait3A_2619 = arith.constant 0 : i32
      %dma_wait3A_2620 = tpu.memref_slice %arg12[%dma_wait3A_2616, %dma_wait3A_2618, %dma_wait3A_2619] : memref<4x128x32xf32, #tpu.memory_space<vmem>> -> memref<1x128x32xf32, #tpu.memory_space<vmem>>
      %dma_wait3A_2621 = tpu.memref_squeeze %dma_wait3A_2620 : memref<1x128x32xf32, #tpu.memory_space<vmem>> -> memref<128x32xf32, #tpu.memory_space<vmem>>
      %dma_wait3A_2622 = arith.constant 0 : i32
      %dma_wait3A_2623 = tpu.memref_slice %arg11[%dma_wait3A_2617, %dma_wait3A_2622] : memref<4x128xi32, #tpu.memory_space<vmem>> -> memref<1x128xi32, #tpu.memory_space<vmem>>
      %dma_wait3A_2624 = tpu.memref_squeeze %dma_wait3A_2623 : memref<1x128xi32, #tpu.memory_space<vmem>> -> memref<128xi32, #tpu.memory_space<vmem>>
      %dma_wait3A_2625 = arith.constant 0 : i32
      %dma_wait3A_2626 = arith.constant 0 : i32
      %dma_wait3A_2627 = tpu.memref_slice %arg7[%dma_wait3A_2625, %dma_wait3A_2626] : memref<360448x32xf32, #tpu.memory_space<hbm>> -> memref<360448x32xf32, #tpu.memory_space<hbm>>
      tpu.wait_indirect_dma semaphore(%arg14 : memref<!tpu.dma_semaphore, #tpu.memory_space<semaphore_mem>>) src(%dma_wait3A_2621 : memref<128x32xf32, #tpu.memory_space<vmem>>) dst(%dma_wait3A_2627 : memref<360448x32xf32, #tpu.memory_space<hbm>>)
      %dma_start3A_2628 = arith.constant 2 : i32
      %dma_start3A_2629 = arith.constant 2 : i32
      %dma_start3A_2630 = arith.constant 0 : i32
      %dma_start3A_2631 = arith.constant 0 : i32
      %dma_start3A_2632 = tpu.memref_slice %arg12[%dma_start3A_2628, %dma_start3A_2630, %dma_start3A_2631] : memref<4x128x32xf32, #tpu.memory_space<vmem>> -> memref<1x128x32xf32, #tpu.memory_space<vmem>>
      %dma_start3A_2633 = tpu.memref_squeeze %dma_start3A_2632 : memref<1x128x32xf32, #tpu.memory_space<vmem>> -> memref<128x32xf32, #tpu.memory_space<vmem>>
      %dma_start3A_2634 = arith.constant 0 : i32
      %dma_start3A_2635 = tpu.memref_slice %arg11[%dma_start3A_2629, %dma_start3A_2634] : memref<4x128xi32, #tpu.memory_space<vmem>> -> memref<1x128xi32, #tpu.memory_space<vmem>>
      %dma_start3A_2636 = tpu.memref_squeeze %dma_start3A_2635 : memref<1x128xi32, #tpu.memory_space<vmem>> -> memref<128xi32, #tpu.memory_space<vmem>>
      %dma_start3A_2637 = arith.constant 0 : i32
      %dma_start3A_2638 = arith.constant 0 : i32
      %dma_start3A_2639 = tpu.memref_slice %arg7[%dma_start3A_2637, %dma_start3A_2638] : memref<360448x32xf32, #tpu.memory_space<hbm>> -> memref<360448x32xf32, #tpu.memory_space<hbm>>
      tpu.enqueue_indirect_dma source(%dma_start3A_2633 : memref<128x32xf32, #tpu.memory_space<vmem>>) target(%dma_start3A_2639 : memref<360448x32xf32, #tpu.memory_space<hbm>>) offsets(%dma_start3A_2636 : memref<128xi32, #tpu.memory_space<vmem>>) semaphore(%arg14 : memref<!tpu.dma_semaphore, #tpu.memory_space<semaphore_mem>>)
      %add3A_2640 = arith.constant 4 : i32
      %add3A_2641 = arith.addi %add3A_2605, %add3A_2640 : i32
      %sub3A_2642 = arith.constant 1 : i32
      %sub3A_2643 = arith.subi %add3A_2641, %sub3A_2642 : i32
      %lt3A_2644 = arith.constant 80 : i32
      %lt3A_2645 = arith.cmpi slt, %sub3A_2643, %lt3A_2644 : i32
      %convert_element_type3A_2646 = arith.extui %lt3A_2645 : i1 to i32
      %cond3A_2647 = arith.constant 0 : i32
      %cond3A_2648 = arith.cmpi ne, %convert_element_type3A_2646, %cond3A_2647 : i32
      scf.if %cond3A_2648 {
        %mul3A_2696 = arith.constant 128 : i32
        %mul3A_2697 = arith.muli %sub3A_2643, %mul3A_2696 : i32
        %dma_start3A_2698 = arith.constant 1 : i32
        %dma_start3A_2699 = arith.constant 0 : i32
        %dma_start3A_2700 = arith.constant 0 : i32
        %dma_start3A_2701 = tpu.memref_slice %arg12[%dma_start3A_2698, %dma_start3A_2699, %dma_start3A_2700] : memref<4x128x32xf32, #tpu.memory_space<vmem>> -> memref<1x128x32xf32, #tpu.memory_space<vmem>>
        %dma_start3A_2702 = tpu.memref_squeeze %dma_start3A_2701 : memref<1x128x32xf32, #tpu.memory_space<vmem>> -> memref<128x32xf32, #tpu.memory_space<vmem>>
        %dma_start3A_2703 = tpu.memref_slice %arg10[%mul3A_2697] : memref<10240xi32, #tpu.memory_space<vmem>> -> memref<128xi32, #tpu.memory_space<vmem>>
        %dma_start3A_2704 = arith.constant 0 : i32
        %dma_start3A_2705 = arith.constant 0 : i32
        %dma_start3A_2706 = tpu.memref_slice %arg6[%dma_start3A_2704, %dma_start3A_2705] : memref<1000000x32xf32, #tpu.memory_space<hbm>> -> memref<1000000x32xf32, #tpu.memory_space<hbm>>
        tpu.enqueue_indirect_dma source(%dma_start3A_2706 : memref<1000000x32xf32, #tpu.memory_space<hbm>>) target(%dma_start3A_2702 : memref<128x32xf32, #tpu.memory_space<vmem>>) offsets(%dma_start3A_2703 : memref<128xi32, #tpu.memory_space<vmem>>) semaphore(%arg13 : memref<!tpu.dma_semaphore, #tpu.memory_space<semaphore_mem>>)
        %add3A_2707 = arith.constant 0 : i32
        %add3A_2708 = vector.broadcast %add3A_2707 : i32 to vector<16xi32>
        %add3A_2709 = arith.addi %iota3A, %add3A_2708 : vector<16xi32>
        %mul3A_2710 = arith.constant 20 : i32
        %mul3A_2711 = arith.muli %mul3A_10, %mul3A_2710 : i32
        %mul3A_2712 = arith.constant 128 : i32
        %mul3A_2713 = arith.muli %sub3A_2643, %mul3A_2712 : i32
        %add3A_2714 = arith.addi %mul3A_2711, %mul3A_2713 : i32
        %add3A_2715 = vector.broadcast %add3A_2714 : i32 to vector<16xi32>
        %add3A_2716 = arith.addi %add3A_2715, %add3A_2709 : vector<16xi32>
        %convert_element_type3A_2717 = arith.sitofp %add3A_2716 : vector<16xi32> to vector<16xf32>
        %mul3A_2718 = arith.constant 5.000000e-02 : f32
        %mul3A_2719 = vector.broadcast %mul3A_2718 : f32 to vector<16xf32>
        %mul3A_2720 = arith.mulf %convert_element_type3A_2717, %mul3A_2719 : vector<16xf32>
        %convert_element_type3A_2721 = arith.fptosi %mul3A_2720 : vector<16xf32> to vector<16xi32>
        %mul3A_2722 = arith.constant 20 : i32
        %mul3A_2723 = vector.broadcast %mul3A_2722 : i32 to vector<16xi32>
        %mul3A_2724 = arith.muli %convert_element_type3A_2721, %mul3A_2723 : vector<16xi32>
        %sub3A_2725 = arith.subi %add3A_2716, %mul3A_2724 : vector<16xi32>
        %ge3A_2726 = arith.constant 20 : i32
        %ge3A_2727 = vector.broadcast %ge3A_2726 : i32 to vector<16xi32>
        %ge3A_2728 = arith.cmpi sge, %sub3A_2725, %ge3A_2727 : vector<16xi32>
        %jit3A_2729 = arith.constant 1 : i32
        %jit3A_2730 = arith.constant 0 : i32
        %broadcast_in_dim3A_2731 = vector.broadcast %jit3A_2729 : i32 to vector<16xi32>
        %broadcast_in_dim3A_2732 = vector.broadcast %jit3A_2730 : i32 to vector<16xi32>
        %select_n3A_2733 = arith.select %ge3A_2728, %broadcast_in_dim3A_2731, %broadcast_in_dim3A_2732 : vector<16xi1>, vector<16xi32>
        %add3A_2734 = arith.addi %convert_element_type3A_2721, %select_n3A_2733 : vector<16xi32>
        %lt3A_2735 = arith.constant 0 : i32
        %lt3A_2736 = vector.broadcast %lt3A_2735 : i32 to vector<16xi32>
        %lt3A_2737 = arith.cmpi slt, %sub3A_2725, %lt3A_2736 : vector<16xi32>
        %jit3A_2738 = arith.constant 1 : i32
        %jit3A_2739 = arith.constant 0 : i32
        %broadcast_in_dim3A_2740 = vector.broadcast %jit3A_2738 : i32 to vector<16xi32>
        %broadcast_in_dim3A_2741 = vector.broadcast %jit3A_2739 : i32 to vector<16xi32>
        %select_n3A_2742 = arith.select %lt3A_2737, %broadcast_in_dim3A_2740, %broadcast_in_dim3A_2741 : vector<16xi1>, vector<16xi32>
        %sub3A_2743 = arith.subi %add3A_2734, %select_n3A_2742 : vector<16xi32>
        %add3A_2744 = arith.constant 2 : i32
        %add3A_2745 = vector.broadcast %add3A_2744 : i32 to vector<16xi32>
        %add3A_2746 = arith.addi %add3A_2716, %add3A_2745 : vector<16xi32>
        %mul3A_2747 = arith.constant 2 : i32
        %mul3A_2748 = vector.broadcast %mul3A_2747 : i32 to vector<16xi32>
        %mul3A_2749 = arith.muli %mul3A_2748, %sub3A_2743 : vector<16xi32>
        %add3A_2750 = arith.addi %add3A_2746, %mul3A_2749 : vector<16xi32>
        %swap3A_2751 = arith.constant 1 : i32
        %swap3A_2752 = arith.index_cast %swap3A_2751 : i32 to index
        %swap3A_2753 = arith.constant 0 : index
        %swap3A_2754 = tpu.vector_load %arg11[%swap3A_2752, %swap3A_2753] {strides = array<i32>} : memref<4x128xi32, #tpu.memory_space<vmem>>, vector<1x16xi32>,
        %swap3A_2755 = vector.shape_cast %swap3A_2754 : vector<1x16xi32> to vector<16xi32>
        %swap3A_2756 = vector.shape_cast %add3A_2750 : vector<16xi32> to vector<1x16xi32>
        tpu.vector_store %arg11[%swap3A_2752, %swap3A_2753], %swap3A_2756 {strides = array<i32>} : memref<4x128xi32, #tpu.memory_space<vmem>>, vector<1x16xi32>,
        %add3A_2757 = arith.constant 16 : i32
        %add3A_2758 = vector.broadcast %add3A_2757 : i32 to vector<16xi32>
        %add3A_2759 = arith.addi %iota3A, %add3A_2758 : vector<16xi32>
        %mul3A_2760 = arith.constant 20 : i32
        %mul3A_2761 = arith.muli %mul3A_10, %mul3A_2760 : i32
        %mul3A_2762 = arith.constant 128 : i32
        %mul3A_2763 = arith.muli %sub3A_2643, %mul3A_2762 : i32
        %add3A_2764 = arith.addi %mul3A_2761, %mul3A_2763 : i32
        %add3A_2765 = vector.broadcast %add3A_2764 : i32 to vector<16xi32>
        %add3A_2766 = arith.addi %add3A_2765, %add3A_2759 : vector<16xi32>
        %convert_element_type3A_2767 = arith.sitofp %add3A_2766 : vector<16xi32> to vector<16xf32>
        %mul3A_2768 = arith.constant 5.000000e-02 : f32
        %mul3A_2769 = vector.broadcast %mul3A_2768 : f32 to vector<16xf32>
        %mul3A_2770 = arith.mulf %convert_element_type3A_2767, %mul3A_2769 : vector<16xf32>
        %convert_element_type3A_2771 = arith.fptosi %mul3A_2770 : vector<16xf32> to vector<16xi32>
        %mul3A_2772 = arith.constant 20 : i32
        %mul3A_2773 = vector.broadcast %mul3A_2772 : i32 to vector<16xi32>
        %mul3A_2774 = arith.muli %convert_element_type3A_2771, %mul3A_2773 : vector<16xi32>
        %sub3A_2775 = arith.subi %add3A_2766, %mul3A_2774 : vector<16xi32>
        %ge3A_2776 = arith.constant 20 : i32
        %ge3A_2777 = vector.broadcast %ge3A_2776 : i32 to vector<16xi32>
        %ge3A_2778 = arith.cmpi sge, %sub3A_2775, %ge3A_2777 : vector<16xi32>
        %jit3A_2779 = arith.constant 1 : i32
        %jit3A_2780 = arith.constant 0 : i32
        %broadcast_in_dim3A_2781 = vector.broadcast %jit3A_2779 : i32 to vector<16xi32>
        %broadcast_in_dim3A_2782 = vector.broadcast %jit3A_2780 : i32 to vector<16xi32>
        %select_n3A_2783 = arith.select %ge3A_2778, %broadcast_in_dim3A_2781, %broadcast_in_dim3A_2782 : vector<16xi1>, vector<16xi32>
        %add3A_2784 = arith.addi %convert_element_type3A_2771, %select_n3A_2783 : vector<16xi32>
        %lt3A_2785 = arith.constant 0 : i32
        %lt3A_2786 = vector.broadcast %lt3A_2785 : i32 to vector<16xi32>
        %lt3A_2787 = arith.cmpi slt, %sub3A_2775, %lt3A_2786 : vector<16xi32>
        %jit3A_2788 = arith.constant 1 : i32
        %jit3A_2789 = arith.constant 0 : i32
        %broadcast_in_dim3A_2790 = vector.broadcast %jit3A_2788 : i32 to vector<16xi32>
        %broadcast_in_dim3A_2791 = vector.broadcast %jit3A_2789 : i32 to vector<16xi32>
        %select_n3A_2792 = arith.select %lt3A_2787, %broadcast_in_dim3A_2790, %broadcast_in_dim3A_2791 : vector<16xi1>, vector<16xi32>
        %sub3A_2793 = arith.subi %add3A_2784, %select_n3A_2792 : vector<16xi32>
        %add3A_2794 = arith.constant 2 : i32
        %add3A_2795 = vector.broadcast %add3A_2794 : i32 to vector<16xi32>
        %add3A_2796 = arith.addi %add3A_2766, %add3A_2795 : vector<16xi32>
        %mul3A_2797 = arith.constant 2 : i32
        %mul3A_2798 = vector.broadcast %mul3A_2797 : i32 to vector<16xi32>
        %mul3A_2799 = arith.muli %mul3A_2798, %sub3A_2793 : vector<16xi32>
        %add3A_2800 = arith.addi %add3A_2796, %mul3A_2799 : vector<16xi32>
        %swap3A_2801 = arith.constant 1 : i32
        %swap3A_2802 = arith.index_cast %swap3A_2801 : i32 to index
        %swap3A_2803 = arith.constant 16 : index
        %swap3A_2804 = tpu.vector_load %arg11[%swap3A_2802, %swap3A_2803] {strides = array<i32>} : memref<4x128xi32, #tpu.memory_space<vmem>>, vector<1x16xi32>,
        %swap3A_2805 = vector.shape_cast %swap3A_2804 : vector<1x16xi32> to vector<16xi32>
        %swap3A_2806 = vector.shape_cast %add3A_2800 : vector<16xi32> to vector<1x16xi32>
        tpu.vector_store %arg11[%swap3A_2802, %swap3A_2803], %swap3A_2806 {strides = array<i32>} : memref<4x128xi32, #tpu.memory_space<vmem>>, vector<1x16xi32>,
        %add3A_2807 = arith.constant 32 : i32
        %add3A_2808 = vector.broadcast %add3A_2807 : i32 to vector<16xi32>
        %add3A_2809 = arith.addi %iota3A, %add3A_2808 : vector<16xi32>
        %mul3A_2810 = arith.constant 20 : i32
        %mul3A_2811 = arith.muli %mul3A_10, %mul3A_2810 : i32
        %mul3A_2812 = arith.constant 128 : i32
        %mul3A_2813 = arith.muli %sub3A_2643, %mul3A_2812 : i32
        %add3A_2814 = arith.addi %mul3A_2811, %mul3A_2813 : i32
        %add3A_2815 = vector.broadcast %add3A_2814 : i32 to vector<16xi32>
        %add3A_2816 = arith.addi %add3A_2815, %add3A_2809 : vector<16xi32>
        %convert_element_type3A_2817 = arith.sitofp %add3A_2816 : vector<16xi32> to vector<16xf32>
        %mul3A_2818 = arith.constant 5.000000e-02 : f32
        %mul3A_2819 = vector.broadcast %mul3A_2818 : f32 to vector<16xf32>
        %mul3A_2820 = arith.mulf %convert_element_type3A_2817, %mul3A_2819 : vector<16xf32>
        %convert_element_type3A_2821 = arith.fptosi %mul3A_2820 : vector<16xf32> to vector<16xi32>
        %mul3A_2822 = arith.constant 20 : i32
        %mul3A_2823 = vector.broadcast %mul3A_2822 : i32 to vector<16xi32>
        %mul3A_2824 = arith.muli %convert_element_type3A_2821, %mul3A_2823 : vector<16xi32>
        %sub3A_2825 = arith.subi %add3A_2816, %mul3A_2824 : vector<16xi32>
        %ge3A_2826 = arith.constant 20 : i32
        %ge3A_2827 = vector.broadcast %ge3A_2826 : i32 to vector<16xi32>
        %ge3A_2828 = arith.cmpi sge, %sub3A_2825, %ge3A_2827 : vector<16xi32>
        %jit3A_2829 = arith.constant 1 : i32
        %jit3A_2830 = arith.constant 0 : i32
        %broadcast_in_dim3A_2831 = vector.broadcast %jit3A_2829 : i32 to vector<16xi32>
        %broadcast_in_dim3A_2832 = vector.broadcast %jit3A_2830 : i32 to vector<16xi32>
        %select_n3A_2833 = arith.select %ge3A_2828, %broadcast_in_dim3A_2831, %broadcast_in_dim3A_2832 : vector<16xi1>, vector<16xi32>
        %add3A_2834 = arith.addi %convert_element_type3A_2821, %select_n3A_2833 : vector<16xi32>
        %lt3A_2835 = arith.constant 0 : i32
        %lt3A_2836 = vector.broadcast %lt3A_2835 : i32 to vector<16xi32>
        %lt3A_2837 = arith.cmpi slt, %sub3A_2825, %lt3A_2836 : vector<16xi32>
        %jit3A_2838 = arith.constant 1 : i32
        %jit3A_2839 = arith.constant 0 : i32
        %broadcast_in_dim3A_2840 = vector.broadcast %jit3A_2838 : i32 to vector<16xi32>
        %broadcast_in_dim3A_2841 = vector.broadcast %jit3A_2839 : i32 to vector<16xi32>
        %select_n3A_2842 = arith.select %lt3A_2837, %broadcast_in_dim3A_2840, %broadcast_in_dim3A_2841 : vector<16xi1>, vector<16xi32>
        %sub3A_2843 = arith.subi %add3A_2834, %select_n3A_2842 : vector<16xi32>
        %add3A_2844 = arith.constant 2 : i32
        %add3A_2845 = vector.broadcast %add3A_2844 : i32 to vector<16xi32>
        %add3A_2846 = arith.addi %add3A_2816, %add3A_2845 : vector<16xi32>
        %mul3A_2847 = arith.constant 2 : i32
        %mul3A_2848 = vector.broadcast %mul3A_2847 : i32 to vector<16xi32>
        %mul3A_2849 = arith.muli %mul3A_2848, %sub3A_2843 : vector<16xi32>
        %add3A_2850 = arith.addi %add3A_2846, %mul3A_2849 : vector<16xi32>
        %swap3A_2851 = arith.constant 1 : i32
        %swap3A_2852 = arith.index_cast %swap3A_2851 : i32 to index
        %swap3A_2853 = arith.constant 32 : index
        %swap3A_2854 = tpu.vector_load %arg11[%swap3A_2852, %swap3A_2853] {strides = array<i32>} : memref<4x128xi32, #tpu.memory_space<vmem>>, vector<1x16xi32>,
        %swap3A_2855 = vector.shape_cast %swap3A_2854 : vector<1x16xi32> to vector<16xi32>
        %swap3A_2856 = vector.shape_cast %add3A_2850 : vector<16xi32> to vector<1x16xi32>
        tpu.vector_store %arg11[%swap3A_2852, %swap3A_2853], %swap3A_2856 {strides = array<i32>} : memref<4x128xi32, #tpu.memory_space<vmem>>, vector<1x16xi32>,
        %add3A_2857 = arith.constant 48 : i32
        %add3A_2858 = vector.broadcast %add3A_2857 : i32 to vector<16xi32>
        %add3A_2859 = arith.addi %iota3A, %add3A_2858 : vector<16xi32>
        %mul3A_2860 = arith.constant 20 : i32
        %mul3A_2861 = arith.muli %mul3A_10, %mul3A_2860 : i32
        %mul3A_2862 = arith.constant 128 : i32
        %mul3A_2863 = arith.muli %sub3A_2643, %mul3A_2862 : i32
        %add3A_2864 = arith.addi %mul3A_2861, %mul3A_2863 : i32
        %add3A_2865 = vector.broadcast %add3A_2864 : i32 to vector<16xi32>
        %add3A_2866 = arith.addi %add3A_2865, %add3A_2859 : vector<16xi32>
        %convert_element_type3A_2867 = arith.sitofp %add3A_2866 : vector<16xi32> to vector<16xf32>
        %mul3A_2868 = arith.constant 5.000000e-02 : f32
        %mul3A_2869 = vector.broadcast %mul3A_2868 : f32 to vector<16xf32>
        %mul3A_2870 = arith.mulf %convert_element_type3A_2867, %mul3A_2869 : vector<16xf32>
        %convert_element_type3A_2871 = arith.fptosi %mul3A_2870 : vector<16xf32> to vector<16xi32>
        %mul3A_2872 = arith.constant 20 : i32
        %mul3A_2873 = vector.broadcast %mul3A_2872 : i32 to vector<16xi32>
        %mul3A_2874 = arith.muli %convert_element_type3A_2871, %mul3A_2873 : vector<16xi32>
        %sub3A_2875 = arith.subi %add3A_2866, %mul3A_2874 : vector<16xi32>
        %ge3A_2876 = arith.constant 20 : i32
        %ge3A_2877 = vector.broadcast %ge3A_2876 : i32 to vector<16xi32>
        %ge3A_2878 = arith.cmpi sge, %sub3A_2875, %ge3A_2877 : vector<16xi32>
        %jit3A_2879 = arith.constant 1 : i32
        %jit3A_2880 = arith.constant 0 : i32
        %broadcast_in_dim3A_2881 = vector.broadcast %jit3A_2879 : i32 to vector<16xi32>
        %broadcast_in_dim3A_2882 = vector.broadcast %jit3A_2880 : i32 to vector<16xi32>
        %select_n3A_2883 = arith.select %ge3A_2878, %broadcast_in_dim3A_2881, %broadcast_in_dim3A_2882 : vector<16xi1>, vector<16xi32>
        %add3A_2884 = arith.addi %convert_element_type3A_2871, %select_n3A_2883 : vector<16xi32>
        %lt3A_2885 = arith.constant 0 : i32
        %lt3A_2886 = vector.broadcast %lt3A_2885 : i32 to vector<16xi32>
        %lt3A_2887 = arith.cmpi slt, %sub3A_2875, %lt3A_2886 : vector<16xi32>
        %jit3A_2888 = arith.constant 1 : i32
        %jit3A_2889 = arith.constant 0 : i32
        %broadcast_in_dim3A_2890 = vector.broadcast %jit3A_2888 : i32 to vector<16xi32>
        %broadcast_in_dim3A_2891 = vector.broadcast %jit3A_2889 : i32 to vector<16xi32>
        %select_n3A_2892 = arith.select %lt3A_2887, %broadcast_in_dim3A_2890, %broadcast_in_dim3A_2891 : vector<16xi1>, vector<16xi32>
        %sub3A_2893 = arith.subi %add3A_2884, %select_n3A_2892 : vector<16xi32>
        %add3A_2894 = arith.constant 2 : i32
        %add3A_2895 = vector.broadcast %add3A_2894 : i32 to vector<16xi32>
        %add3A_2896 = arith.addi %add3A_2866, %add3A_2895 : vector<16xi32>
        %mul3A_2897 = arith.constant 2 : i32
        %mul3A_2898 = vector.broadcast %mul3A_2897 : i32 to vector<16xi32>
        %mul3A_2899 = arith.muli %mul3A_2898, %sub3A_2893 : vector<16xi32>
        %add3A_2900 = arith.addi %add3A_2896, %mul3A_2899 : vector<16xi32>
        %swap3A_2901 = arith.constant 1 : i32
        %swap3A_2902 = arith.index_cast %swap3A_2901 : i32 to index
        %swap3A_2903 = arith.constant 48 : index
        %swap3A_2904 = tpu.vector_load %arg11[%swap3A_2902, %swap3A_2903] {strides = array<i32>} : memref<4x128xi32, #tpu.memory_space<vmem>>, vector<1x16xi32>,
        %swap3A_2905 = vector.shape_cast %swap3A_2904 : vector<1x16xi32> to vector<16xi32>
        %swap3A_2906 = vector.shape_cast %add3A_2900 : vector<16xi32> to vector<1x16xi32>
        tpu.vector_store %arg11[%swap3A_2902, %swap3A_2903], %swap3A_2906 {strides = array<i32>} : memref<4x128xi32, #tpu.memory_space<vmem>>, vector<1x16xi32>,
        %add3A_2907 = arith.constant 64 : i32
        %add3A_2908 = vector.broadcast %add3A_2907 : i32 to vector<16xi32>
        %add3A_2909 = arith.addi %iota3A, %add3A_2908 : vector<16xi32>
        %mul3A_2910 = arith.constant 20 : i32
        %mul3A_2911 = arith.muli %mul3A_10, %mul3A_2910 : i32
        %mul3A_2912 = arith.constant 128 : i32
        %mul3A_2913 = arith.muli %sub3A_2643, %mul3A_2912 : i32
        %add3A_2914 = arith.addi %mul3A_2911, %mul3A_2913 : i32
        %add3A_2915 = vector.broadcast %add3A_2914 : i32 to vector<16xi32>
        %add3A_2916 = arith.addi %add3A_2915, %add3A_2909 : vector<16xi32>
        %convert_element_type3A_2917 = arith.sitofp %add3A_2916 : vector<16xi32> to vector<16xf32>
        %mul3A_2918 = arith.constant 5.000000e-02 : f32
        %mul3A_2919 = vector.broadcast %mul3A_2918 : f32 to vector<16xf32>
        %mul3A_2920 = arith.mulf %convert_element_type3A_2917, %mul3A_2919 : vector<16xf32>
        %convert_element_type3A_2921 = arith.fptosi %mul3A_2920 : vector<16xf32> to vector<16xi32>
        %mul3A_2922 = arith.constant 20 : i32
        %mul3A_2923 = vector.broadcast %mul3A_2922 : i32 to vector<16xi32>
        %mul3A_2924 = arith.muli %convert_element_type3A_2921, %mul3A_2923 : vector<16xi32>
        %sub3A_2925 = arith.subi %add3A_2916, %mul3A_2924 : vector<16xi32>
        %ge3A_2926 = arith.constant 20 : i32
        %ge3A_2927 = vector.broadcast %ge3A_2926 : i32 to vector<16xi32>
        %ge3A_2928 = arith.cmpi sge, %sub3A_2925, %ge3A_2927 : vector<16xi32>
        %jit3A_2929 = arith.constant 1 : i32
        %jit3A_2930 = arith.constant 0 : i32
        %broadcast_in_dim3A_2931 = vector.broadcast %jit3A_2929 : i32 to vector<16xi32>
        %broadcast_in_dim3A_2932 = vector.broadcast %jit3A_2930 : i32 to vector<16xi32>
        %select_n3A_2933 = arith.select %ge3A_2928, %broadcast_in_dim3A_2931, %broadcast_in_dim3A_2932 : vector<16xi1>, vector<16xi32>
        %add3A_2934 = arith.addi %convert_element_type3A_2921, %select_n3A_2933 : vector<16xi32>
        %lt3A_2935 = arith.constant 0 : i32
        %lt3A_2936 = vector.broadcast %lt3A_2935 : i32 to vector<16xi32>
        %lt3A_2937 = arith.cmpi slt, %sub3A_2925, %lt3A_2936 : vector<16xi32>
        %jit3A_2938 = arith.constant 1 : i32
        %jit3A_2939 = arith.constant 0 : i32
        %broadcast_in_dim3A_2940 = vector.broadcast %jit3A_2938 : i32 to vector<16xi32>
        %broadcast_in_dim3A_2941 = vector.broadcast %jit3A_2939 : i32 to vector<16xi32>
        %select_n3A_2942 = arith.select %lt3A_2937, %broadcast_in_dim3A_2940, %broadcast_in_dim3A_2941 : vector<16xi1>, vector<16xi32>
        %sub3A_2943 = arith.subi %add3A_2934, %select_n3A_2942 : vector<16xi32>
        %add3A_2944 = arith.constant 2 : i32
        %add3A_2945 = vector.broadcast %add3A_2944 : i32 to vector<16xi32>
        %add3A_2946 = arith.addi %add3A_2916, %add3A_2945 : vector<16xi32>
        %mul3A_2947 = arith.constant 2 : i32
        %mul3A_2948 = vector.broadcast %mul3A_2947 : i32 to vector<16xi32>
        %mul3A_2949 = arith.muli %mul3A_2948, %sub3A_2943 : vector<16xi32>
        %add3A_2950 = arith.addi %add3A_2946, %mul3A_2949 : vector<16xi32>
        %swap3A_2951 = arith.constant 1 : i32
        %swap3A_2952 = arith.index_cast %swap3A_2951 : i32 to index
        %swap3A_2953 = arith.constant 64 : index
        %swap3A_2954 = tpu.vector_load %arg11[%swap3A_2952, %swap3A_2953] {strides = array<i32>} : memref<4x128xi32, #tpu.memory_space<vmem>>, vector<1x16xi32>,
        %swap3A_2955 = vector.shape_cast %swap3A_2954 : vector<1x16xi32> to vector<16xi32>
        %swap3A_2956 = vector.shape_cast %add3A_2950 : vector<16xi32> to vector<1x16xi32>
        tpu.vector_store %arg11[%swap3A_2952, %swap3A_2953], %swap3A_2956 {strides = array<i32>} : memref<4x128xi32, #tpu.memory_space<vmem>>, vector<1x16xi32>,
        %add3A_2957 = arith.constant 80 : i32
        %add3A_2958 = vector.broadcast %add3A_2957 : i32 to vector<16xi32>
        %add3A_2959 = arith.addi %iota3A, %add3A_2958 : vector<16xi32>
        %mul3A_2960 = arith.constant 20 : i32
        %mul3A_2961 = arith.muli %mul3A_10, %mul3A_2960 : i32
        %mul3A_2962 = arith.constant 128 : i32
        %mul3A_2963 = arith.muli %sub3A_2643, %mul3A_2962 : i32
        %add3A_2964 = arith.addi %mul3A_2961, %mul3A_2963 : i32
        %add3A_2965 = vector.broadcast %add3A_2964 : i32 to vector<16xi32>
        %add3A_2966 = arith.addi %add3A_2965, %add3A_2959 : vector<16xi32>
        %convert_element_type3A_2967 = arith.sitofp %add3A_2966 : vector<16xi32> to vector<16xf32>
        %mul3A_2968 = arith.constant 5.000000e-02 : f32
        %mul3A_2969 = vector.broadcast %mul3A_2968 : f32 to vector<16xf32>
        %mul3A_2970 = arith.mulf %convert_element_type3A_2967, %mul3A_2969 : vector<16xf32>
        %convert_element_type3A_2971 = arith.fptosi %mul3A_2970 : vector<16xf32> to vector<16xi32>
        %mul3A_2972 = arith.constant 20 : i32
        %mul3A_2973 = vector.broadcast %mul3A_2972 : i32 to vector<16xi32>
        %mul3A_2974 = arith.muli %convert_element_type3A_2971, %mul3A_2973 : vector<16xi32>
        %sub3A_2975 = arith.subi %add3A_2966, %mul3A_2974 : vector<16xi32>
        %ge3A_2976 = arith.constant 20 : i32
        %ge3A_2977 = vector.broadcast %ge3A_2976 : i32 to vector<16xi32>
        %ge3A_2978 = arith.cmpi sge, %sub3A_2975, %ge3A_2977 : vector<16xi32>
        %jit3A_2979 = arith.constant 1 : i32
        %jit3A_2980 = arith.constant 0 : i32
        %broadcast_in_dim3A_2981 = vector.broadcast %jit3A_2979 : i32 to vector<16xi32>
        %broadcast_in_dim3A_2982 = vector.broadcast %jit3A_2980 : i32 to vector<16xi32>
        %select_n3A_2983 = arith.select %ge3A_2978, %broadcast_in_dim3A_2981, %broadcast_in_dim3A_2982 : vector<16xi1>, vector<16xi32>
        %add3A_2984 = arith.addi %convert_element_type3A_2971, %select_n3A_2983 : vector<16xi32>
        %lt3A_2985 = arith.constant 0 : i32
        %lt3A_2986 = vector.broadcast %lt3A_2985 : i32 to vector<16xi32>
        %lt3A_2987 = arith.cmpi slt, %sub3A_2975, %lt3A_2986 : vector<16xi32>
        %jit3A_2988 = arith.constant 1 : i32
        %jit3A_2989 = arith.constant 0 : i32
        %broadcast_in_dim3A_2990 = vector.broadcast %jit3A_2988 : i32 to vector<16xi32>
        %broadcast_in_dim3A_2991 = vector.broadcast %jit3A_2989 : i32 to vector<16xi32>
        %select_n3A_2992 = arith.select %lt3A_2987, %broadcast_in_dim3A_2990, %broadcast_in_dim3A_2991 : vector<16xi1>, vector<16xi32>
        %sub3A_2993 = arith.subi %add3A_2984, %select_n3A_2992 : vector<16xi32>
        %add3A_2994 = arith.constant 2 : i32
        %add3A_2995 = vector.broadcast %add3A_2994 : i32 to vector<16xi32>
        %add3A_2996 = arith.addi %add3A_2966, %add3A_2995 : vector<16xi32>
        %mul3A_2997 = arith.constant 2 : i32
        %mul3A_2998 = vector.broadcast %mul3A_2997 : i32 to vector<16xi32>
        %mul3A_2999 = arith.muli %mul3A_2998, %sub3A_2993 : vector<16xi32>
        %add3A_3000 = arith.addi %add3A_2996, %mul3A_2999 : vector<16xi32>
        %swap3A_3001 = arith.constant 1 : i32
        %swap3A_3002 = arith.index_cast %swap3A_3001 : i32 to index
        %swap3A_3003 = arith.constant 80 : index
        %swap3A_3004 = tpu.vector_load %arg11[%swap3A_3002, %swap3A_3003] {strides = array<i32>} : memref<4x128xi32, #tpu.memory_space<vmem>>, vector<1x16xi32>,
        %swap3A_3005 = vector.shape_cast %swap3A_3004 : vector<1x16xi32> to vector<16xi32>
        %swap3A_3006 = vector.shape_cast %add3A_3000 : vector<16xi32> to vector<1x16xi32>
        tpu.vector_store %arg11[%swap3A_3002, %swap3A_3003], %swap3A_3006 {strides = array<i32>} : memref<4x128xi32, #tpu.memory_space<vmem>>, vector<1x16xi32>,
        %add3A_3007 = arith.constant 96 : i32
        %add3A_3008 = vector.broadcast %add3A_3007 : i32 to vector<16xi32>
        %add3A_3009 = arith.addi %iota3A, %add3A_3008 : vector<16xi32>
        %mul3A_3010 = arith.constant 20 : i32
        %mul3A_3011 = arith.muli %mul3A_10, %mul3A_3010 : i32
        %mul3A_3012 = arith.constant 128 : i32
        %mul3A_3013 = arith.muli %sub3A_2643, %mul3A_3012 : i32
        %add3A_3014 = arith.addi %mul3A_3011, %mul3A_3013 : i32
        %add3A_3015 = vector.broadcast %add3A_3014 : i32 to vector<16xi32>
        %add3A_3016 = arith.addi %add3A_3015, %add3A_3009 : vector<16xi32>
        %convert_element_type3A_3017 = arith.sitofp %add3A_3016 : vector<16xi32> to vector<16xf32>
        %mul3A_3018 = arith.constant 5.000000e-02 : f32
        %mul3A_3019 = vector.broadcast %mul3A_3018 : f32 to vector<16xf32>
        %mul3A_3020 = arith.mulf %convert_element_type3A_3017, %mul3A_3019 : vector<16xf32>
        %convert_element_type3A_3021 = arith.fptosi %mul3A_3020 : vector<16xf32> to vector<16xi32>
        %mul3A_3022 = arith.constant 20 : i32
        %mul3A_3023 = vector.broadcast %mul3A_3022 : i32 to vector<16xi32>
        %mul3A_3024 = arith.muli %convert_element_type3A_3021, %mul3A_3023 : vector<16xi32>
        %sub3A_3025 = arith.subi %add3A_3016, %mul3A_3024 : vector<16xi32>
        %ge3A_3026 = arith.constant 20 : i32
        %ge3A_3027 = vector.broadcast %ge3A_3026 : i32 to vector<16xi32>
        %ge3A_3028 = arith.cmpi sge, %sub3A_3025, %ge3A_3027 : vector<16xi32>
        %jit3A_3029 = arith.constant 1 : i32
        %jit3A_3030 = arith.constant 0 : i32
        %broadcast_in_dim3A_3031 = vector.broadcast %jit3A_3029 : i32 to vector<16xi32>
        %broadcast_in_dim3A_3032 = vector.broadcast %jit3A_3030 : i32 to vector<16xi32>
        %select_n3A_3033 = arith.select %ge3A_3028, %broadcast_in_dim3A_3031, %broadcast_in_dim3A_3032 : vector<16xi1>, vector<16xi32>
        %add3A_3034 = arith.addi %convert_element_type3A_3021, %select_n3A_3033 : vector<16xi32>
        %lt3A_3035 = arith.constant 0 : i32
        %lt3A_3036 = vector.broadcast %lt3A_3035 : i32 to vector<16xi32>
        %lt3A_3037 = arith.cmpi slt, %sub3A_3025, %lt3A_3036 : vector<16xi32>
        %jit3A_3038 = arith.constant 1 : i32
        %jit3A_3039 = arith.constant 0 : i32
        %broadcast_in_dim3A_3040 = vector.broadcast %jit3A_3038 : i32 to vector<16xi32>
        %broadcast_in_dim3A_3041 = vector.broadcast %jit3A_3039 : i32 to vector<16xi32>
        %select_n3A_3042 = arith.select %lt3A_3037, %broadcast_in_dim3A_3040, %broadcast_in_dim3A_3041 : vector<16xi1>, vector<16xi32>
        %sub3A_3043 = arith.subi %add3A_3034, %select_n3A_3042 : vector<16xi32>
        %add3A_3044 = arith.constant 2 : i32
        %add3A_3045 = vector.broadcast %add3A_3044 : i32 to vector<16xi32>
        %add3A_3046 = arith.addi %add3A_3016, %add3A_3045 : vector<16xi32>
        %mul3A_3047 = arith.constant 2 : i32
        %mul3A_3048 = vector.broadcast %mul3A_3047 : i32 to vector<16xi32>
        %mul3A_3049 = arith.muli %mul3A_3048, %sub3A_3043 : vector<16xi32>
        %add3A_3050 = arith.addi %add3A_3046, %mul3A_3049 : vector<16xi32>
        %swap3A_3051 = arith.constant 1 : i32
        %swap3A_3052 = arith.index_cast %swap3A_3051 : i32 to index
        %swap3A_3053 = arith.constant 96 : index
        %swap3A_3054 = tpu.vector_load %arg11[%swap3A_3052, %swap3A_3053] {strides = array<i32>} : memref<4x128xi32, #tpu.memory_space<vmem>>, vector<1x16xi32>,
        %swap3A_3055 = vector.shape_cast %swap3A_3054 : vector<1x16xi32> to vector<16xi32>
        %swap3A_3056 = vector.shape_cast %add3A_3050 : vector<16xi32> to vector<1x16xi32>
        tpu.vector_store %arg11[%swap3A_3052, %swap3A_3053], %swap3A_3056 {strides = array<i32>} : memref<4x128xi32, #tpu.memory_space<vmem>>, vector<1x16xi32>,
        %add3A_3057 = arith.constant 112 : i32
        %add3A_3058 = vector.broadcast %add3A_3057 : i32 to vector<16xi32>
        %add3A_3059 = arith.addi %iota3A, %add3A_3058 : vector<16xi32>
        %mul3A_3060 = arith.constant 20 : i32
        %mul3A_3061 = arith.muli %mul3A_10, %mul3A_3060 : i32
        %mul3A_3062 = arith.constant 128 : i32
        %mul3A_3063 = arith.muli %sub3A_2643, %mul3A_3062 : i32
        %add3A_3064 = arith.addi %mul3A_3061, %mul3A_3063 : i32
        %add3A_3065 = vector.broadcast %add3A_3064 : i32 to vector<16xi32>
        %add3A_3066 = arith.addi %add3A_3065, %add3A_3059 : vector<16xi32>
        %convert_element_type3A_3067 = arith.sitofp %add3A_3066 : vector<16xi32> to vector<16xf32>
        %mul3A_3068 = arith.constant 5.000000e-02 : f32
        %mul3A_3069 = vector.broadcast %mul3A_3068 : f32 to vector<16xf32>
        %mul3A_3070 = arith.mulf %convert_element_type3A_3067, %mul3A_3069 : vector<16xf32>
        %convert_element_type3A_3071 = arith.fptosi %mul3A_3070 : vector<16xf32> to vector<16xi32>
        %mul3A_3072 = arith.constant 20 : i32
        %mul3A_3073 = vector.broadcast %mul3A_3072 : i32 to vector<16xi32>
        %mul3A_3074 = arith.muli %convert_element_type3A_3071, %mul3A_3073 : vector<16xi32>
        %sub3A_3075 = arith.subi %add3A_3066, %mul3A_3074 : vector<16xi32>
        %ge3A_3076 = arith.constant 20 : i32
        %ge3A_3077 = vector.broadcast %ge3A_3076 : i32 to vector<16xi32>
        %ge3A_3078 = arith.cmpi sge, %sub3A_3075, %ge3A_3077 : vector<16xi32>
        %jit3A_3079 = arith.constant 1 : i32
        %jit3A_3080 = arith.constant 0 : i32
        %broadcast_in_dim3A_3081 = vector.broadcast %jit3A_3079 : i32 to vector<16xi32>
        %broadcast_in_dim3A_3082 = vector.broadcast %jit3A_3080 : i32 to vector<16xi32>
        %select_n3A_3083 = arith.select %ge3A_3078, %broadcast_in_dim3A_3081, %broadcast_in_dim3A_3082 : vector<16xi1>, vector<16xi32>
        %add3A_3084 = arith.addi %convert_element_type3A_3071, %select_n3A_3083 : vector<16xi32>
        %lt3A_3085 = arith.constant 0 : i32
        %lt3A_3086 = vector.broadcast %lt3A_3085 : i32 to vector<16xi32>
        %lt3A_3087 = arith.cmpi slt, %sub3A_3075, %lt3A_3086 : vector<16xi32>
        %jit3A_3088 = arith.constant 1 : i32
        %jit3A_3089 = arith.constant 0 : i32
        %broadcast_in_dim3A_3090 = vector.broadcast %jit3A_3088 : i32 to vector<16xi32>
        %broadcast_in_dim3A_3091 = vector.broadcast %jit3A_3089 : i32 to vector<16xi32>
        %select_n3A_3092 = arith.select %lt3A_3087, %broadcast_in_dim3A_3090, %broadcast_in_dim3A_3091 : vector<16xi1>, vector<16xi32>
        %sub3A_3093 = arith.subi %add3A_3084, %select_n3A_3092 : vector<16xi32>
        %add3A_3094 = arith.constant 2 : i32
        %add3A_3095 = vector.broadcast %add3A_3094 : i32 to vector<16xi32>
        %add3A_3096 = arith.addi %add3A_3066, %add3A_3095 : vector<16xi32>
        %mul3A_3097 = arith.constant 2 : i32
        %mul3A_3098 = vector.broadcast %mul3A_3097 : i32 to vector<16xi32>
        %mul3A_3099 = arith.muli %mul3A_3098, %sub3A_3093 : vector<16xi32>
        %add3A_3100 = arith.addi %add3A_3096, %mul3A_3099 : vector<16xi32>
        %swap3A_3101 = arith.constant 1 : i32
        %swap3A_3102 = arith.index_cast %swap3A_3101 : i32 to index
        %swap3A_3103 = arith.constant 112 : index
        %swap3A_3104 = tpu.vector_load %arg11[%swap3A_3102, %swap3A_3103] {strides = array<i32>} : memref<4x128xi32, #tpu.memory_space<vmem>>, vector<1x16xi32>,
        %swap3A_3105 = vector.shape_cast %swap3A_3104 : vector<1x16xi32> to vector<16xi32>
        %swap3A_3106 = vector.shape_cast %add3A_3100 : vector<16xi32> to vector<1x16xi32>
        tpu.vector_store %arg11[%swap3A_3102, %swap3A_3103], %swap3A_3106 {strides = array<i32>} : memref<4x128xi32, #tpu.memory_space<vmem>>, vector<1x16xi32>,
      } else {
      }
      %mul3A_2649 = arith.constant 4 : i32
      %mul3A_2650 = arith.muli %scan3A_2514, %mul3A_2649 : i32
      %add3A_2651 = arith.constant 3 : i32
      %add3A_2652 = arith.addi %mul3A_2650, %add3A_2651 : i32
      %dma_wait3A_2653 = arith.constant 3 : i32
      %dma_wait3A_2654 = arith.constant 0 : i32
      %dma_wait3A_2655 = arith.constant 0 : i32
      %dma_wait3A_2656 = tpu.memref_slice %arg12[%dma_wait3A_2653, %dma_wait3A_2654, %dma_wait3A_2655] : memref<4x128x32xf32, #tpu.memory_space<vmem>> -> memref<1x128x32xf32, #tpu.memory_space<vmem>>
      %dma_wait3A_2657 = tpu.memref_squeeze %dma_wait3A_2656 : memref<1x128x32xf32, #tpu.memory_space<vmem>> -> memref<128x32xf32, #tpu.memory_space<vmem>>
      %dma_wait3A_2658 = arith.constant 0 : i32
      %dma_wait3A_2659 = tpu.memref_slice %arg10[%dma_wait3A_2658] : memref<10240xi32, #tpu.memory_space<vmem>> -> memref<128xi32, #tpu.memory_space<vmem>>
      %dma_wait3A_2660 = arith.constant 0 : i32
      %dma_wait3A_2661 = arith.constant 0 : i32
      %dma_wait3A_2662 = tpu.memref_slice %arg6[%dma_wait3A_2660, %dma_wait3A_2661] : memref<1000000x32xf32, #tpu.memory_space<hbm>> -> memref<1000000x32xf32, #tpu.memory_space<hbm>>
      tpu.wait_indirect_dma semaphore(%arg13 : memref<!tpu.dma_semaphore, #tpu.memory_space<semaphore_mem>>) src(%dma_wait3A_2662 : memref<1000000x32xf32, #tpu.memory_space<hbm>>) dst(%dma_wait3A_2657 : memref<128x32xf32, #tpu.memory_space<vmem>>)
      %dma_wait3A_2663 = arith.constant 0 : i32
      %dma_wait3A_2664 = arith.constant 0 : i32
      %dma_wait3A_2665 = arith.constant 0 : i32
      %dma_wait3A_2666 = arith.constant 0 : i32
      %dma_wait3A_2667 = tpu.memref_slice %arg12[%dma_wait3A_2663, %dma_wait3A_2665, %dma_wait3A_2666] : memref<4x128x32xf32, #tpu.memory_space<vmem>> -> memref<1x128x32xf32, #tpu.memory_space<vmem>>
      %dma_wait3A_2668 = tpu.memref_squeeze %dma_wait3A_2667 : memref<1x128x32xf32, #tpu.memory_space<vmem>> -> memref<128x32xf32, #tpu.memory_space<vmem>>
      %dma_wait3A_2669 = arith.constant 0 : i32
      %dma_wait3A_2670 = tpu.memref_slice %arg11[%dma_wait3A_2664, %dma_wait3A_2669] : memref<4x128xi32, #tpu.memory_space<vmem>> -> memref<1x128xi32, #tpu.memory_space<vmem>>
      %dma_wait3A_2671 = tpu.memref_squeeze %dma_wait3A_2670 : memref<1x128xi32, #tpu.memory_space<vmem>> -> memref<128xi32, #tpu.memory_space<vmem>>
      %dma_wait3A_2672 = arith.constant 0 : i32
      %dma_wait3A_2673 = arith.constant 0 : i32
      %dma_wait3A_2674 = tpu.memref_slice %arg7[%dma_wait3A_2672, %dma_wait3A_2673] : memref<360448x32xf32, #tpu.memory_space<hbm>> -> memref<360448x32xf32, #tpu.memory_space<hbm>>
      tpu.wait_indirect_dma semaphore(%arg14 : memref<!tpu.dma_semaphore, #tpu.memory_space<semaphore_mem>>) src(%dma_wait3A_2668 : memref<128x32xf32, #tpu.memory_space<vmem>>) dst(%dma_wait3A_2674 : memref<360448x32xf32, #tpu.memory_space<hbm>>)
      %dma_start3A_2675 = arith.constant 3 : i32
      %dma_start3A_2676 = arith.constant 3 : i32
      %dma_start3A_2677 = arith.constant 0 : i32
      %dma_start3A_2678 = arith.constant 0 : i32
      %dma_start3A_2679 = tpu.memref_slice %arg12[%dma_start3A_2675, %dma_start3A_2677, %dma_start3A_2678] : memref<4x128x32xf32, #tpu.memory_space<vmem>> -> memref<1x128x32xf32, #tpu.memory_space<vmem>>
      %dma_start3A_2680 = tpu.memref_squeeze %dma_start3A_2679 : memref<1x128x32xf32, #tpu.memory_space<vmem>> -> memref<128x32xf32, #tpu.memory_space<vmem>>
      %dma_start3A_2681 = arith.constant 0 : i32
      %dma_start3A_2682 = tpu.memref_slice %arg11[%dma_start3A_2676, %dma_start3A_2681] : memref<4x128xi32, #tpu.memory_space<vmem>> -> memref<1x128xi32, #tpu.memory_space<vmem>>
      %dma_start3A_2683 = tpu.memref_squeeze %dma_start3A_2682 : memref<1x128xi32, #tpu.memory_space<vmem>> -> memref<128xi32, #tpu.memory_space<vmem>>
      %dma_start3A_2684 = arith.constant 0 : i32
      %dma_start3A_2685 = arith.constant 0 : i32
      %dma_start3A_2686 = tpu.memref_slice %arg7[%dma_start3A_2684, %dma_start3A_2685] : memref<360448x32xf32, #tpu.memory_space<hbm>> -> memref<360448x32xf32, #tpu.memory_space<hbm>>
      tpu.enqueue_indirect_dma source(%dma_start3A_2680 : memref<128x32xf32, #tpu.memory_space<vmem>>) target(%dma_start3A_2686 : memref<360448x32xf32, #tpu.memory_space<hbm>>) offsets(%dma_start3A_2683 : memref<128xi32, #tpu.memory_space<vmem>>) semaphore(%arg14 : memref<!tpu.dma_semaphore, #tpu.memory_space<semaphore_mem>>)
      %add3A_2687 = arith.constant 4 : i32
      %add3A_2688 = arith.addi %add3A_2652, %add3A_2687 : i32
      %sub3A_2689 = arith.constant 1 : i32
      %sub3A_2690 = arith.subi %add3A_2688, %sub3A_2689 : i32
      %lt3A_2691 = arith.constant 80 : i32
      %lt3A_2692 = arith.cmpi slt, %sub3A_2690, %lt3A_2691 : i32
      %convert_element_type3A_2693 = arith.extui %lt3A_2692 : i1 to i32
      %cond3A_2694 = arith.constant 0 : i32
      %cond3A_2695 = arith.cmpi ne, %convert_element_type3A_2693, %cond3A_2694 : i32
      scf.if %cond3A_2695 {
        %mul3A_2696 = arith.constant 128 : i32
        %mul3A_2697 = arith.muli %sub3A_2690, %mul3A_2696 : i32
        %dma_start3A_2698 = arith.constant 2 : i32
        %dma_start3A_2699 = arith.constant 0 : i32
        %dma_start3A_2700 = arith.constant 0 : i32
        %dma_start3A_2701 = tpu.memref_slice %arg12[%dma_start3A_2698, %dma_start3A_2699, %dma_start3A_2700] : memref<4x128x32xf32, #tpu.memory_space<vmem>> -> memref<1x128x32xf32, #tpu.memory_space<vmem>>
        %dma_start3A_2702 = tpu.memref_squeeze %dma_start3A_2701 : memref<1x128x32xf32, #tpu.memory_space<vmem>> -> memref<128x32xf32, #tpu.memory_space<vmem>>
        %dma_start3A_2703 = tpu.memref_slice %arg10[%mul3A_2697] : memref<10240xi32, #tpu.memory_space<vmem>> -> memref<128xi32, #tpu.memory_space<vmem>>
        %dma_start3A_2704 = arith.constant 0 : i32
        %dma_start3A_2705 = arith.constant 0 : i32
        %dma_start3A_2706 = tpu.memref_slice %arg6[%dma_start3A_2704, %dma_start3A_2705] : memref<1000000x32xf32, #tpu.memory_space<hbm>> -> memref<1000000x32xf32, #tpu.memory_space<hbm>>
        tpu.enqueue_indirect_dma source(%dma_start3A_2706 : memref<1000000x32xf32, #tpu.memory_space<hbm>>) target(%dma_start3A_2702 : memref<128x32xf32, #tpu.memory_space<vmem>>) offsets(%dma_start3A_2703 : memref<128xi32, #tpu.memory_space<vmem>>) semaphore(%arg13 : memref<!tpu.dma_semaphore, #tpu.memory_space<semaphore_mem>>)
        %add3A_2707 = arith.constant 0 : i32
        %add3A_2708 = vector.broadcast %add3A_2707 : i32 to vector<16xi32>
        %add3A_2709 = arith.addi %iota3A, %add3A_2708 : vector<16xi32>
        %mul3A_2710 = arith.constant 20 : i32
        %mul3A_2711 = arith.muli %mul3A_10, %mul3A_2710 : i32
        %mul3A_2712 = arith.constant 128 : i32
        %mul3A_2713 = arith.muli %sub3A_2690, %mul3A_2712 : i32
        %add3A_2714 = arith.addi %mul3A_2711, %mul3A_2713 : i32
        %add3A_2715 = vector.broadcast %add3A_2714 : i32 to vector<16xi32>
        %add3A_2716 = arith.addi %add3A_2715, %add3A_2709 : vector<16xi32>
        %convert_element_type3A_2717 = arith.sitofp %add3A_2716 : vector<16xi32> to vector<16xf32>
        %mul3A_2718 = arith.constant 5.000000e-02 : f32
        %mul3A_2719 = vector.broadcast %mul3A_2718 : f32 to vector<16xf32>
        %mul3A_2720 = arith.mulf %convert_element_type3A_2717, %mul3A_2719 : vector<16xf32>
        %convert_element_type3A_2721 = arith.fptosi %mul3A_2720 : vector<16xf32> to vector<16xi32>
        %mul3A_2722 = arith.constant 20 : i32
        %mul3A_2723 = vector.broadcast %mul3A_2722 : i32 to vector<16xi32>
        %mul3A_2724 = arith.muli %convert_element_type3A_2721, %mul3A_2723 : vector<16xi32>
        %sub3A_2725 = arith.subi %add3A_2716, %mul3A_2724 : vector<16xi32>
        %ge3A_2726 = arith.constant 20 : i32
        %ge3A_2727 = vector.broadcast %ge3A_2726 : i32 to vector<16xi32>
        %ge3A_2728 = arith.cmpi sge, %sub3A_2725, %ge3A_2727 : vector<16xi32>
        %jit3A_2729 = arith.constant 1 : i32
        %jit3A_2730 = arith.constant 0 : i32
        %broadcast_in_dim3A_2731 = vector.broadcast %jit3A_2729 : i32 to vector<16xi32>
        %broadcast_in_dim3A_2732 = vector.broadcast %jit3A_2730 : i32 to vector<16xi32>
        %select_n3A_2733 = arith.select %ge3A_2728, %broadcast_in_dim3A_2731, %broadcast_in_dim3A_2732 : vector<16xi1>, vector<16xi32>
        %add3A_2734 = arith.addi %convert_element_type3A_2721, %select_n3A_2733 : vector<16xi32>
        %lt3A_2735 = arith.constant 0 : i32
        %lt3A_2736 = vector.broadcast %lt3A_2735 : i32 to vector<16xi32>
        %lt3A_2737 = arith.cmpi slt, %sub3A_2725, %lt3A_2736 : vector<16xi32>
        %jit3A_2738 = arith.constant 1 : i32
        %jit3A_2739 = arith.constant 0 : i32
        %broadcast_in_dim3A_2740 = vector.broadcast %jit3A_2738 : i32 to vector<16xi32>
        %broadcast_in_dim3A_2741 = vector.broadcast %jit3A_2739 : i32 to vector<16xi32>
        %select_n3A_2742 = arith.select %lt3A_2737, %broadcast_in_dim3A_2740, %broadcast_in_dim3A_2741 : vector<16xi1>, vector<16xi32>
        %sub3A_2743 = arith.subi %add3A_2734, %select_n3A_2742 : vector<16xi32>
        %add3A_2744 = arith.constant 2 : i32
        %add3A_2745 = vector.broadcast %add3A_2744 : i32 to vector<16xi32>
        %add3A_2746 = arith.addi %add3A_2716, %add3A_2745 : vector<16xi32>
        %mul3A_2747 = arith.constant 2 : i32
        %mul3A_2748 = vector.broadcast %mul3A_2747 : i32 to vector<16xi32>
        %mul3A_2749 = arith.muli %mul3A_2748, %sub3A_2743 : vector<16xi32>
        %add3A_2750 = arith.addi %add3A_2746, %mul3A_2749 : vector<16xi32>
        %swap3A_2751 = arith.constant 2 : i32
        %swap3A_2752 = arith.index_cast %swap3A_2751 : i32 to index
        %swap3A_2753 = arith.constant 0 : index
        %swap3A_2754 = tpu.vector_load %arg11[%swap3A_2752, %swap3A_2753] {strides = array<i32>} : memref<4x128xi32, #tpu.memory_space<vmem>>, vector<1x16xi32>,
        %swap3A_2755 = vector.shape_cast %swap3A_2754 : vector<1x16xi32> to vector<16xi32>
        %swap3A_2756 = vector.shape_cast %add3A_2750 : vector<16xi32> to vector<1x16xi32>
        tpu.vector_store %arg11[%swap3A_2752, %swap3A_2753], %swap3A_2756 {strides = array<i32>} : memref<4x128xi32, #tpu.memory_space<vmem>>, vector<1x16xi32>,
        %add3A_2757 = arith.constant 16 : i32
        %add3A_2758 = vector.broadcast %add3A_2757 : i32 to vector<16xi32>
        %add3A_2759 = arith.addi %iota3A, %add3A_2758 : vector<16xi32>
        %mul3A_2760 = arith.constant 20 : i32
        %mul3A_2761 = arith.muli %mul3A_10, %mul3A_2760 : i32
        %mul3A_2762 = arith.constant 128 : i32
        %mul3A_2763 = arith.muli %sub3A_2690, %mul3A_2762 : i32
        %add3A_2764 = arith.addi %mul3A_2761, %mul3A_2763 : i32
        %add3A_2765 = vector.broadcast %add3A_2764 : i32 to vector<16xi32>
        %add3A_2766 = arith.addi %add3A_2765, %add3A_2759 : vector<16xi32>
        %convert_element_type3A_2767 = arith.sitofp %add3A_2766 : vector<16xi32> to vector<16xf32>
        %mul3A_2768 = arith.constant 5.000000e-02 : f32
        %mul3A_2769 = vector.broadcast %mul3A_2768 : f32 to vector<16xf32>
        %mul3A_2770 = arith.mulf %convert_element_type3A_2767, %mul3A_2769 : vector<16xf32>
        %convert_element_type3A_2771 = arith.fptosi %mul3A_2770 : vector<16xf32> to vector<16xi32>
        %mul3A_2772 = arith.constant 20 : i32
        %mul3A_2773 = vector.broadcast %mul3A_2772 : i32 to vector<16xi32>
        %mul3A_2774 = arith.muli %convert_element_type3A_2771, %mul3A_2773 : vector<16xi32>
        %sub3A_2775 = arith.subi %add3A_2766, %mul3A_2774 : vector<16xi32>
        %ge3A_2776 = arith.constant 20 : i32
        %ge3A_2777 = vector.broadcast %ge3A_2776 : i32 to vector<16xi32>
        %ge3A_2778 = arith.cmpi sge, %sub3A_2775, %ge3A_2777 : vector<16xi32>
        %jit3A_2779 = arith.constant 1 : i32
        %jit3A_2780 = arith.constant 0 : i32
        %broadcast_in_dim3A_2781 = vector.broadcast %jit3A_2779 : i32 to vector<16xi32>
        %broadcast_in_dim3A_2782 = vector.broadcast %jit3A_2780 : i32 to vector<16xi32>
        %select_n3A_2783 = arith.select %ge3A_2778, %broadcast_in_dim3A_2781, %broadcast_in_dim3A_2782 : vector<16xi1>, vector<16xi32>
        %add3A_2784 = arith.addi %convert_element_type3A_2771, %select_n3A_2783 : vector<16xi32>
        %lt3A_2785 = arith.constant 0 : i32
        %lt3A_2786 = vector.broadcast %lt3A_2785 : i32 to vector<16xi32>
        %lt3A_2787 = arith.cmpi slt, %sub3A_2775, %lt3A_2786 : vector<16xi32>
        %jit3A_2788 = arith.constant 1 : i32
        %jit3A_2789 = arith.constant 0 : i32
        %broadcast_in_dim3A_2790 = vector.broadcast %jit3A_2788 : i32 to vector<16xi32>
        %broadcast_in_dim3A_2791 = vector.broadcast %jit3A_2789 : i32 to vector<16xi32>
        %select_n3A_2792 = arith.select %lt3A_2787, %broadcast_in_dim3A_2790, %broadcast_in_dim3A_2791 : vector<16xi1>, vector<16xi32>
        %sub3A_2793 = arith.subi %add3A_2784, %select_n3A_2792 : vector<16xi32>
        %add3A_2794 = arith.constant 2 : i32
        %add3A_2795 = vector.broadcast %add3A_2794 : i32 to vector<16xi32>
        %add3A_2796 = arith.addi %add3A_2766, %add3A_2795 : vector<16xi32>
        %mul3A_2797 = arith.constant 2 : i32
        %mul3A_2798 = vector.broadcast %mul3A_2797 : i32 to vector<16xi32>
        %mul3A_2799 = arith.muli %mul3A_2798, %sub3A_2793 : vector<16xi32>
        %add3A_2800 = arith.addi %add3A_2796, %mul3A_2799 : vector<16xi32>
        %swap3A_2801 = arith.constant 2 : i32
        %swap3A_2802 = arith.index_cast %swap3A_2801 : i32 to index
        %swap3A_2803 = arith.constant 16 : index
        %swap3A_2804 = tpu.vector_load %arg11[%swap3A_2802, %swap3A_2803] {strides = array<i32>} : memref<4x128xi32, #tpu.memory_space<vmem>>, vector<1x16xi32>,
        %swap3A_2805 = vector.shape_cast %swap3A_2804 : vector<1x16xi32> to vector<16xi32>
        %swap3A_2806 = vector.shape_cast %add3A_2800 : vector<16xi32> to vector<1x16xi32>
        tpu.vector_store %arg11[%swap3A_2802, %swap3A_2803], %swap3A_2806 {strides = array<i32>} : memref<4x128xi32, #tpu.memory_space<vmem>>, vector<1x16xi32>,
        %add3A_2807 = arith.constant 32 : i32
        %add3A_2808 = vector.broadcast %add3A_2807 : i32 to vector<16xi32>
        %add3A_2809 = arith.addi %iota3A, %add3A_2808 : vector<16xi32>
        %mul3A_2810 = arith.constant 20 : i32
        %mul3A_2811 = arith.muli %mul3A_10, %mul3A_2810 : i32
        %mul3A_2812 = arith.constant 128 : i32
        %mul3A_2813 = arith.muli %sub3A_2690, %mul3A_2812 : i32
        %add3A_2814 = arith.addi %mul3A_2811, %mul3A_2813 : i32
        %add3A_2815 = vector.broadcast %add3A_2814 : i32 to vector<16xi32>
        %add3A_2816 = arith.addi %add3A_2815, %add3A_2809 : vector<16xi32>
        %convert_element_type3A_2817 = arith.sitofp %add3A_2816 : vector<16xi32> to vector<16xf32>
        %mul3A_2818 = arith.constant 5.000000e-02 : f32
        %mul3A_2819 = vector.broadcast %mul3A_2818 : f32 to vector<16xf32>
        %mul3A_2820 = arith.mulf %convert_element_type3A_2817, %mul3A_2819 : vector<16xf32>
        %convert_element_type3A_2821 = arith.fptosi %mul3A_2820 : vector<16xf32> to vector<16xi32>
        %mul3A_2822 = arith.constant 20 : i32
        %mul3A_2823 = vector.broadcast %mul3A_2822 : i32 to vector<16xi32>
        %mul3A_2824 = arith.muli %convert_element_type3A_2821, %mul3A_2823 : vector<16xi32>
        %sub3A_2825 = arith.subi %add3A_2816, %mul3A_2824 : vector<16xi32>
        %ge3A_2826 = arith.constant 20 : i32
        %ge3A_2827 = vector.broadcast %ge3A_2826 : i32 to vector<16xi32>
        %ge3A_2828 = arith.cmpi sge, %sub3A_2825, %ge3A_2827 : vector<16xi32>
        %jit3A_2829 = arith.constant 1 : i32
        %jit3A_2830 = arith.constant 0 : i32
        %broadcast_in_dim3A_2831 = vector.broadcast %jit3A_2829 : i32 to vector<16xi32>
        %broadcast_in_dim3A_2832 = vector.broadcast %jit3A_2830 : i32 to vector<16xi32>
        %select_n3A_2833 = arith.select %ge3A_2828, %broadcast_in_dim3A_2831, %broadcast_in_dim3A_2832 : vector<16xi1>, vector<16xi32>
        %add3A_2834 = arith.addi %convert_element_type3A_2821, %select_n3A_2833 : vector<16xi32>
        %lt3A_2835 = arith.constant 0 : i32
        %lt3A_2836 = vector.broadcast %lt3A_2835 : i32 to vector<16xi32>
        %lt3A_2837 = arith.cmpi slt, %sub3A_2825, %lt3A_2836 : vector<16xi32>
        %jit3A_2838 = arith.constant 1 : i32
        %jit3A_2839 = arith.constant 0 : i32
        %broadcast_in_dim3A_2840 = vector.broadcast %jit3A_2838 : i32 to vector<16xi32>
        %broadcast_in_dim3A_2841 = vector.broadcast %jit3A_2839 : i32 to vector<16xi32>
        %select_n3A_2842 = arith.select %lt3A_2837, %broadcast_in_dim3A_2840, %broadcast_in_dim3A_2841 : vector<16xi1>, vector<16xi32>
        %sub3A_2843 = arith.subi %add3A_2834, %select_n3A_2842 : vector<16xi32>
        %add3A_2844 = arith.constant 2 : i32
        %add3A_2845 = vector.broadcast %add3A_2844 : i32 to vector<16xi32>
        %add3A_2846 = arith.addi %add3A_2816, %add3A_2845 : vector<16xi32>
        %mul3A_2847 = arith.constant 2 : i32
        %mul3A_2848 = vector.broadcast %mul3A_2847 : i32 to vector<16xi32>
        %mul3A_2849 = arith.muli %mul3A_2848, %sub3A_2843 : vector<16xi32>
        %add3A_2850 = arith.addi %add3A_2846, %mul3A_2849 : vector<16xi32>
        %swap3A_2851 = arith.constant 2 : i32
        %swap3A_2852 = arith.index_cast %swap3A_2851 : i32 to index
        %swap3A_2853 = arith.constant 32 : index
        %swap3A_2854 = tpu.vector_load %arg11[%swap3A_2852, %swap3A_2853] {strides = array<i32>} : memref<4x128xi32, #tpu.memory_space<vmem>>, vector<1x16xi32>,
        %swap3A_2855 = vector.shape_cast %swap3A_2854 : vector<1x16xi32> to vector<16xi32>
        %swap3A_2856 = vector.shape_cast %add3A_2850 : vector<16xi32> to vector<1x16xi32>
        tpu.vector_store %arg11[%swap3A_2852, %swap3A_2853], %swap3A_2856 {strides = array<i32>} : memref<4x128xi32, #tpu.memory_space<vmem>>, vector<1x16xi32>,
        %add3A_2857 = arith.constant 48 : i32
        %add3A_2858 = vector.broadcast %add3A_2857 : i32 to vector<16xi32>
        %add3A_2859 = arith.addi %iota3A, %add3A_2858 : vector<16xi32>
        %mul3A_2860 = arith.constant 20 : i32
        %mul3A_2861 = arith.muli %mul3A_10, %mul3A_2860 : i32
        %mul3A_2862 = arith.constant 128 : i32
        %mul3A_2863 = arith.muli %sub3A_2690, %mul3A_2862 : i32
        %add3A_2864 = arith.addi %mul3A_2861, %mul3A_2863 : i32
        %add3A_2865 = vector.broadcast %add3A_2864 : i32 to vector<16xi32>
        %add3A_2866 = arith.addi %add3A_2865, %add3A_2859 : vector<16xi32>
        %convert_element_type3A_2867 = arith.sitofp %add3A_2866 : vector<16xi32> to vector<16xf32>
        %mul3A_2868 = arith.constant 5.000000e-02 : f32
        %mul3A_2869 = vector.broadcast %mul3A_2868 : f32 to vector<16xf32>
        %mul3A_2870 = arith.mulf %convert_element_type3A_2867, %mul3A_2869 : vector<16xf32>
        %convert_element_type3A_2871 = arith.fptosi %mul3A_2870 : vector<16xf32> to vector<16xi32>
        %mul3A_2872 = arith.constant 20 : i32
        %mul3A_2873 = vector.broadcast %mul3A_2872 : i32 to vector<16xi32>
        %mul3A_2874 = arith.muli %convert_element_type3A_2871, %mul3A_2873 : vector<16xi32>
        %sub3A_2875 = arith.subi %add3A_2866, %mul3A_2874 : vector<16xi32>
        %ge3A_2876 = arith.constant 20 : i32
        %ge3A_2877 = vector.broadcast %ge3A_2876 : i32 to vector<16xi32>
        %ge3A_2878 = arith.cmpi sge, %sub3A_2875, %ge3A_2877 : vector<16xi32>
        %jit3A_2879 = arith.constant 1 : i32
        %jit3A_2880 = arith.constant 0 : i32
        %broadcast_in_dim3A_2881 = vector.broadcast %jit3A_2879 : i32 to vector<16xi32>
        %broadcast_in_dim3A_2882 = vector.broadcast %jit3A_2880 : i32 to vector<16xi32>
        %select_n3A_2883 = arith.select %ge3A_2878, %broadcast_in_dim3A_2881, %broadcast_in_dim3A_2882 : vector<16xi1>, vector<16xi32>
        %add3A_2884 = arith.addi %convert_element_type3A_2871, %select_n3A_2883 : vector<16xi32>
        %lt3A_2885 = arith.constant 0 : i32
        %lt3A_2886 = vector.broadcast %lt3A_2885 : i32 to vector<16xi32>
        %lt3A_2887 = arith.cmpi slt, %sub3A_2875, %lt3A_2886 : vector<16xi32>
        %jit3A_2888 = arith.constant 1 : i32
        %jit3A_2889 = arith.constant 0 : i32
        %broadcast_in_dim3A_2890 = vector.broadcast %jit3A_2888 : i32 to vector<16xi32>
        %broadcast_in_dim3A_2891 = vector.broadcast %jit3A_2889 : i32 to vector<16xi32>
        %select_n3A_2892 = arith.select %lt3A_2887, %broadcast_in_dim3A_2890, %broadcast_in_dim3A_2891 : vector<16xi1>, vector<16xi32>
        %sub3A_2893 = arith.subi %add3A_2884, %select_n3A_2892 : vector<16xi32>
        %add3A_2894 = arith.constant 2 : i32
        %add3A_2895 = vector.broadcast %add3A_2894 : i32 to vector<16xi32>
        %add3A_2896 = arith.addi %add3A_2866, %add3A_2895 : vector<16xi32>
        %mul3A_2897 = arith.constant 2 : i32
        %mul3A_2898 = vector.broadcast %mul3A_2897 : i32 to vector<16xi32>
        %mul3A_2899 = arith.muli %mul3A_2898, %sub3A_2893 : vector<16xi32>
        %add3A_2900 = arith.addi %add3A_2896, %mul3A_2899 : vector<16xi32>
        %swap3A_2901 = arith.constant 2 : i32
        %swap3A_2902 = arith.index_cast %swap3A_2901 : i32 to index
        %swap3A_2903 = arith.constant 48 : index
        %swap3A_2904 = tpu.vector_load %arg11[%swap3A_2902, %swap3A_2903] {strides = array<i32>} : memref<4x128xi32, #tpu.memory_space<vmem>>, vector<1x16xi32>,
        %swap3A_2905 = vector.shape_cast %swap3A_2904 : vector<1x16xi32> to vector<16xi32>
        %swap3A_2906 = vector.shape_cast %add3A_2900 : vector<16xi32> to vector<1x16xi32>
        tpu.vector_store %arg11[%swap3A_2902, %swap3A_2903], %swap3A_2906 {strides = array<i32>} : memref<4x128xi32, #tpu.memory_space<vmem>>, vector<1x16xi32>,
        %add3A_2907 = arith.constant 64 : i32
        %add3A_2908 = vector.broadcast %add3A_2907 : i32 to vector<16xi32>
        %add3A_2909 = arith.addi %iota3A, %add3A_2908 : vector<16xi32>
        %mul3A_2910 = arith.constant 20 : i32
        %mul3A_2911 = arith.muli %mul3A_10, %mul3A_2910 : i32
        %mul3A_2912 = arith.constant 128 : i32
        %mul3A_2913 = arith.muli %sub3A_2690, %mul3A_2912 : i32
        %add3A_2914 = arith.addi %mul3A_2911, %mul3A_2913 : i32
        %add3A_2915 = vector.broadcast %add3A_2914 : i32 to vector<16xi32>
        %add3A_2916 = arith.addi %add3A_2915, %add3A_2909 : vector<16xi32>
        %convert_element_type3A_2917 = arith.sitofp %add3A_2916 : vector<16xi32> to vector<16xf32>
        %mul3A_2918 = arith.constant 5.000000e-02 : f32
        %mul3A_2919 = vector.broadcast %mul3A_2918 : f32 to vector<16xf32>
        %mul3A_2920 = arith.mulf %convert_element_type3A_2917, %mul3A_2919 : vector<16xf32>
        %convert_element_type3A_2921 = arith.fptosi %mul3A_2920 : vector<16xf32> to vector<16xi32>
        %mul3A_2922 = arith.constant 20 : i32
        %mul3A_2923 = vector.broadcast %mul3A_2922 : i32 to vector<16xi32>
        %mul3A_2924 = arith.muli %convert_element_type3A_2921, %mul3A_2923 : vector<16xi32>
        %sub3A_2925 = arith.subi %add3A_2916, %mul3A_2924 : vector<16xi32>
        %ge3A_2926 = arith.constant 20 : i32
        %ge3A_2927 = vector.broadcast %ge3A_2926 : i32 to vector<16xi32>
        %ge3A_2928 = arith.cmpi sge, %sub3A_2925, %ge3A_2927 : vector<16xi32>
        %jit3A_2929 = arith.constant 1 : i32
        %jit3A_2930 = arith.constant 0 : i32
        %broadcast_in_dim3A_2931 = vector.broadcast %jit3A_2929 : i32 to vector<16xi32>
        %broadcast_in_dim3A_2932 = vector.broadcast %jit3A_2930 : i32 to vector<16xi32>
        %select_n3A_2933 = arith.select %ge3A_2928, %broadcast_in_dim3A_2931, %broadcast_in_dim3A_2932 : vector<16xi1>, vector<16xi32>
        %add3A_2934 = arith.addi %convert_element_type3A_2921, %select_n3A_2933 : vector<16xi32>
        %lt3A_2935 = arith.constant 0 : i32
        %lt3A_2936 = vector.broadcast %lt3A_2935 : i32 to vector<16xi32>
        %lt3A_2937 = arith.cmpi slt, %sub3A_2925, %lt3A_2936 : vector<16xi32>
        %jit3A_2938 = arith.constant 1 : i32
        %jit3A_2939 = arith.constant 0 : i32
        %broadcast_in_dim3A_2940 = vector.broadcast %jit3A_2938 : i32 to vector<16xi32>
        %broadcast_in_dim3A_2941 = vector.broadcast %jit3A_2939 : i32 to vector<16xi32>
        %select_n3A_2942 = arith.select %lt3A_2937, %broadcast_in_dim3A_2940, %broadcast_in_dim3A_2941 : vector<16xi1>, vector<16xi32>
        %sub3A_2943 = arith.subi %add3A_2934, %select_n3A_2942 : vector<16xi32>
        %add3A_2944 = arith.constant 2 : i32
        %add3A_2945 = vector.broadcast %add3A_2944 : i32 to vector<16xi32>
        %add3A_2946 = arith.addi %add3A_2916, %add3A_2945 : vector<16xi32>
        %mul3A_2947 = arith.constant 2 : i32
        %mul3A_2948 = vector.broadcast %mul3A_2947 : i32 to vector<16xi32>
        %mul3A_2949 = arith.muli %mul3A_2948, %sub3A_2943 : vector<16xi32>
        %add3A_2950 = arith.addi %add3A_2946, %mul3A_2949 : vector<16xi32>
        %swap3A_2951 = arith.constant 2 : i32
        %swap3A_2952 = arith.index_cast %swap3A_2951 : i32 to index
        %swap3A_2953 = arith.constant 64 : index
        %swap3A_2954 = tpu.vector_load %arg11[%swap3A_2952, %swap3A_2953] {strides = array<i32>} : memref<4x128xi32, #tpu.memory_space<vmem>>, vector<1x16xi32>,
        %swap3A_2955 = vector.shape_cast %swap3A_2954 : vector<1x16xi32> to vector<16xi32>
        %swap3A_2956 = vector.shape_cast %add3A_2950 : vector<16xi32> to vector<1x16xi32>
        tpu.vector_store %arg11[%swap3A_2952, %swap3A_2953], %swap3A_2956 {strides = array<i32>} : memref<4x128xi32, #tpu.memory_space<vmem>>, vector<1x16xi32>,
        %add3A_2957 = arith.constant 80 : i32
        %add3A_2958 = vector.broadcast %add3A_2957 : i32 to vector<16xi32>
        %add3A_2959 = arith.addi %iota3A, %add3A_2958 : vector<16xi32>
        %mul3A_2960 = arith.constant 20 : i32
        %mul3A_2961 = arith.muli %mul3A_10, %mul3A_2960 : i32
        %mul3A_2962 = arith.constant 128 : i32
        %mul3A_2963 = arith.muli %sub3A_2690, %mul3A_2962 : i32
        %add3A_2964 = arith.addi %mul3A_2961, %mul3A_2963 : i32
        %add3A_2965 = vector.broadcast %add3A_2964 : i32 to vector<16xi32>
        %add3A_2966 = arith.addi %add3A_2965, %add3A_2959 : vector<16xi32>
        %convert_element_type3A_2967 = arith.sitofp %add3A_2966 : vector<16xi32> to vector<16xf32>
        %mul3A_2968 = arith.constant 5.000000e-02 : f32
        %mul3A_2969 = vector.broadcast %mul3A_2968 : f32 to vector<16xf32>
        %mul3A_2970 = arith.mulf %convert_element_type3A_2967, %mul3A_2969 : vector<16xf32>
        %convert_element_type3A_2971 = arith.fptosi %mul3A_2970 : vector<16xf32> to vector<16xi32>
        %mul3A_2972 = arith.constant 20 : i32
        %mul3A_2973 = vector.broadcast %mul3A_2972 : i32 to vector<16xi32>
        %mul3A_2974 = arith.muli %convert_element_type3A_2971, %mul3A_2973 : vector<16xi32>
        %sub3A_2975 = arith.subi %add3A_2966, %mul3A_2974 : vector<16xi32>
        %ge3A_2976 = arith.constant 20 : i32
        %ge3A_2977 = vector.broadcast %ge3A_2976 : i32 to vector<16xi32>
        %ge3A_2978 = arith.cmpi sge, %sub3A_2975, %ge3A_2977 : vector<16xi32>
        %jit3A_2979 = arith.constant 1 : i32
        %jit3A_2980 = arith.constant 0 : i32
        %broadcast_in_dim3A_2981 = vector.broadcast %jit3A_2979 : i32 to vector<16xi32>
        %broadcast_in_dim3A_2982 = vector.broadcast %jit3A_2980 : i32 to vector<16xi32>
        %select_n3A_2983 = arith.select %ge3A_2978, %broadcast_in_dim3A_2981, %broadcast_in_dim3A_2982 : vector<16xi1>, vector<16xi32>
        %add3A_2984 = arith.addi %convert_element_type3A_2971, %select_n3A_2983 : vector<16xi32>
        %lt3A_2985 = arith.constant 0 : i32
        %lt3A_2986 = vector.broadcast %lt3A_2985 : i32 to vector<16xi32>
        %lt3A_2987 = arith.cmpi slt, %sub3A_2975, %lt3A_2986 : vector<16xi32>
        %jit3A_2988 = arith.constant 1 : i32
        %jit3A_2989 = arith.constant 0 : i32
        %broadcast_in_dim3A_2990 = vector.broadcast %jit3A_2988 : i32 to vector<16xi32>
        %broadcast_in_dim3A_2991 = vector.broadcast %jit3A_2989 : i32 to vector<16xi32>
        %select_n3A_2992 = arith.select %lt3A_2987, %broadcast_in_dim3A_2990, %broadcast_in_dim3A_2991 : vector<16xi1>, vector<16xi32>
        %sub3A_2993 = arith.subi %add3A_2984, %select_n3A_2992 : vector<16xi32>
        %add3A_2994 = arith.constant 2 : i32
        %add3A_2995 = vector.broadcast %add3A_2994 : i32 to vector<16xi32>
        %add3A_2996 = arith.addi %add3A_2966, %add3A_2995 : vector<16xi32>
        %mul3A_2997 = arith.constant 2 : i32
        %mul3A_2998 = vector.broadcast %mul3A_2997 : i32 to vector<16xi32>
        %mul3A_2999 = arith.muli %mul3A_2998, %sub3A_2993 : vector<16xi32>
        %add3A_3000 = arith.addi %add3A_2996, %mul3A_2999 : vector<16xi32>
        %swap3A_3001 = arith.constant 2 : i32
        %swap3A_3002 = arith.index_cast %swap3A_3001 : i32 to index
        %swap3A_3003 = arith.constant 80 : index
        %swap3A_3004 = tpu.vector_load %arg11[%swap3A_3002, %swap3A_3003] {strides = array<i32>} : memref<4x128xi32, #tpu.memory_space<vmem>>, vector<1x16xi32>,
        %swap3A_3005 = vector.shape_cast %swap3A_3004 : vector<1x16xi32> to vector<16xi32>
        %swap3A_3006 = vector.shape_cast %add3A_3000 : vector<16xi32> to vector<1x16xi32>
        tpu.vector_store %arg11[%swap3A_3002, %swap3A_3003], %swap3A_3006 {strides = array<i32>} : memref<4x128xi32, #tpu.memory_space<vmem>>, vector<1x16xi32>,
        %add3A_3007 = arith.constant 96 : i32
        %add3A_3008 = vector.broadcast %add3A_3007 : i32 to vector<16xi32>
        %add3A_3009 = arith.addi %iota3A, %add3A_3008 : vector<16xi32>
        %mul3A_3010 = arith.constant 20 : i32
        %mul3A_3011 = arith.muli %mul3A_10, %mul3A_3010 : i32
        %mul3A_3012 = arith.constant 128 : i32
        %mul3A_3013 = arith.muli %sub3A_2690, %mul3A_3012 : i32
        %add3A_3014 = arith.addi %mul3A_3011, %mul3A_3013 : i32
        %add3A_3015 = vector.broadcast %add3A_3014 : i32 to vector<16xi32>
        %add3A_3016 = arith.addi %add3A_3015, %add3A_3009 : vector<16xi32>
        %convert_element_type3A_3017 = arith.sitofp %add3A_3016 : vector<16xi32> to vector<16xf32>
        %mul3A_3018 = arith.constant 5.000000e-02 : f32
        %mul3A_3019 = vector.broadcast %mul3A_3018 : f32 to vector<16xf32>
        %mul3A_3020 = arith.mulf %convert_element_type3A_3017, %mul3A_3019 : vector<16xf32>
        %convert_element_type3A_3021 = arith.fptosi %mul3A_3020 : vector<16xf32> to vector<16xi32>
        %mul3A_3022 = arith.constant 20 : i32
        %mul3A_3023 = vector.broadcast %mul3A_3022 : i32 to vector<16xi32>
        %mul3A_3024 = arith.muli %convert_element_type3A_3021, %mul3A_3023 : vector<16xi32>
        %sub3A_3025 = arith.subi %add3A_3016, %mul3A_3024 : vector<16xi32>
        %ge3A_3026 = arith.constant 20 : i32
        %ge3A_3027 = vector.broadcast %ge3A_3026 : i32 to vector<16xi32>
        %ge3A_3028 = arith.cmpi sge, %sub3A_3025, %ge3A_3027 : vector<16xi32>
        %jit3A_3029 = arith.constant 1 : i32
        %jit3A_3030 = arith.constant 0 : i32
        %broadcast_in_dim3A_3031 = vector.broadcast %jit3A_3029 : i32 to vector<16xi32>
        %broadcast_in_dim3A_3032 = vector.broadcast %jit3A_3030 : i32 to vector<16xi32>
        %select_n3A_3033 = arith.select %ge3A_3028, %broadcast_in_dim3A_3031, %broadcast_in_dim3A_3032 : vector<16xi1>, vector<16xi32>
        %add3A_3034 = arith.addi %convert_element_type3A_3021, %select_n3A_3033 : vector<16xi32>
        %lt3A_3035 = arith.constant 0 : i32
        %lt3A_3036 = vector.broadcast %lt3A_3035 : i32 to vector<16xi32>
        %lt3A_3037 = arith.cmpi slt, %sub3A_3025, %lt3A_3036 : vector<16xi32>
        %jit3A_3038 = arith.constant 1 : i32
        %jit3A_3039 = arith.constant 0 : i32
        %broadcast_in_dim3A_3040 = vector.broadcast %jit3A_3038 : i32 to vector<16xi32>
        %broadcast_in_dim3A_3041 = vector.broadcast %jit3A_3039 : i32 to vector<16xi32>
        %select_n3A_3042 = arith.select %lt3A_3037, %broadcast_in_dim3A_3040, %broadcast_in_dim3A_3041 : vector<16xi1>, vector<16xi32>
        %sub3A_3043 = arith.subi %add3A_3034, %select_n3A_3042 : vector<16xi32>
        %add3A_3044 = arith.constant 2 : i32
        %add3A_3045 = vector.broadcast %add3A_3044 : i32 to vector<16xi32>
        %add3A_3046 = arith.addi %add3A_3016, %add3A_3045 : vector<16xi32>
        %mul3A_3047 = arith.constant 2 : i32
        %mul3A_3048 = vector.broadcast %mul3A_3047 : i32 to vector<16xi32>
        %mul3A_3049 = arith.muli %mul3A_3048, %sub3A_3043 : vector<16xi32>
        %add3A_3050 = arith.addi %add3A_3046, %mul3A_3049 : vector<16xi32>
        %swap3A_3051 = arith.constant 2 : i32
        %swap3A_3052 = arith.index_cast %swap3A_3051 : i32 to index
        %swap3A_3053 = arith.constant 96 : index
        %swap3A_3054 = tpu.vector_load %arg11[%swap3A_3052, %swap3A_3053] {strides = array<i32>} : memref<4x128xi32, #tpu.memory_space<vmem>>, vector<1x16xi32>,
        %swap3A_3055 = vector.shape_cast %swap3A_3054 : vector<1x16xi32> to vector<16xi32>
        %swap3A_3056 = vector.shape_cast %add3A_3050 : vector<16xi32> to vector<1x16xi32>
        tpu.vector_store %arg11[%swap3A_3052, %swap3A_3053], %swap3A_3056 {strides = array<i32>} : memref<4x128xi32, #tpu.memory_space<vmem>>, vector<1x16xi32>,
        %add3A_3057 = arith.constant 112 : i32
        %add3A_3058 = vector.broadcast %add3A_3057 : i32 to vector<16xi32>
        %add3A_3059 = arith.addi %iota3A, %add3A_3058 : vector<16xi32>
        %mul3A_3060 = arith.constant 20 : i32
        %mul3A_3061 = arith.muli %mul3A_10, %mul3A_3060 : i32
        %mul3A_3062 = arith.constant 128 : i32
        %mul3A_3063 = arith.muli %sub3A_2690, %mul3A_3062 : i32
        %add3A_3064 = arith.addi %mul3A_3061, %mul3A_3063 : i32
        %add3A_3065 = vector.broadcast %add3A_3064 : i32 to vector<16xi32>
        %add3A_3066 = arith.addi %add3A_3065, %add3A_3059 : vector<16xi32>
        %convert_element_type3A_3067 = arith.sitofp %add3A_3066 : vector<16xi32> to vector<16xf32>
        %mul3A_3068 = arith.constant 5.000000e-02 : f32
        %mul3A_3069 = vector.broadcast %mul3A_3068 : f32 to vector<16xf32>
        %mul3A_3070 = arith.mulf %convert_element_type3A_3067, %mul3A_3069 : vector<16xf32>
        %convert_element_type3A_3071 = arith.fptosi %mul3A_3070 : vector<16xf32> to vector<16xi32>
        %mul3A_3072 = arith.constant 20 : i32
        %mul3A_3073 = vector.broadcast %mul3A_3072 : i32 to vector<16xi32>
        %mul3A_3074 = arith.muli %convert_element_type3A_3071, %mul3A_3073 : vector<16xi32>
        %sub3A_3075 = arith.subi %add3A_3066, %mul3A_3074 : vector<16xi32>
        %ge3A_3076 = arith.constant 20 : i32
        %ge3A_3077 = vector.broadcast %ge3A_3076 : i32 to vector<16xi32>
        %ge3A_3078 = arith.cmpi sge, %sub3A_3075, %ge3A_3077 : vector<16xi32>
        %jit3A_3079 = arith.constant 1 : i32
        %jit3A_3080 = arith.constant 0 : i32
        %broadcast_in_dim3A_3081 = vector.broadcast %jit3A_3079 : i32 to vector<16xi32>
        %broadcast_in_dim3A_3082 = vector.broadcast %jit3A_3080 : i32 to vector<16xi32>
        %select_n3A_3083 = arith.select %ge3A_3078, %broadcast_in_dim3A_3081, %broadcast_in_dim3A_3082 : vector<16xi1>, vector<16xi32>
        %add3A_3084 = arith.addi %convert_element_type3A_3071, %select_n3A_3083 : vector<16xi32>
        %lt3A_3085 = arith.constant 0 : i32
        %lt3A_3086 = vector.broadcast %lt3A_3085 : i32 to vector<16xi32>
        %lt3A_3087 = arith.cmpi slt, %sub3A_3075, %lt3A_3086 : vector<16xi32>
        %jit3A_3088 = arith.constant 1 : i32
        %jit3A_3089 = arith.constant 0 : i32
        %broadcast_in_dim3A_3090 = vector.broadcast %jit3A_3088 : i32 to vector<16xi32>
        %broadcast_in_dim3A_3091 = vector.broadcast %jit3A_3089 : i32 to vector<16xi32>
        %select_n3A_3092 = arith.select %lt3A_3087, %broadcast_in_dim3A_3090, %broadcast_in_dim3A_3091 : vector<16xi1>, vector<16xi32>
        %sub3A_3093 = arith.subi %add3A_3084, %select_n3A_3092 : vector<16xi32>
        %add3A_3094 = arith.constant 2 : i32
        %add3A_3095 = vector.broadcast %add3A_3094 : i32 to vector<16xi32>
        %add3A_3096 = arith.addi %add3A_3066, %add3A_3095 : vector<16xi32>
        %mul3A_3097 = arith.constant 2 : i32
        %mul3A_3098 = vector.broadcast %mul3A_3097 : i32 to vector<16xi32>
        %mul3A_3099 = arith.muli %mul3A_3098, %sub3A_3093 : vector<16xi32>
        %add3A_3100 = arith.addi %add3A_3096, %mul3A_3099 : vector<16xi32>
        %swap3A_3101 = arith.constant 2 : i32
        %swap3A_3102 = arith.index_cast %swap3A_3101 : i32 to index
        %swap3A_3103 = arith.constant 112 : index
        %swap3A_3104 = tpu.vector_load %arg11[%swap3A_3102, %swap3A_3103] {strides = array<i32>} : memref<4x128xi32, #tpu.memory_space<vmem>>, vector<1x16xi32>,
        %swap3A_3105 = vector.shape_cast %swap3A_3104 : vector<1x16xi32> to vector<16xi32>
        %swap3A_3106 = vector.shape_cast %add3A_3100 : vector<16xi32> to vector<1x16xi32>
        tpu.vector_store %arg11[%swap3A_3102, %swap3A_3103], %swap3A_3106 {strides = array<i32>} : memref<4x128xi32, #tpu.memory_space<vmem>>, vector<1x16xi32>,
      } else {
      }
    }
    %scan3A_2501 = arith.constant 20 : i32
    %dma_wait3A_2502 = arith.constant 0 : i32
    %dma_wait3A_2503 = arith.constant 0 : i32
    %dma_wait3A_2504 = arith.constant 0 : i32
    %dma_wait3A_2505 = arith.constant 0 : i32
    %dma_wait3A_2506 = tpu.memref_slice %arg12[%dma_wait3A_2502, %dma_wait3A_2504, %dma_wait3A_2505] : memref<4x128x32xf32, #tpu.memory_space<vmem>> -> memref<1x128x32xf32, #tpu.memory_space<vmem>>
    %dma_wait3A_2507 = tpu.memref_squeeze %dma_wait3A_2506 : memref<1x128x32xf32, #tpu.memory_space<vmem>> -> memref<128x32xf32, #tpu.memory_space<vmem>>
    %dma_wait3A_2508 = arith.constant 0 : i32
    %dma_wait3A_2509 = tpu.memref_slice %arg11[%dma_wait3A_2503, %dma_wait3A_2508] : memref<4x128xi32, #tpu.memory_space<vmem>> -> memref<1x128xi32, #tpu.memory_space<vmem>>
    %dma_wait3A_2510 = tpu.memref_squeeze %dma_wait3A_2509 : memref<1x128xi32, #tpu.memory_space<vmem>> -> memref<128xi32, #tpu.memory_space<vmem>>
    %dma_wait3A_2511 = arith.constant 0 : i32
    %dma_wait3A_2512 = arith.constant 0 : i32
    %dma_wait3A_2513 = tpu.memref_slice %arg7[%dma_wait3A_2511, %dma_wait3A_2512] : memref<360448x32xf32, #tpu.memory_space<hbm>> -> memref<360448x32xf32, #tpu.memory_space<hbm>>
    tpu.wait_indirect_dma semaphore(%arg14 : memref<!tpu.dma_semaphore, #tpu.memory_space<semaphore_mem>>) src(%dma_wait3A_2507 : memref<128x32xf32, #tpu.memory_space<vmem>>) dst(%dma_wait3A_2513 : memref<360448x32xf32, #tpu.memory_space<hbm>>)
    return
  }
}

</mosaic_0001>

<sc_bundles>
// kernel: kernel.3.cloned.1.call-start
scs
__scs_entry_jumppad:
0x0: {  	(pc) =	sbr.rel $0x88, $3  }
0x1: {  	(tag) =	ssettag $0x0;
	lr =	simm.s32 $0x1  }
0x2: {  	[smem:$0x3F9C] =	sst lr;
	_ =	strace $0xD0000000  }
0x3: {  	_ = 	snop  }
0x4: {  	_ = 	snop  }
0x5: {  	_ = 	snop  }
0x6: {  	_ = 	snop  }
0x7: {  	_ = 	snop  }
__scs_overlays_trampoline_lowered:
0x8: {  	[smem:$0x3FAB] =	sst s0  }
0x9: {  	[smem:$0x3FAC] =	sst s1  }
0xa: {  	[smem:$0x3FAD] =	sst s2  }
0xb: {  	[smem:$0x3FAE] =	sst s3  }
0xc: {  	[smem:$0x3FAF] =	sst s4  }
0xd: {  	[smem:$0x3FB0] =	sst s5  }
0xe: {  	[smem:$0x3FB1] =	sst s6  }
0xf: {  	[smem:$0x3FB2] =	sst s7  }
0x10: {  	[smem:$0x3FB3] =	sst s8  }
0x11: {  	[smem:$0x3FB4] =	sst s9;
	s0 =	simm.s32 @!p0 $0x0  }
0x12: {  	s1 =	sld [smem:$0x3F9A];
	s0 =	simm.s32 @p0 $0x1  }
0x13: {  	[smem:$0x3FB5] =	sst s0;
	s0 =	simm.s32 @!p1 $0x0  }
0x14: {  	s2 =	sld [smem:$0x3F99];
	s0 =	simm.s32 @p1 $0x1  }
0x15: {  	[smem:$0x3FB6] =	sst s0;
	s0 =	simm.s32 @!p2 $0x0  }
0x16: {  	s3 =	sld [smem:$0x3FDB];
	s0 =	simm.s32 @p2 $0x1  }
0x17: {  	s4 =	simm.s32 $0x1BF5;
	[smem:$0x3FB8] =	sst s0  }
0x18: {  	s0 =	sld [smem:$0x3F9B];
	_ =	swait.ge [sflag:s4], $0x0  }
0x19: {  	s7 =	sld [smem:$0x3F9C]  }
0x1a: {  	s8 =	sadd.s32 $0xFFFFE003, lr  }
0x1b: {  	s9 =	sadd.s32 $0xFFFFFEF7, lr;
	s5 =	simm.s32 $0xFFFFFFFF;
	p2 =	slt.u32 s8, $0xFFFFF086  }
0x1c: {  	p1 =	slt.u32 s9, $0xF7A;
	s5 =	simm.s32 @!p2 $0x0  }
0x1d: {  	s5 =	simm.s32 @p1 $0x1;
	p0 =	seq.s32 s7, s2  }
0x1e: {  	s7 =	smul.u32 @!p0 $0xF7A, s2;
	p2 =	seq.s32 @!p0 s5, $0x0  }
0x1f: {  	s9 =	smul.u32 $0xF7A, s1;
	s8 =	simm.s32 @!p0 $0x1BF5;
	p2 =	por !p2, p0  }
0x20: {  	[sflag:s8] =	ssyncset.s32 @!p0 $0xFFFFF086;
	s6 =	sadd.s32 @!p0 s3, s7;
	s7 =	simm.s32 @!p0 $0x108  }
0x21: {  	s3 =	sadd.s32 s3, s9;
	s6 =	sadd.s32 @!p0 $0x88, s6;
	s7 =	simm.s32 @p2 $0x1082  }
0x22: {  	[simem:s7], [sflag:s8] =	dma.local @!p0 [hbm:s6], $0xF7A  }
0x23: {  	s9 =	sor.u32 $0xD0000000, s2;
	s6 =	simm.s32 $0x108;
	_ =	swait.ge @!p0 [sflag:s8], $0x0  }
0x24: {  	s3 =	sadd.s32 $0x88, s3;
	s6 =	simm.s32 @!p1 $0x1082;
	[sflag:s4] =	ssyncset.s32 $0xFFFFF086  }
0x25: {  	[simem:s6], [sflag:s4] =	dma.local [hbm:s3], $0xF7A  }
0x26: {  	[smem:$0x3F9C] =	sst s1;
	(tag) =	ssettag s2;
	_ =	strace s9  }
0x27: {  	s1 =	sld [smem:$0x3FAC]  }
0x28: {  	s2 =	sld [smem:$0x3FAD]  }
0x29: {  	s4 =	sld [smem:$0x3FAF]  }
0x2a: {  	p0 =	seq.s32 s5, $0x0;
	s5 =	sld [smem:$0x3FB0]  }
0x2b: {  	s6 =	sld [smem:$0x3FB1]  }
0x2c: {  	s7 =	sld [smem:$0x3FB2]  }
0x2d: {  	s3 =	simm.s32 $0x108;
	s8 =	sld [smem:$0x3FB3]  }
0x2e: {  	s3 =	simm.s32 @!p0 $0x1082;
	s9 =	sld [smem:$0x3FB4]  }
0x2f: {  	lr =	sadd.s32 s0, s3;
	s0 =	sld [smem:$0x3FAB]  }
0x30: {  	s3 =	sld [smem:$0x3FAE]  }
0x31: {  	[smem:$0x3FB7] =	sst s10  }
0x32: {  	s10 =	sld [smem:$0x3FB5];
	_ =	sdelay $0x3  }
0x33: {  	p0 =	seq.s32 s10, $0x1;
	s10 =	sld [smem:$0x3FB7];
	_ =	sdelay $0x3  }
0x34: {  	[smem:$0x3FB7] =	sst s10  }
0x35: {  	s10 =	sld [smem:$0x3FB6];
	_ =	sdelay $0x3  }
0x36: {  	p1 =	seq.s32 s10, $0x1;
	s10 =	sld [smem:$0x3FB7];
	_ =	sdelay $0x3  }
0x37: {  	[smem:$0x3FB7] =	sst s10  }
0x38: {  	s10 =	sld [smem:$0x3FB8]  }
0x39: {  	_ = 	snop;
	(pc) =	sbr.ind lr, $3  }
0x3a: {  	_ = 	snop  }
0x3b: {  	_ = 	snop  }
0x3c: {  	p2 =	seq.s32 s10, $0x1;
	s10 =	sld [smem:$0x3FB7]  }
0x3d: {  	_ =	shalt  }
0x3e: {  	_ =	shalt  }
0x3f: {  	_ =	shalt  }
0x40: {  	_ =	shalt  }
0x41: {  	_ =	shalt  }
0x42: {  	_ =	shalt  }
0x43: {  	_ =	shalt  }
0x44: {  	_ =	shalt  }
0x45: {  	_ =	shalt  }
0x46: {  	_ =	shalt  }
0x47: {  	_ =	shalt  }
0x48: {  	_ =	shalt  }
0x49: {  	_ =	shalt  }
0x4a: {  	_ =	shalt  }
0x4b: {  	_ =	shalt  }
0x4c: {  	_ =	shalt  }
0x4d: {  	_ =	shalt  }
0x4e: {  	_ =	shalt  }
0x4f: {  	_ =	shalt  }
0x50: {  	_ =	shalt  }
0x51: {  	_ =	shalt  }
0x52: {  	_ =	shalt  }
0x53: {  	_ =	shalt  }
0x54: {  	_ =	shalt  }
0x55: {  	_ =	shalt  }
0x56: {  	_ =	shalt  }
0x57: {  	_ =	shalt  }
0x58: {  	_ =	shalt  }
0x59: {  	_ =	shalt  }
0x5a: {  	_ =	shalt  }
0x5b: {  	_ =	shalt  }
0x5c: {  	_ =	shalt  }
0x5d: {  	_ =	shalt  }
0x5e: {  	_ =	shalt  }
0x5f: {  	_ =	shalt  }
0x60: {  	_ =	shalt  }
0x61: {  	_ =	shalt  }
0x62: {  	_ =	shalt  }
0x63: {  	_ =	shalt  }
0x64: {  	_ =	shalt  }
0x65: {  	_ =	shalt  }
0x66: {  	_ =	shalt  }
0x67: {  	_ =	shalt  }
0x68: {  	_ =	shalt  }
0x69: {  	_ =	shalt  }
0x6a: {  	_ =	shalt  }
0x6b: {  	_ =	shalt  }
0x6c: {  	_ =	shalt  }
0x6d: {  	_ =	shalt  }
0x6e: {  	_ =	shalt  }
0x6f: {  	_ =	shalt  }
0x70: {  	_ =	shalt  }
0x71: {  	_ =	shalt  }
0x72: {  	_ =	shalt  }
0x73: {  	_ =	shalt  }
0x74: {  	_ =	shalt  }
0x75: {  	_ =	shalt  }
0x76: {  	_ =	shalt  }
0x77: {  	_ =	shalt  }
0x78: {  	_ =	shalt  }
0x79: {  	_ =	shalt  }
0x7a: {  	_ =	shalt  }
0x7b: {  	_ =	shalt  }
0x7c: {  	_ =	shalt  }
0x7d: {  	_ =	shalt  }
0x7e: {  	_ =	shalt  }
0x7f: {  	_ =	shalt  }
0x80: {  	_ =	shalt  }
0x81: {  	_ =	shalt  }
0x82: {  	_ =	shalt  }
0x83: {  	_ =	shalt  }
0x84: {  	_ =	shalt  }
0x85: {  	_ =	shalt  }
0x86: {  	_ =	shalt  }
0x87: {  	_ =	shalt  }
.Lfunc_end0:
.L_simem_size_0:
called_computation.1_lowered:
.L_overlay_start_0:
0x88: {  	s2 =	sld [smem:$0x3FD9]  }
0x89: {  	s3 =	sld [smem:$0x3FFE];
	_ =	sdelay $0x1  }
0x8a: {  	s1 =	srdreg.scid  }
0x8b: {  	s0 =	sand.u32 $0x1, s1  }
0x8c: {  	s17 =	sshll.u32 s0, $0xA;
	s2 =	sadd.s32 s3, s2  }
0x8d: {  	s2 =	sadd.s32 s2, s17  }
0x8e: {  	[smem:$0x3FC3] =	sst s2  }
0x8f: {  	_ = 	snop  }
0x90: {  	s2 =	sld [smem:$0x3FC9]  }
0x91: {  	s18 =	sld [smem:$0x3FC8]  }
0x92: {  	s4 =	sld [smem:$0x3FD0];
	(tm) =	ssettm $0x1  }
0x93: {  	s5 =	sld [smem:$0x3FFB];
	_ =	sdelay $0x3  }
0x94: {  	_ =	strace s5  }
0x95: {  	s5 =	sld [smem:$0x3FFC];
	_ =	sdelay $0x3  }
0x96: {  	_ =	strace s5  }
0x97: {  	s5 =	sld [smem:$0x3FFD];
	_ =	sdelay $0x3  }
0x98: {  	_ =	strace s5  }
0x99: {  	_ =	strace $0x8FFFFFFF  }
0x9a: {  	s19 =	sld [smem:$0x3FDB];
	_ =	sdelay $0x1  }
0x9b: {  	s6 =	simm.s32 $_scs_section_size  }
0x9c: {  	s7 =	simm.s32 $_size__tile_overlayer_lowered;
	s8 =	simm.s32 $_tile_overlayer_lowered  }
0x9d: {  	s22 =	simm.s32 $0x1BFF;
	s21 =	sshll.u32 s8, $0x1;
	s5 =	sadd.s32 s6, s19  }
0x9e: {  	s9 =	simm.s32 $0x0;
	s20 =	sshll.u32 s7, $0x1;
	s7 =	sadd.s32 s21, s5  }
0x9f: {  	[timem:s9], [sflag:s22] =	dma.local [hbm:s7], s20  }
0xa0: {  	_ =	swait.ge [sflag:s22], s20  }
0xa1: {  	s6 =	ssub.s32 $0x0, s20;
	[sflag:s22] =	ssyncset.done $0x0  }
0xa2: {  	[sflag:s22] =	ssyncadd.s32 s6;
	_ =	sdelay $0x1  }
0xa3: {  	s23 =	simm.s32 $0x1B8B  }
0xa4: {  	_ =	swait.ge [sflag:s23], $0x1  }
0xa5: {  	[sflag:s23] =	ssyncset.done $0x0  }
0xa6: {  	s25 =	simm.s32 $0x1B8E;
	s24 =	sld [smem:$0x3FFE];
	[sflag:s23] =	ssyncadd.s32 $0xFFFFFFFF  }
0xa7: {  	s26 =	simm.s32 $execute0_lowered;
	[smem:$0x3FD2] =	sst s25  }
0xa8: {  	s7 =	sshll.u32 s26, $0x1;
	_ =	strace $0x80000046;
	[dreg:$0x1] =	wrdreg $0xFFFFFFFF  }
0xa9: {  	s28 =	simm.s32 $_size_execute0_lowered;
	s5 =	sadd.s32 s5, s7;
	[dreg:$0x0] =	wrdreg $0x0  }
0xaa: {  	s7 =	sshll.u32 s28, $0x1;
	[dreg:$0x2] =	wrdreg s5  }
0xab: {  	[dreg:$0x3] =	wrdreg s7  }
0xac: {  	[dreg:$0x4] =	wrdreg $0xC0  }
0xad: {  	_ =	task [dreg:s9], $0x5FFFF  }
0xae: {  	[dreg:$0x1] =	wrdreg $0xFFFFFFFF  }
0xaf: {  	[dreg:$0x0] =	wrdreg $0x60  }
0xb0: {  	[dreg:$0x2] =	wrdreg s2  }
0xb1: {  	[dreg:$0x3] =	wrdreg s18  }
0xb2: {  	[dreg:$0x4] =	wrdreg s24  }
0xb3: {  	[dreg:$0x5] =	wrdreg s4  }
0xb4: {  	[dreg:$0x6] =	wrdreg $0x9  }
0xb5: {  	_ =	task.clear_ibuf [dreg:s9], $0x7FFFF;
	_ =	strace $0x90000046  }
0xb6: {  	s29 =	simm.s32 $0x9;
	_ =	strace $0x80000048  }
0xb7: {  	_ =	swait.ge [sflag:s29], $0x1  }
0xb8: {  	[sflag:s29] =	ssyncadd.s32 $0xFFFFFFFF  }
0xb9: {  	_ =	strace $0x90000048  }
0xba: {  	_ =	sfence  }
0xbb: {  	s30 =	sld [smem:$0x0];
	_ =	sdelay $0x2  }
0xbc: {  	s31 =	sshll.u32 s1, $0xD;
	s1 =	sshrl.u32 s1, $0x2  }
0xbd: {  	s3 =	sand.u32 $0x4000, s31;
	s1 =	sadd.s32 s1, s30  }
0xbe: {  	s0 =	sor.u32 s3, s0;
	s1 =	sshll.u32 s1, $0x11  }
0xbf: {  	s0 =	sor.u32 s1, s0  }
0xc0: {  	s0 =	sadd.s32 $0x8F2B, s0  }
0xc1: {  	[sflag:s0] =	ssyncadd.remote.s32 $0x1  }
0xc2: {  	_ =	sfence.sel $0xFFFF  }
0xc3: {  	[dreg:$0x0] =	wrdreg $0xFFFFFFFF;
	(pc) =	sbr.abs _section_cstart, $3  }
0xc4: {  	[dreg:$0x1] =	wrdreg $0xFFFFFFFF  }
0xc5: {  	_ =	task.clear_ibuf [dreg:s9], $0x2FFFF;
	_ =	strace $0x9FFFFFFF  }
0xc6: {  	(tm) =	ssettm $0x7FFFFFFF  }
0xc7: {  	_ =	shalt  }
tec
execute0_lowered:
.L_overlay_start_1:
0x0: {  	(tag) =	ssettag $0x1  }
0x1: {  	s0 =	srdreg.scid;
	s12 =	stileid.u32  }
0x2: {  	s0 =	sand.u32 $0x1, s0;
	s1 =	sshll.u32 s12, $0x1  }
0x3: {  	s1 =	sor.u32 s0, s1  }
0x4: {  	s2 =	sshll.u32 s1, $0x9  }
0x5: {  	v0 =	vmov s2  }
0x6: {  	v1 =	vmul.u32 $0x16, v0  }
0x7: {  	v0 =	vlaneseq.u32  }
0x8: {  	v2 =	vmul.u32 $0x16, v0;
	v1 =	vbroadcast v1, $0x0;
	_ =	sdelay $0x1  }
0x9: {  	v3 =	vor.u32 v2, v1  }
0xa: {  	[tilespmem:$0x1FC50] =	vst v3;
	v3 =	vadd.s32 $0x160, v2  }
0xb: {  	v4 =	vor.u32 v3, v1  }
0xc: {  	[tilespmem:$0x1FC60] =	vst v4;
	v4 =	vadd.s32 $0x2C0, v2  }
0xd: {  	v5 =	vadd.s32 $0x420, v2;
	v6 =	vadd.s32 v4, v1  }
0xe: {  	s3 =	sor.u32 $0x80, s2;
	v7 =	vadd.s32 $0x580, v2;
	[tilespmem:$0x1FC70] =	vst v6;
	v6 =	vadd.s32 v5, v1  }
0xf: {  	v8 =	vadd.s32 $0x6E0, v2;
	v9 =	vadd.s32 v7, v1;
	[tilespmem:$0x1FC80] =	vst v6;
	v6 =	vmov s3  }
0x10: {  	[tilespmem:$0x1FC90] =	vst v9;
	v9 =	vadd.s32 v8, v1;
	v6 =	vmul.u32 $0x16, v6  }
0x11: {  	[tilespmem:$0x1FCA0] =	vst v9;
	v9 =	vadd.s32 $0x840, v2  }
0x12: {  	v10 =	vadd.s32 $0x9A0, v2;
	v12 =	vadd.s32 v9, v1;
	v6 =	vbroadcast v6, $0x0  }
0x13: {  	[tilespmem:$0x1FCB0] =	vst v12;
	v12 =	vadd.s32 v10, v1  }
0x14: {  	[tilespmem:$0x1FCC0] =	vst v12;
	v12 =	vadd.s32 v2, v6  }
0x15: {  	v13 =	vadd.s32 v7, v6;
	[tilespmem:$0x1FCD0] =	vst v12  }
0x16: {  	s30 =	sor.u32 $0x100, s2;
	v12 =	vadd.s32 v3, v6;
	[tilespmem:$0x1FD10] =	vst v13  }
0x17: {  	v11 =	vmov s30;
	v13 =	vadd.s32 v8, v6;
	[tilespmem:$0x1FCE0] =	vst v12  }
0x18: {  	v11 =	vmul.u32 $0x16, v11;
	v12 =	vadd.s32 v4, v6;
	[tilespmem:$0x1FD20] =	vst v13  }
0x19: {  	v13 =	vadd.s32 v9, v6;
	[tilespmem:$0x1FCF0] =	vst v12  }
0x1a: {  	v11 =	vbroadcast v11, $0x0;
	v12 =	vadd.s32 v5, v6;
	[tilespmem:$0x1FD30] =	vst v13  }
0x1b: {  	v13 =	vadd.s32 v10, v6;
	[tilespmem:$0x1FD00] =	vst v12  }
0x1c: {  	s2 =	sor.u32 $0x180, s2;
	[tilespmem:$0x1FD40] =	vst v13;
	v13 =	vor.u32 v2, v11  }
0x1d: {  	v12 =	vmov s2;
	[tilespmem:$0x1FD50] =	vst v13;
	v13 =	vadd.s32 v3, v11  }
0x1e: {  	v12 =	vmul.u32 $0x16, v12;
	[tilespmem:$0x1FD60] =	vst v13;
	v13 =	vadd.s32 v4, v11  }
0x1f: {  	[tilespmem:$0x1FD70] =	vst v13;
	v13 =	vadd.s32 v5, v11  }
0x20: {  	v12 =	vbroadcast v12, $0x0;
	[tilespmem:$0x1FD80] =	vst v13;
	v13 =	vadd.s32 v7, v11  }
0x21: {  	[tilespmem:$0x1FD90] =	vst v13;
	v13 =	vadd.s32 v8, v11  }
0x22: {  	v3 =	vadd.s32 v3, v12;
	[tilespmem:$0x1FDA0] =	vst v13  }
0x23: {  	v13 =	vadd.s32 v9, v11;
	[tilespmem:$0x1FDE0] =	vst v3  }
0x24: {  	v3 =	vadd.s32 v4, v12;
	[tilespmem:$0x1FDB0] =	vst v13  }
0x25: {  	v4 =	vadd.s32 v9, v12;
	[tilespmem:$0x1FDF0] =	vst v3  }
0x26: {  	v13 =	vadd.s32 v10, v11;
	[tilespmem:$0x1FE30] =	vst v4  }
0x27: {  	v3 =	vadd.s32 v5, v12;
	[tilespmem:$0x1FDC0] =	vst v13  }
0x28: {  	v9 =	vadd.s32 $0x2C1, v2;
	v4 =	vadd.s32 v10, v12;
	[tilespmem:$0x1FE00] =	vst v3  }
0x29: {  	v14 =	vadd.s32 v9, v1;
	[tilespmem:$0x1FE40] =	vst v4  }
0x2a: {  	v3 =	vadd.s32 v7, v12;
	[tilespmem:$0x1FE70] =	vst v14  }
0x2b: {  	[tilespmem:$0x1FE10] =	vst v3;
	v3 =	vadd.s32 v8, v12  }
0x2c: {  	v13 =	vadd.s32 v2, v12;
	[tilespmem:$0x1FE20] =	vst v3;
	v3 =	vor.u32 $0x1, v2  }
0x2d: {  	s4 =	smul.u32 $0x2800, s1;
	v10 =	vadd.s32 $0x421, v2;
	[tilespmem:$0x1FDD0] =	vst v13;
	v4 =	vor.u32 v3, v1  }
0x2e: {  	v34 =	vor.u32 $0x10, v0;
	v14 =	vadd.s32 v10, v1;
	[tilespmem:$0x1FE50] =	vst v4;
	v4 =	vadd.s32 $0x161, v2  }
0x2f: {  	v5 =	vor.u32 s4, v0;
	[tilespmem:$0x1FE80] =	vst v14;
	v14 =	vadd.s32 $0x581, v2;
	v7 =	vor.u32 v4, v1  }
0x30: {  	v15 =	vadd.s32 $0x6E1, v2;
	v16 =	vadd.s32 v14, v1;
	[tilespmem:$0x1FE60] =	vst v7;
	v7 =	vcvt.s32.f32 v5  }
0x31: {  	v8 =	vor.u32 s4, v34;
	[tilespmem:$0x1FE90] =	vst v16;
	v16 =	vadd.s32 v15, v1  }
0x32: {  	v13 =	vcvt.s32.f32 v8;
	[tilespmem:$0x1FEA0] =	vst v16;
	v16 =	vadd.s32 $0x841, v2;
	v7 =	vmul.f32 $5.000000070e-02, v7  }
0x33: {  	v17 =	vadd.s32 v16, v1  }
0x34: {  	v13 =	vmul.f32 $5.000000070e-02, v13;
	[tilespmem:$0x1FEB0] =	vst v17;
	v17 =	vadd.s32 $0x9A1, v2;
	v7 =	vtrunc.f32 v7  }
0x35: {  	v1 =	vadd.s32 v17, v1;
	v7 =	vcvt.f32.s32 v7  }
0x36: {  	v13 =	vtrunc.f32 v13;
	[tilespmem:$0x1FEC0] =	vst v1;
	v1 =	vadd.s32 v3, v6  }
0x37: {  	v2 =	vcvt.f32.s32 v13;
	v13 =	vadd.s32 v4, v6;
	[tilespmem:$0x1FED0] =	vst v1;
	v1 =	vmul.u32 $0xFFFFFFEC, v7  }
0x38: {  	[tilespmem:$0x1FEE0] =	vst v13;
	v13 =	vadd.s32 v9, v6  }
0x39: {  	v18 =	vadd.s32 v10, v6;
	[tilespmem:$0x1FEF0] =	vst v13;
	v13 =	vmul.u32 $0xFFFFFFEC, v2;
	v1 =	vadd.s32 v5, v1  }
0x3a: {  	[tilespmem:$0x1FF00] =	vst v18;
	v5 =	vadd.s32 v15, v6;
	vm0 =	vgt.s32 v1, $0x13;
	v1 =	vshra.s32 v1, $0x1F  }
0x3b: {  	[tilespmem:$0x1FF20] =	vst v5;
	v5 =	vadd.s32 v8, v13;
	v8 =	vadd.s32 v16, v6;
	v7 =	vadd.s32 v7, v1  }
0x3c: {  	[tilespmem:$0x1FF30] =	vst v8;
	vm1 =	vgt.s32 v5, $0x13;
	v1 =	vshra.s32 v5, $0x1F;
	v5 =	vor.u32 v3, v11  }
0x3d: {  	[tilespmem:$0x1FF50] =	vst v5;
	v8 =	vadd.s32 v2, v1;
	v1 =	vadd.s32 v4, v11  }
0x3e: {  	[tilespmem:$0x1FF60] =	vst v1;
	v1 =	vadd.s32 v9, v11  }
0x3f: {  	[tilespmem:$0x1FF70] =	vst v1;
	v1 =	vadd.s32 v10, v11  }
0x40: {  	s9 =	sor.u32 $0x80, s4;
	s17 =	sor.u32 $0x100, s4;
	v57 =	vor.u32 $0x20, v0;
	v59 =	vor.u32 $0x30, v0;
	[tilespmem:$0x1FF80] =	vst v1;
	v1 =	vadd.s32 v14, v11  }
0x41: {  	v23 =	vor.u32 s9, v0;
	v33 =	vor.u32 s17, v0;
	[tilespmem:$0x1FF90] =	vst v1;
	v1 =	vadd.s32 v15, v11  }
0x42: {  	v25 =	vor.u32 s9, v34;
	v26 =	vor.u32 s9, v57;
	[tilespmem:$0x1FFA0] =	vst v1;
	v1 =	vadd.s32 v16, v11  }
0x43: {  	v63 =	vadd.s32 v10, v12;
	v13 =	vor.u32 s4, v59;
	[tilespmem:$0x1FFB0] =	vst v1;
	v1 =	vadd.s32 v17, v11  }
0x44: {  	v11 =	vor.u32 s4, v57;
	[tilespmem:$0x1FFC0] =	vst v1;
	v1 =	vadd.s32 v3, v12;
	v3 =	vcvt.s32.f32 v13  }
0x45: {  	v18 =	vadd.s32 v14, v6;
	v2 =	vadd.s32 v4, v12;
	[tilespmem:$0x1FFD0] =	vst v1;
	v1 =	vcvt.s32.f32 v11  }
0x46: {  	v6 =	vadd.s32 v17, v6;
	[tilespmem:$0x1FFE0] =	vst v2;
	v2 =	vadd.s32 v9, v12;
	v5 =	vmul.f32 $5.000000070e-02, v3  }
0x47: {  	[tilespmem:$0x1FFF0] =	vst v2;
	v2 =	vadd.s32 v14, v12;
	v4 =	vmul.f32 $5.000000070e-02, v1;
	v1 =	vor.u32 $0x40, v0  }
0x48: {  	v3 =	vadd.s32 v15, v12;
	v9 =	vor.u32 s4, v1;
	v5 =	vtrunc.f32 v5  }
0x49: {  	[tilespmem:$0x1FF40] =	vst v6;
	v6 =	vtrunc.f32 v4;
	v10 =	vcvt.s32.f32 v9;
	v4 =	vadd.s32 v16, v12  }
0x4a: {  	v15 =	vcvt.f32.s32 v5;
	v5 =	vimm.s32 $0x0;
	v14 =	vcvt.f32.s32 v6  }
0x4b: {  	[tilespmem:$0x1FF10] =	vst v18;
	v18 =	vsel vm1, $0x1, v5;
	v6 =	vadd.s32 v17, v12;
	v16 =	vmul.f32 $5.000000070e-02, v10  }
0x4c: {  	v10 =	vsel vm0, $0x1, v5;
	v12 =	vadd.s32 v18, v8;
	v19 =	vmul.u32 $0xFFFFFFEC, v14  }
0x4d: {  	v24 =	vcvt.s32.f32 v26;
	v10 =	vadd.s32 v10, v7;
	v12 =	vshll.u32 v12, $0x1  }
0x4e: {  	v8 =	vtrunc.f32 v16;
	v7 =	vadd.s32 v11, v19;
	v11 =	vmul.u32 $0xFFFFFFEC, v15  }
0x4f: {  	v16 =	vcvt.f32.s32 v8;
	vm6 =	vgt.s32 v7, $0x13;
	v7 =	vshra.s32 v7, $0x1F  }
0x50: {  	v8 =	vadd.s32 v14, v7;
	v11 =	vadd.s32 v13, v11;
	v7 =	vor.u32 $0x50, v0  }
0x51: {  	v13 =	vsel vm6, $0x1, v5;
	v14 =	vmul.u32 $0xFFFFFFEC, v16;
	v17 =	vor.u32 s4, v7  }
0x52: {  	v13 =	vadd.s32 v13, v8;
	v8 =	vshra.s32 v11, $0x1F;
	v18 =	vcvt.s32.f32 v17  }
0x53: {  	vm7 =	vgt.s32 v11, $0x13;
	v11 =	vadd.s32 v15, v8;
	v9 =	vadd.s32 v9, v14  }
0x54: {  	v14 =	vsel vm7, $0x1, v5;
	v8 =	vor.u32 $0x60, v0;
	v15 =	vmul.f32 $5.000000070e-02, v18  }
0x55: {  	v14 =	vadd.s32 v14, v11;
	vm8 =	vgt.s32 v9, $0x13;
	v11 =	vor.u32 s4, v8  }
0x56: {  	v9 =	vshra.s32 v9, $0x1F;
	v18 =	vcvt.s32.f32 v11;
	v15 =	vtrunc.f32 v15  }
0x57: {  	v16 =	vadd.s32 v16, v9;
	v9 =	vor.u32 $0x70, v0;
	v15 =	vcvt.f32.s32 v15  }
0x58: {  	v10 =	vshll.u32 v10, $0x1;
	v20 =	vor.u32 s4, v9;
	v19 =	vmul.f32 $5.000000070e-02, v18  }
0x59: {  	v18 =	vsel vm8, $0x1, v5;
	v22 =	vcvt.s32.f32 v20;
	v21 =	vmul.u32 $0xFFFFFFEC, v15  }
0x5a: {  	v18 =	vadd.s32 v18, v16;
	v16 =	vtrunc.f32 v19;
	v19 =	vcvt.s32.f32 v23  }
0x5b: {  	v16 =	vcvt.f32.s32 v16;
	v17 =	vadd.s32 v17, v21;
	v21 =	vmul.f32 $5.000000070e-02, v22  }
0x5c: {  	v19 =	vmul.f32 $5.000000070e-02, v19;
	vm9 =	vgt.s32 v17, $0x13;
	v17 =	vshra.s32 v17, $0x1F  }
0x5d: {  	v15 =	vadd.s32 v15, v17;
	v17 =	vtrunc.f32 v21;
	v21 =	vmul.u32 $0xFFFFFFEC, v16  }
0x5e: {  	v22 =	vtrunc.f32 v19;
	v19 =	vsel vm9, $0x1, v5;
	v17 =	vcvt.f32.s32 v17  }
0x5f: {  	v38 =	vor.u32 s17, v7;
	v19 =	vadd.s32 v19, v15;
	v11 =	vadd.s32 v11, v21  }
0x60: {  	v15 =	vcvt.f32.s32 v22;
	v21 =	vshra.s32 v11, $0x1F;
	v22 =	vmul.u32 $0xFFFFFFEC, v17  }
0x61: {  	vm10 =	vgt.s32 v11, $0x13;
	v11 =	vadd.s32 v16, v21;
	v16 =	vcvt.s32.f32 v25  }
0x62: {  	v21 =	vmul.u32 $0xFFFFFFEC, v15;
	v20 =	vadd.s32 v20, v22;
	v22 =	vsel vm10, $0x1, v5  }
0x63: {  	v14 =	vshll.u32 v14, $0x1;
	v16 =	vmul.f32 $5.000000070e-02, v16;
	v22 =	vadd.s32 v22, v11  }
0x64: {  	v11 =	vadd.s32 v23, v21;
	vm11 =	vgt.s32 v20, $0x13;
	v20 =	vshra.s32 v20, $0x1F  }
0x65: {  	v21 =	vmul.f32 $5.000000070e-02, v24;
	v17 =	vadd.s32 v17, v20;
	v20 =	vshra.s32 v11, $0x1F  }
0x66: {  	vm12 =	vgt.s32 v11, $0x13;
	v16 =	vtrunc.f32 v16;
	v11 =	vadd.s32 v15, v20  }
0x67: {  	v15 =	vtrunc.f32 v21;
	v21 =	vor.u32 s9, v59;
	v16 =	vcvt.f32.s32 v16  }
0x68: {  	v18 =	vshll.u32 v18, $0x1;
	v23 =	vsel vm11, $0x1, v5;
	v28 =	vcvt.s32.f32 v21  }
0x69: {  	v22 =	vshll.u32 v22, $0x1;
	v15 =	vcvt.f32.s32 v15;
	v20 =	vmul.u32 $0xFFFFFFEC, v16  }
0x6a: {  	v27 =	vsel vm12, $0x1, v5;
	v24 =	vadd.s32 v23, v17;
	v17 =	vmul.f32 $5.000000070e-02, v28  }
0x6b: {  	v23 =	vadd.s32 v27, v11;
	v11 =	vadd.s32 v25, v20;
	v20 =	vmul.u32 $0xFFFFFFEC, v15  }
0x6c: {  	v25 =	vor.u32 s9, v1;
	v17 =	vtrunc.f32 v17;
	vm13 =	vgt.s32 v11, $0x13  }
0x6d: {  	v11 =	vshra.s32 v11, $0x1F;
	v27 =	vcvt.s32.f32 v25;
	v17 =	vcvt.f32.s32 v17  }
0x6e: {  	v11 =	vadd.s32 v16, v11;
	v16 =	vadd.s32 v26, v20;
	v26 =	vsel vm13, $0x1, v5  }
0x6f: {  	v24 =	vshll.u32 v24, $0x1;
	v20 =	vmul.f32 $5.000000070e-02, v27;
	v27 =	vadd.s32 v26, v11  }
0x70: {  	vm14 =	vgt.s32 v16, $0x13;
	v11 =	vshra.s32 v16, $0x1F;
	v16 =	vmul.u32 $0xFFFFFFEC, v17  }
0x71: {  	v26 =	vor.u32 s9, v7;
	v11 =	vadd.s32 v15, v11;
	v27 =	vshll.u32 v27, $0x1  }
0x72: {  	v15 =	vtrunc.f32 v20;
	v20 =	vsel vm14, $0x1, v5;
	v27 =	vadd.s32 s9, v27  }
0x73: {  	v15 =	vcvt.f32.s32 v15;
	v28 =	vadd.s32 v20, v11;
	v11 =	vadd.s32 v21, v16  }
0x74: {  	v16 =	vcvt.s32.f32 v26;
	vm15 =	vgt.s32 v11, $0x13;
	v11 =	vshra.s32 v11, $0x1F  }
0x75: {  	v28 =	vshll.u32 v28, $0x1;
	v20 =	vmul.u32 $0xFFFFFFEC, v15;
	v11 =	vadd.s32 v17, v11  }
0x76: {  	v16 =	vmul.f32 $5.000000070e-02, v16;
	v17 =	vsel vm15, $0x1, v5;
	v28 =	vadd.s32 s9, v28  }
0x77: {  	v29 =	vadd.s32 v17, v11;
	v17 =	vor.u32 s9, v8;
	v11 =	vadd.s32 v25, v20  }
0x78: {  	v16 =	vtrunc.f32 v16;
	v21 =	vcvt.s32.f32 v17;
	v20 =	vshra.s32 v11, $0x1F  }
0x79: {  	v29 =	vshll.u32 v29, $0x1;
	vm4 =	vgt.s32 v11, $0x13;
	v11 =	vadd.s32 v15, v20  }
0x7a: {  	v15 =	vcvt.f32.s32 v16;
	v16 =	vmul.f32 $5.000000070e-02, v21;
	v21 =	vor.u32 s9, v9  }
0x7b: {  	v29 =	vadd.s32 s9, v29;
	v20 =	vsel vm4, $0x1, v5;
	v31 =	vcvt.s32.f32 v21  }
0x7c: {  	v30 =	vadd.s32 v20, v11;
	v25 =	vmul.u32 $0xFFFFFFEC, v15;
	v11 =	vtrunc.f32 v16  }
0x7d: {  	v16 =	vcvt.s32.f32 v33;
	v30 =	vshll.u32 v30, $0x1;
	v11 =	vcvt.f32.s32 v11  }
0x7e: {  	v30 =	vadd.s32 s9, v30;
	v20 =	vadd.s32 v26, v25;
	v25 =	vmul.f32 $5.000000070e-02, v31  }
0x7f: {  	v16 =	vmul.f32 $5.000000070e-02, v16;
	vm5 =	vgt.s32 v20, $0x13;
	v20 =	vshra.s32 v20, $0x1F  }
0x80: {  	v15 =	vadd.s32 v15, v20;
	v20 =	vtrunc.f32 v25;
	v25 =	vmul.u32 $0xFFFFFFEC, v11  }
0x81: {  	v16 =	vtrunc.f32 v16;
	v26 =	vsel vm5, $0x1, v5;
	v20 =	vcvt.f32.s32 v20  }
0x82: {  	v31 =	vadd.s32 v26, v15;
	v16 =	vcvt.f32.s32 v16;
	v15 =	vadd.s32 v17, v25  }
0x83: {  	v26 =	vor.u32 s17, v34;
	v31 =	vshll.u32 v31, $0x1;
	v17 =	vshra.s32 v15, $0x1F  }
0x84: {  	v25 =	vmul.u32 $0xFFFFFFEC, v20;
	vm6 =	vgt.s32 v15, $0x13;
	v15 =	vcvt.s32.f32 v26  }
0x85: {  	v31 =	vadd.s32 s9, v31;
	v11 =	vadd.s32 v11, v17;
	v32 =	vsel vm6, $0x1, v5  }
0x86: {  	v17 =	vadd.s32 v21, v25;
	v21 =	vmul.u32 $0xFFFFFFEC, v16;
	v25 =	vor.u32 s17, v57  }
0x87: {  	v15 =	vmul.f32 $5.000000070e-02, v15;
	v32 =	vadd.s32 v32, v11;
	v35 =	vcvt.s32.f32 v25  }
0x88: {  	vm7 =	vgt.s32 v17, $0x13;
	v17 =	vshra.s32 v17, $0x1F;
	v32 =	vshll.u32 v32, $0x1  }
0x89: {  	v11 =	vadd.s32 v33, v21;
	v15 =	vtrunc.f32 v15;
	v17 =	vadd.s32 v20, v17  }
0x8a: {  	v47 =	vsel vm7, $0x1, v5;
	v32 =	vadd.s32 s9, v32;
	v21 =	vmul.f32 $5.000000070e-02, v35  }
0x8b: {  	v15 =	vcvt.f32.s32 v15;
	v20 =	vshra.s32 v11, $0x1F;
	vm8 =	vgt.s32 v11, $0x13  }
0x8c: {  	v33 =	vadd.s32 v47, v17;
	v11 =	vadd.s32 v16, v20;
	v48 =	vsel vm8, $0x1, v5  }
0x8d: {  	v16 =	vtrunc.f32 v21;
	v20 =	vmul.u32 $0xFFFFFFEC, v15;
	v21 =	vor.u32 s17, v59  }
0x8e: {  	v33 =	vshll.u32 v33, $0x1;
	v16 =	vcvt.f32.s32 v16;
	v36 =	vcvt.s32.f32 v21  }
0x8f: {  	v35 =	vadd.s32 v48, v11;
	v33 =	vadd.s32 s9, v33;
	v11 =	vadd.s32 v26, v20  }
0x90: {  	v17 =	vmul.f32 $5.000000070e-02, v36;
	v20 =	vshra.s32 v11, $0x1F;
	v26 =	vmul.u32 $0xFFFFFFEC, v16  }
0x91: {  	v35 =	vshll.u32 v35, $0x1;
	vm9 =	vgt.s32 v11, $0x13;
	v11 =	vadd.s32 v15, v20  }
0x92: {  	v15 =	vor.u32 s17, v1;
	v20 =	vadd.s32 v25, v26;
	v17 =	vtrunc.f32 v17  }
0x93: {  	v25 =	vcvt.s32.f32 v15;
	vm10 =	vgt.s32 v20, $0x13;
	v20 =	vshra.s32 v20, $0x1F  }
0x94: {  	v35 =	vadd.s32 s17, v35;
	v17 =	vcvt.f32.s32 v17;
	v16 =	vadd.s32 v16, v20  }
0x95: {  	v20 =	vmul.f32 $5.000000070e-02, v25;
	v25 =	vsel vm9, $0x1, v5;
	v26 =	vsel vm10, $0x1, v5  }
0x96: {  	v49 =	vmul.u32 $0xFFFFFFEC, v17;
	v39 =	vadd.s32 v25, v11;
	v43 =	vadd.s32 v26, v16  }
0x97: {  	v11 =	vcvt.s32.f32 v38;
	v20 =	vtrunc.f32 v20;
	v55 =	vshll.u32 v39, $0x1  }
0x98: {  	v56 =	vshll.u32 v43, $0x1;
	v16 =	vadd.s32 v21, v49;
	v21 =	vor.u32 s17, v8  }
0x99: {  	v11 =	vmul.f32 $5.000000070e-02, v11;
	v36 =	vadd.s32 s17, v55;
	v25 =	vshra.s32 v16, $0x1F  }
0x9a: {  	v26 =	vcvt.s32.f32 v21;
	vm11 =	vgt.s32 v16, $0x13;
	v16 =	vadd.s32 v17, v25  }
0x9b: {  	v17 =	vcvt.f32.s32 v20;
	v11 =	vtrunc.f32 v11;
	v25 =	vor.u32 s17, v9  }
0x9c: {  	v39 =	vadd.s32 s17, v56;
	v20 =	vmul.f32 $5.000000070e-02, v26;
	v40 =	vcvt.s32.f32 v25  }
0x9d: {  	v26 =	vsel vm11, $0x1, v5;
	v11 =	vcvt.f32.s32 v11;
	v50 =	vmul.u32 $0xFFFFFFEC, v17  }
0x9e: {  	v41 =	vadd.s32 v26, v16;
	v16 =	vtrunc.f32 v20;
	v20 =	vmul.f32 $5.000000070e-02, v40  }
0x9f: {  	v26 =	vmul.u32 $0xFFFFFFEC, v11;
	v41 =	vshll.u32 v41, $0x1;
	v15 =	vadd.s32 v15, v50  }
0xa0: {  	v16 =	vcvt.f32.s32 v16;
	vm12 =	vgt.s32 v15, $0x13;
	v15 =	vshra.s32 v15, $0x1F  }
0xa1: {  	v41 =	vadd.s32 s17, v41;
	v26 =	vadd.s32 v38, v26;
	v15 =	vadd.s32 v17, v15  }
0xa2: {  	v17 =	vtrunc.f32 v20;
	v20 =	vmul.u32 $0xFFFFFFEC, v16;
	v51 =	vsel vm12, $0x1, v5  }
0xa3: {  	vm13 =	vgt.s32 v26, $0x13;
	v17 =	vcvt.f32.s32 v17;
	v52 =	vadd.s32 v51, v15  }
0xa4: {  	v15 =	vadd.s32 v21, v20;
	v20 =	vshra.s32 v26, $0x1F;
	v38 =	vshll.u32 v52, $0x1  }
0xa5: {  	v21 =	vshra.s32 v15, $0x1F;
	v26 =	vmul.u32 $0xFFFFFFEC, v17;
	v11 =	vadd.s32 v11, v20  }
0xa6: {  	vm14 =	vgt.s32 v15, $0x13;
	v20 =	vsel vm13, $0x1, v5;
	v58 =	vadd.s32 s17, v38  }
0xa7: {  	v15 =	vadd.s32 v16, v21;
	v21 =	vsel vm14, $0x1, v5;
	v53 =	vadd.s32 v20, v11  }
0xa8: {  	v20 =	vadd.s32 s4, v18;
	v18 =	vadd.s32 $0x42, v0;
	v16 =	vadd.s32 v25, v26  }
0xa9: {  	v42 =	vadd.s32 v21, v15;
	v15 =	vadd.s32 s4, v10;
	v10 =	vadd.s32 $0x2, v0  }
0xaa: {  	v21 =	vshll.u32 v19, $0x1;
	v19 =	vadd.s32 v18, v20;
	v20 =	vadd.s32 $0x52, v0  }
0xab: {  	v25 =	vadd.s32 s4, v22;
	v26 =	vadd.s32 s4, v24;
	v22 =	vshll.u32 v23, $0x1  }
0xac: {  	s6 =	rddreg [dreg:$0x0];
	v23 =	vadd.s32 $0x72, v0;
	v30 =	vadd.s32 v18, v30;
	v60 =	vshll.u32 v53, $0x1  }
0xad: {  	s7 =	rddreg [dreg:$0x1];
	v11 =	vshra.s32 v16, $0x1F;
	vm15 =	vgt.s32 v16, $0x13;
	v21 =	vadd.s32 s4, v21  }
0xae: {  	s5 =	rddreg [dreg:$0x2];
	s13 =	simm.s32 $0x400;
	v54 =	vadd.s32 s9, v22;
	v22 =	vadd.s32 $0x62, v0;
	v31 =	vadd.s32 v20, v31  }
0xaf: {  	s14 =	simm.s32 $0x80;
	s15 =	simm.s32 $0x2E00;
	s16 =	simm.s32 $0x3E00;
	v33 =	vadd.s32 v23, v33;
	v35 =	vadd.s32 v10, v35;
	v61 =	vshll.u32 v42, $0x1  }
0xb0: {  	s18 =	simm.s32 $0x4E00;
	s19 =	simm.s32 $0x1;
	s20 =	simm.s32 $0x2C00;
	v62 =	vadd.s32 s17, v60;
	v11 =	vadd.s32 v17, v11;
	v16 =	vsel vm15, $0x1, v5  }
0xb1: {  	s22 =	simm.s32 $0x5E00;
	s23 =	simm.s32 $0x2;
	s24 =	simm.s32 $0x2C80;
	v17 =	vadd.s32 s4, v14;
	v14 =	vadd.s32 $0x22, v0;
	v21 =	vadd.s32 v20, v21  }
0xb2: {  	s25 =	simm.s32 $0x2D00;
	s26 =	simm.s32 $0x2D80;
	s10 =	ssub.s32 $0x2, s0;
	v24 =	vadd.s32 v22, v25;
	v25 =	vadd.s32 v23, v26;
	v26 =	vadd.s32 v10, v54  }
0xb3: {  	s31 =	simm.s32 $0x480;
	s12 =	smul.u32 $0x5000, s12;
	s11 =	sshrl.u32 s10, $0x1;
	v32 =	vadd.s32 v22, v32;
	v44 =	vadd.s32 s17, v61;
	v40 =	vadd.s32 v20, v62  }
0xb4: {  	s0 =	smul.u32 $0x2800, s0;
	s1 =	sshll.u32 s1, $0x6;
	s10 =	ssub.s32 s10, s11;
	v37 =	vadd.s32 v16, v11;
	v11 =	vadd.s32 v10, v15;
	v15 =	vadd.s32 s4, v12  }
0xb5: {  	s6 =	sadd.s32 s6, s1;
	s7 =	sadd.s32 s7, s1;
	s3 =	simm.s32 $0x0;
	v16 =	vshll.u32 v13, $0x1;
	v12 =	vadd.s32 $0x12, v0;
	v28 =	vadd.s32 v14, v28  }
.Ltmp0:
0xb6: {  	s11 =	simm.s32 $0x3;
	[smem:$0x7FF] =	sst s3;
	v13 =	vadd.s32 v12, v15;
	v16 =	vadd.s32 s4, v16;
	v15 =	vadd.s32 $0x32, v0;
	(pc) =	sbr.rel .LBB2_1-.Ltmp0, $4  }
0xb7: {  	s1 =	simm.s32 $0x500;
	s2 =	rddreg [dreg:$0x3];
	_ =	strace $0x80000047;
	v27 =	vadd.s32 v12, v27;
	v36 =	vadd.s32 v12, v36;
	v37 =	vshll.u32 v37, $0x1  }
0xb8: {  	s9 =	smax.u32 s10, $0x1;
	s10 =	sadd.s32 s0, s12;
	s4 =	sshrl.u32 s4, $0x3;
	v16 =	vadd.s32 v14, v16;
	v17 =	vadd.s32 v15, v17;
	v29 =	vadd.s32 v15, v29  }
0xb9: {  	s12 =	simm.s32 $0x200;
	s8 =	sadd.s32 s4, s5;
	s4 =	sadd.s32 $0x1313800, s5;
	v45 =	vadd.s32 s17, v37;
	v37 =	vadd.s32 v14, v39;
	v38 =	vadd.s32 v15, v41  }
0xba: {  	s0 =	simm.s32 $0x0;
	s5 =	sadd.s32 $0xF42E00, s5;
	v39 =	vadd.s32 v18, v58;
	v41 =	vadd.s32 v22, v44;
	s8 =	sadd.s32 $0xA00, s8;
	v42 =	vadd.s32 v23, v45  }
.LBB2_7:
0xbb: {  	s0 =	sadd.s32 $0x1, s0  }
0xbc: {  	p0 =	sne.s32 s0, s9  }
.Ltmp1:
0xbd: {  	_ = 	snop;
	(pc) =	sbr.rel @!p0 .LBB2_8-.Ltmp1, $4  }
0xbe: {  	_ = 	snop  }
0xbf: {  	_ =	swait.ge [sflag:s23], $0x1000  }
0xc0: {  	[sflag:s23] =	ssyncset.done $0x0  }
0xc1: {  	[sflag:s23] =	ssyncadd.s32 $0xFFFFF000  }
.LBB2_1:
0xc2: {  	[tilespmem:s3], [sflag:$0x3] =	stream.linear.gather [hbm4b:s6+s3], $0x200, $0x38;
	[tilespmem:$0x6E00] =	vst v63  }
0xc3: {  	_ =	swait.ge [sflag:s11], $0x200  }
0xc4: {  	[sflag:s11] =	ssyncset.done $0x0  }
0xc5: {  	[sflag:s11] =	ssyncadd.s32 $0xFFFFFE00  }
0xc6: {  	[tilespmem:s12], [sflag:$0x3] =	stream.linear.gather [hbm4b:s7+s3], $0x200, $0x38;
	[tilespmem:$0x6E00] =	vst v63  }
0xc7: {  	_ =	swait.ge [sflag:s11], $0x200  }
0xc8: {  	[sflag:s11] =	ssyncset.done $0x0  }
0xc9: {  	[sflag:s11] =	ssyncadd.s32 $0xFFFFFE00  }
0xca: {  	[tilespmem:s13], [sflag:$0x3] =	stream.linear.gather [hbm4b:s8+s3], $0x2800, $0x38;
	[tilespmem:$0x6E00] =	vst v63  }
0xcb: {  	_ =	swait.ge [sflag:s11], $0x2800  }
0xcc: {  	v43 =	vld [tilespmem:$0x1FC50]  }
0xcd: {  	v51 =	vld [tilespmem:$0x1FC60]  }
0xce: {  	[sflag:s11] =	ssyncset.done $0x0;
	v52 =	vld [tilespmem:$0x1FC70]  }
0xcf: {  	v53 =	vld [tilespmem:$0x1FC80];
	[sflag:s11] =	ssyncadd.s32 $0xFFFFD800  }
0xd0: {  	v54 =	vld [tilespmem:$0x1FC90];
	[tilespmem:s15], [sflag:$0x1] =	stream.indirect.gather [hbm4b:s4+s14], $0x20, s3, s14, $0xb8  }
0xd1: {  	v55 =	vld [tilespmem:$0x1FCA0];
	[tilespmem:$0x2C00] =	vst v43  }
0xd2: {  	v56 =	vld [tilespmem:$0x1FCB0];
	[tilespmem:$0x2C10] =	vst v51  }
0xd3: {  	v58 =	vld [tilespmem:$0x1FCC0];
	[tilespmem:$0x2C20] =	vst v52  }
0xd4: {  	[tilespmem:$0x2C30] =	vst v53  }
0xd5: {  	v60 =	vld [tilespmem:$0x1FCD0];
	[tilespmem:$0x2C40] =	vst v54  }
0xd6: {  	v61 =	vld [tilespmem:$0x1FCE0];
	[tilespmem:$0x2C50] =	vst v55  }
0xd7: {  	v62 =	vld [tilespmem:$0x1FCF0];
	[tilespmem:$0x2C60] =	vst v56  }
0xd8: {  	v45 =	vld [tilespmem:$0x1FD00];
	[tilespmem:$0x2C70] =	vst v58  }
0xd9: {  	v46 =	vld [tilespmem:$0x1FD10];
	[tilespmem:s16], [sflag:$0x1] =	stream.indirect.gather [hbm4b:s4+s14], $0x20, s14, s14, $0xb8  }
0xda: {  	v47 =	vld [tilespmem:$0x1FD20];
	[tilespmem:$0x2C80] =	vst v60  }
0xdb: {  	v48 =	vld [tilespmem:$0x1FD30];
	[tilespmem:$0x2C90] =	vst v61  }
0xdc: {  	v49 =	vld [tilespmem:$0x1FD40];
	[tilespmem:$0x2CA0] =	vst v62  }
0xdd: {  	[tilespmem:$0x2CB0] =	vst v45  }
0xde: {  	v50 =	vld [tilespmem:$0x1FD50];
	[tilespmem:$0x2CC0] =	vst v46  }
0xdf: {  	v51 =	vld [tilespmem:$0x1FD60];
	[tilespmem:$0x2CD0] =	vst v47  }
0xe0: {  	v52 =	vld [tilespmem:$0x1FD70];
	[tilespmem:$0x2CE0] =	vst v48  }
0xe1: {  	s17 =	simm.s32 $0x100;
	v53 =	vld [tilespmem:$0x1FD80];
	[tilespmem:$0x2CF0] =	vst v49  }
0xe2: {  	v54 =	vld [tilespmem:$0x1FD90];
	[tilespmem:s18], [sflag:$0x1] =	stream.indirect.gather [hbm4b:s4+s14], $0x20, s17, s14, $0xb8  }
0xe3: {  	v55 =	vld [tilespmem:$0x1FDA0];
	[tilespmem:$0x2D00] =	vst v50  }
0xe4: {  	v56 =	vld [tilespmem:$0x1FDB0];
	[tilespmem:$0x2D10] =	vst v51  }
0xe5: {  	v58 =	vld [tilespmem:$0x1FDC0];
	[tilespmem:$0x2D20] =	vst v52  }
0xe6: {  	[tilespmem:$0x2D30] =	vst v53  }
0xe7: {  	[tilespmem:$0x2D40] =	vst v54  }
0xe8: {  	[tilespmem:$0x2D50] =	vst v55  }
0xe9: {  	[tilespmem:$0x2D60] =	vst v56  }
0xea: {  	[tilespmem:$0x2D70] =	vst v58  }
0xeb: {  	_ =	swait.ge [sflag:s19], $0x1000  }
0xec: {  	[sflag:s19] =	ssyncset.done $0x0;
	v60 =	vld [tilespmem:$0x1FDD0]  }
0xed: {  	v61 =	vld [tilespmem:$0x1FDE0];
	[sflag:s19] =	ssyncadd.s32 $0xFFFFF000  }
0xee: {  	v62 =	vld [tilespmem:$0x1FDF0];
	[hbm4b:s2+s14] =	stream.indirect.scatter [tilespmem:s15], [sflag:$0x2], $0x20, s20, s14, $0xb8  }
0xef: {  	s21 =	simm.s32 $0x180;
	v45 =	vld [tilespmem:$0x1FE00]  }
0xf0: {  	v46 =	vld [tilespmem:$0x1FE10];
	[tilespmem:s22], [sflag:$0x1] =	stream.indirect.gather [hbm4b:s4+s14], $0x20, s21, s14, $0xb8  }
0xf1: {  	v47 =	vld [tilespmem:$0x1FE20];
	[tilespmem:$0x2D80] =	vst v60  }
0xf2: {  	v48 =	vld [tilespmem:$0x1FE30];
	[tilespmem:$0x2D90] =	vst v61  }
0xf3: {  	v49 =	vld [tilespmem:$0x1FE40];
	[tilespmem:$0x2DA0] =	vst v62  }
0xf4: {  	[tilespmem:$0x2DB0] =	vst v45  }
0xf5: {  	[tilespmem:$0x2DC0] =	vst v46  }
0xf6: {  	[tilespmem:$0x2DD0] =	vst v47  }
0xf7: {  	[tilespmem:$0x2DE0] =	vst v48  }
0xf8: {  	[tilespmem:$0x2DF0] =	vst v49  }
0xf9: {  	_ =	swait.ge [sflag:s19], $0x1000  }
0xfa: {  	[sflag:s19] =	ssyncset.done $0x0  }
0xfb: {  	[sflag:s19] =	ssyncadd.s32 $0xFFFFF000  }
0xfc: {  	_ =	swait.ge [sflag:s23], $0x1000  }
0xfd: {  	[sflag:s23] =	ssyncset.done $0x0  }
0xfe: {  	[sflag:s23] =	ssyncadd.s32 $0xFFFFF000  }
0xff: {  	[hbm4b:s2+s14] =	stream.indirect.scatter [tilespmem:s16], [sflag:$0x2], $0x20, s24, s14, $0xb8;
	[tilespmem:$0x6E00] =	vst v63  }
0x100: {  	_ =	swait.ge [sflag:s19], $0x1000  }
0x101: {  	[sflag:s19] =	ssyncset.done $0x0  }
0x102: {  	[sflag:s19] =	ssyncadd.s32 $0xFFFFF000  }
0x103: {  	_ =	swait.ge [sflag:s23], $0x1000  }
0x104: {  	[sflag:s23] =	ssyncset.done $0x0  }
0x105: {  	[sflag:s23] =	ssyncadd.s32 $0xFFFFF000  }
0x106: {  	[hbm4b:s2+s14] =	stream.indirect.scatter [tilespmem:s18], [sflag:$0x2], $0x20, s25, s14, $0xb8;
	[tilespmem:$0x6E00] =	vst v63  }
0x107: {  	_ =	swait.ge [sflag:s19], $0x1000  }
0x108: {  	[sflag:s19] =	ssyncset.done $0x0  }
0x109: {  	[sflag:s19] =	ssyncadd.s32 $0xFFFFF000  }
0x10a: {  	_ =	swait.ge [sflag:s23], $0x1000  }
0x10b: {  	[sflag:s23] =	ssyncset.done $0x0  }
0x10c: {  	[sflag:s23] =	ssyncadd.s32 $0xFFFFF000  }
0x10d: {  	[hbm4b:s2+s14] =	stream.indirect.scatter [tilespmem:s22], [sflag:$0x2], $0x20, s26, s14, $0xb8;
	[tilespmem:$0x6E00] =	vst v63  }
0x10e: {  	_ =	swait.ge [sflag:s23], $0x1000  }
0x10f: {  	v50 =	vld [tilespmem:$0x1FE50]  }
0x110: {  	v51 =	vld [tilespmem:$0x1FE60]  }
0x111: {  	[sflag:s23] =	ssyncset.done $0x0;
	v52 =	vld [tilespmem:$0x1FE70]  }
0x112: {  	v53 =	vld [tilespmem:$0x1FE80];
	[sflag:s23] =	ssyncadd.s32 $0xFFFFF000  }
0x113: {  	v54 =	vld [tilespmem:$0x1FE90];
	[tilespmem:s15], [sflag:$0x1] =	stream.indirect.gather [hbm4b:s5+s14], $0x20, s12, s14, $0xb8  }
0x114: {  	v55 =	vld [tilespmem:$0x1FEA0];
	[tilespmem:$0x2C00] =	vst v50  }
0x115: {  	v56 =	vld [tilespmem:$0x1FEB0];
	[tilespmem:$0x2C10] =	vst v51  }
0x116: {  	v58 =	vld [tilespmem:$0x1FEC0];
	[tilespmem:$0x2C20] =	vst v52  }
0x117: {  	[tilespmem:$0x2C30] =	vst v53  }
0x118: {  	v60 =	vld [tilespmem:$0x1FED0];
	[tilespmem:$0x2C40] =	vst v54  }
0x119: {  	v61 =	vld [tilespmem:$0x1FEE0];
	[tilespmem:$0x2C50] =	vst v55  }
0x11a: {  	v62 =	vld [tilespmem:$0x1FEF0];
	[tilespmem:$0x2C60] =	vst v56  }
0x11b: {  	s28 =	simm.s32 $0x280;
	v45 =	vld [tilespmem:$0x1FF00];
	[tilespmem:$0x2C70] =	vst v58  }
0x11c: {  	v46 =	vld [tilespmem:$0x1FF10];
	[tilespmem:s16], [sflag:$0x1] =	stream.indirect.gather [hbm4b:s5+s14], $0x20, s28, s14, $0xb8  }
0x11d: {  	v47 =	vld [tilespmem:$0x1FF20];
	[tilespmem:$0x2C80] =	vst v60  }
0x11e: {  	v48 =	vld [tilespmem:$0x1FF30];
	[tilespmem:$0x2C90] =	vst v61  }
0x11f: {  	v49 =	vld [tilespmem:$0x1FF40];
	[tilespmem:$0x2CA0] =	vst v62  }
0x120: {  	[tilespmem:$0x2CB0] =	vst v45  }
0x121: {  	v50 =	vld [tilespmem:$0x1FF50];
	[tilespmem:$0x2CC0] =	vst v46  }
0x122: {  	v51 =	vld [tilespmem:$0x1FF60];
	[tilespmem:$0x2CD0] =	vst v47  }
0x123: {  	v52 =	vld [tilespmem:$0x1FF70];
	[tilespmem:$0x2CE0] =	vst v48  }
0x124: {  	s29 =	simm.s32 $0x300;
	v53 =	vld [tilespmem:$0x1FF80];
	[tilespmem:$0x2CF0] =	vst v49  }
0x125: {  	v54 =	vld [tilespmem:$0x1FF90];
	[tilespmem:s18], [sflag:$0x1] =	stream.indirect.gather [hbm4b:s5+s14], $0x20, s29, s14, $0xb8  }
0x126: {  	v55 =	vld [tilespmem:$0x1FFA0];
	[tilespmem:$0x2D00] =	vst v50  }
0x127: {  	v56 =	vld [tilespmem:$0x1FFB0];
	[tilespmem:$0x2D10] =	vst v51  }
0x128: {  	v58 =	vld [tilespmem:$0x1FFC0];
	[tilespmem:$0x2D20] =	vst v52  }
0x129: {  	[tilespmem:$0x2D30] =	vst v53  }
0x12a: {  	[tilespmem:$0x2D40] =	vst v54  }
0x12b: {  	[tilespmem:$0x2D50] =	vst v55  }
0x12c: {  	[tilespmem:$0x2D60] =	vst v56  }
0x12d: {  	[tilespmem:$0x2D70] =	vst v58  }
0x12e: {  	_ =	swait.ge [sflag:s19], $0x1000  }
0x12f: {  	[sflag:s19] =	ssyncset.done $0x0;
	v60 =	vld [tilespmem:$0x1FFD0]  }
0x130: {  	v61 =	vld [tilespmem:$0x1FFE0];
	[sflag:s19] =	ssyncadd.s32 $0xFFFFF000  }
0x131: {  	v62 =	vld [tilespmem:$0x1FFF0];
	[hbm4b:s2+s14] =	stream.indirect.scatter [tilespmem:s15], [sflag:$0x2], $0x20, s20, s14, $0xb8  }
0x132: {  	s30 =	simm.s32 $0x380  }
0x133: {  	[tilespmem:s22], [sflag:$0x1] =	stream.indirect.gather [hbm4b:s5+s14], $0x20, s30, s14, $0xb8;
	[tilespmem:$0x6E00] =	vst v63  }
0x134: {  	[tilespmem:$0x2D80] =	vst v60  }
0x135: {  	[tilespmem:$0x2D90] =	vst v61  }
0x136: {  	[tilespmem:$0x2DA0] =	vst v62  }
0x137: {  	[tilespmem:$0x2DB0] =	vst v63  }
0x138: {  	[tilespmem:$0x2DC0] =	vst v2  }
0x139: {  	[tilespmem:$0x2DD0] =	vst v3  }
0x13a: {  	[tilespmem:$0x2DE0] =	vst v4  }
0x13b: {  	[tilespmem:$0x2DF0] =	vst v6  }
0x13c: {  	_ =	swait.ge [sflag:s19], $0x1000  }
0x13d: {  	[sflag:s19] =	ssyncset.done $0x0  }
0x13e: {  	[sflag:s19] =	ssyncadd.s32 $0xFFFFF000  }
0x13f: {  	_ =	swait.ge [sflag:s23], $0x1000  }
0x140: {  	[sflag:s23] =	ssyncset.done $0x0  }
0x141: {  	[sflag:s23] =	ssyncadd.s32 $0xFFFFF000  }
0x142: {  	[hbm4b:s2+s14] =	stream.indirect.scatter [tilespmem:s16], [sflag:$0x2], $0x20, s24, s14, $0xb8;
	[tilespmem:$0x6E00] =	vst v63  }
0x143: {  	_ =	swait.ge [sflag:s19], $0x1000  }
0x144: {  	[sflag:s19] =	ssyncset.done $0x0  }
0x145: {  	[sflag:s19] =	ssyncadd.s32 $0xFFFFF000  }
0x146: {  	_ =	swait.ge [sflag:s23], $0x1000  }
0x147: {  	[sflag:s23] =	ssyncset.done $0x0  }
0x148: {  	[sflag:s23] =	ssyncadd.s32 $0xFFFFF000  }
0x149: {  	[hbm4b:s2+s14] =	stream.indirect.scatter [tilespmem:s18], [sflag:$0x2], $0x20, s25, s14, $0xb8;
	[tilespmem:$0x6E00] =	vst v63  }
0x14a: {  	_ =	swait.ge [sflag:s19], $0x1000  }
0x14b: {  	[sflag:s19] =	ssyncset.done $0x0  }
0x14c: {  	[sflag:s19] =	ssyncadd.s32 $0xFFFFF000  }
0x14d: {  	_ =	swait.ge [sflag:s23], $0x1000  }
0x14e: {  	[sflag:s23] =	ssyncset.done $0x0  }
0x14f: {  	[sflag:s23] =	ssyncadd.s32 $0xFFFFF000  }
0x150: {  	[hbm4b:s2+s14] =	stream.indirect.scatter [tilespmem:s22], [sflag:$0x2], $0x20, s26, s14, $0xb8;
	[tilespmem:$0x6E00] =	vst v63  }
0x151: {  	_ =	swait.ge [sflag:s23], $0x1000  }
0x152: {  	[sflag:s23] =	ssyncset.done $0x0  }
0x153: {  	[sflag:s23] =	ssyncadd.s32 $0xFFFFF000  }
0x154: {  	[tilespmem:s15], [sflag:$0x1] =	stream.indirect.gather [hbm4b:s5+s14], $0x20, s13, s14, $0xb8;
	[tilespmem:$0x6E00] =	vst v63  }
0x155: {  	[tilespmem:$0x2C00] =	vst v11  }
0x156: {  	[tilespmem:$0x2C10] =	vst v13  }
0x157: {  	[tilespmem:$0x2C20] =	vst v16  }
0x158: {  	[tilespmem:$0x2C30] =	vst v17  }
0x159: {  	[tilespmem:$0x2C40] =	vst v19  }
0x15a: {  	[tilespmem:$0x2C50] =	vst v21  }
0x15b: {  	[tilespmem:$0x2C60] =	vst v24  }
0x15c: {  	[tilespmem:$0x2C70] =	vst v25  }
0x15d: {  	[tilespmem:s16], [sflag:$0x1] =	stream.indirect.gather [hbm4b:s5+s14], $0x20, s31, s14, $0xb8;
	[tilespmem:$0x6E00] =	vst v63  }
0x15e: {  	[tilespmem:$0x2C80] =	vst v26  }
0x15f: {  	[tilespmem:$0x2C90] =	vst v27  }
0x160: {  	[tilespmem:$0x2CA0] =	vst v28  }
0x161: {  	[tilespmem:$0x2CB0] =	vst v29  }
0x162: {  	[tilespmem:$0x2CC0] =	vst v30  }
0x163: {  	[tilespmem:$0x2CD0] =	vst v31  }
0x164: {  	[tilespmem:$0x2CE0] =	vst v32  }
0x165: {  	[tilespmem:$0x2CF0] =	vst v33  }
0x166: {  	[tilespmem:s18], [sflag:$0x1] =	stream.indirect.gather [hbm4b:s5+s14], $0x20, s1, s14, $0xb8;
	[tilespmem:$0x6E00] =	vst v63  }
0x167: {  	[tilespmem:$0x2D00] =	vst v35  }
0x168: {  	[tilespmem:$0x2D10] =	vst v36  }
0x169: {  	[tilespmem:$0x2D20] =	vst v37  }
0x16a: {  	[tilespmem:$0x2D30] =	vst v38  }
0x16b: {  	[tilespmem:$0x2D40] =	vst v39  }
0x16c: {  	[tilespmem:$0x2D50] =	vst v40  }
0x16d: {  	[tilespmem:$0x2D60] =	vst v41  }
0x16e: {  	s17 =	simm.s32 $0x700;
	s21 =	simm.s32 $0x0;
	[tilespmem:$0x2D70] =	vst v42  }
.LBB2_2:
0x16f: {  	s28 =	sadd.s32 s21, s10  }
0x170: {  	s29 =	sadd.s32 $0x180, s28  }
0x171: {  	v43 =	vor.u32 s29, v0  }
0x172: {  	v45 =	vor.u32 s29, v34;
	v44 =	vcvt.s32.f32 v43  }
0x173: {  	v46 =	vcvt.s32.f32 v45  }
0x174: {  	v44 =	vmul.f32 $5.000000070e-02, v44  }
0x175: {  	v47 =	vor.u32 s29, v57;
	v46 =	vmul.f32 $5.000000070e-02, v46  }
0x176: {  	v49 =	vcvt.s32.f32 v47;
	v44 =	vtrunc.f32 v44  }
0x177: {  	v50 =	vor.u32 s29, v59;
	v46 =	vtrunc.f32 v46;
	v44 =	vcvt.f32.s32 v44  }
0x178: {  	v52 =	vcvt.s32.f32 v50;
	v46 =	vcvt.f32.s32 v46  }
0x179: {  	v60 =	vmul.f32 $5.000000070e-02, v49;
	v48 =	vmul.u32 $0xFFFFFFEC, v44  }
0x17a: {  	v62 =	vmul.f32 $5.000000070e-02, v52;
	v52 =	vor.u32 s29, v7;
	v61 =	vmul.u32 $0xFFFFFFEC, v46  }
0x17b: {  	v54 =	vcvt.s32.f32 v52;
	v43 =	vadd.s32 v43, v48  }
0x17c: {  	v48 =	vtrunc.f32 v60;
	v45 =	vadd.s32 v45, v61;
	vm0 =	vgt.s32 v43, $0x13  }
0x17d: {  	v43 =	vshra.s32 v43, $0x1F;
	v48 =	vcvt.f32.s32 v48;
	vm9 =	vgt.s32 v45, $0x13  }
0x17e: {  	v45 =	vshra.s32 v45, $0x1F;
	v51 =	vsel vm0, $0x1, v5;
	v43 =	vadd.s32 v44, v43  }
0x17f: {  	v56 =	vsel vm9, $0x1, v5;
	v45 =	vadd.s32 v46, v45;
	v44 =	vtrunc.f32 v62  }
0x180: {  	v46 =	vor.u32 s29, v1;
	v58 =	vmul.u32 $0xFFFFFFEC, v48;
	v44 =	vcvt.f32.s32 v44  }
0x181: {  	v60 =	vcvt.s32.f32 v46;
	v43 =	vadd.s32 v51, v43;
	v45 =	vadd.s32 v56, v45  }
0x182: {  	v43 =	vshll.u32 v43, $0x1;
	v45 =	vshll.u32 v45, $0x1;
	v47 =	vadd.s32 v47, v58  }
0x183: {  	v61 =	vmul.u32 $0xFFFFFFEC, v44;
	v62 =	vmul.f32 $5.000000070e-02, v60;
	v58 =	vmul.f32 $5.000000070e-02, v54  }
0x184: {  	v54 =	vor.u32 s29, v8;
	v43 =	vadd.s32 s29, v43;
	v45 =	vadd.s32 s29, v45  }
0x185: {  	vm10 =	vgt.s32 v47, $0x13;
	v47 =	vshra.s32 v47, $0x1F;
	v43 =	vadd.s32 v10, v43  }
0x186: {  	v53 =	vsel vm10, $0x1, v5;
	v47 =	vadd.s32 v48, v47;
	v55 =	vadd.s32 v50, v61  }
0x187: {  	v56 =	vtrunc.f32 v62;
	v50 =	vtrunc.f32 v58;
	vm11 =	vgt.s32 v55, $0x13  }
0x188: {  	v49 =	vcvt.f32.s32 v56;
	v48 =	vshra.s32 v55, $0x1F;
	v56 =	vcvt.s32.f32 v54  }
0x189: {  	v47 =	vadd.s32 v53, v47;
	v60 =	vsel vm11, $0x1, v5;
	v44 =	vadd.s32 v44, v48  }
0x18a: {  	v48 =	vcvt.f32.s32 v50;
	v50 =	vor.u32 s29, v9;
	v55 =	vmul.u32 $0xFFFFFFEC, v49  }
0x18b: {  	v61 =	vmul.f32 $5.000000070e-02, v56;
	v62 =	vcvt.s32.f32 v50;
	v44 =	vadd.s32 v60, v44  }
0x18c: {  	v47 =	vshll.u32 v47, $0x1;
	v60 =	vmul.u32 $0xFFFFFFEC, v48;
	v44 =	vshll.u32 v44, $0x1  }
0x18d: {  	v46 =	vadd.s32 v46, v55;
	v61 =	vtrunc.f32 v61;
	v62 =	vmul.f32 $5.000000070e-02, v62  }
0x18e: {  	_ =	swait.ge [sflag:s19], $0x1000;
	v55 =	vadd.s32 v12, v45;
	v44 =	vadd.s32 s29, v44;
	vm12 =	vgt.s32 v46, $0x13  }
0x18f: {  	p0 =	seq.s32 s21, $0x0;
	[sflag:s19] =	ssyncset.done $0x0;
	v46 =	vshra.s32 v46, $0x1F;
	v53 =	vcvt.f32.s32 v61;
	v60 =	vadd.s32 v52, v60  }
0x190: {  	s30 =	simm.s32 @!p0 $0x2;
	[sflag:s19] =	ssyncadd.s32 $0xFFFFF000;
	v56 =	vsel vm12, $0x1, v5;
	v46 =	vadd.s32 v49, v46;
	v61 =	vtrunc.f32 v62  }
0x191: {  	_ =	swait.ge @!p0 [sflag:s30], $0x1000;
	v52 =	vshra.s32 v60, $0x1F;
	vm13 =	vgt.s32 v60, $0x13;
	v62 =	vmul.u32 $0xFFFFFFEC, v53  }
0x192: {  	[sflag:s30] =	ssyncset.done @!p0 $0x0;
	v51 =	vcvt.f32.s32 v61;
	v46 =	vadd.s32 v56, v46;
	v48 =	vadd.s32 v48, v52  }
0x193: {  	[sflag:s30] =	ssyncadd.s32 @!p0 $0xFFFFF000;
	v49 =	vsel vm13, $0x1, v5;
	v56 =	vadd.s32 s29, v47;
	v58 =	vadd.s32 v54, v62  }
0x194: {  	[hbm4b:s2+s14] =	stream.indirect.scatter [tilespmem:s15], [sflag:$0x2], $0x20, s20, s14, $0xb8;
	v48 =	vadd.s32 v49, v48;
	v60 =	vmul.u32 $0xFFFFFFEC, v51;
	v61 =	vshra.s32 v58, $0x1F;
	[tilespmem:$0x6E00] =	vst v63  }
0x195: {  	s30 =	sadd.s32 $0xFFFFFE80, s17;
	vm14 =	vgt.s32 v58, $0x13;
	v58 =	vadd.s32 v14, v56;
	v49 =	vadd.s32 v53, v61  }
0x196: {  	[tilespmem:s22], [sflag:$0x1] =	stream.indirect.gather [hbm4b:s5+s14], $0x20, s30, s14, $0xb8;
	v50 =	vadd.s32 v50, v60;
	v62 =	vsel vm14, $0x1, v5;
	v60 =	vshll.u32 v46, $0x1;
	[tilespmem:$0x6E00] =	vst v63  }
0x197: {  	[tilespmem:$0x2D80] =	vst v43;
	v61 =	vadd.s32 v15, v44;
	vm15 =	vgt.s32 v50, $0x13;
	v50 =	vshra.s32 v50, $0x1F  }
0x198: {  	[tilespmem:$0x2D90] =	vst v55;
	v49 =	vadd.s32 v62, v49;
	v62 =	vadd.s32 s29, v60;
	v50 =	vadd.s32 v51, v50  }
0x199: {  	[tilespmem:$0x2DA0] =	vst v58;
	v54 =	vsel vm15, $0x1, v5;
	v51 =	vshll.u32 v48, $0x1;
	v52 =	vadd.s32 v18, v62  }
0x19a: {  	[tilespmem:$0x2DB0] =	vst v61;
	v50 =	vadd.s32 v54, v50;
	v53 =	vadd.s32 s29, v51;
	v54 =	vshll.u32 v49, $0x1  }
0x19b: {  	[tilespmem:$0x2DC0] =	vst v52;
	v55 =	vadd.s32 v20, v53;
	v56 =	vadd.s32 s29, v54;
	v58 =	vshll.u32 v50, $0x1  }
0x19c: {  	[tilespmem:$0x2DD0] =	vst v55;
	v60 =	vadd.s32 v22, v56;
	v61 =	vadd.s32 s29, v58  }
0x19d: {  	[tilespmem:$0x2DE0] =	vst v60;
	v62 =	vadd.s32 v23, v61  }
0x19e: {  	[tilespmem:$0x2DF0] =	vst v62  }
0x19f: {  	_ =	swait.ge [sflag:s19], $0x1000  }
0x1a0: {  	p0 =	seq.s32 s21, $0x2600;
	[sflag:s19] =	ssyncset.done $0x0  }
.Ltmp2:
0x1a1: {  	[sflag:s19] =	ssyncadd.s32 $0xFFFFF000;
	(pc) =	sbr.rel @!p0 .LBB2_3-.Ltmp2, $4  }
0x1a2: {  	_ =	swait.ge [sflag:s23], $0x1000  }
0x1a3: {  	[sflag:s23] =	ssyncset.done $0x0  }
0x1a4: {  	[sflag:s23] =	ssyncadd.s32 $0xFFFFF000  }
0x1a5: {  	[hbm4b:s2+s14] =	stream.indirect.scatter [tilespmem:s16], [sflag:$0x2], $0x20, s24, s14, $0xb8;
	[tilespmem:$0x6E00] =	vst v63  }
0x1a6: {  	_ =	swait.ge [sflag:s19], $0x1000  }
0x1a7: {  	[sflag:s19] =	ssyncset.done $0x0  }
.Ltmp3:
0x1a8: {  	[sflag:s19] =	ssyncadd.s32 $0xFFFFF000;
	(pc) =	sbr.rel .LBB2_5-.Ltmp3, $4  }
0x1a9: {  	_ =	swait.ge [sflag:s23], $0x1000  }
0x1aa: {  	[sflag:s23] =	ssyncset.done $0x0  }
0x1ab: {  	[sflag:s23] =	ssyncadd.s32 $0xFFFFF000  }
0x1ac: {  	[hbm4b:s2+s14] =	stream.indirect.scatter [tilespmem:s18], [sflag:$0x2], $0x20, s25, s14, $0xb8;
	[tilespmem:$0x6E00] =	vst v63  }
.LBB2_3:
0x1ad: {  	s30 =	sadd.s32 $0x200, s28  }
0x1ae: {  	v43 =	vor.u32 s30, v0  }
0x1af: {  	v45 =	vor.u32 s30, v34;
	v44 =	vcvt.s32.f32 v43  }
0x1b0: {  	v46 =	vcvt.s32.f32 v45  }
0x1b1: {  	v44 =	vmul.f32 $5.000000070e-02, v44  }
0x1b2: {  	v47 =	vor.u32 s30, v57;
	v46 =	vmul.f32 $5.000000070e-02, v46  }
0x1b3: {  	v49 =	vcvt.s32.f32 v47;
	v44 =	vtrunc.f32 v44  }
0x1b4: {  	v56 =	vor.u32 s30, v59;
	v46 =	vtrunc.f32 v46;
	v44 =	vcvt.f32.s32 v44  }
0x1b5: {  	v50 =	vcvt.s32.f32 v56;
	v46 =	vcvt.f32.s32 v46  }
0x1b6: {  	v62 =	vmul.f32 $5.000000070e-02, v49;
	v48 =	vmul.u32 $0xFFFFFFEC, v44  }
0x1b7: {  	v58 =	vmul.f32 $5.000000070e-02, v50;
	v54 =	vmul.u32 $0xFFFFFFEC, v46  }
0x1b8: {  	v50 =	vor.u32 s30, v7;
	v53 =	vtrunc.f32 v62;
	v43 =	vadd.s32 v43, v48  }
0x1b9: {  	v45 =	vadd.s32 v45, v54;
	vm0 =	vgt.s32 v43, $0x13;
	v43 =	vshra.s32 v43, $0x1F  }
0x1ba: {  	vm13 =	vgt.s32 v45, $0x13;
	v45 =	vshra.s32 v45, $0x1F;
	v52 =	vsel vm0, $0x1, v5  }
0x1bb: {  	v43 =	vadd.s32 v44, v43;
	v44 =	vcvt.f32.s32 v53;
	v51 =	vsel vm13, $0x1, v5  }
0x1bc: {  	v45 =	vadd.s32 v46, v45;
	v46 =	vtrunc.f32 v58;
	v43 =	vadd.s32 v52, v43  }
0x1bd: {  	v45 =	vadd.s32 v51, v45;
	v46 =	vcvt.f32.s32 v46;
	v55 =	vmul.u32 $0xFFFFFFEC, v44  }
0x1be: {  	v52 =	vcvt.s32.f32 v50;
	v43 =	vshll.u32 v43, $0x1;
	v45 =	vshll.u32 v45, $0x1  }
0x1bf: {  	v43 =	vadd.s32 s30, v43;
	v62 =	vmul.u32 $0xFFFFFFEC, v46;
	v47 =	vadd.s32 v47, v55  }
0x1c0: {  	v45 =	vadd.s32 s30, v45;
	v43 =	vadd.s32 v10, v43;
	vm14 =	vgt.s32 v47, $0x13  }
0x1c1: {  	v47 =	vshra.s32 v47, $0x1F;
	v49 =	vadd.s32 v56, v62;
	v56 =	vmul.f32 $5.000000070e-02, v52  }
0x1c2: {  	v52 =	vor.u32 s30, v8;
	v60 =	vsel vm14, $0x1, v5;
	v44 =	vadd.s32 v44, v47  }
0x1c3: {  	v47 =	vor.u32 s30, v1;
	vm15 =	vgt.s32 v49, $0x13;
	v49 =	vshra.s32 v49, $0x1F  }
0x1c4: {  	v44 =	vadd.s32 v60, v44;
	v61 =	vcvt.s32.f32 v47;
	v60 =	vtrunc.f32 v56  }
0x1c5: {  	v53 =	vcvt.s32.f32 v52;
	v46 =	vadd.s32 v46, v49;
	v49 =	vcvt.f32.s32 v60  }
0x1c6: {  	s29 =	sadd.s32 $0x280, s28;
	v45 =	vadd.s32 v12, v45;
	v58 =	vsel vm15, $0x1, v5;
	v48 =	vmul.f32 $5.000000070e-02, v61  }
0x1c7: {  	v56 =	vor.u32 s29, v34;
	v60 =	vmul.f32 $5.000000070e-02, v53;
	v62 =	vmul.u32 $0xFFFFFFEC, v49  }
0x1c8: {  	v44 =	vshll.u32 v44, $0x1;
	v46 =	vadd.s32 v58, v46;
	v48 =	vtrunc.f32 v48  }
0x1c9: {  	v48 =	vcvt.f32.s32 v48;
	v58 =	vadd.s32 v50, v62;
	v50 =	vtrunc.f32 v60  }
0x1ca: {  	v53 =	vor.u32 s30, v9;
	v44 =	vadd.s32 s30, v44;
	v62 =	vcvt.f32.s32 v50  }
0x1cb: {  	v46 =	vshll.u32 v46, $0x1;
	v44 =	vadd.s32 v14, v44;
	v61 =	vmul.u32 $0xFFFFFFEC, v48  }
0x1cc: {  	v46 =	vadd.s32 s30, v46;
	vm5 =	vgt.s32 v58, $0x13;
	v60 =	vmul.u32 $0xFFFFFFEC, v62  }
0x1cd: {  	v46 =	vadd.s32 v15, v46;
	v47 =	vadd.s32 v47, v61;
	v61 =	vsel vm5, $0x1, v5  }
0x1ce: {  	vm4 =	vgt.s32 v47, $0x13;
	v47 =	vshra.s32 v47, $0x1F;
	v51 =	vadd.s32 v52, v60  }
0x1cf: {  	v60 =	vcvt.s32.f32 v56;
	v54 =	vsel vm4, $0x1, v5;
	v47 =	vadd.s32 v48, v47  }
0x1d0: {  	v48 =	vshra.s32 v58, $0x1F;
	v58 =	vcvt.s32.f32 v53;
	vm6 =	vgt.s32 v51, $0x13  }
0x1d1: {  	v51 =	vshra.s32 v51, $0x1F;
	v47 =	vadd.s32 v54, v47;
	v48 =	vadd.s32 v49, v48  }
0x1d2: {  	v54 =	vor.u32 s29, v0;
	v55 =	vsel vm6, $0x1, v5;
	v49 =	vadd.s32 v62, v51  }
0x1d3: {  	v48 =	vadd.s32 v61, v48;
	v50 =	vmul.f32 $5.000000070e-02, v58;
	v61 =	vcvt.s32.f32 v54  }
0x1d4: {  	v47 =	vshll.u32 v47, $0x1;
	v49 =	vadd.s32 v55, v49;
	v55 =	vor.u32 s29, v57  }
0x1d5: {  	v47 =	vadd.s32 s30, v47;
	v50 =	vtrunc.f32 v50;
	v52 =	vmul.f32 $5.000000070e-02, v61  }
0x1d6: {  	v48 =	vshll.u32 v48, $0x1;
	v49 =	vshll.u32 v49, $0x1;
	v50 =	vcvt.f32.s32 v50  }
0x1d7: {  	v47 =	vadd.s32 v18, v47;
	v48 =	vadd.s32 s30, v48;
	v52 =	vtrunc.f32 v52  }
0x1d8: {  	v61 =	vmul.f32 $5.000000070e-02, v60;
	v62 =	vmul.u32 $0xFFFFFFEC, v50;
	v52 =	vcvt.f32.s32 v52  }
0x1d9: {  	v60 =	vcvt.s32.f32 v55;
	v49 =	vadd.s32 s30, v49;
	v48 =	vadd.s32 v20, v48  }
0x1da: {  	v51 =	vadd.s32 v53, v62;
	v58 =	vmul.u32 $0xFFFFFFEC, v52;
	v53 =	vtrunc.f32 v61  }
0x1db: {  	vm7 =	vgt.s32 v51, $0x13;
	v51 =	vshra.s32 v51, $0x1F;
	v53 =	vcvt.f32.s32 v53  }
0x1dc: {  	v62 =	vsel vm7, $0x1, v5;
	v50 =	vadd.s32 v50, v51;
	v51 =	vadd.s32 v54, v58  }
0x1dd: {  	v54 =	vmul.f32 $5.000000070e-02, v60;
	v60 =	vor.u32 s29, v59;
	v50 =	vadd.s32 v62, v50  }
0x1de: {  	vm8 =	vgt.s32 v51, $0x13;
	v58 =	vmul.u32 $0xFFFFFFEC, v53;
	v51 =	vshra.s32 v51, $0x1F  }
0x1df: {  	v62 =	vcvt.s32.f32 v60;
	v50 =	vshll.u32 v50, $0x1;
	v61 =	vsel vm8, $0x1, v5  }
0x1e0: {  	v51 =	vadd.s32 v52, v51;
	v54 =	vtrunc.f32 v54;
	v52 =	vadd.s32 v56, v58  }
0x1e1: {  	v54 =	vcvt.f32.s32 v54;
	v56 =	vmul.f32 $5.000000070e-02, v62;
	v50 =	vadd.s32 s30, v50  }
0x1e2: {  	v51 =	vadd.s32 v61, v51;
	vm9 =	vgt.s32 v52, $0x13;
	v52 =	vshra.s32 v52, $0x1F  }
0x1e3: {  	v58 =	vsel vm9, $0x1, v5;
	v61 =	vmul.u32 $0xFFFFFFEC, v54;
	v56 =	vtrunc.f32 v56  }
0x1e4: {  	v52 =	vadd.s32 v53, v52;
	v53 =	vcvt.f32.s32 v56;
	v56 =	vor.u32 s29, v1  }
0x1e5: {  	v52 =	vadd.s32 v58, v52;
	v55 =	vadd.s32 v55, v61;
	v58 =	vcvt.s32.f32 v56  }
0x1e6: {  	s30 =	sadd.s32 $0xFFFFFF00, s17;
	vm10 =	vgt.s32 v55, $0x13;
	v55 =	vshra.s32 v55, $0x1F;
	v61 =	vmul.u32 $0xFFFFFFEC, v53  }
0x1e7: {  	[tilespmem:s15], [sflag:$0x1] =	stream.indirect.gather [hbm4b:s5+s14], $0x20, s30, s14, $0xb8;
	v54 =	vadd.s32 v54, v55;
	v55 =	vmul.f32 $5.000000070e-02, v58;
	v58 =	vor.u32 s29, v7;
	[tilespmem:$0x6E00] =	vst v63  }
0x1e8: {  	[tilespmem:$0x2C40] =	vst v47;
	v47 =	vadd.s32 v22, v49;
	v60 =	vadd.s32 v60, v61;
	v61 =	vcvt.s32.f32 v58  }
0x1e9: {  	v62 =	vsel vm10, $0x1, v5;
	vm11 =	vgt.s32 v60, $0x13;
	v55 =	vtrunc.f32 v55  }
0x1ea: {  	v60 =	vshra.s32 v60, $0x1F;
	v55 =	vcvt.f32.s32 v55;
	v61 =	vmul.f32 $5.000000070e-02, v61  }
0x1eb: {  	[tilespmem:$0x2C00] =	vst v43;
	v43 =	vsel vm11, $0x1, v5;
	v53 =	vadd.s32 v53, v60;
	v60 =	vor.u32 s29, v8  }
0x1ec: {  	[tilespmem:$0x2C10] =	vst v45;
	v54 =	vadd.s32 v62, v54;
	v62 =	vcvt.s32.f32 v60;
	v43 =	vadd.s32 v43, v53  }
0x1ed: {  	[tilespmem:$0x2C20] =	vst v44;
	v53 =	vor.u32 s29, v9;
	v45 =	vmul.u32 $0xFFFFFFEC, v55;
	v61 =	vtrunc.f32 v61  }
0x1ee: {  	[tilespmem:$0x2C30] =	vst v46;
	v43 =	vshll.u32 v43, $0x1;
	v44 =	vcvt.f32.s32 v61;
	v46 =	vmul.f32 $5.000000070e-02, v62  }
0x1ef: {  	v61 =	vadd.s32 v23, v50;
	v43 =	vadd.s32 s29, v43;
	v45 =	vadd.s32 v56, v45  }
0x1f0: {  	[tilespmem:$0x2C50] =	vst v48;
	v56 =	vcvt.s32.f32 v53;
	v43 =	vadd.s32 v15, v43;
	vm12 =	vgt.s32 v45, $0x13  }
0x1f1: {  	[tilespmem:$0x2C60] =	vst v47;
	v62 =	vmul.u32 $0xFFFFFFEC, v44;
	v46 =	vtrunc.f32 v46;
	v45 =	vshra.s32 v45, $0x1F  }
0x1f2: {  	[tilespmem:$0x2C70] =	vst v61;
	v56 =	vmul.f32 $5.000000070e-02, v56;
	v47 =	vsel vm12, $0x1, v5;
	v46 =	vcvt.f32.s32 v46  }
0x1f3: {  	_ =	swait.ge [sflag:s19], $0x1000;
	v45 =	vadd.s32 v55, v45;
	v55 =	vshll.u32 v51, $0x1;
	v48 =	vadd.s32 v58, v62  }
0x1f4: {  	[sflag:s19] =	ssyncset.done $0x0;
	v45 =	vadd.s32 v47, v45;
	v58 =	vtrunc.f32 v56;
	v61 =	vshra.s32 v48, $0x1F  }
0x1f5: {  	[sflag:s19] =	ssyncadd.s32 $0xFFFFF000;
	v62 =	vmul.u32 $0xFFFFFFEC, v46;
	vm13 =	vgt.s32 v48, $0x13;
	v48 =	vadd.s32 s29, v55  }
0x1f6: {  	_ =	swait.ge [sflag:s23], $0x1000;
	v45 =	vshll.u32 v45, $0x1;
	v49 =	vcvt.f32.s32 v58;
	v44 =	vadd.s32 v44, v61  }
0x1f7: {  	v56 =	vsel vm13, $0x1, v5;
	[sflag:s23] =	ssyncset.done $0x0;
	v48 =	vadd.s32 v10, v48;
	v45 =	vadd.s32 s29, v45  }
0x1f8: {  	v58 =	vadd.s32 v60, v62;
	v44 =	vadd.s32 v56, v44;
	[sflag:s23] =	ssyncadd.s32 $0xFFFFF000;
	v60 =	vmul.u32 $0xFFFFFFEC, v49  }
0x1f9: {  	vm14 =	vgt.s32 v58, $0x13;
	v61 =	vshra.s32 v58, $0x1F;
	[hbm4b:s2+s14] =	stream.indirect.scatter [tilespmem:s18], [sflag:$0x2], $0x20, s25, s14, $0xb8;
	v44 =	vshll.u32 v44, $0x1;
	[tilespmem:$0x6E00] =	vst v63  }
0x1fa: {  	s30 =	sadd.s32 $0xFFFFFF80, s17;
	v58 =	vshll.u32 v52, $0x1;
	v46 =	vadd.s32 v46, v61;
	v44 =	vadd.s32 s29, v44  }
0x1fb: {  	v62 =	vadd.s32 v53, v60;
	v53 =	vsel vm14, $0x1, v5;
	[tilespmem:s16], [sflag:$0x1] =	stream.indirect.gather [hbm4b:s5+s14], $0x20, s30, s14, $0xb8;
	v60 =	vshll.u32 v54, $0x1;
	[tilespmem:$0x6E00] =	vst v63  }
0x1fc: {  	v55 =	vadd.s32 v20, v44;
	v46 =	vadd.s32 v53, v46;
	vm15 =	vgt.s32 v62, $0x13;
	[tilespmem:$0x2C80] =	vst v48  }
0x1fd: {  	v47 =	vshra.s32 v62, $0x1F;
	v62 =	vadd.s32 s29, v60;
	[tilespmem:$0x2CB0] =	vst v43;
	v53 =	vadd.s32 v18, v45  }
0x1fe: {  	[tilespmem:$0x2CD0] =	vst v55;
	v47 =	vadd.s32 v49, v47;
	v56 =	vsel vm15, $0x1, v5;
	v49 =	vadd.s32 s29, v58  }
0x1ff: {  	v52 =	vadd.s32 v14, v62;
	v54 =	vshll.u32 v46, $0x1;
	[tilespmem:$0x2CC0] =	vst v53;
	v47 =	vadd.s32 v56, v47  }
0x200: {  	v61 =	vadd.s32 v12, v49;
	[tilespmem:$0x2CA0] =	vst v52;
	v56 =	vadd.s32 s29, v54;
	v58 =	vshll.u32 v47, $0x1  }
0x201: {  	[tilespmem:$0x2C90] =	vst v61;
	v60 =	vadd.s32 v22, v56;
	v61 =	vadd.s32 s29, v58  }
0x202: {  	[tilespmem:$0x2CE0] =	vst v60;
	v62 =	vadd.s32 v23, v61  }
0x203: {  	[tilespmem:$0x2CF0] =	vst v62  }
.LBB2_5:
0x204: {  	_ =	swait.ge [sflag:s19], $0x1000  }
0x205: {  	[sflag:s19] =	ssyncset.done $0x0  }
.Ltmp4:
0x206: {  	[sflag:s19] =	ssyncadd.s32 $0xFFFFF000;
	(pc) =	sbr.rel @p0 .LBB2_7-.Ltmp4, $4  }
0x207: {  	_ =	swait.ge [sflag:s23], $0x1000  }
0x208: {  	[sflag:s23] =	ssyncset.done $0x0  }
0x209: {  	[sflag:s23] =	ssyncadd.s32 $0xFFFFF000  }
0x20a: {  	[hbm4b:s2+s14] =	stream.indirect.scatter [tilespmem:s22], [sflag:$0x2], $0x20, s26, s14, $0xb8;
	[tilespmem:$0x6E00] =	vst v63  }
0x20b: {  	s28 =	sadd.s32 $0x300, s28  }
0x20c: {  	v43 =	vor.u32 s28, v0  }
0x20d: {  	v45 =	vor.u32 s28, v34;
	v44 =	vcvt.s32.f32 v43  }
0x20e: {  	v46 =	vcvt.s32.f32 v45  }
0x20f: {  	v44 =	vmul.f32 $5.000000070e-02, v44  }
0x210: {  	v47 =	vor.u32 s28, v57;
	v46 =	vmul.f32 $5.000000070e-02, v46  }
0x211: {  	v49 =	vcvt.s32.f32 v47;
	v44 =	vtrunc.f32 v44  }
0x212: {  	v50 =	vor.u32 s28, v59;
	v46 =	vtrunc.f32 v46;
	v44 =	vcvt.f32.s32 v44  }
0x213: {  	v52 =	vcvt.s32.f32 v50;
	v46 =	vcvt.f32.s32 v46  }
0x214: {  	v60 =	vmul.f32 $5.000000070e-02, v49;
	v48 =	vmul.u32 $0xFFFFFFEC, v44  }
0x215: {  	v62 =	vmul.f32 $5.000000070e-02, v52;
	v52 =	vor.u32 s28, v7;
	v61 =	vmul.u32 $0xFFFFFFEC, v46  }
0x216: {  	v54 =	vcvt.s32.f32 v52;
	v43 =	vadd.s32 v43, v48  }
0x217: {  	v48 =	vtrunc.f32 v60;
	v45 =	vadd.s32 v45, v61;
	vm0 =	vgt.s32 v43, $0x13  }
0x218: {  	v43 =	vshra.s32 v43, $0x1F;
	v48 =	vcvt.f32.s32 v48;
	vm9 =	vgt.s32 v45, $0x13  }
0x219: {  	v45 =	vshra.s32 v45, $0x1F;
	v51 =	vsel vm0, $0x1, v5;
	v43 =	vadd.s32 v44, v43  }
0x21a: {  	v56 =	vsel vm9, $0x1, v5;
	v45 =	vadd.s32 v46, v45;
	v44 =	vtrunc.f32 v62  }
0x21b: {  	v46 =	vor.u32 s28, v1;
	v58 =	vmul.u32 $0xFFFFFFEC, v48;
	v44 =	vcvt.f32.s32 v44  }
0x21c: {  	v60 =	vcvt.s32.f32 v46;
	v43 =	vadd.s32 v51, v43;
	v45 =	vadd.s32 v56, v45  }
0x21d: {  	v43 =	vshll.u32 v43, $0x1;
	v45 =	vshll.u32 v45, $0x1;
	v47 =	vadd.s32 v47, v58  }
0x21e: {  	v61 =	vmul.u32 $0xFFFFFFEC, v44;
	v62 =	vmul.f32 $5.000000070e-02, v60;
	v58 =	vmul.f32 $5.000000070e-02, v54  }
0x21f: {  	v54 =	vor.u32 s28, v8;
	v43 =	vadd.s32 s28, v43;
	v45 =	vadd.s32 s28, v45  }
0x220: {  	vm10 =	vgt.s32 v47, $0x13;
	v47 =	vshra.s32 v47, $0x1F;
	v43 =	vadd.s32 v10, v43  }
0x221: {  	v53 =	vsel vm10, $0x1, v5;
	v47 =	vadd.s32 v48, v47;
	v55 =	vadd.s32 v50, v61  }
0x222: {  	v56 =	vtrunc.f32 v62;
	v50 =	vtrunc.f32 v58;
	vm11 =	vgt.s32 v55, $0x13  }
0x223: {  	v49 =	vcvt.f32.s32 v56;
	v48 =	vshra.s32 v55, $0x1F;
	v56 =	vcvt.s32.f32 v54  }
0x224: {  	v47 =	vadd.s32 v53, v47;
	v60 =	vsel vm11, $0x1, v5;
	v44 =	vadd.s32 v44, v48  }
0x225: {  	v48 =	vcvt.f32.s32 v50;
	v50 =	vor.u32 s28, v9;
	v55 =	vmul.u32 $0xFFFFFFEC, v49  }
0x226: {  	v61 =	vmul.f32 $5.000000070e-02, v56;
	v62 =	vcvt.s32.f32 v50;
	v44 =	vadd.s32 v60, v44  }
0x227: {  	v47 =	vshll.u32 v47, $0x1;
	v60 =	vmul.u32 $0xFFFFFFEC, v48;
	v44 =	vshll.u32 v44, $0x1  }
0x228: {  	v46 =	vadd.s32 v46, v55;
	v61 =	vtrunc.f32 v61;
	v62 =	vmul.f32 $5.000000070e-02, v62  }
0x229: {  	v55 =	vadd.s32 v12, v45;
	v44 =	vadd.s32 s28, v44;
	vm12 =	vgt.s32 v46, $0x13  }
0x22a: {  	v46 =	vshra.s32 v46, $0x1F;
	v53 =	vcvt.f32.s32 v61;
	v60 =	vadd.s32 v52, v60  }
0x22b: {  	v56 =	vsel vm12, $0x1, v5;
	v46 =	vadd.s32 v49, v46;
	v61 =	vtrunc.f32 v62  }
0x22c: {  	v52 =	vshra.s32 v60, $0x1F;
	vm13 =	vgt.s32 v60, $0x13;
	v62 =	vmul.u32 $0xFFFFFFEC, v53  }
0x22d: {  	v51 =	vcvt.f32.s32 v61;
	v46 =	vadd.s32 v56, v46;
	v48 =	vadd.s32 v48, v52  }
0x22e: {  	v49 =	vsel vm13, $0x1, v5;
	v56 =	vadd.s32 s28, v47;
	v58 =	vadd.s32 v54, v62  }
0x22f: {  	v48 =	vadd.s32 v49, v48;
	v60 =	vmul.u32 $0xFFFFFFEC, v51;
	v61 =	vshra.s32 v58, $0x1F  }
0x230: {  	vm14 =	vgt.s32 v58, $0x13;
	v58 =	vadd.s32 v14, v56;
	v49 =	vadd.s32 v53, v61  }
0x231: {  	[tilespmem:s18], [sflag:$0x1] =	stream.indirect.gather [hbm4b:s5+s14], $0x20, s17, s14, $0xb8;
	v50 =	vadd.s32 v50, v60;
	v62 =	vsel vm14, $0x1, v5;
	v60 =	vshll.u32 v46, $0x1;
	[tilespmem:$0x6E00] =	vst v63  }
0x232: {  	[tilespmem:$0x2D00] =	vst v43;
	v61 =	vadd.s32 v15, v44;
	vm15 =	vgt.s32 v50, $0x13;
	v50 =	vshra.s32 v50, $0x1F  }
0x233: {  	[tilespmem:$0x2D10] =	vst v55;
	v49 =	vadd.s32 v62, v49;
	v62 =	vadd.s32 s28, v60;
	v50 =	vadd.s32 v51, v50  }
0x234: {  	[tilespmem:$0x2D20] =	vst v58;
	v54 =	vsel vm15, $0x1, v5;
	v51 =	vshll.u32 v48, $0x1;
	v52 =	vadd.s32 v18, v62  }
.Ltmp5:
0x235: {  	[tilespmem:$0x2D30] =	vst v61;
	v50 =	vadd.s32 v54, v50;
	v53 =	vadd.s32 s28, v51;
	v54 =	vshll.u32 v49, $0x1;
	(pc) =	sbr.rel .LBB2_2-.Ltmp5, $4  }
0x236: {  	[tilespmem:$0x2D40] =	vst v52;
	v55 =	vadd.s32 v20, v53;
	v56 =	vadd.s32 s28, v54;
	v58 =	vshll.u32 v50, $0x1  }
0x237: {  	[tilespmem:$0x2D50] =	vst v55;
	v60 =	vadd.s32 v22, v56;
	v61 =	vadd.s32 s28, v58  }
0x238: {  	[tilespmem:$0x2D60] =	vst v60;
	v62 =	vadd.s32 v23, v61  }
0x239: {  	s21 =	sadd.s32 $0x200, s21;
	s17 =	sadd.s32 $0x200, s17;
	[tilespmem:$0x2D70] =	vst v62  }
.LBB2_8:
0x23a: {  	_ =	sfence.sel $0x180000  }
0x23b: {  	[bflag:$0x0] =	sbarrier.arrive $0xFFFF  }
0x23c: {  	_ =	strace $0x90000047  }
0x23d: {  	s0 =	stileid.u32;
	[bflag:$0x2] =	sbarrier.arrive $0xFFFF  }
0x23e: {  	p0 =	sne.s32 s0, $0x0;
	s0 =	rddreg [dreg:$0x4]  }
0x23f: {  	s0 =	sadd.s32 @!p0 $0x100000, s0  }
0x240: {  	[sflag:s0] =	ssyncadd.tile.s32 @!p0 $0x1;
	_ =	shalt  }
.Lfunc_end2:
_tile_overlayer_lowered:
.L_overlay_start_2:
0x241: {  	(tag) =	ssettag $0x2  }
0x242: {  	s0 =	rddreg [dreg:$0x0];
	s2 =	stileid.u32  }
0x243: {  	s1 =	rddreg [dreg:$0x1];
	p0 =	sne.s32 s2, $0x0  }
0x244: {  	s3 =	rddreg [dreg:$0x2];
	[bflag:$0x3] =	sbarrier.arrive $0xFFFF;
	s2 =	simm.s32 @!p0 $0x1C03  }
0x245: {  	[timem:s3], [sflag:s2] =	dma.local @!p0 [hbm:s0], s1  }
0x246: {  	s0 =	simm.s32 @!p0 $0x3  }
0x247: {  	_ =	swait.ge @!p0 [sflag:s0], s1  }
0x248: {  	s1 =	ssub.s32 @!p0 $0x0, s1;
	[sflag:s0] =	ssyncset.done @!p0 $0x0  }
0x249: {  	[sflag:s0] =	ssyncadd.s32 @!p0 s1  }
0x24a: {  	[bflag:$0x3] =	sbarrier.arrive $0xFFFF  }
0x24b: {  	_ =	shalt  }

// kernel: sparse-core-data-format-call.cloned.1.call-start
scs
called_computation_lowered:
.L_overlay_start_0:
0x0: {  	s2 =	sld [smem:$0x3FD9]  }
0x1: {  	s3 =	sld [smem:$0x3FFE];
	_ =	sdelay $0x1  }
0x2: {  	s1 =	srdreg.scid  }
0x3: {  	s0 =	sand.u32 $0x1, s1  }
0x4: {  	s18 =	sshll.u32 s0, $0xA;
	s2 =	sadd.s32 s3, s2  }
0x5: {  	s2 =	sadd.s32 s2, s18  }
0x6: {  	[smem:$0x3FC3] =	sst s2  }
0x7: {  	_ = 	snop  }
0x8: {  	s2 =	sld [smem:$0x3FD0];
	(tm) =	ssettm $0x1  }
0x9: {  	s19 =	sld [smem:$0x3FFB];
	_ =	sdelay $0x3  }
0xa: {  	_ =	strace s19  }
0xb: {  	s3 =	sld [smem:$0x3FFC];
	_ =	sdelay $0x3  }
0xc: {  	_ =	strace s3  }
0xd: {  	s3 =	sld [smem:$0x3FFD];
	_ =	sdelay $0x3  }
0xe: {  	_ =	strace s3  }
0xf: {  	_ =	strace $0x8FFFFFFF  }
0x10: {  	s20 =	sld [smem:$0x3FDB];
	_ =	sdelay $0x1  }
0x11: {  	s4 =	simm.s32 $_scs_section_size  }
0x12: {  	s5 =	simm.s32 $_size__tile_overlayer_lowered;
	s6 =	simm.s32 $_tile_overlayer_lowered  }
0x13: {  	s23 =	simm.s32 $0x1BFF;
	s22 =	sshll.u32 s6, $0x1;
	s3 =	sadd.s32 s4, s20  }
0x14: {  	s7 =	simm.s32 $0x0;
	s21 =	sshll.u32 s5, $0x1;
	s5 =	sadd.s32 s22, s3  }
0x15: {  	[timem:s7], [sflag:s23] =	dma.local [hbm:s5], s21  }
0x16: {  	_ =	swait.ge [sflag:s23], s21  }
0x17: {  	s4 =	ssub.s32 $0x0, s21;
	[sflag:s23] =	ssyncset.done $0x0  }
0x18: {  	[sflag:s23] =	ssyncadd.s32 s4;
	_ =	sdelay $0x1  }
0x19: {  	s24 =	simm.s32 $0x1B8B  }
0x1a: {  	_ =	swait.ge [sflag:s24], $0x1  }
0x1b: {  	[sflag:s24] =	ssyncset.done $0x0  }
0x1c: {  	s26 =	simm.s32 $0x1B8E;
	s25 =	sld [smem:$0x3FFE];
	[sflag:s24] =	ssyncadd.s32 $0xFFFFFFFF  }
0x1d: {  	s27 =	simm.s32 $execute0_lowered;
	[smem:$0x3FD2] =	sst s26  }
0x1e: {  	s5 =	sshll.u32 s27, $0x1;
	_ =	strace $0x80000049;
	[dreg:$0x1] =	wrdreg $0xFFFFFFFF  }
0x1f: {  	s28 =	simm.s32 $_size_execute0_lowered;
	s3 =	sadd.s32 s3, s5;
	[dreg:$0x0] =	wrdreg $0x0  }
0x20: {  	s5 =	sshll.u32 s28, $0x1;
	[dreg:$0x2] =	wrdreg s3  }
0x21: {  	[dreg:$0x3] =	wrdreg s5  }
0x22: {  	[dreg:$0x4] =	wrdreg $0xC0  }
0x23: {  	_ =	task [dreg:s7], $0x5FFFF  }
0x24: {  	[dreg:$0x1] =	wrdreg $0xFFFFFFFF  }
0x25: {  	[dreg:$0x0] =	wrdreg $0x60  }
0x26: {  	[dreg:$0x2] =	wrdreg s25  }
0x27: {  	[dreg:$0x3] =	wrdreg s2  }
0x28: {  	[dreg:$0x4] =	wrdreg $0x9  }
0x29: {  	_ =	task.clear_ibuf [dreg:s7], $0x5FFFF;
	_ =	strace $0x90000049  }
0x2a: {  	s29 =	simm.s32 $0x9;
	_ =	strace $0x8000004B  }
0x2b: {  	_ =	swait.ge [sflag:s29], $0x1  }
0x2c: {  	[sflag:s29] =	ssyncadd.s32 $0xFFFFFFFF  }
0x2d: {  	_ =	strace $0x9000004B  }
0x2e: {  	_ =	sfence  }
0x2f: {  	s30 =	sld [smem:$0x0];
	_ =	sdelay $0x2  }
0x30: {  	s31 =	sshll.u32 s1, $0xD;
	s1 =	sshrl.u32 s1, $0x2  }
0x31: {  	s3 =	sand.u32 $0x4000, s31;
	s1 =	sadd.s32 s1, s30  }
0x32: {  	s0 =	sor.u32 s3, s0;
	s1 =	sshll.u32 s1, $0x11  }
0x33: {  	s0 =	sor.u32 s1, s0  }
0x34: {  	s0 =	sadd.s32 $0x8F2B, s0  }
0x35: {  	[sflag:s0] =	ssyncadd.remote.s32 $0x1  }
0x36: {  	_ =	sfence.sel $0xFFFF  }
0x37: {  	[dreg:$0x0] =	wrdreg $0xFFFFFFFF;
	(pc) =	sbr.abs _section_cstart, $3  }
0x38: {  	[dreg:$0x1] =	wrdreg $0xFFFFFFFF  }
0x39: {  	_ =	task.clear_ibuf [dreg:s7], $0x2FFFF;
	_ =	strace $0x9FFFFFFF  }
0x3a: {  	(tm) =	ssettm $0x7FFFFFFF  }
0x3b: {  	_ =	shalt  }
tec
execute0_lowered:
.L_overlay_start_1:
0x0: {  	(tag) =	ssettag $0x1  }
0x1: {  	s0 =	srdreg.scid  }
0x2: {  	s1 =	sshll.u32 s0, $0x4  }
0x3: {  	s0 =	stileid.u32;
	s1 =	sand.u32 $0x10, s1  }
0x4: {  	s1 =	sor.u32 s0, s1  }
0x5: {  	s6 =	rddreg [dreg:$0x0];
	s4 =	simm.s32 $0x1;
	s2 =	sshll.u32 s1, $0x7  }
0x6: {  	s7 =	simm.s32 $0x2;
	s12 =	simm.s32 $0x0;
	s1 =	ssub.s32 $0x4000, s2  }
0x7: {  	s8 =	simm.s32 $0x20000;
	s13 =	simm.s32 $0x0;
	s3 =	sand.u32 $0xF80, s1  }
0x8: {  	s9 =	simm.s32 $0x0;
	s5 =	sshrl.u32 s1, $0xC;
	p0 =	sne.s32 s3, $0x0  }
.Ltmp0:
0x9: {  	s1 =	rddreg [dreg:$0x2];
	s4 =	simm.s32 @!p0 $0x0;
	(pc) =	sbr.rel .LBB1_1-.Ltmp0, $4  }
0xa: {  	s11 =	simm.s32 $0x0;
	s3 =	rddreg [dreg:$0x1];
	s5 =	sadd.s32 s4, s5  }
0xb: {  	_ =	strace $0x8000004A;
	s4 =	simm.s32 $0x1;
	s5 =	smul.u32 $0x16, s5  }
0xc: {  	s6 =	sadd.s32 $0xA00, s6;
	s10 =	smov.u32 s2;
	[sflag:s4] =	ssyncpa.u1 $0x0  }
0xd: {  	p0 =	por $0x0, $0x0;
	[sflag:s7] =	ssyncpa.u1 $0x0;
	s7 =	sor.u32 $0x1, s5  }
.LBB1_4:
0xe: {  	s16 =	sshll.u32 s13, $0x3;
	s17 =	sand.u32 $0x78, s13  }
0xf: {  	s30 =	sand.u32 $0xF800, s13;
	s12 =	sshll.u32 s12, $0x10;
	s16 =	sand.u32 $0x3C00, s16  }
0x10: {  	s31 =	sand.u32 $0x7, s13;
	s16 =	sor.u32 s17, s16;
	s17 =	sadd.s32 s3, s30  }
0x11: {  	s13 =	sshll.u32 s31, $0x12;
	s16 =	sshrl.u32 s16, $0x3;
	s12 =	sadd.s32 s12, s17  }
0x12: {  	[tilespmem:s15+$0x0 ss:$0x81] =	vst.msk $0xffff, v0;
	s13 =	sor.u32 $0x400, s13;
	s12 =	sadd.s32 s16, s12  }
0x13: {  	[hbm4b:s12+s13] =	stream.strided.scatter [tilespmem:s14], [sflag:$0x2], $0x1000, s8, s13, $0x20;
	[tilespmem:$0x4040] =	vst v63  }
.LBB1_5:
0x14: {  	s14 =	sadd.s32 $0x1, s9  }
0x15: {  	s12 =	sadd.s32 $0x1000, s10;
	s16 =	smov.u32 s10;
	p2 =	sgt.s32 s14, $0x15  }
0x16: {  	s16 =	smov.u32 @p2 s12  }
0x17: {  	s14 =	simm.s32 @p2 $0x0;
	p2 =	sgt.s32 s16, $0x3FFF  }
0x18: {  	s16 =	smov.u32 @p2 s2;
	p2 =	sne.s32 s11, s7  }
.Ltmp1:
0x19: {  	p1 =	slt.u32 s11, $0x2;
	(pc) =	sbr.rel @!p2 .LBB1_6-.Ltmp1, $4  }
0x1a: {  	s15 =	simm.s32 @!p1 $0x2  }
0x1b: {  	s13 =	smov.u32 s10;
	p0 =	por !p0, !p0;
	_ =	swait.ge @!p1 [sflag:s15], $0x1000  }
0x1c: {  	s12 =	smov.u32 s9;
	[sflag:s15] =	ssyncset.done @!p1 $0x0;
	s9 =	smov.u32 s14  }
0x1d: {  	s11 =	sadd.s32 $0x1, s11;
	[sflag:s15] =	ssyncadd.s32 @!p1 $0xFFFFF000;
	s10 =	smov.u32 s16  }
.LBB1_1:
0x1e: {  	p1 =	sge.u32 s11, s5  }
0x1f: {  	s14 =	sand.u32 @!p1 $0x1FFFFFF, s9  }
0x20: {  	s15 =	smulhi.u32 @!p1 $0xAAAAAAB, s14;
	_ =	sdelay $0x1  }
0x21: {  	s15 =	smul.u32 @!p1 $0x18, s15  }
0x22: {  	s16 =	sxor.u32 @!p1 $0xFFFFFFFF, s11;
	s17 =	smul.u32 @!p1 $0x180, s10  }
0x23: {  	s31 =	sadd.s32 $0xFFFFFFFF, s11;
	s16 =	sshll.u32 @!p1 s16, $0xC;
	s14 =	ssub.s32 @!p1 s14, s15  }
0x24: {  	s15 =	sand.u32 @!p1 $0x1000, s16;
	s16 =	sadd.s32 @!p1 s6, s17;
	s14 =	sshll.u32 @!p1 s14, $0x4  }
0x25: {  	s17 =	simm.s32 @!p1 $0xC00;
	s14 =	sadd.s32 @!p1 s14, s16;
	s16 =	simm.s32 @!p1 $0x20  }
0x26: {  	[tilespmem:s15], [sflag:$0x1] =	stream.strided.gather @!p1 [hbm4b:s14+s16], $0x1000, s17, s16, $0x38;
	[tilespmem:$0x4040] =	vst v63  }
0x27: {  	p1 =	sge.u32 s31, s5  }
.Ltmp2:
0x28: {  	_ = 	snop;
	(pc) =	sbr.rel @p1 .LBB1_5-.Ltmp2, $1  }
0x29: {  	_ =	sdelay $0x3  }
0x2a: {  	s14 =	simm.s32 $0x1  }
0x2b: {  	_ =	swait.ge [sflag:s4], $0x1000;
	s14 =	simm.s32 @!p0 $0x0  }
0x2c: {  	[sflag:s4] =	ssyncset.done $0x0;
	s15 =	sshll.u32 s14, $0xC  }
0x2d: {  	[sflag:s4] =	ssyncadd.s32 $0xFFFFF000;
	s18 =	sor.u32 $0x10, s15  }
0x2e: {  	s14 =	smul.u32 $0x4080, s14;
	v1 =	vld [tilespmem:s18+$0x0]  }
0x2f: {  	s30 =	sand.u32 $0x1, s11;
	v0 =	vld [tilespmem:s18+$0xFFFFFFF0]  }
0x30: {  	s15 =	smul.u32 $0x4080, s30;
	s14 =	sshrl.u32 s14, $0x2  }
0x31: {  	s16 =	sor.u32 $0x2000, s14  }
0x32: {  	s31 =	sshrl.u32 s15, $0x2;
	s15 =	sadd.s32 $0x0, s16  }
0x33: {  	s17 =	simm.s32 $0x4;
	s18 =	sadd.s32 $0x20, s18;
	s14 =	sor.u32 $0x2000, s31;
	[tilespmem:s15+$0x810 ss:$0x81] =	vst.msk $0xffff, v1  }
.LBB1_3:
0x34: {  	v1 =	vld [tilespmem:s18+$0x0];
	p1 =	sne.s32 s17, $0x1FC;
	[tilespmem:s15+$0x0 ss:$0x81] =	vst.msk $0xffff, v0;
	s15 =	smov.u32 s17;
	s17 =	sadd.s32 $0x4, s17  }
.Ltmp3:
0x35: {  	v0 =	vld [tilespmem:s18+$0xFFFFFFF0];
	(pc) =	sbr.rel @p1 .LBB1_3-.Ltmp3, $4  }
0x36: {  	_ = 	snop  }
0x37: {  	s15 =	sshra.s32 s15, $0x2  }
0x38: {  	s15 =	sadd.s32 s15, s16  }
0x39: {  	s18 =	sadd.s32 $0x20, s18;
	[tilespmem:s15+$0x810 ss:$0x81] =	vst.msk $0xffff, v1  }
.Ltmp4:
0x3a: {  	_ = 	snop;
	(pc) =	sbr.rel .LBB1_4-.Ltmp4, $1  }
0x3b: {  	_ =	sdelay $0x3  }
.LBB1_6:
0x3c: {  	_ =	sfence.sel $0x180000  }
0x3d: {  	s2 =	simm.s32 $0x1;
	[bflag:$0x0] =	sbarrier.arrive $0xFFFF  }
0x3e: {  	s31 =	simm.s32 $0x2;
	[sflag:s2] =	ssyncpa.u1 $0x1  }
0x3f: {  	[sflag:s31] =	ssyncpa.u1 $0x1  }
0x40: {  	p0 =	sne.s32 s0, $0x0;
	_ =	strace $0x9000004A  }
0x41: {  	s0 =	sadd.s32 @!p0 $0x100000, s1;
	[bflag:$0x2] =	sbarrier.arrive $0xFFFF  }
0x42: {  	[sflag:s0] =	ssyncadd.tile.s32 @!p0 $0x1;
	_ =	shalt  }
.Lfunc_end1:
_tile_overlayer_lowered:
.L_overlay_start_2:
0x43: {  	(tag) =	ssettag $0x2  }
0x44: {  	s0 =	rddreg [dreg:$0x0];
	s2 =	stileid.u32  }
0x45: {  	s1 =	rddreg [dreg:$0x1];
	p0 =	sne.s32 s2, $0x0  }
0x46: {  	s3 =	rddreg [dreg:$0x2];
	[bflag:$0x3] =	sbarrier.arrive $0xFFFF;
	s2 =	simm.s32 @!p0 $0x1C01  }
0x47: {  	[timem:s3], [sflag:s2] =	dma.local @!p0 [hbm:s0], s1  }
0x48: {  	s0 =	simm.s32 @!p0 $0x1  }
0x49: {  	_ =	swait.ge @!p0 [sflag:s0], s1  }
0x4a: {  	s1 =	ssub.s32 @!p0 $0x0, s1;
	[sflag:s0] =	ssyncset.done @!p0 $0x0  }
0x4b: {  	[sflag:s0] =	ssyncadd.s32 @!p0 s1  }
0x4c: {  	[bflag:$0x3] =	sbarrier.arrive $0xFFFF  }
0x4d: {  	_ =	shalt  }

</sc_bundles>
